<compile_context>
chip_gen: v7x
topology: tpu7x:2x2x1
jax: 0.10.2.dev20260603
libtpu: 0.0.44.dev20260713+nightly
codegen_flags: <defaults>
</compile_context>

<pallas_src>
import functools

import jax
import jax.numpy as jnp
from jax import lax
from jax.experimental import pallas as pl
from jax.experimental.pallas import tpu as pltpu
from jax.experimental.pallas import tpu_sc as plsc

N = 320000
D = 128
NUM_FINE = 100
NUM_SUPER = 20
FINE_PER_SUPER = 5

NC = 2
NS = 16
LANES = 16
NW = NC * NS
N_SC = 217600
N_TC = N - N_SC
PER_W = N_SC // NW
TC_B = 1280
TC_G = N_TC // TC_B
CHUNK = 400
N_CHUNKS = PER_W // CHUNK
SUB = 80
NSUB = CHUNK // SUB


def _sc_partials_body(emb_hbm, lbl_hbm, sums_hbm, cnts_hbm, emb_a, emb_b,
                      lbl_a, lbl_b, zero_c, acc_s, acc_c, sem_a, sem_b,
                      sem_sc):
    cid = lax.axis_index("c")
    sid = lax.axis_index("s")
    wid = sid * NC + cid
    base = wid * PER_W

    zeros16 = jnp.zeros((LANES,), jnp.float32)
    ones16 = jnp.ones((LANES,), jnp.float32)

    @pl.when(sid == 0)
    def _():
        def zero_s_body(r, _):
            for j in range(D // LANES):
                emb_a[r, pl.ds(j * LANES, LANES)] = zeros16
            return _

        lax.fori_loop(0, NUM_FINE, zero_s_body, None)
        pltpu.sync_copy(emb_a.at[pl.ds(0, NUM_FINE)], acc_s)

    def zero_c_body(r, _):
        acc_c[r, :] = zeros16
        return _

    lax.fori_loop(0, NUM_FINE, zero_c_body, None)
    plsc.subcore_barrier()

    def start_fetch(c, emb_v, lbl_v, sem):
        start = base + c * CHUNK
        pltpu.async_copy(emb_hbm.at[pl.ds(start, CHUNK)], emb_v, sem)
        for s in range(NSUB):
            pltpu.async_copy(lbl_hbm.at[pl.ds(start + s * SUB, SUB)],
                             lbl_v.at[s], sem)

    def wait_fetch(emb_v, lbl_v, sem):
        pltpu.make_async_copy(emb_hbm.at[pl.ds(0, CHUNK)], emb_v, sem).wait()
        for s in range(NSUB):
            pltpu.make_async_copy(lbl_hbm.at[pl.ds(0, SUB)], lbl_v.at[s],
                                  sem).wait()

    def accumulate(emb_v, lbl_v):
        descs = []
        for s in range(NSUB):
            descs.append(pltpu.async_copy(emb_v.at[pl.ds(s * SUB, SUB)],
                                          acc_s.at[lbl_v.at[s]], sem_sc,
                                          add=True))

        def cnt_body(s, _):
            for g in range(SUB // LANES):
                lblv = lbl_v[s, pl.ds(g * LANES, LANES)]
                for r in range(LANES):
                    plsc.addupdate(acc_c.at[lblv[r], :], ones16)
            return _

        lax.fori_loop(0, NSUB, cnt_body, None)

        for desc in descs:
            desc.wait()

    start_fetch(0, emb_a, lbl_a, sem_a)

    def pair_body(c2, _):
        c = 2 * c2
        start_fetch(c + 1, emb_b, lbl_b, sem_b)
        wait_fetch(emb_a, lbl_a, sem_a)
        accumulate(emb_a, lbl_a)
        start_fetch(c + 2, emb_a, lbl_a, sem_a)
        wait_fetch(emb_b, lbl_b, sem_b)
        accumulate(emb_b, lbl_b)
        return _

    lax.fori_loop(0, (N_CHUNKS - 1) // 2, pair_body, None)

    wait_fetch(emb_a, lbl_a, sem_a)
    accumulate(emb_a, lbl_a)

    pltpu.sync_copy(acc_c, cnts_hbm.at[wid])
    plsc.subcore_barrier()

    @pl.when(sid == 0)
    def _():
        pltpu.sync_copy(acc_s, sums_hbm.at[cid])


def _sc_partials(embeddings, labels):
    mesh = plsc.VectorSubcoreMesh(core_axis_name="c", subcore_axis_name="s",
                                  num_cores=NC, num_subcores=NS)
    return pl.kernel(
        _sc_partials_body,
        out_type=(
            jax.ShapeDtypeStruct((NC, NUM_FINE, D), jnp.float32),
            jax.ShapeDtypeStruct((NW, NUM_FINE, LANES), jnp.float32),
        ),
        mesh=mesh,
        scratch_types=[
            pltpu.VMEM((CHUNK, D), jnp.float32),
            pltpu.VMEM((CHUNK, D), jnp.float32),
            pltpu.VMEM((NSUB, SUB), jnp.int32),
            pltpu.VMEM((NSUB, SUB), jnp.int32),
            pltpu.VMEM((NUM_FINE, LANES), jnp.float32),
            pltpu.VMEM_SHARED((NUM_FINE, D), jnp.float32),
            pltpu.VMEM((NUM_FINE, LANES), jnp.float32),
            pltpu.SemaphoreType.DMA,
            pltpu.SemaphoreType.DMA,
            pltpu.SemaphoreType.DMA,
        ],
    )(embeddings, labels)



def _tc_partials_body(lbl_ref, emb_ref, sums_ref, cnts_ref):
    @pl.when(pl.program_id(0) == 0)
    def _():
        sums_ref[...] = jnp.zeros_like(sums_ref)
        cnts_ref[...] = jnp.zeros_like(cnts_ref)

    iota_c = lax.broadcasted_iota(jnp.int32, (NUM_FINE, TC_B), 0)
    lbl = lbl_ref[...].reshape(1, TC_B)
    oh = (lbl == iota_c).astype(jnp.float32)
    sums_ref[...] += jax.lax.dot_general(
        oh, emb_ref[...], (((1,), (0,)), ((), ())),
        preferred_element_type=jnp.float32)
    cnts_ref[...] += jnp.sum(oh, axis=1, keepdims=True)


def _tc_partials(embeddings, labels2d):
    return pl.pallas_call(
        _tc_partials_body,
        grid=(TC_G,),
        in_specs=[
            pl.BlockSpec((1, 1, TC_B), lambda g: (N_SC // TC_B + g, 0, 0)),
            pl.BlockSpec((TC_B, D), lambda g: (N_SC // TC_B + g, 0)),
        ],
        out_specs=[
            pl.BlockSpec((NUM_FINE, D), lambda g: (0, 0)),
            pl.BlockSpec((NUM_FINE, 1), lambda g: (0, 0)),
        ],
        out_shape=[
            jax.ShapeDtypeStruct((NUM_FINE, D), jnp.float32),
            jax.ShapeDtypeStruct((NUM_FINE, 1), jnp.float32),
        ],
    )(labels2d, embeddings)


def _loss_body(sums_ref, cnts_ref, tcs_ref, tcc_ref, ref_fine_ref,
               ref_super_ref, ref_inter_ref, out_ref):
    sums = jnp.sum(sums_ref[...], axis=0) + tcs_ref[...]
    counts = jnp.sum(cnts_ref[...], axis=0)[:, 0] + tcc_ref[..., 0]

    fine_cent = sums / jnp.maximum(counts, 1.0)[:, None]
    fine_present = (counts > 0).astype(jnp.float32)
    fine_err = jnp.mean((fine_cent - ref_fine_ref[...]) ** 2, axis=1)
    fine_loss = jnp.sum(fine_present * fine_err)

    super_sums = jnp.sum(sums.reshape(NUM_SUPER, FINE_PER_SUPER, D), axis=1)
    super_counts = jnp.sum(counts.reshape(NUM_SUPER, FINE_PER_SUPER), axis=1)
    super_cent = super_sums / jnp.maximum(super_counts, 1.0)[:, None]
    super_present = (super_counts > 0).astype(jnp.float32)
    super_err = jnp.mean((super_cent - ref_super_ref[...]) ** 2, axis=1)
    super_loss = jnp.sum(super_present * super_err)

    d = super_cent[:, None, :] - super_cent[None, :, :]
    cur_dist = jnp.sqrt(jnp.sum(d * d, axis=-1) + 1e-12)
    row = lax.broadcasted_iota(jnp.int32, (NUM_SUPER, NUM_SUPER), 0)
    col = lax.broadcasted_iota(jnp.int32, (NUM_SUPER, NUM_SUPER), 1)
    pair_mask = ((col > row).astype(jnp.float32)
                 * super_present[:, None] * super_present[None, :])
    inter_loss = jnp.sum(pair_mask * (cur_dist - ref_inter_ref[...]) ** 2)

    out_ref[...] = jnp.reshape(fine_loss + super_loss + inter_loss, (1, 1))


def _loss(sums, cnts, tcs, tcc, ref_fine, ref_super, ref_inter):
    out = pl.pallas_call(
        _loss_body,
        out_shape=jax.ShapeDtypeStruct((1, 1), jnp.float32),
    )(sums, cnts, tcs, tcc, ref_fine, ref_super, ref_inter)
    return out[0, 0]


@jax.jit
def _run(embeddings, labels, labels2d, ref_fine, ref_super, ref_inter):
    sums, cnts = _sc_partials(embeddings, labels)
    tcs, tcc = _tc_partials(embeddings, labels2d)
    return _loss(sums, cnts, tcs, tcc, ref_fine, ref_super, ref_inter)


def kernel(embeddings, labels, ref_fine, ref_super, ref_inter):
    labels = labels.astype(jnp.int32)
    labels2d = labels.reshape(N // TC_B, 1, TC_B)
    return _run(embeddings, labels, labels2d, ref_fine, ref_super, ref_inter)

# --- scband reference (transcript-rebuilt; emitter-appended) ---
"""Pipeline reference for scband-hierarchical-centroid-regularizer-73005854097881 (READ-ONLY COPY).

The authoritative reference and input builder live on the scoring server;
editing this copy changes nothing except your own understanding.
"""

import jax, jax.numpy as jnp
import numpy as np

NUM_FINE = 100
NUM_SUPER = 20
FINE_PER_SUPER = NUM_FINE // NUM_SUPER  # FINE_TO_SUPER[c] = c // 5 (CIFAR-100 style grouping)
FINE_W = 1.0
SUPER_W = 1.0
INTER_W = 1.0


def setup_inputs(seed: int = 0) -> dict:
    key = jax.random.key(seed)
    k1, k2, k3, k4 = jax.random.split(key, 4)
    N, D = 320000, 128
    embeddings = jax.random.normal(k1, (N, D), dtype=jnp.float32)
    labels = jax.random.randint(k2, (N,), 0, NUM_FINE, dtype=jnp.int64)
    # Reference state normally produced by set_reference(); materialized as parameters.
    ref_fine = jax.random.normal(k3, (NUM_FINE, D), dtype=jnp.float32)
    ref_super = jax.random.normal(k4, (NUM_SUPER, D), dtype=jnp.float32)
    diff = ref_super[:, None, :] - ref_super[None, :, :]
    ref_inter = jnp.sqrt(jnp.sum(diff * diff, axis=-1) + 1e-12)  # [S, S] reference inter-super distances
    return {"embeddings": embeddings, "labels": labels, "ref_fine": ref_fine,
            "ref_super": ref_super, "ref_inter": ref_inter}


def reference(embeddings, labels, ref_fine, ref_super, ref_inter):
    N = embeddings.shape[0]
    ones = jnp.ones((N,), dtype=embeddings.dtype)

    # Fine-class centroids via segment reduction over labels
    fine_counts = jax.ops.segment_sum(ones, labels, num_segments=NUM_FINE)
    fine_sums = jax.ops.segment_sum(embeddings, labels, num_segments=NUM_FINE)
    fine_cent = fine_sums / jnp.maximum(fine_counts, 1.0)[:, None]
    fine_present = (fine_counts > 0).astype(embeddings.dtype)
    # F.mse_loss is mean over feature dim; summed over present classes
    fine_loss = jnp.sum(fine_present * jnp.mean((fine_cent - ref_fine) ** 2, axis=1))

    # Super-class centroids via segment reduction over super labels
    super_labels = labels // FINE_PER_SUPER
    super_counts = jax.ops.segment_sum(ones, super_labels, num_segments=NUM_SUPER)
    super_sums = jax.ops.segment_sum(embeddings, super_labels, num_segments=NUM_SUPER)
    super_cent = super_sums / jnp.maximum(super_counts, 1.0)[:, None]
    super_present = (super_counts > 0).astype(embeddings.dtype)
    super_loss = jnp.sum(super_present * jnp.mean((super_cent - ref_super) ** 2, axis=1))

    # Inter-super pairwise distance preservation (i < j pairs)
    d = super_cent[:, None, :] - super_cent[None, :, :]
    cur_dist = jnp.sqrt(jnp.sum(d * d, axis=-1) + 1e-12)
    pair_mask = jnp.triu(jnp.ones((NUM_SUPER, NUM_SUPER), dtype=embeddings.dtype), k=1)
    pair_mask = pair_mask * super_present[:, None] * super_present[None, :]
    inter_loss = jnp.sum(pair_mask * (cur_dist - ref_inter) ** 2)

    return FINE_W * fine_loss + SUPER_W * super_loss + INTER_W * inter_loss

if __name__ == "__main__":
    import jax
    _d = setup_inputs()
    print(jax.jit(kernel)(*tuple(_d.values())))

</pallas_src>

<mosaic_0001>
#map = affine_map<(d0, d1) -> (0, 0)>
#map1 = affine_map<(d0, d1) -> (0)>
#map2 = affine_map<(d0, d1) -> (0, 0, 0)>
module attributes {stable_mosaic.version = 14 : i64} {
  func.func @_sc_partials_body(%arg0: i32, %arg1: i32, %arg2: memref<320000x128xf32, #tpu.memory_space<hbm>>, %arg3: memref<320000xi32, #tpu.memory_space<hbm>>, %arg4: memref<2x100x128xf32, #tpu.memory_space<hbm>>, %arg5: memref<32x100x16xf32, #tpu.memory_space<hbm>>, %arg6: memref<400x128xf32, #tpu.memory_space<vmem>>, %arg7: memref<400x128xf32, #tpu.memory_space<vmem>>, %arg8: memref<5x80xi32, #tpu.memory_space<vmem>>, %arg9: memref<5x80xi32, #tpu.memory_space<vmem>>, %arg10: memref<100x16xf32, #tpu.memory_space<vmem>>, %arg11: memref<100x128xf32, #tpu.memory_space<vmem_shared>>, %arg12: memref<100x16xf32, #tpu.memory_space<vmem>>, %arg13: memref<!tpu.dma_semaphore, #tpu.memory_space<semaphore_mem>>, %arg14: memref<!tpu.dma_semaphore, #tpu.memory_space<semaphore_mem>>, %arg15: memref<!tpu.dma_semaphore, #tpu.memory_space<semaphore_mem>>) attributes {dimension_semantics = [#tpu.dimension_semantics<core_parallel>, #tpu.dimension_semantics<subcore_parallel>], iteration_bounds = array<i64: 2, 16>, scalar_prefetch = 0 : i64, scratch_operands = 10 : i64, tpu.core_type = #tpu.core_type<sc_vector_subcore>, window_params = [{transform_indices = #map}, {transform_indices = #map1}, {transform_indices = #map2}, {transform_indices = #map2}]} {
    %mul3A = arith.constant 2 : i32
    %mul3A_0 = arith.muli %arg1, %mul3A : i32
    %add3A = arith.addi %mul3A_0, %arg0 : i32
    %mul3A_1 = arith.constant 6800 : i32
    %mul3A_2 = arith.muli %add3A, %mul3A_1 : i32
    %broadcast_in_dim3A = arith.constant 0.000000e+00 : f32
    %broadcast_in_dim3A_3 = vector.broadcast %broadcast_in_dim3A : f32 to vector<16xf32>
    %broadcast_in_dim3A_4 = arith.constant 1.000000e+00 : f32
    %broadcast_in_dim3A_5 = vector.broadcast %broadcast_in_dim3A_4 : f32 to vector<16xf32>
    %eq3A = arith.constant 0 : i32
    %eq3A_6 = arith.cmpi eq, %arg1, %eq3A : i32
    %convert_element_type3A = arith.extui %eq3A_6 : i1 to i32
    %cond3A = arith.constant 0 : i32
    %cond3A_7 = arith.cmpi ne, %convert_element_type3A, %cond3A : i32
    scf.if %cond3A_7 {
      %scan3A_248 = arith.constant 0 : i32
      %scan3A_249 = arith.constant 100 : i32
      %scan3A_250 = arith.addi %scan3A_248, %scan3A_249 : i32
      %scan3A_251 = arith.constant 1 : i32
      scf.for %scan3A_253 = %scan3A_248 to %scan3A_250 step %scan3A_251  : i32 {
        %swap3A = arith.index_cast %scan3A_253 : i32 to index
        %swap3A_254 = arith.constant 0 : index
        %swap3A_255 = tpu.vector_load %arg6[%swap3A, %swap3A_254] {strides = array<i32>} : memref<400x128xf32, #tpu.memory_space<vmem>>, vector<1x16xf32>,
        %swap3A_256 = vector.shape_cast %swap3A_255 : vector<1x16xf32> to vector<16xf32>
        %swap3A_257 = vector.shape_cast %broadcast_in_dim3A_3 : vector<16xf32> to vector<1x16xf32>
        tpu.vector_store %arg6[%swap3A, %swap3A_254], %swap3A_257 {strides = array<i32>} : memref<400x128xf32, #tpu.memory_space<vmem>>, vector<1x16xf32>,
        %swap3A_258 = arith.index_cast %scan3A_253 : i32 to index
        %swap3A_259 = arith.constant 16 : index
        %swap3A_260 = tpu.vector_load %arg6[%swap3A_258, %swap3A_259] {strides = array<i32>} : memref<400x128xf32, #tpu.memory_space<vmem>>, vector<1x16xf32>,
        %swap3A_261 = vector.shape_cast %swap3A_260 : vector<1x16xf32> to vector<16xf32>
        %swap3A_262 = vector.shape_cast %broadcast_in_dim3A_3 : vector<16xf32> to vector<1x16xf32>
        tpu.vector_store %arg6[%swap3A_258, %swap3A_259], %swap3A_262 {strides = array<i32>} : memref<400x128xf32, #tpu.memory_space<vmem>>, vector<1x16xf32>,
        %swap3A_263 = arith.index_cast %scan3A_253 : i32 to index
        %swap3A_264 = arith.constant 32 : index
        %swap3A_265 = tpu.vector_load %arg6[%swap3A_263, %swap3A_264] {strides = array<i32>} : memref<400x128xf32, #tpu.memory_space<vmem>>, vector<1x16xf32>,
        %swap3A_266 = vector.shape_cast %swap3A_265 : vector<1x16xf32> to vector<16xf32>
        %swap3A_267 = vector.shape_cast %broadcast_in_dim3A_3 : vector<16xf32> to vector<1x16xf32>
        tpu.vector_store %arg6[%swap3A_263, %swap3A_264], %swap3A_267 {strides = array<i32>} : memref<400x128xf32, #tpu.memory_space<vmem>>, vector<1x16xf32>,
        %swap3A_268 = arith.index_cast %scan3A_253 : i32 to index
        %swap3A_269 = arith.constant 48 : index
        %swap3A_270 = tpu.vector_load %arg6[%swap3A_268, %swap3A_269] {strides = array<i32>} : memref<400x128xf32, #tpu.memory_space<vmem>>, vector<1x16xf32>,
        %swap3A_271 = vector.shape_cast %swap3A_270 : vector<1x16xf32> to vector<16xf32>
        %swap3A_272 = vector.shape_cast %broadcast_in_dim3A_3 : vector<16xf32> to vector<1x16xf32>
        tpu.vector_store %arg6[%swap3A_268, %swap3A_269], %swap3A_272 {strides = array<i32>} : memref<400x128xf32, #tpu.memory_space<vmem>>, vector<1x16xf32>,
        %swap3A_273 = arith.index_cast %scan3A_253 : i32 to index
        %swap3A_274 = arith.constant 64 : index
        %swap3A_275 = tpu.vector_load %arg6[%swap3A_273, %swap3A_274] {strides = array<i32>} : memref<400x128xf32, #tpu.memory_space<vmem>>, vector<1x16xf32>,
        %swap3A_276 = vector.shape_cast %swap3A_275 : vector<1x16xf32> to vector<16xf32>
        %swap3A_277 = vector.shape_cast %broadcast_in_dim3A_3 : vector<16xf32> to vector<1x16xf32>
        tpu.vector_store %arg6[%swap3A_273, %swap3A_274], %swap3A_277 {strides = array<i32>} : memref<400x128xf32, #tpu.memory_space<vmem>>, vector<1x16xf32>,
        %swap3A_278 = arith.index_cast %scan3A_253 : i32 to index
        %swap3A_279 = arith.constant 80 : index
        %swap3A_280 = tpu.vector_load %arg6[%swap3A_278, %swap3A_279] {strides = array<i32>} : memref<400x128xf32, #tpu.memory_space<vmem>>, vector<1x16xf32>,
        %swap3A_281 = vector.shape_cast %swap3A_280 : vector<1x16xf32> to vector<16xf32>
        %swap3A_282 = vector.shape_cast %broadcast_in_dim3A_3 : vector<16xf32> to vector<1x16xf32>
        tpu.vector_store %arg6[%swap3A_278, %swap3A_279], %swap3A_282 {strides = array<i32>} : memref<400x128xf32, #tpu.memory_space<vmem>>, vector<1x16xf32>,
        %swap3A_283 = arith.index_cast %scan3A_253 : i32 to index
        %swap3A_284 = arith.constant 96 : index
        %swap3A_285 = tpu.vector_load %arg6[%swap3A_283, %swap3A_284] {strides = array<i32>} : memref<400x128xf32, #tpu.memory_space<vmem>>, vector<1x16xf32>,
        %swap3A_286 = vector.shape_cast %swap3A_285 : vector<1x16xf32> to vector<16xf32>
        %swap3A_287 = vector.shape_cast %broadcast_in_dim3A_3 : vector<16xf32> to vector<1x16xf32>
        tpu.vector_store %arg6[%swap3A_283, %swap3A_284], %swap3A_287 {strides = array<i32>} : memref<400x128xf32, #tpu.memory_space<vmem>>, vector<1x16xf32>,
        %swap3A_288 = arith.index_cast %scan3A_253 : i32 to index
        %swap3A_289 = arith.constant 112 : index
        %swap3A_290 = tpu.vector_load %arg6[%swap3A_288, %swap3A_289] {strides = array<i32>} : memref<400x128xf32, #tpu.memory_space<vmem>>, vector<1x16xf32>,
        %swap3A_291 = vector.shape_cast %swap3A_290 : vector<1x16xf32> to vector<16xf32>
        %swap3A_292 = vector.shape_cast %broadcast_in_dim3A_3 : vector<16xf32> to vector<1x16xf32>
        tpu.vector_store %arg6[%swap3A_288, %swap3A_289], %swap3A_292 {strides = array<i32>} : memref<400x128xf32, #tpu.memory_space<vmem>>, vector<1x16xf32>,
      }
      %scan3A_252 = arith.constant 100 : i32
      "tpu.region"() ({
        %run_scoped3A = tpu.sem_alloc : memref<!tpu.dma_semaphore, #tpu.memory_space<semaphore_mem>>
        %dma_start3A_253 = arith.constant 0 : i32
        %dma_start3A_254 = arith.constant 0 : i32
        %dma_start3A_255 = tpu.memref_slice %arg6[%dma_start3A_253, %dma_start3A_254] : memref<400x128xf32, #tpu.memory_space<vmem>> -> memref<100x128xf32, #tpu.memory_space<vmem>>
        %dma_start3A_256 = arith.constant 0 : i32
        %dma_start3A_257 = arith.constant 0 : i32
        %dma_start3A_258 = tpu.memref_slice %arg6[%dma_start3A_256, %dma_start3A_257] : memref<400x128xf32, #tpu.memory_space<vmem>> -> memref<100x128xf32, #tpu.memory_space<vmem>>
        tpu.enqueue_dma source(%dma_start3A_258 : memref<100x128xf32, #tpu.memory_space<vmem>>) target(%arg11 : memref<100x128xf32, #tpu.memory_space<vmem_shared>>) target_semaphore(%run_scoped3A : memref<!tpu.dma_semaphore, #tpu.memory_space<semaphore_mem>>)
        %dma_wait3A_259 = arith.constant 0 : i32
        %dma_wait3A_260 = arith.constant 0 : i32
        %dma_wait3A_261 = tpu.memref_slice %arg6[%dma_wait3A_259, %dma_wait3A_260] : memref<400x128xf32, #tpu.memory_space<vmem>> -> memref<100x128xf32, #tpu.memory_space<vmem>>
        %dma_wait3A_262 = arith.constant 0 : i32
        %dma_wait3A_263 = arith.constant 0 : i32
        %dma_wait3A_264 = tpu.memref_slice %arg6[%dma_wait3A_262, %dma_wait3A_263] : memref<400x128xf32, #tpu.memory_space<vmem>> -> memref<100x128xf32, #tpu.memory_space<vmem>>
        tpu.wait_dma2 semaphore(%run_scoped3A : memref<!tpu.dma_semaphore, #tpu.memory_space<semaphore_mem>>) src(%dma_wait3A_264 : memref<100x128xf32, #tpu.memory_space<vmem>>) dst(%arg11 : memref<100x128xf32, #tpu.memory_space<vmem_shared>>)
        tpu.yield
      }) : () -> ()
    } else {
    }
    %scan3A = arith.constant 0 : i32
    %scan3A_8 = arith.constant 100 : i32
    %scan3A_9 = arith.addi %scan3A, %scan3A_8 : i32
    %scan3A_10 = arith.constant 1 : i32
    scf.for %scan3A_248 = %scan3A to %scan3A_9 step %scan3A_10  : i32 {
      %swap3A = arith.index_cast %scan3A_248 : i32 to index
      %swap3A_249 = arith.constant 0 : index
      %swap3A_250 = tpu.vector_load %arg12[%swap3A, %swap3A_249] {strides = array<i32>} : memref<100x16xf32, #tpu.memory_space<vmem>>, vector<1x16xf32>,
      %swap3A_251 = vector.shape_cast %swap3A_250 : vector<1x16xf32> to vector<16xf32>
      %swap3A_252 = vector.shape_cast %broadcast_in_dim3A_3 : vector<16xf32> to vector<1x16xf32>
      tpu.vector_store %arg12[%swap3A, %swap3A_249], %swap3A_252 {strides = array<i32>} : memref<100x16xf32, #tpu.memory_space<vmem>>, vector<1x16xf32>,
    }
    %scan3A_11 = arith.constant 100 : i32
    %barrier3A = arith.constant 0 : index
    tpu.barrier barrier_id(%barrier3A)
    %add3A_12 = arith.constant 0 : i32
    %add3A_13 = arith.addi %mul3A_2, %add3A_12 : i32
    %dma_start3A = arith.constant 0 : i32
    %dma_start3A_14 = tpu.memref_slice %arg2[%add3A_13, %dma_start3A] : memref<320000x128xf32, #tpu.memory_space<hbm>> -> memref<400x128xf32, #tpu.memory_space<hbm>>
    %dma_start3A_15 = arith.constant 0 : i32
    %dma_start3A_16 = tpu.memref_slice %arg2[%add3A_13, %dma_start3A_15] : memref<320000x128xf32, #tpu.memory_space<hbm>> -> memref<400x128xf32, #tpu.memory_space<hbm>>
    tpu.enqueue_dma source(%dma_start3A_16 : memref<400x128xf32, #tpu.memory_space<hbm>>) target(%arg6 : memref<400x128xf32, #tpu.memory_space<vmem>>) target_semaphore(%arg13 : memref<!tpu.dma_semaphore, #tpu.memory_space<semaphore_mem>>)
    %add3A_17 = arith.constant 0 : i32
    %add3A_18 = arith.addi %add3A_13, %add3A_17 : i32
    %dma_start3A_19 = arith.constant 0 : i32
    %dma_start3A_20 = arith.constant 0 : i32
    %dma_start3A_21 = tpu.memref_slice %arg8[%dma_start3A_19, %dma_start3A_20] : memref<5x80xi32, #tpu.memory_space<vmem>> -> memref<1x80xi32, #tpu.memory_space<vmem>>
    %dma_start3A_22 = tpu.memref_squeeze %dma_start3A_21 : memref<1x80xi32, #tpu.memory_space<vmem>> -> memref<80xi32, #tpu.memory_space<vmem>>
    %dma_start3A_23 = tpu.memref_slice %arg3[%add3A_18] : memref<320000xi32, #tpu.memory_space<hbm>> -> memref<80xi32, #tpu.memory_space<hbm>>
    %dma_start3A_24 = arith.constant 0 : i32
    %dma_start3A_25 = tpu.memref_slice %arg8[%dma_start3A_19, %dma_start3A_24] : memref<5x80xi32, #tpu.memory_space<vmem>> -> memref<1x80xi32, #tpu.memory_space<vmem>>
    %dma_start3A_26 = tpu.memref_squeeze %dma_start3A_25 : memref<1x80xi32, #tpu.memory_space<vmem>> -> memref<80xi32, #tpu.memory_space<vmem>>
    %dma_start3A_27 = tpu.memref_slice %arg3[%add3A_18] : memref<320000xi32, #tpu.memory_space<hbm>> -> memref<80xi32, #tpu.memory_space<hbm>>
    tpu.enqueue_dma source(%dma_start3A_27 : memref<80xi32, #tpu.memory_space<hbm>>) target(%dma_start3A_26 : memref<80xi32, #tpu.memory_space<vmem>>) target_semaphore(%arg13 : memref<!tpu.dma_semaphore, #tpu.memory_space<semaphore_mem>>)
    %add3A_28 = arith.constant 80 : i32
    %add3A_29 = arith.addi %add3A_13, %add3A_28 : i32
    %dma_start3A_30 = arith.constant 1 : i32
    %dma_start3A_31 = arith.constant 0 : i32
    %dma_start3A_32 = tpu.memref_slice %arg8[%dma_start3A_30, %dma_start3A_31] : memref<5x80xi32, #tpu.memory_space<vmem>> -> memref<1x80xi32, #tpu.memory_space<vmem>>
    %dma_start3A_33 = tpu.memref_squeeze %dma_start3A_32 : memref<1x80xi32, #tpu.memory_space<vmem>> -> memref<80xi32, #tpu.memory_space<vmem>>
    %dma_start3A_34 = tpu.memref_slice %arg3[%add3A_29] : memref<320000xi32, #tpu.memory_space<hbm>> -> memref<80xi32, #tpu.memory_space<hbm>>
    %dma_start3A_35 = arith.constant 0 : i32
    %dma_start3A_36 = tpu.memref_slice %arg8[%dma_start3A_30, %dma_start3A_35] : memref<5x80xi32, #tpu.memory_space<vmem>> -> memref<1x80xi32, #tpu.memory_space<vmem>>
    %dma_start3A_37 = tpu.memref_squeeze %dma_start3A_36 : memref<1x80xi32, #tpu.memory_space<vmem>> -> memref<80xi32, #tpu.memory_space<vmem>>
    %dma_start3A_38 = tpu.memref_slice %arg3[%add3A_29] : memref<320000xi32, #tpu.memory_space<hbm>> -> memref<80xi32, #tpu.memory_space<hbm>>
    tpu.enqueue_dma source(%dma_start3A_38 : memref<80xi32, #tpu.memory_space<hbm>>) target(%dma_start3A_37 : memref<80xi32, #tpu.memory_space<vmem>>) target_semaphore(%arg13 : memref<!tpu.dma_semaphore, #tpu.memory_space<semaphore_mem>>)
    %add3A_39 = arith.constant 160 : i32
    %add3A_40 = arith.addi %add3A_13, %add3A_39 : i32
    %dma_start3A_41 = arith.constant 2 : i32
    %dma_start3A_42 = arith.constant 0 : i32
    %dma_start3A_43 = tpu.memref_slice %arg8[%dma_start3A_41, %dma_start3A_42] : memref<5x80xi32, #tpu.memory_space<vmem>> -> memref<1x80xi32, #tpu.memory_space<vmem>>
    %dma_start3A_44 = tpu.memref_squeeze %dma_start3A_43 : memref<1x80xi32, #tpu.memory_space<vmem>> -> memref<80xi32, #tpu.memory_space<vmem>>
    %dma_start3A_45 = tpu.memref_slice %arg3[%add3A_40] : memref<320000xi32, #tpu.memory_space<hbm>> -> memref<80xi32, #tpu.memory_space<hbm>>
    %dma_start3A_46 = arith.constant 0 : i32
    %dma_start3A_47 = tpu.memref_slice %arg8[%dma_start3A_41, %dma_start3A_46] : memref<5x80xi32, #tpu.memory_space<vmem>> -> memref<1x80xi32, #tpu.memory_space<vmem>>
    %dma_start3A_48 = tpu.memref_squeeze %dma_start3A_47 : memref<1x80xi32, #tpu.memory_space<vmem>> -> memref<80xi32, #tpu.memory_space<vmem>>
    %dma_start3A_49 = tpu.memref_slice %arg3[%add3A_40] : memref<320000xi32, #tpu.memory_space<hbm>> -> memref<80xi32, #tpu.memory_space<hbm>>
    tpu.enqueue_dma source(%dma_start3A_49 : memref<80xi32, #tpu.memory_space<hbm>>) target(%dma_start3A_48 : memref<80xi32, #tpu.memory_space<vmem>>) target_semaphore(%arg13 : memref<!tpu.dma_semaphore, #tpu.memory_space<semaphore_mem>>)
    %add3A_50 = arith.constant 240 : i32
    %add3A_51 = arith.addi %add3A_13, %add3A_50 : i32
    %dma_start3A_52 = arith.constant 3 : i32
    %dma_start3A_53 = arith.constant 0 : i32
    %dma_start3A_54 = tpu.memref_slice %arg8[%dma_start3A_52, %dma_start3A_53] : memref<5x80xi32, #tpu.memory_space<vmem>> -> memref<1x80xi32, #tpu.memory_space<vmem>>
    %dma_start3A_55 = tpu.memref_squeeze %dma_start3A_54 : memref<1x80xi32, #tpu.memory_space<vmem>> -> memref<80xi32, #tpu.memory_space<vmem>>
    %dma_start3A_56 = tpu.memref_slice %arg3[%add3A_51] : memref<320000xi32, #tpu.memory_space<hbm>> -> memref<80xi32, #tpu.memory_space<hbm>>
    %dma_start3A_57 = arith.constant 0 : i32
    %dma_start3A_58 = tpu.memref_slice %arg8[%dma_start3A_52, %dma_start3A_57] : memref<5x80xi32, #tpu.memory_space<vmem>> -> memref<1x80xi32, #tpu.memory_space<vmem>>
    %dma_start3A_59 = tpu.memref_squeeze %dma_start3A_58 : memref<1x80xi32, #tpu.memory_space<vmem>> -> memref<80xi32, #tpu.memory_space<vmem>>
    %dma_start3A_60 = tpu.memref_slice %arg3[%add3A_51] : memref<320000xi32, #tpu.memory_space<hbm>> -> memref<80xi32, #tpu.memory_space<hbm>>
    tpu.enqueue_dma source(%dma_start3A_60 : memref<80xi32, #tpu.memory_space<hbm>>) target(%dma_start3A_59 : memref<80xi32, #tpu.memory_space<vmem>>) target_semaphore(%arg13 : memref<!tpu.dma_semaphore, #tpu.memory_space<semaphore_mem>>)
    %add3A_61 = arith.constant 320 : i32
    %add3A_62 = arith.addi %add3A_13, %add3A_61 : i32
    %dma_start3A_63 = arith.constant 4 : i32
    %dma_start3A_64 = arith.constant 0 : i32
    %dma_start3A_65 = tpu.memref_slice %arg8[%dma_start3A_63, %dma_start3A_64] : memref<5x80xi32, #tpu.memory_space<vmem>> -> memref<1x80xi32, #tpu.memory_space<vmem>>
    %dma_start3A_66 = tpu.memref_squeeze %dma_start3A_65 : memref<1x80xi32, #tpu.memory_space<vmem>> -> memref<80xi32, #tpu.memory_space<vmem>>
    %dma_start3A_67 = tpu.memref_slice %arg3[%add3A_62] : memref<320000xi32, #tpu.memory_space<hbm>> -> memref<80xi32, #tpu.memory_space<hbm>>
    %dma_start3A_68 = arith.constant 0 : i32
    %dma_start3A_69 = tpu.memref_slice %arg8[%dma_start3A_63, %dma_start3A_68] : memref<5x80xi32, #tpu.memory_space<vmem>> -> memref<1x80xi32, #tpu.memory_space<vmem>>
    %dma_start3A_70 = tpu.memref_squeeze %dma_start3A_69 : memref<1x80xi32, #tpu.memory_space<vmem>> -> memref<80xi32, #tpu.memory_space<vmem>>
    %dma_start3A_71 = tpu.memref_slice %arg3[%add3A_62] : memref<320000xi32, #tpu.memory_space<hbm>> -> memref<80xi32, #tpu.memory_space<hbm>>
    tpu.enqueue_dma source(%dma_start3A_71 : memref<80xi32, #tpu.memory_space<hbm>>) target(%dma_start3A_70 : memref<80xi32, #tpu.memory_space<vmem>>) target_semaphore(%arg13 : memref<!tpu.dma_semaphore, #tpu.memory_space<semaphore_mem>>)
    %scan3A_72 = arith.constant 0 : i32
    %scan3A_73 = arith.constant 8 : i32
    %scan3A_74 = arith.addi %scan3A_72, %scan3A_73 : i32
    %scan3A_75 = arith.constant 1 : i32
    scf.for %scan3A_248 = %scan3A_72 to %scan3A_74 step %scan3A_75  : i32 {
      %mul3A_249 = arith.constant 2 : i32
      %mul3A_250 = arith.muli %mul3A_249, %scan3A_248 : i32
      %add3A_251 = arith.constant 1 : i32
      %add3A_252 = arith.addi %mul3A_250, %add3A_251 : i32
      %mul3A_253 = arith.constant 400 : i32
      %mul3A_254 = arith.muli %add3A_252, %mul3A_253 : i32
      %add3A_255 = arith.addi %mul3A_2, %mul3A_254 : i32
      %dma_start3A_256 = arith.constant 0 : i32
      %dma_start3A_257 = tpu.memref_slice %arg2[%add3A_255, %dma_start3A_256] : memref<320000x128xf32, #tpu.memory_space<hbm>> -> memref<400x128xf32, #tpu.memory_space<hbm>>
      %dma_start3A_258 = arith.constant 0 : i32
      %dma_start3A_259 = tpu.memref_slice %arg2[%add3A_255, %dma_start3A_258] : memref<320000x128xf32, #tpu.memory_space<hbm>> -> memref<400x128xf32, #tpu.memory_space<hbm>>
      tpu.enqueue_dma source(%dma_start3A_259 : memref<400x128xf32, #tpu.memory_space<hbm>>) target(%arg7 : memref<400x128xf32, #tpu.memory_space<vmem>>) target_semaphore(%arg14 : memref<!tpu.dma_semaphore, #tpu.memory_space<semaphore_mem>>)
      %add3A_260 = arith.constant 0 : i32
      %add3A_261 = arith.addi %add3A_255, %add3A_260 : i32
      %dma_start3A_262 = arith.constant 0 : i32
      %dma_start3A_263 = arith.constant 0 : i32
      %dma_start3A_264 = tpu.memref_slice %arg9[%dma_start3A_262, %dma_start3A_263] : memref<5x80xi32, #tpu.memory_space<vmem>> -> memref<1x80xi32, #tpu.memory_space<vmem>>
      %dma_start3A_265 = tpu.memref_squeeze %dma_start3A_264 : memref<1x80xi32, #tpu.memory_space<vmem>> -> memref<80xi32, #tpu.memory_space<vmem>>
      %dma_start3A_266 = tpu.memref_slice %arg3[%add3A_261] : memref<320000xi32, #tpu.memory_space<hbm>> -> memref<80xi32, #tpu.memory_space<hbm>>
      %dma_start3A_267 = arith.constant 0 : i32
      %dma_start3A_268 = tpu.memref_slice %arg9[%dma_start3A_262, %dma_start3A_267] : memref<5x80xi32, #tpu.memory_space<vmem>> -> memref<1x80xi32, #tpu.memory_space<vmem>>
      %dma_start3A_269 = tpu.memref_squeeze %dma_start3A_268 : memref<1x80xi32, #tpu.memory_space<vmem>> -> memref<80xi32, #tpu.memory_space<vmem>>
      %dma_start3A_270 = tpu.memref_slice %arg3[%add3A_261] : memref<320000xi32, #tpu.memory_space<hbm>> -> memref<80xi32, #tpu.memory_space<hbm>>
      tpu.enqueue_dma source(%dma_start3A_270 : memref<80xi32, #tpu.memory_space<hbm>>) target(%dma_start3A_269 : memref<80xi32, #tpu.memory_space<vmem>>) target_semaphore(%arg14 : memref<!tpu.dma_semaphore, #tpu.memory_space<semaphore_mem>>)
      %add3A_271 = arith.constant 80 : i32
      %add3A_272 = arith.addi %add3A_255, %add3A_271 : i32
      %dma_start3A_273 = arith.constant 1 : i32
      %dma_start3A_274 = arith.constant 0 : i32
      %dma_start3A_275 = tpu.memref_slice %arg9[%dma_start3A_273, %dma_start3A_274] : memref<5x80xi32, #tpu.memory_space<vmem>> -> memref<1x80xi32, #tpu.memory_space<vmem>>
      %dma_start3A_276 = tpu.memref_squeeze %dma_start3A_275 : memref<1x80xi32, #tpu.memory_space<vmem>> -> memref<80xi32, #tpu.memory_space<vmem>>
      %dma_start3A_277 = tpu.memref_slice %arg3[%add3A_272] : memref<320000xi32, #tpu.memory_space<hbm>> -> memref<80xi32, #tpu.memory_space<hbm>>
      %dma_start3A_278 = arith.constant 0 : i32
      %dma_start3A_279 = tpu.memref_slice %arg9[%dma_start3A_273, %dma_start3A_278] : memref<5x80xi32, #tpu.memory_space<vmem>> -> memref<1x80xi32, #tpu.memory_space<vmem>>
      %dma_start3A_280 = tpu.memref_squeeze %dma_start3A_279 : memref<1x80xi32, #tpu.memory_space<vmem>> -> memref<80xi32, #tpu.memory_space<vmem>>
      %dma_start3A_281 = tpu.memref_slice %arg3[%add3A_272] : memref<320000xi32, #tpu.memory_space<hbm>> -> memref<80xi32, #tpu.memory_space<hbm>>
      tpu.enqueue_dma source(%dma_start3A_281 : memref<80xi32, #tpu.memory_space<hbm>>) target(%dma_start3A_280 : memref<80xi32, #tpu.memory_space<vmem>>) target_semaphore(%arg14 : memref<!tpu.dma_semaphore, #tpu.memory_space<semaphore_mem>>)
      %add3A_282 = arith.constant 160 : i32
      %add3A_283 = arith.addi %add3A_255, %add3A_282 : i32
      %dma_start3A_284 = arith.constant 2 : i32
      %dma_start3A_285 = arith.constant 0 : i32
      %dma_start3A_286 = tpu.memref_slice %arg9[%dma_start3A_284, %dma_start3A_285] : memref<5x80xi32, #tpu.memory_space<vmem>> -> memref<1x80xi32, #tpu.memory_space<vmem>>
      %dma_start3A_287 = tpu.memref_squeeze %dma_start3A_286 : memref<1x80xi32, #tpu.memory_space<vmem>> -> memref<80xi32, #tpu.memory_space<vmem>>
      %dma_start3A_288 = tpu.memref_slice %arg3[%add3A_283] : memref<320000xi32, #tpu.memory_space<hbm>> -> memref<80xi32, #tpu.memory_space<hbm>>
      %dma_start3A_289 = arith.constant 0 : i32
      %dma_start3A_290 = tpu.memref_slice %arg9[%dma_start3A_284, %dma_start3A_289] : memref<5x80xi32, #tpu.memory_space<vmem>> -> memref<1x80xi32, #tpu.memory_space<vmem>>
      %dma_start3A_291 = tpu.memref_squeeze %dma_start3A_290 : memref<1x80xi32, #tpu.memory_space<vmem>> -> memref<80xi32, #tpu.memory_space<vmem>>
      %dma_start3A_292 = tpu.memref_slice %arg3[%add3A_283] : memref<320000xi32, #tpu.memory_space<hbm>> -> memref<80xi32, #tpu.memory_space<hbm>>
      tpu.enqueue_dma source(%dma_start3A_292 : memref<80xi32, #tpu.memory_space<hbm>>) target(%dma_start3A_291 : memref<80xi32, #tpu.memory_space<vmem>>) target_semaphore(%arg14 : memref<!tpu.dma_semaphore, #tpu.memory_space<semaphore_mem>>)
      %add3A_293 = arith.constant 240 : i32
      %add3A_294 = arith.addi %add3A_255, %add3A_293 : i32
      %dma_start3A_295 = arith.constant 3 : i32
      %dma_start3A_296 = arith.constant 0 : i32
      %dma_start3A_297 = tpu.memref_slice %arg9[%dma_start3A_295, %dma_start3A_296] : memref<5x80xi32, #tpu.memory_space<vmem>> -> memref<1x80xi32, #tpu.memory_space<vmem>>
      %dma_start3A_298 = tpu.memref_squeeze %dma_start3A_297 : memref<1x80xi32, #tpu.memory_space<vmem>> -> memref<80xi32, #tpu.memory_space<vmem>>
      %dma_start3A_299 = tpu.memref_slice %arg3[%add3A_294] : memref<320000xi32, #tpu.memory_space<hbm>> -> memref<80xi32, #tpu.memory_space<hbm>>
      %dma_start3A_300 = arith.constant 0 : i32
      %dma_start3A_301 = tpu.memref_slice %arg9[%dma_start3A_295, %dma_start3A_300] : memref<5x80xi32, #tpu.memory_space<vmem>> -> memref<1x80xi32, #tpu.memory_space<vmem>>
      %dma_start3A_302 = tpu.memref_squeeze %dma_start3A_301 : memref<1x80xi32, #tpu.memory_space<vmem>> -> memref<80xi32, #tpu.memory_space<vmem>>
      %dma_start3A_303 = tpu.memref_slice %arg3[%add3A_294] : memref<320000xi32, #tpu.memory_space<hbm>> -> memref<80xi32, #tpu.memory_space<hbm>>
      tpu.enqueue_dma source(%dma_start3A_303 : memref<80xi32, #tpu.memory_space<hbm>>) target(%dma_start3A_302 : memref<80xi32, #tpu.memory_space<vmem>>) target_semaphore(%arg14 : memref<!tpu.dma_semaphore, #tpu.memory_space<semaphore_mem>>)
      %add3A_304 = arith.constant 320 : i32
      %add3A_305 = arith.addi %add3A_255, %add3A_304 : i32
      %dma_start3A_306 = arith.constant 4 : i32
      %dma_start3A_307 = arith.constant 0 : i32
      %dma_start3A_308 = tpu.memref_slice %arg9[%dma_start3A_306, %dma_start3A_307] : memref<5x80xi32, #tpu.memory_space<vmem>> -> memref<1x80xi32, #tpu.memory_space<vmem>>
      %dma_start3A_309 = tpu.memref_squeeze %dma_start3A_308 : memref<1x80xi32, #tpu.memory_space<vmem>> -> memref<80xi32, #tpu.memory_space<vmem>>
      %dma_start3A_310 = tpu.memref_slice %arg3[%add3A_305] : memref<320000xi32, #tpu.memory_space<hbm>> -> memref<80xi32, #tpu.memory_space<hbm>>
      %dma_start3A_311 = arith.constant 0 : i32
      %dma_start3A_312 = tpu.memref_slice %arg9[%dma_start3A_306, %dma_start3A_311] : memref<5x80xi32, #tpu.memory_space<vmem>> -> memref<1x80xi32, #tpu.memory_space<vmem>>
      %dma_start3A_313 = tpu.memref_squeeze %dma_start3A_312 : memref<1x80xi32, #tpu.memory_space<vmem>> -> memref<80xi32, #tpu.memory_space<vmem>>
      %dma_start3A_314 = tpu.memref_slice %arg3[%add3A_305] : memref<320000xi32, #tpu.memory_space<hbm>> -> memref<80xi32, #tpu.memory_space<hbm>>
      tpu.enqueue_dma source(%dma_start3A_314 : memref<80xi32, #tpu.memory_space<hbm>>) target(%dma_start3A_313 : memref<80xi32, #tpu.memory_space<vmem>>) target_semaphore(%arg14 : memref<!tpu.dma_semaphore, #tpu.memory_space<semaphore_mem>>)
      %dma_wait3A_315 = arith.constant 0 : i32
      %dma_wait3A_316 = arith.constant 0 : i32
      %dma_wait3A_317 = tpu.memref_slice %arg2[%dma_wait3A_315, %dma_wait3A_316] : memref<320000x128xf32, #tpu.memory_space<hbm>> -> memref<400x128xf32, #tpu.memory_space<hbm>>
      %dma_wait3A_318 = arith.constant 0 : i32
      %dma_wait3A_319 = arith.constant 0 : i32
      %dma_wait3A_320 = tpu.memref_slice %arg2[%dma_wait3A_318, %dma_wait3A_319] : memref<320000x128xf32, #tpu.memory_space<hbm>> -> memref<400x128xf32, #tpu.memory_space<hbm>>
      tpu.wait_dma2 semaphore(%arg13 : memref<!tpu.dma_semaphore, #tpu.memory_space<semaphore_mem>>) src(%dma_wait3A_320 : memref<400x128xf32, #tpu.memory_space<hbm>>) dst(%arg6 : memref<400x128xf32, #tpu.memory_space<vmem>>)
      %dma_wait3A_321 = arith.constant 0 : i32
      %dma_wait3A_322 = arith.constant 0 : i32
      %dma_wait3A_323 = tpu.memref_slice %arg8[%dma_wait3A_321, %dma_wait3A_322] : memref<5x80xi32, #tpu.memory_space<vmem>> -> memref<1x80xi32, #tpu.memory_space<vmem>>
      %dma_wait3A_324 = tpu.memref_squeeze %dma_wait3A_323 : memref<1x80xi32, #tpu.memory_space<vmem>> -> memref<80xi32, #tpu.memory_space<vmem>>
      %dma_wait3A_325 = arith.constant 0 : i32
      %dma_wait3A_326 = tpu.memref_slice %arg3[%dma_wait3A_325] : memref<320000xi32, #tpu.memory_space<hbm>> -> memref<80xi32, #tpu.memory_space<hbm>>
      %dma_wait3A_327 = arith.constant 0 : i32
      %dma_wait3A_328 = tpu.memref_slice %arg8[%dma_wait3A_321, %dma_wait3A_327] : memref<5x80xi32, #tpu.memory_space<vmem>> -> memref<1x80xi32, #tpu.memory_space<vmem>>
      %dma_wait3A_329 = tpu.memref_squeeze %dma_wait3A_328 : memref<1x80xi32, #tpu.memory_space<vmem>> -> memref<80xi32, #tpu.memory_space<vmem>>
      %dma_wait3A_330 = arith.constant 0 : i32
      %dma_wait3A_331 = tpu.memref_slice %arg3[%dma_wait3A_330] : memref<320000xi32, #tpu.memory_space<hbm>> -> memref<80xi32, #tpu.memory_space<hbm>>
      tpu.wait_dma2 semaphore(%arg13 : memref<!tpu.dma_semaphore, #tpu.memory_space<semaphore_mem>>) src(%dma_wait3A_331 : memref<80xi32, #tpu.memory_space<hbm>>) dst(%dma_wait3A_329 : memref<80xi32, #tpu.memory_space<vmem>>)
      %dma_wait3A_332 = arith.constant 1 : i32
      %dma_wait3A_333 = arith.constant 0 : i32
      %dma_wait3A_334 = tpu.memref_slice %arg8[%dma_wait3A_332, %dma_wait3A_333] : memref<5x80xi32, #tpu.memory_space<vmem>> -> memref<1x80xi32, #tpu.memory_space<vmem>>
      %dma_wait3A_335 = tpu.memref_squeeze %dma_wait3A_334 : memref<1x80xi32, #tpu.memory_space<vmem>> -> memref<80xi32, #tpu.memory_space<vmem>>
      %dma_wait3A_336 = arith.constant 0 : i32
      %dma_wait3A_337 = tpu.memref_slice %arg3[%dma_wait3A_336] : memref<320000xi32, #tpu.memory_space<hbm>> -> memref<80xi32, #tpu.memory_space<hbm>>
      %dma_wait3A_338 = arith.constant 0 : i32
      %dma_wait3A_339 = tpu.memref_slice %arg8[%dma_wait3A_332, %dma_wait3A_338] : memref<5x80xi32, #tpu.memory_space<vmem>> -> memref<1x80xi32, #tpu.memory_space<vmem>>
      %dma_wait3A_340 = tpu.memref_squeeze %dma_wait3A_339 : memref<1x80xi32, #tpu.memory_space<vmem>> -> memref<80xi32, #tpu.memory_space<vmem>>
      %dma_wait3A_341 = arith.constant 0 : i32
      %dma_wait3A_342 = tpu.memref_slice %arg3[%dma_wait3A_341] : memref<320000xi32, #tpu.memory_space<hbm>> -> memref<80xi32, #tpu.memory_space<hbm>>
      tpu.wait_dma2 semaphore(%arg13 : memref<!tpu.dma_semaphore, #tpu.memory_space<semaphore_mem>>) src(%dma_wait3A_342 : memref<80xi32, #tpu.memory_space<hbm>>) dst(%dma_wait3A_340 : memref<80xi32, #tpu.memory_space<vmem>>)
      %dma_wait3A_343 = arith.constant 2 : i32
      %dma_wait3A_344 = arith.constant 0 : i32
      %dma_wait3A_345 = tpu.memref_slice %arg8[%dma_wait3A_343, %dma_wait3A_344] : memref<5x80xi32, #tpu.memory_space<vmem>> -> memref<1x80xi32, #tpu.memory_space<vmem>>
      %dma_wait3A_346 = tpu.memref_squeeze %dma_wait3A_345 : memref<1x80xi32, #tpu.memory_space<vmem>> -> memref<80xi32, #tpu.memory_space<vmem>>
      %dma_wait3A_347 = arith.constant 0 : i32
      %dma_wait3A_348 = tpu.memref_slice %arg3[%dma_wait3A_347] : memref<320000xi32, #tpu.memory_space<hbm>> -> memref<80xi32, #tpu.memory_space<hbm>>
      %dma_wait3A_349 = arith.constant 0 : i32
      %dma_wait3A_350 = tpu.memref_slice %arg8[%dma_wait3A_343, %dma_wait3A_349] : memref<5x80xi32, #tpu.memory_space<vmem>> -> memref<1x80xi32, #tpu.memory_space<vmem>>
      %dma_wait3A_351 = tpu.memref_squeeze %dma_wait3A_350 : memref<1x80xi32, #tpu.memory_space<vmem>> -> memref<80xi32, #tpu.memory_space<vmem>>
      %dma_wait3A_352 = arith.constant 0 : i32
      %dma_wait3A_353 = tpu.memref_slice %arg3[%dma_wait3A_352] : memref<320000xi32, #tpu.memory_space<hbm>> -> memref<80xi32, #tpu.memory_space<hbm>>
      tpu.wait_dma2 semaphore(%arg13 : memref<!tpu.dma_semaphore, #tpu.memory_space<semaphore_mem>>) src(%dma_wait3A_353 : memref<80xi32, #tpu.memory_space<hbm>>) dst(%dma_wait3A_351 : memref<80xi32, #tpu.memory_space<vmem>>)
      %dma_wait3A_354 = arith.constant 3 : i32
      %dma_wait3A_355 = arith.constant 0 : i32
      %dma_wait3A_356 = tpu.memref_slice %arg8[%dma_wait3A_354, %dma_wait3A_355] : memref<5x80xi32, #tpu.memory_space<vmem>> -> memref<1x80xi32, #tpu.memory_space<vmem>>
      %dma_wait3A_357 = tpu.memref_squeeze %dma_wait3A_356 : memref<1x80xi32, #tpu.memory_space<vmem>> -> memref<80xi32, #tpu.memory_space<vmem>>
      %dma_wait3A_358 = arith.constant 0 : i32
      %dma_wait3A_359 = tpu.memref_slice %arg3[%dma_wait3A_358] : memref<320000xi32, #tpu.memory_space<hbm>> -> memref<80xi32, #tpu.memory_space<hbm>>
      %dma_wait3A_360 = arith.constant 0 : i32
      %dma_wait3A_361 = tpu.memref_slice %arg8[%dma_wait3A_354, %dma_wait3A_360] : memref<5x80xi32, #tpu.memory_space<vmem>> -> memref<1x80xi32, #tpu.memory_space<vmem>>
      %dma_wait3A_362 = tpu.memref_squeeze %dma_wait3A_361 : memref<1x80xi32, #tpu.memory_space<vmem>> -> memref<80xi32, #tpu.memory_space<vmem>>
      %dma_wait3A_363 = arith.constant 0 : i32
      %dma_wait3A_364 = tpu.memref_slice %arg3[%dma_wait3A_363] : memref<320000xi32, #tpu.memory_space<hbm>> -> memref<80xi32, #tpu.memory_space<hbm>>
      tpu.wait_dma2 semaphore(%arg13 : memref<!tpu.dma_semaphore, #tpu.memory_space<semaphore_mem>>) src(%dma_wait3A_364 : memref<80xi32, #tpu.memory_space<hbm>>) dst(%dma_wait3A_362 : memref<80xi32, #tpu.memory_space<vmem>>)
      %dma_wait3A_365 = arith.constant 4 : i32
      %dma_wait3A_366 = arith.constant 0 : i32
      %dma_wait3A_367 = tpu.memref_slice %arg8[%dma_wait3A_365, %dma_wait3A_366] : memref<5x80xi32, #tpu.memory_space<vmem>> -> memref<1x80xi32, #tpu.memory_space<vmem>>
      %dma_wait3A_368 = tpu.memref_squeeze %dma_wait3A_367 : memref<1x80xi32, #tpu.memory_space<vmem>> -> memref<80xi32, #tpu.memory_space<vmem>>
      %dma_wait3A_369 = arith.constant 0 : i32
      %dma_wait3A_370 = tpu.memref_slice %arg3[%dma_wait3A_369] : memref<320000xi32, #tpu.memory_space<hbm>> -> memref<80xi32, #tpu.memory_space<hbm>>
      %dma_wait3A_371 = arith.constant 0 : i32
      %dma_wait3A_372 = tpu.memref_slice %arg8[%dma_wait3A_365, %dma_wait3A_371] : memref<5x80xi32, #tpu.memory_space<vmem>> -> memref<1x80xi32, #tpu.memory_space<vmem>>
      %dma_wait3A_373 = tpu.memref_squeeze %dma_wait3A_372 : memref<1x80xi32, #tpu.memory_space<vmem>> -> memref<80xi32, #tpu.memory_space<vmem>>
      %dma_wait3A_374 = arith.constant 0 : i32
      %dma_wait3A_375 = tpu.memref_slice %arg3[%dma_wait3A_374] : memref<320000xi32, #tpu.memory_space<hbm>> -> memref<80xi32, #tpu.memory_space<hbm>>
      tpu.wait_dma2 semaphore(%arg13 : memref<!tpu.dma_semaphore, #tpu.memory_space<semaphore_mem>>) src(%dma_wait3A_375 : memref<80xi32, #tpu.memory_space<hbm>>) dst(%dma_wait3A_373 : memref<80xi32, #tpu.memory_space<vmem>>)
      %dma_start3A_376 = arith.constant 0 : i32
      %dma_start3A_377 = arith.constant 0 : i32
      %dma_start3A_378 = arith.constant 0 : i32
      %dma_start3A_379 = tpu.memref_slice %arg6[%dma_start3A_377, %dma_start3A_378] : memref<400x128xf32, #tpu.memory_space<vmem>> -> memref<80x128xf32, #tpu.memory_space<vmem>>
      %dma_start3A_380 = arith.constant 0 : i32
      %dma_start3A_381 = tpu.memref_slice %arg8[%dma_start3A_376, %dma_start3A_380] : memref<5x80xi32, #tpu.memory_space<vmem>> -> memref<1x80xi32, #tpu.memory_space<vmem>>
      %dma_start3A_382 = tpu.memref_squeeze %dma_start3A_381 : memref<1x80xi32, #tpu.memory_space<vmem>> -> memref<80xi32, #tpu.memory_space<vmem>>
      %dma_start3A_383 = arith.constant 0 : i32
      %dma_start3A_384 = arith.constant 0 : i32
      %dma_start3A_385 = tpu.memref_slice %arg11[%dma_start3A_383, %dma_start3A_384] : memref<100x128xf32, #tpu.memory_space<vmem_shared>> -> memref<100x128xf32, #tpu.memory_space<vmem_shared>>
      tpu.enqueue_indirect_dma source(%dma_start3A_379 : memref<80x128xf32, #tpu.memory_space<vmem>>) target(%dma_start3A_385 : memref<100x128xf32, #tpu.memory_space<vmem_shared>>) offsets(%dma_start3A_382 : memref<80xi32, #tpu.memory_space<vmem>>) semaphore(%arg15 : memref<!tpu.dma_semaphore, #tpu.memory_space<semaphore_mem>>) {add = true}
      %dma_start3A_386 = arith.constant 1 : i32
      %dma_start3A_387 = arith.constant 80 : i32
      %dma_start3A_388 = arith.constant 0 : i32
      %dma_start3A_389 = tpu.memref_slice %arg6[%dma_start3A_387, %dma_start3A_388] : memref<400x128xf32, #tpu.memory_space<vmem>> -> memref<80x128xf32, #tpu.memory_space<vmem>>
      %dma_start3A_390 = arith.constant 0 : i32
      %dma_start3A_391 = tpu.memref_slice %arg8[%dma_start3A_386, %dma_start3A_390] : memref<5x80xi32, #tpu.memory_space<vmem>> -> memref<1x80xi32, #tpu.memory_space<vmem>>
      %dma_start3A_392 = tpu.memref_squeeze %dma_start3A_391 : memref<1x80xi32, #tpu.memory_space<vmem>> -> memref<80xi32, #tpu.memory_space<vmem>>
      %dma_start3A_393 = arith.constant 0 : i32
      %dma_start3A_394 = arith.constant 0 : i32
      %dma_start3A_395 = tpu.memref_slice %arg11[%dma_start3A_393, %dma_start3A_394] : memref<100x128xf32, #tpu.memory_space<vmem_shared>> -> memref<100x128xf32, #tpu.memory_space<vmem_shared>>
      tpu.enqueue_indirect_dma source(%dma_start3A_389 : memref<80x128xf32, #tpu.memory_space<vmem>>) target(%dma_start3A_395 : memref<100x128xf32, #tpu.memory_space<vmem_shared>>) offsets(%dma_start3A_392 : memref<80xi32, #tpu.memory_space<vmem>>) semaphore(%arg15 : memref<!tpu.dma_semaphore, #tpu.memory_space<semaphore_mem>>) {add = true}
      %dma_start3A_396 = arith.constant 2 : i32
      %dma_start3A_397 = arith.constant 160 : i32
      %dma_start3A_398 = arith.constant 0 : i32
      %dma_start3A_399 = tpu.memref_slice %arg6[%dma_start3A_397, %dma_start3A_398] : memref<400x128xf32, #tpu.memory_space<vmem>> -> memref<80x128xf32, #tpu.memory_space<vmem>>
      %dma_start3A_400 = arith.constant 0 : i32
      %dma_start3A_401 = tpu.memref_slice %arg8[%dma_start3A_396, %dma_start3A_400] : memref<5x80xi32, #tpu.memory_space<vmem>> -> memref<1x80xi32, #tpu.memory_space<vmem>>
      %dma_start3A_402 = tpu.memref_squeeze %dma_start3A_401 : memref<1x80xi32, #tpu.memory_space<vmem>> -> memref<80xi32, #tpu.memory_space<vmem>>
      %dma_start3A_403 = arith.constant 0 : i32
      %dma_start3A_404 = arith.constant 0 : i32
      %dma_start3A_405 = tpu.memref_slice %arg11[%dma_start3A_403, %dma_start3A_404] : memref<100x128xf32, #tpu.memory_space<vmem_shared>> -> memref<100x128xf32, #tpu.memory_space<vmem_shared>>
      tpu.enqueue_indirect_dma source(%dma_start3A_399 : memref<80x128xf32, #tpu.memory_space<vmem>>) target(%dma_start3A_405 : memref<100x128xf32, #tpu.memory_space<vmem_shared>>) offsets(%dma_start3A_402 : memref<80xi32, #tpu.memory_space<vmem>>) semaphore(%arg15 : memref<!tpu.dma_semaphore, #tpu.memory_space<semaphore_mem>>) {add = true}
      %dma_start3A_406 = arith.constant 3 : i32
      %dma_start3A_407 = arith.constant 240 : i32
      %dma_start3A_408 = arith.constant 0 : i32
      %dma_start3A_409 = tpu.memref_slice %arg6[%dma_start3A_407, %dma_start3A_408] : memref<400x128xf32, #tpu.memory_space<vmem>> -> memref<80x128xf32, #tpu.memory_space<vmem>>
      %dma_start3A_410 = arith.constant 0 : i32
      %dma_start3A_411 = tpu.memref_slice %arg8[%dma_start3A_406, %dma_start3A_410] : memref<5x80xi32, #tpu.memory_space<vmem>> -> memref<1x80xi32, #tpu.memory_space<vmem>>
      %dma_start3A_412 = tpu.memref_squeeze %dma_start3A_411 : memref<1x80xi32, #tpu.memory_space<vmem>> -> memref<80xi32, #tpu.memory_space<vmem>>
      %dma_start3A_413 = arith.constant 0 : i32
      %dma_start3A_414 = arith.constant 0 : i32
      %dma_start3A_415 = tpu.memref_slice %arg11[%dma_start3A_413, %dma_start3A_414] : memref<100x128xf32, #tpu.memory_space<vmem_shared>> -> memref<100x128xf32, #tpu.memory_space<vmem_shared>>
      tpu.enqueue_indirect_dma source(%dma_start3A_409 : memref<80x128xf32, #tpu.memory_space<vmem>>) target(%dma_start3A_415 : memref<100x128xf32, #tpu.memory_space<vmem_shared>>) offsets(%dma_start3A_412 : memref<80xi32, #tpu.memory_space<vmem>>) semaphore(%arg15 : memref<!tpu.dma_semaphore, #tpu.memory_space<semaphore_mem>>) {add = true}
      %dma_start3A_416 = arith.constant 4 : i32
      %dma_start3A_417 = arith.constant 320 : i32
      %dma_start3A_418 = arith.constant 0 : i32
      %dma_start3A_419 = tpu.memref_slice %arg6[%dma_start3A_417, %dma_start3A_418] : memref<400x128xf32, #tpu.memory_space<vmem>> -> memref<80x128xf32, #tpu.memory_space<vmem>>
      %dma_start3A_420 = arith.constant 0 : i32
      %dma_start3A_421 = tpu.memref_slice %arg8[%dma_start3A_416, %dma_start3A_420] : memref<5x80xi32, #tpu.memory_space<vmem>> -> memref<1x80xi32, #tpu.memory_space<vmem>>
      %dma_start3A_422 = tpu.memref_squeeze %dma_start3A_421 : memref<1x80xi32, #tpu.memory_space<vmem>> -> memref<80xi32, #tpu.memory_space<vmem>>
      %dma_start3A_423 = arith.constant 0 : i32
      %dma_start3A_424 = arith.constant 0 : i32
      %dma_start3A_425 = tpu.memref_slice %arg11[%dma_start3A_423, %dma_start3A_424] : memref<100x128xf32, #tpu.memory_space<vmem_shared>> -> memref<100x128xf32, #tpu.memory_space<vmem_shared>>
      tpu.enqueue_indirect_dma source(%dma_start3A_419 : memref<80x128xf32, #tpu.memory_space<vmem>>) target(%dma_start3A_425 : memref<100x128xf32, #tpu.memory_space<vmem_shared>>) offsets(%dma_start3A_422 : memref<80xi32, #tpu.memory_space<vmem>>) semaphore(%arg15 : memref<!tpu.dma_semaphore, #tpu.memory_space<semaphore_mem>>) {add = true}
      %scan3A_426 = arith.constant 0 : i32
      %scan3A_427 = arith.constant 5 : i32
      %scan3A_428 = arith.addi %scan3A_426, %scan3A_427 : i32
      %scan3A_429 = arith.constant 1 : i32
      scf.for %scan3A_711 = %scan3A_426 to %scan3A_428 step %scan3A_429  : i32 {
        %get3A = arith.index_cast %scan3A_711 : i32 to index
        %get3A_712 = arith.constant 0 : index
        %get3A_713 = tpu.vector_load %arg8[%get3A, %get3A_712] {strides = array<i32>} : memref<5x80xi32, #tpu.memory_space<vmem>>, vector<1x16xi32>,
        %get3A_714 = vector.shape_cast %get3A_713 : vector<1x16xi32> to vector<16xi32>
        %slice3A = vector.extract_strided_slice %get3A_714 {offsets = [0], sizes = [1], strides = [1]} : vector<16xi32> to vector<1xi32>
        %squeeze3A = vector.extract %slice3A[0] : i32 from vector<1xi32>
        %swap3A = arith.index_cast %squeeze3A : i32 to index
        %swap3A_715 = arith.constant 0 : index
        %swap3A_716 = tpu.vector_load %arg12[%swap3A, %swap3A_715] {strides = array<i32>} : memref<100x16xf32, #tpu.memory_space<vmem>>, vector<1x16xf32>,
        %swap3A_717 = vector.shape_cast %swap3A_716 : vector<1x16xf32> to vector<16xf32>
        %swap3A_718 = vector.shape_cast %broadcast_in_dim3A_5 : vector<16xf32> to vector<1x16xf32>
        tpu.vector_store %arg12[%swap3A, %swap3A_715], %swap3A_718 {add = true, strides = array<i32>} : memref<100x16xf32, #tpu.memory_space<vmem>>, vector<1x16xf32>,
        %slice3A_719 = vector.extract_strided_slice %get3A_714 {offsets = [1], sizes = [1], strides = [1]} : vector<16xi32> to vector<1xi32>
        %squeeze3A_720 = vector.extract %slice3A_719[0] : i32 from vector<1xi32>
        %swap3A_721 = arith.index_cast %squeeze3A_720 : i32 to index
        %swap3A_722 = arith.constant 0 : index
        %swap3A_723 = tpu.vector_load %arg12[%swap3A_721, %swap3A_722] {strides = array<i32>} : memref<100x16xf32, #tpu.memory_space<vmem>>, vector<1x16xf32>,
        %swap3A_724 = vector.shape_cast %swap3A_723 : vector<1x16xf32> to vector<16xf32>
        %swap3A_725 = vector.shape_cast %broadcast_in_dim3A_5 : vector<16xf32> to vector<1x16xf32>
        tpu.vector_store %arg12[%swap3A_721, %swap3A_722], %swap3A_725 {add = true, strides = array<i32>} : memref<100x16xf32, #tpu.memory_space<vmem>>, vector<1x16xf32>,
        %slice3A_726 = vector.extract_strided_slice %get3A_714 {offsets = [2], sizes = [1], strides = [1]} : vector<16xi32> to vector<1xi32>
        %squeeze3A_727 = vector.extract %slice3A_726[0] : i32 from vector<1xi32>
        %swap3A_728 = arith.index_cast %squeeze3A_727 : i32 to index
        %swap3A_729 = arith.constant 0 : index
        %swap3A_730 = tpu.vector_load %arg12[%swap3A_728, %swap3A_729] {strides = array<i32>} : memref<100x16xf32, #tpu.memory_space<vmem>>, vector<1x16xf32>,
        %swap3A_731 = vector.shape_cast %swap3A_730 : vector<1x16xf32> to vector<16xf32>
        %swap3A_732 = vector.shape_cast %broadcast_in_dim3A_5 : vector<16xf32> to vector<1x16xf32>
        tpu.vector_store %arg12[%swap3A_728, %swap3A_729], %swap3A_732 {add = true, strides = array<i32>} : memref<100x16xf32, #tpu.memory_space<vmem>>, vector<1x16xf32>,
        %slice3A_733 = vector.extract_strided_slice %get3A_714 {offsets = [3], sizes = [1], strides = [1]} : vector<16xi32> to vector<1xi32>
        %squeeze3A_734 = vector.extract %slice3A_733[0] : i32 from vector<1xi32>
        %swap3A_735 = arith.index_cast %squeeze3A_734 : i32 to index
        %swap3A_736 = arith.constant 0 : index
        %swap3A_737 = tpu.vector_load %arg12[%swap3A_735, %swap3A_736] {strides = array<i32>} : memref<100x16xf32, #tpu.memory_space<vmem>>, vector<1x16xf32>,
        %swap3A_738 = vector.shape_cast %swap3A_737 : vector<1x16xf32> to vector<16xf32>
        %swap3A_739 = vector.shape_cast %broadcast_in_dim3A_5 : vector<16xf32> to vector<1x16xf32>
        tpu.vector_store %arg12[%swap3A_735, %swap3A_736], %swap3A_739 {add = true, strides = array<i32>} : memref<100x16xf32, #tpu.memory_space<vmem>>, vector<1x16xf32>,
        %slice3A_740 = vector.extract_strided_slice %get3A_714 {offsets = [4], sizes = [1], strides = [1]} : vector<16xi32> to vector<1xi32>
        %squeeze3A_741 = vector.extract %slice3A_740[0] : i32 from vector<1xi32>
        %swap3A_742 = arith.index_cast %squeeze3A_741 : i32 to index
        %swap3A_743 = arith.constant 0 : index
        %swap3A_744 = tpu.vector_load %arg12[%swap3A_742, %swap3A_743] {strides = array<i32>} : memref<100x16xf32, #tpu.memory_space<vmem>>, vector<1x16xf32>,
        %swap3A_745 = vector.shape_cast %swap3A_744 : vector<1x16xf32> to vector<16xf32>
        %swap3A_746 = vector.shape_cast %broadcast_in_dim3A_5 : vector<16xf32> to vector<1x16xf32>
        tpu.vector_store %arg12[%swap3A_742, %swap3A_743], %swap3A_746 {add = true, strides = array<i32>} : memref<100x16xf32, #tpu.memory_space<vmem>>, vector<1x16xf32>,
        %slice3A_747 = vector.extract_strided_slice %get3A_714 {offsets = [5], sizes = [1], strides = [1]} : vector<16xi32> to vector<1xi32>
        %squeeze3A_748 = vector.extract %slice3A_747[0] : i32 from vector<1xi32>
        %swap3A_749 = arith.index_cast %squeeze3A_748 : i32 to index
        %swap3A_750 = arith.constant 0 : index
        %swap3A_751 = tpu.vector_load %arg12[%swap3A_749, %swap3A_750] {strides = array<i32>} : memref<100x16xf32, #tpu.memory_space<vmem>>, vector<1x16xf32>,
        %swap3A_752 = vector.shape_cast %swap3A_751 : vector<1x16xf32> to vector<16xf32>
        %swap3A_753 = vector.shape_cast %broadcast_in_dim3A_5 : vector<16xf32> to vector<1x16xf32>
        tpu.vector_store %arg12[%swap3A_749, %swap3A_750], %swap3A_753 {add = true, strides = array<i32>} : memref<100x16xf32, #tpu.memory_space<vmem>>, vector<1x16xf32>,
        %slice3A_754 = vector.extract_strided_slice %get3A_714 {offsets = [6], sizes = [1], strides = [1]} : vector<16xi32> to vector<1xi32>
        %squeeze3A_755 = vector.extract %slice3A_754[0] : i32 from vector<1xi32>
        %swap3A_756 = arith.index_cast %squeeze3A_755 : i32 to index
        %swap3A_757 = arith.constant 0 : index
        %swap3A_758 = tpu.vector_load %arg12[%swap3A_756, %swap3A_757] {strides = array<i32>} : memref<100x16xf32, #tpu.memory_space<vmem>>, vector<1x16xf32>,
        %swap3A_759 = vector.shape_cast %swap3A_758 : vector<1x16xf32> to vector<16xf32>
        %swap3A_760 = vector.shape_cast %broadcast_in_dim3A_5 : vector<16xf32> to vector<1x16xf32>
        tpu.vector_store %arg12[%swap3A_756, %swap3A_757], %swap3A_760 {add = true, strides = array<i32>} : memref<100x16xf32, #tpu.memory_space<vmem>>, vector<1x16xf32>,
        %slice3A_761 = vector.extract_strided_slice %get3A_714 {offsets = [7], sizes = [1], strides = [1]} : vector<16xi32> to vector<1xi32>
        %squeeze3A_762 = vector.extract %slice3A_761[0] : i32 from vector<1xi32>
        %swap3A_763 = arith.index_cast %squeeze3A_762 : i32 to index
        %swap3A_764 = arith.constant 0 : index
        %swap3A_765 = tpu.vector_load %arg12[%swap3A_763, %swap3A_764] {strides = array<i32>} : memref<100x16xf32, #tpu.memory_space<vmem>>, vector<1x16xf32>,
        %swap3A_766 = vector.shape_cast %swap3A_765 : vector<1x16xf32> to vector<16xf32>
        %swap3A_767 = vector.shape_cast %broadcast_in_dim3A_5 : vector<16xf32> to vector<1x16xf32>
        tpu.vector_store %arg12[%swap3A_763, %swap3A_764], %swap3A_767 {add = true, strides = array<i32>} : memref<100x16xf32, #tpu.memory_space<vmem>>, vector<1x16xf32>,
        %slice3A_768 = vector.extract_strided_slice %get3A_714 {offsets = [8], sizes = [1], strides = [1]} : vector<16xi32> to vector<1xi32>
        %squeeze3A_769 = vector.extract %slice3A_768[0] : i32 from vector<1xi32>
        %swap3A_770 = arith.index_cast %squeeze3A_769 : i32 to index
        %swap3A_771 = arith.constant 0 : index
        %swap3A_772 = tpu.vector_load %arg12[%swap3A_770, %swap3A_771] {strides = array<i32>} : memref<100x16xf32, #tpu.memory_space<vmem>>, vector<1x16xf32>,
        %swap3A_773 = vector.shape_cast %swap3A_772 : vector<1x16xf32> to vector<16xf32>
        %swap3A_774 = vector.shape_cast %broadcast_in_dim3A_5 : vector<16xf32> to vector<1x16xf32>
        tpu.vector_store %arg12[%swap3A_770, %swap3A_771], %swap3A_774 {add = true, strides = array<i32>} : memref<100x16xf32, #tpu.memory_space<vmem>>, vector<1x16xf32>,
        %slice3A_775 = vector.extract_strided_slice %get3A_714 {offsets = [9], sizes = [1], strides = [1]} : vector<16xi32> to vector<1xi32>
        %squeeze3A_776 = vector.extract %slice3A_775[0] : i32 from vector<1xi32>
        %swap3A_777 = arith.index_cast %squeeze3A_776 : i32 to index
        %swap3A_778 = arith.constant 0 : index
        %swap3A_779 = tpu.vector_load %arg12[%swap3A_777, %swap3A_778] {strides = array<i32>} : memref<100x16xf32, #tpu.memory_space<vmem>>, vector<1x16xf32>,
        %swap3A_780 = vector.shape_cast %swap3A_779 : vector<1x16xf32> to vector<16xf32>
        %swap3A_781 = vector.shape_cast %broadcast_in_dim3A_5 : vector<16xf32> to vector<1x16xf32>
        tpu.vector_store %arg12[%swap3A_777, %swap3A_778], %swap3A_781 {add = true, strides = array<i32>} : memref<100x16xf32, #tpu.memory_space<vmem>>, vector<1x16xf32>,
        %slice3A_782 = vector.extract_strided_slice %get3A_714 {offsets = [10], sizes = [1], strides = [1]} : vector<16xi32> to vector<1xi32>
        %squeeze3A_783 = vector.extract %slice3A_782[0] : i32 from vector<1xi32>
        %swap3A_784 = arith.index_cast %squeeze3A_783 : i32 to index
        %swap3A_785 = arith.constant 0 : index
        %swap3A_786 = tpu.vector_load %arg12[%swap3A_784, %swap3A_785] {strides = array<i32>} : memref<100x16xf32, #tpu.memory_space<vmem>>, vector<1x16xf32>,
        %swap3A_787 = vector.shape_cast %swap3A_786 : vector<1x16xf32> to vector<16xf32>
        %swap3A_788 = vector.shape_cast %broadcast_in_dim3A_5 : vector<16xf32> to vector<1x16xf32>
        tpu.vector_store %arg12[%swap3A_784, %swap3A_785], %swap3A_788 {add = true, strides = array<i32>} : memref<100x16xf32, #tpu.memory_space<vmem>>, vector<1x16xf32>,
        %slice3A_789 = vector.extract_strided_slice %get3A_714 {offsets = [11], sizes = [1], strides = [1]} : vector<16xi32> to vector<1xi32>
        %squeeze3A_790 = vector.extract %slice3A_789[0] : i32 from vector<1xi32>
        %swap3A_791 = arith.index_cast %squeeze3A_790 : i32 to index
        %swap3A_792 = arith.constant 0 : index
        %swap3A_793 = tpu.vector_load %arg12[%swap3A_791, %swap3A_792] {strides = array<i32>} : memref<100x16xf32, #tpu.memory_space<vmem>>, vector<1x16xf32>,
        %swap3A_794 = vector.shape_cast %swap3A_793 : vector<1x16xf32> to vector<16xf32>
        %swap3A_795 = vector.shape_cast %broadcast_in_dim3A_5 : vector<16xf32> to vector<1x16xf32>
        tpu.vector_store %arg12[%swap3A_791, %swap3A_792], %swap3A_795 {add = true, strides = array<i32>} : memref<100x16xf32, #tpu.memory_space<vmem>>, vector<1x16xf32>,
        %slice3A_796 = vector.extract_strided_slice %get3A_714 {offsets = [12], sizes = [1], strides = [1]} : vector<16xi32> to vector<1xi32>
        %squeeze3A_797 = vector.extract %slice3A_796[0] : i32 from vector<1xi32>
        %swap3A_798 = arith.index_cast %squeeze3A_797 : i32 to index
        %swap3A_799 = arith.constant 0 : index
        %swap3A_800 = tpu.vector_load %arg12[%swap3A_798, %swap3A_799] {strides = array<i32>} : memref<100x16xf32, #tpu.memory_space<vmem>>, vector<1x16xf32>,
        %swap3A_801 = vector.shape_cast %swap3A_800 : vector<1x16xf32> to vector<16xf32>
        %swap3A_802 = vector.shape_cast %broadcast_in_dim3A_5 : vector<16xf32> to vector<1x16xf32>
        tpu.vector_store %arg12[%swap3A_798, %swap3A_799], %swap3A_802 {add = true, strides = array<i32>} : memref<100x16xf32, #tpu.memory_space<vmem>>, vector<1x16xf32>,
        %slice3A_803 = vector.extract_strided_slice %get3A_714 {offsets = [13], sizes = [1], strides = [1]} : vector<16xi32> to vector<1xi32>
        %squeeze3A_804 = vector.extract %slice3A_803[0] : i32 from vector<1xi32>
        %swap3A_805 = arith.index_cast %squeeze3A_804 : i32 to index
        %swap3A_806 = arith.constant 0 : index
        %swap3A_807 = tpu.vector_load %arg12[%swap3A_805, %swap3A_806] {strides = array<i32>} : memref<100x16xf32, #tpu.memory_space<vmem>>, vector<1x16xf32>,
        %swap3A_808 = vector.shape_cast %swap3A_807 : vector<1x16xf32> to vector<16xf32>
        %swap3A_809 = vector.shape_cast %broadcast_in_dim3A_5 : vector<16xf32> to vector<1x16xf32>
        tpu.vector_store %arg12[%swap3A_805, %swap3A_806], %swap3A_809 {add = true, strides = array<i32>} : memref<100x16xf32, #tpu.memory_space<vmem>>, vector<1x16xf32>,
        %slice3A_810 = vector.extract_strided_slice %get3A_714 {offsets = [14], sizes = [1], strides = [1]} : vector<16xi32> to vector<1xi32>
        %squeeze3A_811 = vector.extract %slice3A_810[0] : i32 from vector<1xi32>
        %swap3A_812 = arith.index_cast %squeeze3A_811 : i32 to index
        %swap3A_813 = arith.constant 0 : index
        %swap3A_814 = tpu.vector_load %arg12[%swap3A_812, %swap3A_813] {strides = array<i32>} : memref<100x16xf32, #tpu.memory_space<vmem>>, vector<1x16xf32>,
        %swap3A_815 = vector.shape_cast %swap3A_814 : vector<1x16xf32> to vector<16xf32>
        %swap3A_816 = vector.shape_cast %broadcast_in_dim3A_5 : vector<16xf32> to vector<1x16xf32>
        tpu.vector_store %arg12[%swap3A_812, %swap3A_813], %swap3A_816 {add = true, strides = array<i32>} : memref<100x16xf32, #tpu.memory_space<vmem>>, vector<1x16xf32>,
        %slice3A_817 = vector.extract_strided_slice %get3A_714 {offsets = [15], sizes = [1], strides = [1]} : vector<16xi32> to vector<1xi32>
        %squeeze3A_818 = vector.extract %slice3A_817[0] : i32 from vector<1xi32>
        %swap3A_819 = arith.index_cast %squeeze3A_818 : i32 to index
        %swap3A_820 = arith.constant 0 : index
        %swap3A_821 = tpu.vector_load %arg12[%swap3A_819, %swap3A_820] {strides = array<i32>} : memref<100x16xf32, #tpu.memory_space<vmem>>, vector<1x16xf32>,
        %swap3A_822 = vector.shape_cast %swap3A_821 : vector<1x16xf32> to vector<16xf32>
        %swap3A_823 = vector.shape_cast %broadcast_in_dim3A_5 : vector<16xf32> to vector<1x16xf32>
        tpu.vector_store %arg12[%swap3A_819, %swap3A_820], %swap3A_823 {add = true, strides = array<i32>} : memref<100x16xf32, #tpu.memory_space<vmem>>, vector<1x16xf32>,
        %get3A_824 = arith.index_cast %scan3A_711 : i32 to index
        %get3A_825 = arith.constant 16 : index
        %get3A_826 = tpu.vector_load %arg8[%get3A_824, %get3A_825] {strides = array<i32>} : memref<5x80xi32, #tpu.memory_space<vmem>>, vector<1x16xi32>,
        %get3A_827 = vector.shape_cast %get3A_826 : vector<1x16xi32> to vector<16xi32>
        %slice3A_828 = vector.extract_strided_slice %get3A_827 {offsets = [0], sizes = [1], strides = [1]} : vector<16xi32> to vector<1xi32>
        %squeeze3A_829 = vector.extract %slice3A_828[0] : i32 from vector<1xi32>
        %swap3A_830 = arith.index_cast %squeeze3A_829 : i32 to index
        %swap3A_831 = arith.constant 0 : index
        %swap3A_832 = tpu.vector_load %arg12[%swap3A_830, %swap3A_831] {strides = array<i32>} : memref<100x16xf32, #tpu.memory_space<vmem>>, vector<1x16xf32>,
        %swap3A_833 = vector.shape_cast %swap3A_832 : vector<1x16xf32> to vector<16xf32>
        %swap3A_834 = vector.shape_cast %broadcast_in_dim3A_5 : vector<16xf32> to vector<1x16xf32>
        tpu.vector_store %arg12[%swap3A_830, %swap3A_831], %swap3A_834 {add = true, strides = array<i32>} : memref<100x16xf32, #tpu.memory_space<vmem>>, vector<1x16xf32>,
        %slice3A_835 = vector.extract_strided_slice %get3A_827 {offsets = [1], sizes = [1], strides = [1]} : vector<16xi32> to vector<1xi32>
        %squeeze3A_836 = vector.extract %slice3A_835[0] : i32 from vector<1xi32>
        %swap3A_837 = arith.index_cast %squeeze3A_836 : i32 to index
        %swap3A_838 = arith.constant 0 : index
        %swap3A_839 = tpu.vector_load %arg12[%swap3A_837, %swap3A_838] {strides = array<i32>} : memref<100x16xf32, #tpu.memory_space<vmem>>, vector<1x16xf32>,
        %swap3A_840 = vector.shape_cast %swap3A_839 : vector<1x16xf32> to vector<16xf32>
        %swap3A_841 = vector.shape_cast %broadcast_in_dim3A_5 : vector<16xf32> to vector<1x16xf32>
        tpu.vector_store %arg12[%swap3A_837, %swap3A_838], %swap3A_841 {add = true, strides = array<i32>} : memref<100x16xf32, #tpu.memory_space<vmem>>, vector<1x16xf32>,
        %slice3A_842 = vector.extract_strided_slice %get3A_827 {offsets = [2], sizes = [1], strides = [1]} : vector<16xi32> to vector<1xi32>
        %squeeze3A_843 = vector.extract %slice3A_842[0] : i32 from vector<1xi32>
        %swap3A_844 = arith.index_cast %squeeze3A_843 : i32 to index
        %swap3A_845 = arith.constant 0 : index
        %swap3A_846 = tpu.vector_load %arg12[%swap3A_844, %swap3A_845] {strides = array<i32>} : memref<100x16xf32, #tpu.memory_space<vmem>>, vector<1x16xf32>,
        %swap3A_847 = vector.shape_cast %swap3A_846 : vector<1x16xf32> to vector<16xf32>
        %swap3A_848 = vector.shape_cast %broadcast_in_dim3A_5 : vector<16xf32> to vector<1x16xf32>
        tpu.vector_store %arg12[%swap3A_844, %swap3A_845], %swap3A_848 {add = true, strides = array<i32>} : memref<100x16xf32, #tpu.memory_space<vmem>>, vector<1x16xf32>,
        %slice3A_849 = vector.extract_strided_slice %get3A_827 {offsets = [3], sizes = [1], strides = [1]} : vector<16xi32> to vector<1xi32>
        %squeeze3A_850 = vector.extract %slice3A_849[0] : i32 from vector<1xi32>
        %swap3A_851 = arith.index_cast %squeeze3A_850 : i32 to index
        %swap3A_852 = arith.constant 0 : index
        %swap3A_853 = tpu.vector_load %arg12[%swap3A_851, %swap3A_852] {strides = array<i32>} : memref<100x16xf32, #tpu.memory_space<vmem>>, vector<1x16xf32>,
        %swap3A_854 = vector.shape_cast %swap3A_853 : vector<1x16xf32> to vector<16xf32>
        %swap3A_855 = vector.shape_cast %broadcast_in_dim3A_5 : vector<16xf32> to vector<1x16xf32>
        tpu.vector_store %arg12[%swap3A_851, %swap3A_852], %swap3A_855 {add = true, strides = array<i32>} : memref<100x16xf32, #tpu.memory_space<vmem>>, vector<1x16xf32>,
        %slice3A_856 = vector.extract_strided_slice %get3A_827 {offsets = [4], sizes = [1], strides = [1]} : vector<16xi32> to vector<1xi32>
        %squeeze3A_857 = vector.extract %slice3A_856[0] : i32 from vector<1xi32>
        %swap3A_858 = arith.index_cast %squeeze3A_857 : i32 to index
        %swap3A_859 = arith.constant 0 : index
        %swap3A_860 = tpu.vector_load %arg12[%swap3A_858, %swap3A_859] {strides = array<i32>} : memref<100x16xf32, #tpu.memory_space<vmem>>, vector<1x16xf32>,
        %swap3A_861 = vector.shape_cast %swap3A_860 : vector<1x16xf32> to vector<16xf32>
        %swap3A_862 = vector.shape_cast %broadcast_in_dim3A_5 : vector<16xf32> to vector<1x16xf32>
        tpu.vector_store %arg12[%swap3A_858, %swap3A_859], %swap3A_862 {add = true, strides = array<i32>} : memref<100x16xf32, #tpu.memory_space<vmem>>, vector<1x16xf32>,
        %slice3A_863 = vector.extract_strided_slice %get3A_827 {offsets = [5], sizes = [1], strides = [1]} : vector<16xi32> to vector<1xi32>
        %squeeze3A_864 = vector.extract %slice3A_863[0] : i32 from vector<1xi32>
        %swap3A_865 = arith.index_cast %squeeze3A_864 : i32 to index
        %swap3A_866 = arith.constant 0 : index
        %swap3A_867 = tpu.vector_load %arg12[%swap3A_865, %swap3A_866] {strides = array<i32>} : memref<100x16xf32, #tpu.memory_space<vmem>>, vector<1x16xf32>,
        %swap3A_868 = vector.shape_cast %swap3A_867 : vector<1x16xf32> to vector<16xf32>
        %swap3A_869 = vector.shape_cast %broadcast_in_dim3A_5 : vector<16xf32> to vector<1x16xf32>
        tpu.vector_store %arg12[%swap3A_865, %swap3A_866], %swap3A_869 {add = true, strides = array<i32>} : memref<100x16xf32, #tpu.memory_space<vmem>>, vector<1x16xf32>,
        %slice3A_870 = vector.extract_strided_slice %get3A_827 {offsets = [6], sizes = [1], strides = [1]} : vector<16xi32> to vector<1xi32>
        %squeeze3A_871 = vector.extract %slice3A_870[0] : i32 from vector<1xi32>
        %swap3A_872 = arith.index_cast %squeeze3A_871 : i32 to index
        %swap3A_873 = arith.constant 0 : index
        %swap3A_874 = tpu.vector_load %arg12[%swap3A_872, %swap3A_873] {strides = array<i32>} : memref<100x16xf32, #tpu.memory_space<vmem>>, vector<1x16xf32>,
        %swap3A_875 = vector.shape_cast %swap3A_874 : vector<1x16xf32> to vector<16xf32>
        %swap3A_876 = vector.shape_cast %broadcast_in_dim3A_5 : vector<16xf32> to vector<1x16xf32>
        tpu.vector_store %arg12[%swap3A_872, %swap3A_873], %swap3A_876 {add = true, strides = array<i32>} : memref<100x16xf32, #tpu.memory_space<vmem>>, vector<1x16xf32>,
        %slice3A_877 = vector.extract_strided_slice %get3A_827 {offsets = [7], sizes = [1], strides = [1]} : vector<16xi32> to vector<1xi32>
        %squeeze3A_878 = vector.extract %slice3A_877[0] : i32 from vector<1xi32>
        %swap3A_879 = arith.index_cast %squeeze3A_878 : i32 to index
        %swap3A_880 = arith.constant 0 : index
        %swap3A_881 = tpu.vector_load %arg12[%swap3A_879, %swap3A_880] {strides = array<i32>} : memref<100x16xf32, #tpu.memory_space<vmem>>, vector<1x16xf32>,
        %swap3A_882 = vector.shape_cast %swap3A_881 : vector<1x16xf32> to vector<16xf32>
        %swap3A_883 = vector.shape_cast %broadcast_in_dim3A_5 : vector<16xf32> to vector<1x16xf32>
        tpu.vector_store %arg12[%swap3A_879, %swap3A_880], %swap3A_883 {add = true, strides = array<i32>} : memref<100x16xf32, #tpu.memory_space<vmem>>, vector<1x16xf32>,
        %slice3A_884 = vector.extract_strided_slice %get3A_827 {offsets = [8], sizes = [1], strides = [1]} : vector<16xi32> to vector<1xi32>
        %squeeze3A_885 = vector.extract %slice3A_884[0] : i32 from vector<1xi32>
        %swap3A_886 = arith.index_cast %squeeze3A_885 : i32 to index
        %swap3A_887 = arith.constant 0 : index
        %swap3A_888 = tpu.vector_load %arg12[%swap3A_886, %swap3A_887] {strides = array<i32>} : memref<100x16xf32, #tpu.memory_space<vmem>>, vector<1x16xf32>,
        %swap3A_889 = vector.shape_cast %swap3A_888 : vector<1x16xf32> to vector<16xf32>
        %swap3A_890 = vector.shape_cast %broadcast_in_dim3A_5 : vector<16xf32> to vector<1x16xf32>
        tpu.vector_store %arg12[%swap3A_886, %swap3A_887], %swap3A_890 {add = true, strides = array<i32>} : memref<100x16xf32, #tpu.memory_space<vmem>>, vector<1x16xf32>,
        %slice3A_891 = vector.extract_strided_slice %get3A_827 {offsets = [9], sizes = [1], strides = [1]} : vector<16xi32> to vector<1xi32>
        %squeeze3A_892 = vector.extract %slice3A_891[0] : i32 from vector<1xi32>
        %swap3A_893 = arith.index_cast %squeeze3A_892 : i32 to index
        %swap3A_894 = arith.constant 0 : index
        %swap3A_895 = tpu.vector_load %arg12[%swap3A_893, %swap3A_894] {strides = array<i32>} : memref<100x16xf32, #tpu.memory_space<vmem>>, vector<1x16xf32>,
        %swap3A_896 = vector.shape_cast %swap3A_895 : vector<1x16xf32> to vector<16xf32>
        %swap3A_897 = vector.shape_cast %broadcast_in_dim3A_5 : vector<16xf32> to vector<1x16xf32>
        tpu.vector_store %arg12[%swap3A_893, %swap3A_894], %swap3A_897 {add = true, strides = array<i32>} : memref<100x16xf32, #tpu.memory_space<vmem>>, vector<1x16xf32>,
        %slice3A_898 = vector.extract_strided_slice %get3A_827 {offsets = [10], sizes = [1], strides = [1]} : vector<16xi32> to vector<1xi32>
        %squeeze3A_899 = vector.extract %slice3A_898[0] : i32 from vector<1xi32>
        %swap3A_900 = arith.index_cast %squeeze3A_899 : i32 to index
        %swap3A_901 = arith.constant 0 : index
        %swap3A_902 = tpu.vector_load %arg12[%swap3A_900, %swap3A_901] {strides = array<i32>} : memref<100x16xf32, #tpu.memory_space<vmem>>, vector<1x16xf32>,
        %swap3A_903 = vector.shape_cast %swap3A_902 : vector<1x16xf32> to vector<16xf32>
        %swap3A_904 = vector.shape_cast %broadcast_in_dim3A_5 : vector<16xf32> to vector<1x16xf32>
        tpu.vector_store %arg12[%swap3A_900, %swap3A_901], %swap3A_904 {add = true, strides = array<i32>} : memref<100x16xf32, #tpu.memory_space<vmem>>, vector<1x16xf32>,
        %slice3A_905 = vector.extract_strided_slice %get3A_827 {offsets = [11], sizes = [1], strides = [1]} : vector<16xi32> to vector<1xi32>
        %squeeze3A_906 = vector.extract %slice3A_905[0] : i32 from vector<1xi32>
        %swap3A_907 = arith.index_cast %squeeze3A_906 : i32 to index
        %swap3A_908 = arith.constant 0 : index
        %swap3A_909 = tpu.vector_load %arg12[%swap3A_907, %swap3A_908] {strides = array<i32>} : memref<100x16xf32, #tpu.memory_space<vmem>>, vector<1x16xf32>,
        %swap3A_910 = vector.shape_cast %swap3A_909 : vector<1x16xf32> to vector<16xf32>
        %swap3A_911 = vector.shape_cast %broadcast_in_dim3A_5 : vector<16xf32> to vector<1x16xf32>
        tpu.vector_store %arg12[%swap3A_907, %swap3A_908], %swap3A_911 {add = true, strides = array<i32>} : memref<100x16xf32, #tpu.memory_space<vmem>>, vector<1x16xf32>,
        %slice3A_912 = vector.extract_strided_slice %get3A_827 {offsets = [12], sizes = [1], strides = [1]} : vector<16xi32> to vector<1xi32>
        %squeeze3A_913 = vector.extract %slice3A_912[0] : i32 from vector<1xi32>
        %swap3A_914 = arith.index_cast %squeeze3A_913 : i32 to index
        %swap3A_915 = arith.constant 0 : index
        %swap3A_916 = tpu.vector_load %arg12[%swap3A_914, %swap3A_915] {strides = array<i32>} : memref<100x16xf32, #tpu.memory_space<vmem>>, vector<1x16xf32>,
        %swap3A_917 = vector.shape_cast %swap3A_916 : vector<1x16xf32> to vector<16xf32>
        %swap3A_918 = vector.shape_cast %broadcast_in_dim3A_5 : vector<16xf32> to vector<1x16xf32>
        tpu.vector_store %arg12[%swap3A_914, %swap3A_915], %swap3A_918 {add = true, strides = array<i32>} : memref<100x16xf32, #tpu.memory_space<vmem>>, vector<1x16xf32>,
        %slice3A_919 = vector.extract_strided_slice %get3A_827 {offsets = [13], sizes = [1], strides = [1]} : vector<16xi32> to vector<1xi32>
        %squeeze3A_920 = vector.extract %slice3A_919[0] : i32 from vector<1xi32>
        %swap3A_921 = arith.index_cast %squeeze3A_920 : i32 to index
        %swap3A_922 = arith.constant 0 : index
        %swap3A_923 = tpu.vector_load %arg12[%swap3A_921, %swap3A_922] {strides = array<i32>} : memref<100x16xf32, #tpu.memory_space<vmem>>, vector<1x16xf32>,
        %swap3A_924 = vector.shape_cast %swap3A_923 : vector<1x16xf32> to vector<16xf32>
        %swap3A_925 = vector.shape_cast %broadcast_in_dim3A_5 : vector<16xf32> to vector<1x16xf32>
        tpu.vector_store %arg12[%swap3A_921, %swap3A_922], %swap3A_925 {add = true, strides = array<i32>} : memref<100x16xf32, #tpu.memory_space<vmem>>, vector<1x16xf32>,
        %slice3A_926 = vector.extract_strided_slice %get3A_827 {offsets = [14], sizes = [1], strides = [1]} : vector<16xi32> to vector<1xi32>
        %squeeze3A_927 = vector.extract %slice3A_926[0] : i32 from vector<1xi32>
        %swap3A_928 = arith.index_cast %squeeze3A_927 : i32 to index
        %swap3A_929 = arith.constant 0 : index
        %swap3A_930 = tpu.vector_load %arg12[%swap3A_928, %swap3A_929] {strides = array<i32>} : memref<100x16xf32, #tpu.memory_space<vmem>>, vector<1x16xf32>,
        %swap3A_931 = vector.shape_cast %swap3A_930 : vector<1x16xf32> to vector<16xf32>
        %swap3A_932 = vector.shape_cast %broadcast_in_dim3A_5 : vector<16xf32> to vector<1x16xf32>
        tpu.vector_store %arg12[%swap3A_928, %swap3A_929], %swap3A_932 {add = true, strides = array<i32>} : memref<100x16xf32, #tpu.memory_space<vmem>>, vector<1x16xf32>,
        %slice3A_933 = vector.extract_strided_slice %get3A_827 {offsets = [15], sizes = [1], strides = [1]} : vector<16xi32> to vector<1xi32>
        %squeeze3A_934 = vector.extract %slice3A_933[0] : i32 from vector<1xi32>
        %swap3A_935 = arith.index_cast %squeeze3A_934 : i32 to index
        %swap3A_936 = arith.constant 0 : index
        %swap3A_937 = tpu.vector_load %arg12[%swap3A_935, %swap3A_936] {strides = array<i32>} : memref<100x16xf32, #tpu.memory_space<vmem>>, vector<1x16xf32>,
        %swap3A_938 = vector.shape_cast %swap3A_937 : vector<1x16xf32> to vector<16xf32>
        %swap3A_939 = vector.shape_cast %broadcast_in_dim3A_5 : vector<16xf32> to vector<1x16xf32>
        tpu.vector_store %arg12[%swap3A_935, %swap3A_936], %swap3A_939 {add = true, strides = array<i32>} : memref<100x16xf32, #tpu.memory_space<vmem>>, vector<1x16xf32>,
        %get3A_940 = arith.index_cast %scan3A_711 : i32 to index
        %get3A_941 = arith.constant 32 : index
        %get3A_942 = tpu.vector_load %arg8[%get3A_940, %get3A_941] {strides = array<i32>} : memref<5x80xi32, #tpu.memory_space<vmem>>, vector<1x16xi32>,
        %get3A_943 = vector.shape_cast %get3A_942 : vector<1x16xi32> to vector<16xi32>
        %slice3A_944 = vector.extract_strided_slice %get3A_943 {offsets = [0], sizes = [1], strides = [1]} : vector<16xi32> to vector<1xi32>
        %squeeze3A_945 = vector.extract %slice3A_944[0] : i32 from vector<1xi32>
        %swap3A_946 = arith.index_cast %squeeze3A_945 : i32 to index
        %swap3A_947 = arith.constant 0 : index
        %swap3A_948 = tpu.vector_load %arg12[%swap3A_946, %swap3A_947] {strides = array<i32>} : memref<100x16xf32, #tpu.memory_space<vmem>>, vector<1x16xf32>,
        %swap3A_949 = vector.shape_cast %swap3A_948 : vector<1x16xf32> to vector<16xf32>
        %swap3A_950 = vector.shape_cast %broadcast_in_dim3A_5 : vector<16xf32> to vector<1x16xf32>
        tpu.vector_store %arg12[%swap3A_946, %swap3A_947], %swap3A_950 {add = true, strides = array<i32>} : memref<100x16xf32, #tpu.memory_space<vmem>>, vector<1x16xf32>,
        %slice3A_951 = vector.extract_strided_slice %get3A_943 {offsets = [1], sizes = [1], strides = [1]} : vector<16xi32> to vector<1xi32>
        %squeeze3A_952 = vector.extract %slice3A_951[0] : i32 from vector<1xi32>
        %swap3A_953 = arith.index_cast %squeeze3A_952 : i32 to index
        %swap3A_954 = arith.constant 0 : index
        %swap3A_955 = tpu.vector_load %arg12[%swap3A_953, %swap3A_954] {strides = array<i32>} : memref<100x16xf32, #tpu.memory_space<vmem>>, vector<1x16xf32>,
        %swap3A_956 = vector.shape_cast %swap3A_955 : vector<1x16xf32> to vector<16xf32>
        %swap3A_957 = vector.shape_cast %broadcast_in_dim3A_5 : vector<16xf32> to vector<1x16xf32>
        tpu.vector_store %arg12[%swap3A_953, %swap3A_954], %swap3A_957 {add = true, strides = array<i32>} : memref<100x16xf32, #tpu.memory_space<vmem>>, vector<1x16xf32>,
        %slice3A_958 = vector.extract_strided_slice %get3A_943 {offsets = [2], sizes = [1], strides = [1]} : vector<16xi32> to vector<1xi32>
        %squeeze3A_959 = vector.extract %slice3A_958[0] : i32 from vector<1xi32>
        %swap3A_960 = arith.index_cast %squeeze3A_959 : i32 to index
        %swap3A_961 = arith.constant 0 : index
        %swap3A_962 = tpu.vector_load %arg12[%swap3A_960, %swap3A_961] {strides = array<i32>} : memref<100x16xf32, #tpu.memory_space<vmem>>, vector<1x16xf32>,
        %swap3A_963 = vector.shape_cast %swap3A_962 : vector<1x16xf32> to vector<16xf32>
        %swap3A_964 = vector.shape_cast %broadcast_in_dim3A_5 : vector<16xf32> to vector<1x16xf32>
        tpu.vector_store %arg12[%swap3A_960, %swap3A_961], %swap3A_964 {add = true, strides = array<i32>} : memref<100x16xf32, #tpu.memory_space<vmem>>, vector<1x16xf32>,
        %slice3A_965 = vector.extract_strided_slice %get3A_943 {offsets = [3], sizes = [1], strides = [1]} : vector<16xi32> to vector<1xi32>
        %squeeze3A_966 = vector.extract %slice3A_965[0] : i32 from vector<1xi32>
        %swap3A_967 = arith.index_cast %squeeze3A_966 : i32 to index
        %swap3A_968 = arith.constant 0 : index
        %swap3A_969 = tpu.vector_load %arg12[%swap3A_967, %swap3A_968] {strides = array<i32>} : memref<100x16xf32, #tpu.memory_space<vmem>>, vector<1x16xf32>,
        %swap3A_970 = vector.shape_cast %swap3A_969 : vector<1x16xf32> to vector<16xf32>
        %swap3A_971 = vector.shape_cast %broadcast_in_dim3A_5 : vector<16xf32> to vector<1x16xf32>
        tpu.vector_store %arg12[%swap3A_967, %swap3A_968], %swap3A_971 {add = true, strides = array<i32>} : memref<100x16xf32, #tpu.memory_space<vmem>>, vector<1x16xf32>,
        %slice3A_972 = vector.extract_strided_slice %get3A_943 {offsets = [4], sizes = [1], strides = [1]} : vector<16xi32> to vector<1xi32>
        %squeeze3A_973 = vector.extract %slice3A_972[0] : i32 from vector<1xi32>
        %swap3A_974 = arith.index_cast %squeeze3A_973 : i32 to index
        %swap3A_975 = arith.constant 0 : index
        %swap3A_976 = tpu.vector_load %arg12[%swap3A_974, %swap3A_975] {strides = array<i32>} : memref<100x16xf32, #tpu.memory_space<vmem>>, vector<1x16xf32>,
        %swap3A_977 = vector.shape_cast %swap3A_976 : vector<1x16xf32> to vector<16xf32>
        %swap3A_978 = vector.shape_cast %broadcast_in_dim3A_5 : vector<16xf32> to vector<1x16xf32>
        tpu.vector_store %arg12[%swap3A_974, %swap3A_975], %swap3A_978 {add = true, strides = array<i32>} : memref<100x16xf32, #tpu.memory_space<vmem>>, vector<1x16xf32>,
        %slice3A_979 = vector.extract_strided_slice %get3A_943 {offsets = [5], sizes = [1], strides = [1]} : vector<16xi32> to vector<1xi32>
        %squeeze3A_980 = vector.extract %slice3A_979[0] : i32 from vector<1xi32>
        %swap3A_981 = arith.index_cast %squeeze3A_980 : i32 to index
        %swap3A_982 = arith.constant 0 : index
        %swap3A_983 = tpu.vector_load %arg12[%swap3A_981, %swap3A_982] {strides = array<i32>} : memref<100x16xf32, #tpu.memory_space<vmem>>, vector<1x16xf32>,
        %swap3A_984 = vector.shape_cast %swap3A_983 : vector<1x16xf32> to vector<16xf32>
        %swap3A_985 = vector.shape_cast %broadcast_in_dim3A_5 : vector<16xf32> to vector<1x16xf32>
        tpu.vector_store %arg12[%swap3A_981, %swap3A_982], %swap3A_985 {add = true, strides = array<i32>} : memref<100x16xf32, #tpu.memory_space<vmem>>, vector<1x16xf32>,
        %slice3A_986 = vector.extract_strided_slice %get3A_943 {offsets = [6], sizes = [1], strides = [1]} : vector<16xi32> to vector<1xi32>
        %squeeze3A_987 = vector.extract %slice3A_986[0] : i32 from vector<1xi32>
        %swap3A_988 = arith.index_cast %squeeze3A_987 : i32 to index
        %swap3A_989 = arith.constant 0 : index
        %swap3A_990 = tpu.vector_load %arg12[%swap3A_988, %swap3A_989] {strides = array<i32>} : memref<100x16xf32, #tpu.memory_space<vmem>>, vector<1x16xf32>,
        %swap3A_991 = vector.shape_cast %swap3A_990 : vector<1x16xf32> to vector<16xf32>
        %swap3A_992 = vector.shape_cast %broadcast_in_dim3A_5 : vector<16xf32> to vector<1x16xf32>
        tpu.vector_store %arg12[%swap3A_988, %swap3A_989], %swap3A_992 {add = true, strides = array<i32>} : memref<100x16xf32, #tpu.memory_space<vmem>>, vector<1x16xf32>,
        %slice3A_993 = vector.extract_strided_slice %get3A_943 {offsets = [7], sizes = [1], strides = [1]} : vector<16xi32> to vector<1xi32>
        %squeeze3A_994 = vector.extract %slice3A_993[0] : i32 from vector<1xi32>
        %swap3A_995 = arith.index_cast %squeeze3A_994 : i32 to index
        %swap3A_996 = arith.constant 0 : index
        %swap3A_997 = tpu.vector_load %arg12[%swap3A_995, %swap3A_996] {strides = array<i32>} : memref<100x16xf32, #tpu.memory_space<vmem>>, vector<1x16xf32>,
        %swap3A_998 = vector.shape_cast %swap3A_997 : vector<1x16xf32> to vector<16xf32>
        %swap3A_999 = vector.shape_cast %broadcast_in_dim3A_5 : vector<16xf32> to vector<1x16xf32>
        tpu.vector_store %arg12[%swap3A_995, %swap3A_996], %swap3A_999 {add = true, strides = array<i32>} : memref<100x16xf32, #tpu.memory_space<vmem>>, vector<1x16xf32>,
        %slice3A_1000 = vector.extract_strided_slice %get3A_943 {offsets = [8], sizes = [1], strides = [1]} : vector<16xi32> to vector<1xi32>
        %squeeze3A_1001 = vector.extract %slice3A_1000[0] : i32 from vector<1xi32>
        %swap3A_1002 = arith.index_cast %squeeze3A_1001 : i32 to index
        %swap3A_1003 = arith.constant 0 : index
        %swap3A_1004 = tpu.vector_load %arg12[%swap3A_1002, %swap3A_1003] {strides = array<i32>} : memref<100x16xf32, #tpu.memory_space<vmem>>, vector<1x16xf32>,
        %swap3A_1005 = vector.shape_cast %swap3A_1004 : vector<1x16xf32> to vector<16xf32>
        %swap3A_1006 = vector.shape_cast %broadcast_in_dim3A_5 : vector<16xf32> to vector<1x16xf32>
        tpu.vector_store %arg12[%swap3A_1002, %swap3A_1003], %swap3A_1006 {add = true, strides = array<i32>} : memref<100x16xf32, #tpu.memory_space<vmem>>, vector<1x16xf32>,
        %slice3A_1007 = vector.extract_strided_slice %get3A_943 {offsets = [9], sizes = [1], strides = [1]} : vector<16xi32> to vector<1xi32>
        %squeeze3A_1008 = vector.extract %slice3A_1007[0] : i32 from vector<1xi32>
        %swap3A_1009 = arith.index_cast %squeeze3A_1008 : i32 to index
        %swap3A_1010 = arith.constant 0 : index
        %swap3A_1011 = tpu.vector_load %arg12[%swap3A_1009, %swap3A_1010] {strides = array<i32>} : memref<100x16xf32, #tpu.memory_space<vmem>>, vector<1x16xf32>,
        %swap3A_1012 = vector.shape_cast %swap3A_1011 : vector<1x16xf32> to vector<16xf32>
        %swap3A_1013 = vector.shape_cast %broadcast_in_dim3A_5 : vector<16xf32> to vector<1x16xf32>
        tpu.vector_store %arg12[%swap3A_1009, %swap3A_1010], %swap3A_1013 {add = true, strides = array<i32>} : memref<100x16xf32, #tpu.memory_space<vmem>>, vector<1x16xf32>,
        %slice3A_1014 = vector.extract_strided_slice %get3A_943 {offsets = [10], sizes = [1], strides = [1]} : vector<16xi32> to vector<1xi32>
        %squeeze3A_1015 = vector.extract %slice3A_1014[0] : i32 from vector<1xi32>
        %swap3A_1016 = arith.index_cast %squeeze3A_1015 : i32 to index
        %swap3A_1017 = arith.constant 0 : index
        %swap3A_1018 = tpu.vector_load %arg12[%swap3A_1016, %swap3A_1017] {strides = array<i32>} : memref<100x16xf32, #tpu.memory_space<vmem>>, vector<1x16xf32>,
        %swap3A_1019 = vector.shape_cast %swap3A_1018 : vector<1x16xf32> to vector<16xf32>
        %swap3A_1020 = vector.shape_cast %broadcast_in_dim3A_5 : vector<16xf32> to vector<1x16xf32>
        tpu.vector_store %arg12[%swap3A_1016, %swap3A_1017], %swap3A_1020 {add = true, strides = array<i32>} : memref<100x16xf32, #tpu.memory_space<vmem>>, vector<1x16xf32>,
        %slice3A_1021 = vector.extract_strided_slice %get3A_943 {offsets = [11], sizes = [1], strides = [1]} : vector<16xi32> to vector<1xi32>
        %squeeze3A_1022 = vector.extract %slice3A_1021[0] : i32 from vector<1xi32>
        %swap3A_1023 = arith.index_cast %squeeze3A_1022 : i32 to index
        %swap3A_1024 = arith.constant 0 : index
        %swap3A_1025 = tpu.vector_load %arg12[%swap3A_1023, %swap3A_1024] {strides = array<i32>} : memref<100x16xf32, #tpu.memory_space<vmem>>, vector<1x16xf32>,
        %swap3A_1026 = vector.shape_cast %swap3A_1025 : vector<1x16xf32> to vector<16xf32>
        %swap3A_1027 = vector.shape_cast %broadcast_in_dim3A_5 : vector<16xf32> to vector<1x16xf32>
        tpu.vector_store %arg12[%swap3A_1023, %swap3A_1024], %swap3A_1027 {add = true, strides = array<i32>} : memref<100x16xf32, #tpu.memory_space<vmem>>, vector<1x16xf32>,
        %slice3A_1028 = vector.extract_strided_slice %get3A_943 {offsets = [12], sizes = [1], strides = [1]} : vector<16xi32> to vector<1xi32>
        %squeeze3A_1029 = vector.extract %slice3A_1028[0] : i32 from vector<1xi32>
        %swap3A_1030 = arith.index_cast %squeeze3A_1029 : i32 to index
        %swap3A_1031 = arith.constant 0 : index
        %swap3A_1032 = tpu.vector_load %arg12[%swap3A_1030, %swap3A_1031] {strides = array<i32>} : memref<100x16xf32, #tpu.memory_space<vmem>>, vector<1x16xf32>,
        %swap3A_1033 = vector.shape_cast %swap3A_1032 : vector<1x16xf32> to vector<16xf32>
        %swap3A_1034 = vector.shape_cast %broadcast_in_dim3A_5 : vector<16xf32> to vector<1x16xf32>
        tpu.vector_store %arg12[%swap3A_1030, %swap3A_1031], %swap3A_1034 {add = true, strides = array<i32>} : memref<100x16xf32, #tpu.memory_space<vmem>>, vector<1x16xf32>,
        %slice3A_1035 = vector.extract_strided_slice %get3A_943 {offsets = [13], sizes = [1], strides = [1]} : vector<16xi32> to vector<1xi32>
        %squeeze3A_1036 = vector.extract %slice3A_1035[0] : i32 from vector<1xi32>
        %swap3A_1037 = arith.index_cast %squeeze3A_1036 : i32 to index
        %swap3A_1038 = arith.constant 0 : index
        %swap3A_1039 = tpu.vector_load %arg12[%swap3A_1037, %swap3A_1038] {strides = array<i32>} : memref<100x16xf32, #tpu.memory_space<vmem>>, vector<1x16xf32>,
        %swap3A_1040 = vector.shape_cast %swap3A_1039 : vector<1x16xf32> to vector<16xf32>
        %swap3A_1041 = vector.shape_cast %broadcast_in_dim3A_5 : vector<16xf32> to vector<1x16xf32>
        tpu.vector_store %arg12[%swap3A_1037, %swap3A_1038], %swap3A_1041 {add = true, strides = array<i32>} : memref<100x16xf32, #tpu.memory_space<vmem>>, vector<1x16xf32>,
        %slice3A_1042 = vector.extract_strided_slice %get3A_943 {offsets = [14], sizes = [1], strides = [1]} : vector<16xi32> to vector<1xi32>
        %squeeze3A_1043 = vector.extract %slice3A_1042[0] : i32 from vector<1xi32>
        %swap3A_1044 = arith.index_cast %squeeze3A_1043 : i32 to index
        %swap3A_1045 = arith.constant 0 : index
        %swap3A_1046 = tpu.vector_load %arg12[%swap3A_1044, %swap3A_1045] {strides = array<i32>} : memref<100x16xf32, #tpu.memory_space<vmem>>, vector<1x16xf32>,
        %swap3A_1047 = vector.shape_cast %swap3A_1046 : vector<1x16xf32> to vector<16xf32>
        %swap3A_1048 = vector.shape_cast %broadcast_in_dim3A_5 : vector<16xf32> to vector<1x16xf32>
        tpu.vector_store %arg12[%swap3A_1044, %swap3A_1045], %swap3A_1048 {add = true, strides = array<i32>} : memref<100x16xf32, #tpu.memory_space<vmem>>, vector<1x16xf32>,
        %slice3A_1049 = vector.extract_strided_slice %get3A_943 {offsets = [15], sizes = [1], strides = [1]} : vector<16xi32> to vector<1xi32>
        %squeeze3A_1050 = vector.extract %slice3A_1049[0] : i32 from vector<1xi32>
        %swap3A_1051 = arith.index_cast %squeeze3A_1050 : i32 to index
        %swap3A_1052 = arith.constant 0 : index
        %swap3A_1053 = tpu.vector_load %arg12[%swap3A_1051, %swap3A_1052] {strides = array<i32>} : memref<100x16xf32, #tpu.memory_space<vmem>>, vector<1x16xf32>,
        %swap3A_1054 = vector.shape_cast %swap3A_1053 : vector<1x16xf32> to vector<16xf32>
        %swap3A_1055 = vector.shape_cast %broadcast_in_dim3A_5 : vector<16xf32> to vector<1x16xf32>
        tpu.vector_store %arg12[%swap3A_1051, %swap3A_1052], %swap3A_1055 {add = true, strides = array<i32>} : memref<100x16xf32, #tpu.memory_space<vmem>>, vector<1x16xf32>,
        %get3A_1056 = arith.index_cast %scan3A_711 : i32 to index
        %get3A_1057 = arith.constant 48 : index
        %get3A_1058 = tpu.vector_load %arg8[%get3A_1056, %get3A_1057] {strides = array<i32>} : memref<5x80xi32, #tpu.memory_space<vmem>>, vector<1x16xi32>,
        %get3A_1059 = vector.shape_cast %get3A_1058 : vector<1x16xi32> to vector<16xi32>
        %slice3A_1060 = vector.extract_strided_slice %get3A_1059 {offsets = [0], sizes = [1], strides = [1]} : vector<16xi32> to vector<1xi32>
        %squeeze3A_1061 = vector.extract %slice3A_1060[0] : i32 from vector<1xi32>
        %swap3A_1062 = arith.index_cast %squeeze3A_1061 : i32 to index
        %swap3A_1063 = arith.constant 0 : index
        %swap3A_1064 = tpu.vector_load %arg12[%swap3A_1062, %swap3A_1063] {strides = array<i32>} : memref<100x16xf32, #tpu.memory_space<vmem>>, vector<1x16xf32>,
        %swap3A_1065 = vector.shape_cast %swap3A_1064 : vector<1x16xf32> to vector<16xf32>
        %swap3A_1066 = vector.shape_cast %broadcast_in_dim3A_5 : vector<16xf32> to vector<1x16xf32>
        tpu.vector_store %arg12[%swap3A_1062, %swap3A_1063], %swap3A_1066 {add = true, strides = array<i32>} : memref<100x16xf32, #tpu.memory_space<vmem>>, vector<1x16xf32>,
        %slice3A_1067 = vector.extract_strided_slice %get3A_1059 {offsets = [1], sizes = [1], strides = [1]} : vector<16xi32> to vector<1xi32>
        %squeeze3A_1068 = vector.extract %slice3A_1067[0] : i32 from vector<1xi32>
        %swap3A_1069 = arith.index_cast %squeeze3A_1068 : i32 to index
        %swap3A_1070 = arith.constant 0 : index
        %swap3A_1071 = tpu.vector_load %arg12[%swap3A_1069, %swap3A_1070] {strides = array<i32>} : memref<100x16xf32, #tpu.memory_space<vmem>>, vector<1x16xf32>,
        %swap3A_1072 = vector.shape_cast %swap3A_1071 : vector<1x16xf32> to vector<16xf32>
        %swap3A_1073 = vector.shape_cast %broadcast_in_dim3A_5 : vector<16xf32> to vector<1x16xf32>
        tpu.vector_store %arg12[%swap3A_1069, %swap3A_1070], %swap3A_1073 {add = true, strides = array<i32>} : memref<100x16xf32, #tpu.memory_space<vmem>>, vector<1x16xf32>,
        %slice3A_1074 = vector.extract_strided_slice %get3A_1059 {offsets = [2], sizes = [1], strides = [1]} : vector<16xi32> to vector<1xi32>
        %squeeze3A_1075 = vector.extract %slice3A_1074[0] : i32 from vector<1xi32>
        %swap3A_1076 = arith.index_cast %squeeze3A_1075 : i32 to index
        %swap3A_1077 = arith.constant 0 : index
        %swap3A_1078 = tpu.vector_load %arg12[%swap3A_1076, %swap3A_1077] {strides = array<i32>} : memref<100x16xf32, #tpu.memory_space<vmem>>, vector<1x16xf32>,
        %swap3A_1079 = vector.shape_cast %swap3A_1078 : vector<1x16xf32> to vector<16xf32>
        %swap3A_1080 = vector.shape_cast %broadcast_in_dim3A_5 : vector<16xf32> to vector<1x16xf32>
        tpu.vector_store %arg12[%swap3A_1076, %swap3A_1077], %swap3A_1080 {add = true, strides = array<i32>} : memref<100x16xf32, #tpu.memory_space<vmem>>, vector<1x16xf32>,
        %slice3A_1081 = vector.extract_strided_slice %get3A_1059 {offsets = [3], sizes = [1], strides = [1]} : vector<16xi32> to vector<1xi32>
        %squeeze3A_1082 = vector.extract %slice3A_1081[0] : i32 from vector<1xi32>
        %swap3A_1083 = arith.index_cast %squeeze3A_1082 : i32 to index
        %swap3A_1084 = arith.constant 0 : index
        %swap3A_1085 = tpu.vector_load %arg12[%swap3A_1083, %swap3A_1084] {strides = array<i32>} : memref<100x16xf32, #tpu.memory_space<vmem>>, vector<1x16xf32>,
        %swap3A_1086 = vector.shape_cast %swap3A_1085 : vector<1x16xf32> to vector<16xf32>
        %swap3A_1087 = vector.shape_cast %broadcast_in_dim3A_5 : vector<16xf32> to vector<1x16xf32>
        tpu.vector_store %arg12[%swap3A_1083, %swap3A_1084], %swap3A_1087 {add = true, strides = array<i32>} : memref<100x16xf32, #tpu.memory_space<vmem>>, vector<1x16xf32>,
        %slice3A_1088 = vector.extract_strided_slice %get3A_1059 {offsets = [4], sizes = [1], strides = [1]} : vector<16xi32> to vector<1xi32>
        %squeeze3A_1089 = vector.extract %slice3A_1088[0] : i32 from vector<1xi32>
        %swap3A_1090 = arith.index_cast %squeeze3A_1089 : i32 to index
        %swap3A_1091 = arith.constant 0 : index
        %swap3A_1092 = tpu.vector_load %arg12[%swap3A_1090, %swap3A_1091] {strides = array<i32>} : memref<100x16xf32, #tpu.memory_space<vmem>>, vector<1x16xf32>,
        %swap3A_1093 = vector.shape_cast %swap3A_1092 : vector<1x16xf32> to vector<16xf32>
        %swap3A_1094 = vector.shape_cast %broadcast_in_dim3A_5 : vector<16xf32> to vector<1x16xf32>
        tpu.vector_store %arg12[%swap3A_1090, %swap3A_1091], %swap3A_1094 {add = true, strides = array<i32>} : memref<100x16xf32, #tpu.memory_space<vmem>>, vector<1x16xf32>,
        %slice3A_1095 = vector.extract_strided_slice %get3A_1059 {offsets = [5], sizes = [1], strides = [1]} : vector<16xi32> to vector<1xi32>
        %squeeze3A_1096 = vector.extract %slice3A_1095[0] : i32 from vector<1xi32>
        %swap3A_1097 = arith.index_cast %squeeze3A_1096 : i32 to index
        %swap3A_1098 = arith.constant 0 : index
        %swap3A_1099 = tpu.vector_load %arg12[%swap3A_1097, %swap3A_1098] {strides = array<i32>} : memref<100x16xf32, #tpu.memory_space<vmem>>, vector<1x16xf32>,
        %swap3A_1100 = vector.shape_cast %swap3A_1099 : vector<1x16xf32> to vector<16xf32>
        %swap3A_1101 = vector.shape_cast %broadcast_in_dim3A_5 : vector<16xf32> to vector<1x16xf32>
        tpu.vector_store %arg12[%swap3A_1097, %swap3A_1098], %swap3A_1101 {add = true, strides = array<i32>} : memref<100x16xf32, #tpu.memory_space<vmem>>, vector<1x16xf32>,
        %slice3A_1102 = vector.extract_strided_slice %get3A_1059 {offsets = [6], sizes = [1], strides = [1]} : vector<16xi32> to vector<1xi32>
        %squeeze3A_1103 = vector.extract %slice3A_1102[0] : i32 from vector<1xi32>
        %swap3A_1104 = arith.index_cast %squeeze3A_1103 : i32 to index
        %swap3A_1105 = arith.constant 0 : index
        %swap3A_1106 = tpu.vector_load %arg12[%swap3A_1104, %swap3A_1105] {strides = array<i32>} : memref<100x16xf32, #tpu.memory_space<vmem>>, vector<1x16xf32>,
        %swap3A_1107 = vector.shape_cast %swap3A_1106 : vector<1x16xf32> to vector<16xf32>
        %swap3A_1108 = vector.shape_cast %broadcast_in_dim3A_5 : vector<16xf32> to vector<1x16xf32>
        tpu.vector_store %arg12[%swap3A_1104, %swap3A_1105], %swap3A_1108 {add = true, strides = array<i32>} : memref<100x16xf32, #tpu.memory_space<vmem>>, vector<1x16xf32>,
        %slice3A_1109 = vector.extract_strided_slice %get3A_1059 {offsets = [7], sizes = [1], strides = [1]} : vector<16xi32> to vector<1xi32>
        %squeeze3A_1110 = vector.extract %slice3A_1109[0] : i32 from vector<1xi32>
        %swap3A_1111 = arith.index_cast %squeeze3A_1110 : i32 to index
        %swap3A_1112 = arith.constant 0 : index
        %swap3A_1113 = tpu.vector_load %arg12[%swap3A_1111, %swap3A_1112] {strides = array<i32>} : memref<100x16xf32, #tpu.memory_space<vmem>>, vector<1x16xf32>,
        %swap3A_1114 = vector.shape_cast %swap3A_1113 : vector<1x16xf32> to vector<16xf32>
        %swap3A_1115 = vector.shape_cast %broadcast_in_dim3A_5 : vector<16xf32> to vector<1x16xf32>
        tpu.vector_store %arg12[%swap3A_1111, %swap3A_1112], %swap3A_1115 {add = true, strides = array<i32>} : memref<100x16xf32, #tpu.memory_space<vmem>>, vector<1x16xf32>,
        %slice3A_1116 = vector.extract_strided_slice %get3A_1059 {offsets = [8], sizes = [1], strides = [1]} : vector<16xi32> to vector<1xi32>
        %squeeze3A_1117 = vector.extract %slice3A_1116[0] : i32 from vector<1xi32>
        %swap3A_1118 = arith.index_cast %squeeze3A_1117 : i32 to index
        %swap3A_1119 = arith.constant 0 : index
        %swap3A_1120 = tpu.vector_load %arg12[%swap3A_1118, %swap3A_1119] {strides = array<i32>} : memref<100x16xf32, #tpu.memory_space<vmem>>, vector<1x16xf32>,
        %swap3A_1121 = vector.shape_cast %swap3A_1120 : vector<1x16xf32> to vector<16xf32>
        %swap3A_1122 = vector.shape_cast %broadcast_in_dim3A_5 : vector<16xf32> to vector<1x16xf32>
        tpu.vector_store %arg12[%swap3A_1118, %swap3A_1119], %swap3A_1122 {add = true, strides = array<i32>} : memref<100x16xf32, #tpu.memory_space<vmem>>, vector<1x16xf32>,
        %slice3A_1123 = vector.extract_strided_slice %get3A_1059 {offsets = [9], sizes = [1], strides = [1]} : vector<16xi32> to vector<1xi32>
        %squeeze3A_1124 = vector.extract %slice3A_1123[0] : i32 from vector<1xi32>
        %swap3A_1125 = arith.index_cast %squeeze3A_1124 : i32 to index
        %swap3A_1126 = arith.constant 0 : index
        %swap3A_1127 = tpu.vector_load %arg12[%swap3A_1125, %swap3A_1126] {strides = array<i32>} : memref<100x16xf32, #tpu.memory_space<vmem>>, vector<1x16xf32>,
        %swap3A_1128 = vector.shape_cast %swap3A_1127 : vector<1x16xf32> to vector<16xf32>
        %swap3A_1129 = vector.shape_cast %broadcast_in_dim3A_5 : vector<16xf32> to vector<1x16xf32>
        tpu.vector_store %arg12[%swap3A_1125, %swap3A_1126], %swap3A_1129 {add = true, strides = array<i32>} : memref<100x16xf32, #tpu.memory_space<vmem>>, vector<1x16xf32>,
        %slice3A_1130 = vector.extract_strided_slice %get3A_1059 {offsets = [10], sizes = [1], strides = [1]} : vector<16xi32> to vector<1xi32>
        %squeeze3A_1131 = vector.extract %slice3A_1130[0] : i32 from vector<1xi32>
        %swap3A_1132 = arith.index_cast %squeeze3A_1131 : i32 to index
        %swap3A_1133 = arith.constant 0 : index
        %swap3A_1134 = tpu.vector_load %arg12[%swap3A_1132, %swap3A_1133] {strides = array<i32>} : memref<100x16xf32, #tpu.memory_space<vmem>>, vector<1x16xf32>,
        %swap3A_1135 = vector.shape_cast %swap3A_1134 : vector<1x16xf32> to vector<16xf32>
        %swap3A_1136 = vector.shape_cast %broadcast_in_dim3A_5 : vector<16xf32> to vector<1x16xf32>
        tpu.vector_store %arg12[%swap3A_1132, %swap3A_1133], %swap3A_1136 {add = true, strides = array<i32>} : memref<100x16xf32, #tpu.memory_space<vmem>>, vector<1x16xf32>,
        %slice3A_1137 = vector.extract_strided_slice %get3A_1059 {offsets = [11], sizes = [1], strides = [1]} : vector<16xi32> to vector<1xi32>
        %squeeze3A_1138 = vector.extract %slice3A_1137[0] : i32 from vector<1xi32>
        %swap3A_1139 = arith.index_cast %squeeze3A_1138 : i32 to index
        %swap3A_1140 = arith.constant 0 : index
        %swap3A_1141 = tpu.vector_load %arg12[%swap3A_1139, %swap3A_1140] {strides = array<i32>} : memref<100x16xf32, #tpu.memory_space<vmem>>, vector<1x16xf32>,
        %swap3A_1142 = vector.shape_cast %swap3A_1141 : vector<1x16xf32> to vector<16xf32>
        %swap3A_1143 = vector.shape_cast %broadcast_in_dim3A_5 : vector<16xf32> to vector<1x16xf32>
        tpu.vector_store %arg12[%swap3A_1139, %swap3A_1140], %swap3A_1143 {add = true, strides = array<i32>} : memref<100x16xf32, #tpu.memory_space<vmem>>, vector<1x16xf32>,
        %slice3A_1144 = vector.extract_strided_slice %get3A_1059 {offsets = [12], sizes = [1], strides = [1]} : vector<16xi32> to vector<1xi32>
        %squeeze3A_1145 = vector.extract %slice3A_1144[0] : i32 from vector<1xi32>
        %swap3A_1146 = arith.index_cast %squeeze3A_1145 : i32 to index
        %swap3A_1147 = arith.constant 0 : index
        %swap3A_1148 = tpu.vector_load %arg12[%swap3A_1146, %swap3A_1147] {strides = array<i32>} : memref<100x16xf32, #tpu.memory_space<vmem>>, vector<1x16xf32>,
        %swap3A_1149 = vector.shape_cast %swap3A_1148 : vector<1x16xf32> to vector<16xf32>
        %swap3A_1150 = vector.shape_cast %broadcast_in_dim3A_5 : vector<16xf32> to vector<1x16xf32>
        tpu.vector_store %arg12[%swap3A_1146, %swap3A_1147], %swap3A_1150 {add = true, strides = array<i32>} : memref<100x16xf32, #tpu.memory_space<vmem>>, vector<1x16xf32>,
        %slice3A_1151 = vector.extract_strided_slice %get3A_1059 {offsets = [13], sizes = [1], strides = [1]} : vector<16xi32> to vector<1xi32>
        %squeeze3A_1152 = vector.extract %slice3A_1151[0] : i32 from vector<1xi32>
        %swap3A_1153 = arith.index_cast %squeeze3A_1152 : i32 to index
        %swap3A_1154 = arith.constant 0 : index
        %swap3A_1155 = tpu.vector_load %arg12[%swap3A_1153, %swap3A_1154] {strides = array<i32>} : memref<100x16xf32, #tpu.memory_space<vmem>>, vector<1x16xf32>,
        %swap3A_1156 = vector.shape_cast %swap3A_1155 : vector<1x16xf32> to vector<16xf32>
        %swap3A_1157 = vector.shape_cast %broadcast_in_dim3A_5 : vector<16xf32> to vector<1x16xf32>
        tpu.vector_store %arg12[%swap3A_1153, %swap3A_1154], %swap3A_1157 {add = true, strides = array<i32>} : memref<100x16xf32, #tpu.memory_space<vmem>>, vector<1x16xf32>,
        %slice3A_1158 = vector.extract_strided_slice %get3A_1059 {offsets = [14], sizes = [1], strides = [1]} : vector<16xi32> to vector<1xi32>
        %squeeze3A_1159 = vector.extract %slice3A_1158[0] : i32 from vector<1xi32>
        %swap3A_1160 = arith.index_cast %squeeze3A_1159 : i32 to index
        %swap3A_1161 = arith.constant 0 : index
        %swap3A_1162 = tpu.vector_load %arg12[%swap3A_1160, %swap3A_1161] {strides = array<i32>} : memref<100x16xf32, #tpu.memory_space<vmem>>, vector<1x16xf32>,
        %swap3A_1163 = vector.shape_cast %swap3A_1162 : vector<1x16xf32> to vector<16xf32>
        %swap3A_1164 = vector.shape_cast %broadcast_in_dim3A_5 : vector<16xf32> to vector<1x16xf32>
        tpu.vector_store %arg12[%swap3A_1160, %swap3A_1161], %swap3A_1164 {add = true, strides = array<i32>} : memref<100x16xf32, #tpu.memory_space<vmem>>, vector<1x16xf32>,
        %slice3A_1165 = vector.extract_strided_slice %get3A_1059 {offsets = [15], sizes = [1], strides = [1]} : vector<16xi32> to vector<1xi32>
        %squeeze3A_1166 = vector.extract %slice3A_1165[0] : i32 from vector<1xi32>
        %swap3A_1167 = arith.index_cast %squeeze3A_1166 : i32 to index
        %swap3A_1168 = arith.constant 0 : index
        %swap3A_1169 = tpu.vector_load %arg12[%swap3A_1167, %swap3A_1168] {strides = array<i32>} : memref<100x16xf32, #tpu.memory_space<vmem>>, vector<1x16xf32>,
        %swap3A_1170 = vector.shape_cast %swap3A_1169 : vector<1x16xf32> to vector<16xf32>
        %swap3A_1171 = vector.shape_cast %broadcast_in_dim3A_5 : vector<16xf32> to vector<1x16xf32>
        tpu.vector_store %arg12[%swap3A_1167, %swap3A_1168], %swap3A_1171 {add = true, strides = array<i32>} : memref<100x16xf32, #tpu.memory_space<vmem>>, vector<1x16xf32>,
        %get3A_1172 = arith.index_cast %scan3A_711 : i32 to index
        %get3A_1173 = arith.constant 64 : index
        %get3A_1174 = tpu.vector_load %arg8[%get3A_1172, %get3A_1173] {strides = array<i32>} : memref<5x80xi32, #tpu.memory_space<vmem>>, vector<1x16xi32>,
        %get3A_1175 = vector.shape_cast %get3A_1174 : vector<1x16xi32> to vector<16xi32>
        %slice3A_1176 = vector.extract_strided_slice %get3A_1175 {offsets = [0], sizes = [1], strides = [1]} : vector<16xi32> to vector<1xi32>
        %squeeze3A_1177 = vector.extract %slice3A_1176[0] : i32 from vector<1xi32>
        %swap3A_1178 = arith.index_cast %squeeze3A_1177 : i32 to index
        %swap3A_1179 = arith.constant 0 : index
        %swap3A_1180 = tpu.vector_load %arg12[%swap3A_1178, %swap3A_1179] {strides = array<i32>} : memref<100x16xf32, #tpu.memory_space<vmem>>, vector<1x16xf32>,
        %swap3A_1181 = vector.shape_cast %swap3A_1180 : vector<1x16xf32> to vector<16xf32>
        %swap3A_1182 = vector.shape_cast %broadcast_in_dim3A_5 : vector<16xf32> to vector<1x16xf32>
        tpu.vector_store %arg12[%swap3A_1178, %swap3A_1179], %swap3A_1182 {add = true, strides = array<i32>} : memref<100x16xf32, #tpu.memory_space<vmem>>, vector<1x16xf32>,
        %slice3A_1183 = vector.extract_strided_slice %get3A_1175 {offsets = [1], sizes = [1], strides = [1]} : vector<16xi32> to vector<1xi32>
        %squeeze3A_1184 = vector.extract %slice3A_1183[0] : i32 from vector<1xi32>
        %swap3A_1185 = arith.index_cast %squeeze3A_1184 : i32 to index
        %swap3A_1186 = arith.constant 0 : index
        %swap3A_1187 = tpu.vector_load %arg12[%swap3A_1185, %swap3A_1186] {strides = array<i32>} : memref<100x16xf32, #tpu.memory_space<vmem>>, vector<1x16xf32>,
        %swap3A_1188 = vector.shape_cast %swap3A_1187 : vector<1x16xf32> to vector<16xf32>
        %swap3A_1189 = vector.shape_cast %broadcast_in_dim3A_5 : vector<16xf32> to vector<1x16xf32>
        tpu.vector_store %arg12[%swap3A_1185, %swap3A_1186], %swap3A_1189 {add = true, strides = array<i32>} : memref<100x16xf32, #tpu.memory_space<vmem>>, vector<1x16xf32>,
        %slice3A_1190 = vector.extract_strided_slice %get3A_1175 {offsets = [2], sizes = [1], strides = [1]} : vector<16xi32> to vector<1xi32>
        %squeeze3A_1191 = vector.extract %slice3A_1190[0] : i32 from vector<1xi32>
        %swap3A_1192 = arith.index_cast %squeeze3A_1191 : i32 to index
        %swap3A_1193 = arith.constant 0 : index
        %swap3A_1194 = tpu.vector_load %arg12[%swap3A_1192, %swap3A_1193] {strides = array<i32>} : memref<100x16xf32, #tpu.memory_space<vmem>>, vector<1x16xf32>,
        %swap3A_1195 = vector.shape_cast %swap3A_1194 : vector<1x16xf32> to vector<16xf32>
        %swap3A_1196 = vector.shape_cast %broadcast_in_dim3A_5 : vector<16xf32> to vector<1x16xf32>
        tpu.vector_store %arg12[%swap3A_1192, %swap3A_1193], %swap3A_1196 {add = true, strides = array<i32>} : memref<100x16xf32, #tpu.memory_space<vmem>>, vector<1x16xf32>,
        %slice3A_1197 = vector.extract_strided_slice %get3A_1175 {offsets = [3], sizes = [1], strides = [1]} : vector<16xi32> to vector<1xi32>
        %squeeze3A_1198 = vector.extract %slice3A_1197[0] : i32 from vector<1xi32>
        %swap3A_1199 = arith.index_cast %squeeze3A_1198 : i32 to index
        %swap3A_1200 = arith.constant 0 : index
        %swap3A_1201 = tpu.vector_load %arg12[%swap3A_1199, %swap3A_1200] {strides = array<i32>} : memref<100x16xf32, #tpu.memory_space<vmem>>, vector<1x16xf32>,
        %swap3A_1202 = vector.shape_cast %swap3A_1201 : vector<1x16xf32> to vector<16xf32>
        %swap3A_1203 = vector.shape_cast %broadcast_in_dim3A_5 : vector<16xf32> to vector<1x16xf32>
        tpu.vector_store %arg12[%swap3A_1199, %swap3A_1200], %swap3A_1203 {add = true, strides = array<i32>} : memref<100x16xf32, #tpu.memory_space<vmem>>, vector<1x16xf32>,
        %slice3A_1204 = vector.extract_strided_slice %get3A_1175 {offsets = [4], sizes = [1], strides = [1]} : vector<16xi32> to vector<1xi32>
        %squeeze3A_1205 = vector.extract %slice3A_1204[0] : i32 from vector<1xi32>
        %swap3A_1206 = arith.index_cast %squeeze3A_1205 : i32 to index
        %swap3A_1207 = arith.constant 0 : index
        %swap3A_1208 = tpu.vector_load %arg12[%swap3A_1206, %swap3A_1207] {strides = array<i32>} : memref<100x16xf32, #tpu.memory_space<vmem>>, vector<1x16xf32>,
        %swap3A_1209 = vector.shape_cast %swap3A_1208 : vector<1x16xf32> to vector<16xf32>
        %swap3A_1210 = vector.shape_cast %broadcast_in_dim3A_5 : vector<16xf32> to vector<1x16xf32>
        tpu.vector_store %arg12[%swap3A_1206, %swap3A_1207], %swap3A_1210 {add = true, strides = array<i32>} : memref<100x16xf32, #tpu.memory_space<vmem>>, vector<1x16xf32>,
        %slice3A_1211 = vector.extract_strided_slice %get3A_1175 {offsets = [5], sizes = [1], strides = [1]} : vector<16xi32> to vector<1xi32>
        %squeeze3A_1212 = vector.extract %slice3A_1211[0] : i32 from vector<1xi32>
        %swap3A_1213 = arith.index_cast %squeeze3A_1212 : i32 to index
        %swap3A_1214 = arith.constant 0 : index
        %swap3A_1215 = tpu.vector_load %arg12[%swap3A_1213, %swap3A_1214] {strides = array<i32>} : memref<100x16xf32, #tpu.memory_space<vmem>>, vector<1x16xf32>,
        %swap3A_1216 = vector.shape_cast %swap3A_1215 : vector<1x16xf32> to vector<16xf32>
        %swap3A_1217 = vector.shape_cast %broadcast_in_dim3A_5 : vector<16xf32> to vector<1x16xf32>
        tpu.vector_store %arg12[%swap3A_1213, %swap3A_1214], %swap3A_1217 {add = true, strides = array<i32>} : memref<100x16xf32, #tpu.memory_space<vmem>>, vector<1x16xf32>,
        %slice3A_1218 = vector.extract_strided_slice %get3A_1175 {offsets = [6], sizes = [1], strides = [1]} : vector<16xi32> to vector<1xi32>
        %squeeze3A_1219 = vector.extract %slice3A_1218[0] : i32 from vector<1xi32>
        %swap3A_1220 = arith.index_cast %squeeze3A_1219 : i32 to index
        %swap3A_1221 = arith.constant 0 : index
        %swap3A_1222 = tpu.vector_load %arg12[%swap3A_1220, %swap3A_1221] {strides = array<i32>} : memref<100x16xf32, #tpu.memory_space<vmem>>, vector<1x16xf32>,
        %swap3A_1223 = vector.shape_cast %swap3A_1222 : vector<1x16xf32> to vector<16xf32>
        %swap3A_1224 = vector.shape_cast %broadcast_in_dim3A_5 : vector<16xf32> to vector<1x16xf32>
        tpu.vector_store %arg12[%swap3A_1220, %swap3A_1221], %swap3A_1224 {add = true, strides = array<i32>} : memref<100x16xf32, #tpu.memory_space<vmem>>, vector<1x16xf32>,
        %slice3A_1225 = vector.extract_strided_slice %get3A_1175 {offsets = [7], sizes = [1], strides = [1]} : vector<16xi32> to vector<1xi32>
        %squeeze3A_1226 = vector.extract %slice3A_1225[0] : i32 from vector<1xi32>
        %swap3A_1227 = arith.index_cast %squeeze3A_1226 : i32 to index
        %swap3A_1228 = arith.constant 0 : index
        %swap3A_1229 = tpu.vector_load %arg12[%swap3A_1227, %swap3A_1228] {strides = array<i32>} : memref<100x16xf32, #tpu.memory_space<vmem>>, vector<1x16xf32>,
        %swap3A_1230 = vector.shape_cast %swap3A_1229 : vector<1x16xf32> to vector<16xf32>
        %swap3A_1231 = vector.shape_cast %broadcast_in_dim3A_5 : vector<16xf32> to vector<1x16xf32>
        tpu.vector_store %arg12[%swap3A_1227, %swap3A_1228], %swap3A_1231 {add = true, strides = array<i32>} : memref<100x16xf32, #tpu.memory_space<vmem>>, vector<1x16xf32>,
        %slice3A_1232 = vector.extract_strided_slice %get3A_1175 {offsets = [8], sizes = [1], strides = [1]} : vector<16xi32> to vector<1xi32>
        %squeeze3A_1233 = vector.extract %slice3A_1232[0] : i32 from vector<1xi32>
        %swap3A_1234 = arith.index_cast %squeeze3A_1233 : i32 to index
        %swap3A_1235 = arith.constant 0 : index
        %swap3A_1236 = tpu.vector_load %arg12[%swap3A_1234, %swap3A_1235] {strides = array<i32>} : memref<100x16xf32, #tpu.memory_space<vmem>>, vector<1x16xf32>,
        %swap3A_1237 = vector.shape_cast %swap3A_1236 : vector<1x16xf32> to vector<16xf32>
        %swap3A_1238 = vector.shape_cast %broadcast_in_dim3A_5 : vector<16xf32> to vector<1x16xf32>
        tpu.vector_store %arg12[%swap3A_1234, %swap3A_1235], %swap3A_1238 {add = true, strides = array<i32>} : memref<100x16xf32, #tpu.memory_space<vmem>>, vector<1x16xf32>,
        %slice3A_1239 = vector.extract_strided_slice %get3A_1175 {offsets = [9], sizes = [1], strides = [1]} : vector<16xi32> to vector<1xi32>
        %squeeze3A_1240 = vector.extract %slice3A_1239[0] : i32 from vector<1xi32>
        %swap3A_1241 = arith.index_cast %squeeze3A_1240 : i32 to index
        %swap3A_1242 = arith.constant 0 : index
        %swap3A_1243 = tpu.vector_load %arg12[%swap3A_1241, %swap3A_1242] {strides = array<i32>} : memref<100x16xf32, #tpu.memory_space<vmem>>, vector<1x16xf32>,
        %swap3A_1244 = vector.shape_cast %swap3A_1243 : vector<1x16xf32> to vector<16xf32>
        %swap3A_1245 = vector.shape_cast %broadcast_in_dim3A_5 : vector<16xf32> to vector<1x16xf32>
        tpu.vector_store %arg12[%swap3A_1241, %swap3A_1242], %swap3A_1245 {add = true, strides = array<i32>} : memref<100x16xf32, #tpu.memory_space<vmem>>, vector<1x16xf32>,
        %slice3A_1246 = vector.extract_strided_slice %get3A_1175 {offsets = [10], sizes = [1], strides = [1]} : vector<16xi32> to vector<1xi32>
        %squeeze3A_1247 = vector.extract %slice3A_1246[0] : i32 from vector<1xi32>
        %swap3A_1248 = arith.index_cast %squeeze3A_1247 : i32 to index
        %swap3A_1249 = arith.constant 0 : index
        %swap3A_1250 = tpu.vector_load %arg12[%swap3A_1248, %swap3A_1249] {strides = array<i32>} : memref<100x16xf32, #tpu.memory_space<vmem>>, vector<1x16xf32>,
        %swap3A_1251 = vector.shape_cast %swap3A_1250 : vector<1x16xf32> to vector<16xf32>
        %swap3A_1252 = vector.shape_cast %broadcast_in_dim3A_5 : vector<16xf32> to vector<1x16xf32>
        tpu.vector_store %arg12[%swap3A_1248, %swap3A_1249], %swap3A_1252 {add = true, strides = array<i32>} : memref<100x16xf32, #tpu.memory_space<vmem>>, vector<1x16xf32>,
        %slice3A_1253 = vector.extract_strided_slice %get3A_1175 {offsets = [11], sizes = [1], strides = [1]} : vector<16xi32> to vector<1xi32>
        %squeeze3A_1254 = vector.extract %slice3A_1253[0] : i32 from vector<1xi32>
        %swap3A_1255 = arith.index_cast %squeeze3A_1254 : i32 to index
        %swap3A_1256 = arith.constant 0 : index
        %swap3A_1257 = tpu.vector_load %arg12[%swap3A_1255, %swap3A_1256] {strides = array<i32>} : memref<100x16xf32, #tpu.memory_space<vmem>>, vector<1x16xf32>,
        %swap3A_1258 = vector.shape_cast %swap3A_1257 : vector<1x16xf32> to vector<16xf32>
        %swap3A_1259 = vector.shape_cast %broadcast_in_dim3A_5 : vector<16xf32> to vector<1x16xf32>
        tpu.vector_store %arg12[%swap3A_1255, %swap3A_1256], %swap3A_1259 {add = true, strides = array<i32>} : memref<100x16xf32, #tpu.memory_space<vmem>>, vector<1x16xf32>,
        %slice3A_1260 = vector.extract_strided_slice %get3A_1175 {offsets = [12], sizes = [1], strides = [1]} : vector<16xi32> to vector<1xi32>
        %squeeze3A_1261 = vector.extract %slice3A_1260[0] : i32 from vector<1xi32>
        %swap3A_1262 = arith.index_cast %squeeze3A_1261 : i32 to index
        %swap3A_1263 = arith.constant 0 : index
        %swap3A_1264 = tpu.vector_load %arg12[%swap3A_1262, %swap3A_1263] {strides = array<i32>} : memref<100x16xf32, #tpu.memory_space<vmem>>, vector<1x16xf32>,
        %swap3A_1265 = vector.shape_cast %swap3A_1264 : vector<1x16xf32> to vector<16xf32>
        %swap3A_1266 = vector.shape_cast %broadcast_in_dim3A_5 : vector<16xf32> to vector<1x16xf32>
        tpu.vector_store %arg12[%swap3A_1262, %swap3A_1263], %swap3A_1266 {add = true, strides = array<i32>} : memref<100x16xf32, #tpu.memory_space<vmem>>, vector<1x16xf32>,
        %slice3A_1267 = vector.extract_strided_slice %get3A_1175 {offsets = [13], sizes = [1], strides = [1]} : vector<16xi32> to vector<1xi32>
        %squeeze3A_1268 = vector.extract %slice3A_1267[0] : i32 from vector<1xi32>
        %swap3A_1269 = arith.index_cast %squeeze3A_1268 : i32 to index
        %swap3A_1270 = arith.constant 0 : index
        %swap3A_1271 = tpu.vector_load %arg12[%swap3A_1269, %swap3A_1270] {strides = array<i32>} : memref<100x16xf32, #tpu.memory_space<vmem>>, vector<1x16xf32>,
        %swap3A_1272 = vector.shape_cast %swap3A_1271 : vector<1x16xf32> to vector<16xf32>
        %swap3A_1273 = vector.shape_cast %broadcast_in_dim3A_5 : vector<16xf32> to vector<1x16xf32>
        tpu.vector_store %arg12[%swap3A_1269, %swap3A_1270], %swap3A_1273 {add = true, strides = array<i32>} : memref<100x16xf32, #tpu.memory_space<vmem>>, vector<1x16xf32>,
        %slice3A_1274 = vector.extract_strided_slice %get3A_1175 {offsets = [14], sizes = [1], strides = [1]} : vector<16xi32> to vector<1xi32>
        %squeeze3A_1275 = vector.extract %slice3A_1274[0] : i32 from vector<1xi32>
        %swap3A_1276 = arith.index_cast %squeeze3A_1275 : i32 to index
        %swap3A_1277 = arith.constant 0 : index
        %swap3A_1278 = tpu.vector_load %arg12[%swap3A_1276, %swap3A_1277] {strides = array<i32>} : memref<100x16xf32, #tpu.memory_space<vmem>>, vector<1x16xf32>,
        %swap3A_1279 = vector.shape_cast %swap3A_1278 : vector<1x16xf32> to vector<16xf32>
        %swap3A_1280 = vector.shape_cast %broadcast_in_dim3A_5 : vector<16xf32> to vector<1x16xf32>
        tpu.vector_store %arg12[%swap3A_1276, %swap3A_1277], %swap3A_1280 {add = true, strides = array<i32>} : memref<100x16xf32, #tpu.memory_space<vmem>>, vector<1x16xf32>,
        %slice3A_1281 = vector.extract_strided_slice %get3A_1175 {offsets = [15], sizes = [1], strides = [1]} : vector<16xi32> to vector<1xi32>
        %squeeze3A_1282 = vector.extract %slice3A_1281[0] : i32 from vector<1xi32>
        %swap3A_1283 = arith.index_cast %squeeze3A_1282 : i32 to index
        %swap3A_1284 = arith.constant 0 : index
        %swap3A_1285 = tpu.vector_load %arg12[%swap3A_1283, %swap3A_1284] {strides = array<i32>} : memref<100x16xf32, #tpu.memory_space<vmem>>, vector<1x16xf32>,
        %swap3A_1286 = vector.shape_cast %swap3A_1285 : vector<1x16xf32> to vector<16xf32>
        %swap3A_1287 = vector.shape_cast %broadcast_in_dim3A_5 : vector<16xf32> to vector<1x16xf32>
        tpu.vector_store %arg12[%swap3A_1283, %swap3A_1284], %swap3A_1287 {add = true, strides = array<i32>} : memref<100x16xf32, #tpu.memory_space<vmem>>, vector<1x16xf32>,
      }
      %scan3A_430 = arith.constant 5 : i32
      %dma_wait3A_431 = arith.constant 0 : i32
      %dma_wait3A_432 = arith.constant 0 : i32
      %dma_wait3A_433 = arith.constant 0 : i32
      %dma_wait3A_434 = tpu.memref_slice %arg6[%dma_wait3A_432, %dma_wait3A_433] : memref<400x128xf32, #tpu.memory_space<vmem>> -> memref<80x128xf32, #tpu.memory_space<vmem>>
      %dma_wait3A_435 = arith.constant 0 : i32
      %dma_wait3A_436 = tpu.memref_slice %arg8[%dma_wait3A_431, %dma_wait3A_435] : memref<5x80xi32, #tpu.memory_space<vmem>> -> memref<1x80xi32, #tpu.memory_space<vmem>>
      %dma_wait3A_437 = tpu.memref_squeeze %dma_wait3A_436 : memref<1x80xi32, #tpu.memory_space<vmem>> -> memref<80xi32, #tpu.memory_space<vmem>>
      %dma_wait3A_438 = arith.constant 0 : i32
      %dma_wait3A_439 = arith.constant 0 : i32
      %dma_wait3A_440 = tpu.memref_slice %arg11[%dma_wait3A_438, %dma_wait3A_439] : memref<100x128xf32, #tpu.memory_space<vmem_shared>> -> memref<100x128xf32, #tpu.memory_space<vmem_shared>>
      tpu.wait_indirect_dma semaphore(%arg15 : memref<!tpu.dma_semaphore, #tpu.memory_space<semaphore_mem>>) src(%dma_wait3A_434 : memref<80x128xf32, #tpu.memory_space<vmem>>) dst(%dma_wait3A_440 : memref<100x128xf32, #tpu.memory_space<vmem_shared>>)
      %dma_wait3A_441 = arith.constant 1 : i32
      %dma_wait3A_442 = arith.constant 80 : i32
      %dma_wait3A_443 = arith.constant 0 : i32
      %dma_wait3A_444 = tpu.memref_slice %arg6[%dma_wait3A_442, %dma_wait3A_443] : memref<400x128xf32, #tpu.memory_space<vmem>> -> memref<80x128xf32, #tpu.memory_space<vmem>>
      %dma_wait3A_445 = arith.constant 0 : i32
      %dma_wait3A_446 = tpu.memref_slice %arg8[%dma_wait3A_441, %dma_wait3A_445] : memref<5x80xi32, #tpu.memory_space<vmem>> -> memref<1x80xi32, #tpu.memory_space<vmem>>
      %dma_wait3A_447 = tpu.memref_squeeze %dma_wait3A_446 : memref<1x80xi32, #tpu.memory_space<vmem>> -> memref<80xi32, #tpu.memory_space<vmem>>
      %dma_wait3A_448 = arith.constant 0 : i32
      %dma_wait3A_449 = arith.constant 0 : i32
      %dma_wait3A_450 = tpu.memref_slice %arg11[%dma_wait3A_448, %dma_wait3A_449] : memref<100x128xf32, #tpu.memory_space<vmem_shared>> -> memref<100x128xf32, #tpu.memory_space<vmem_shared>>
      tpu.wait_indirect_dma semaphore(%arg15 : memref<!tpu.dma_semaphore, #tpu.memory_space<semaphore_mem>>) src(%dma_wait3A_444 : memref<80x128xf32, #tpu.memory_space<vmem>>) dst(%dma_wait3A_450 : memref<100x128xf32, #tpu.memory_space<vmem_shared>>)
      %dma_wait3A_451 = arith.constant 2 : i32
      %dma_wait3A_452 = arith.constant 160 : i32
      %dma_wait3A_453 = arith.constant 0 : i32
      %dma_wait3A_454 = tpu.memref_slice %arg6[%dma_wait3A_452, %dma_wait3A_453] : memref<400x128xf32, #tpu.memory_space<vmem>> -> memref<80x128xf32, #tpu.memory_space<vmem>>
      %dma_wait3A_455 = arith.constant 0 : i32
      %dma_wait3A_456 = tpu.memref_slice %arg8[%dma_wait3A_451, %dma_wait3A_455] : memref<5x80xi32, #tpu.memory_space<vmem>> -> memref<1x80xi32, #tpu.memory_space<vmem>>
      %dma_wait3A_457 = tpu.memref_squeeze %dma_wait3A_456 : memref<1x80xi32, #tpu.memory_space<vmem>> -> memref<80xi32, #tpu.memory_space<vmem>>
      %dma_wait3A_458 = arith.constant 0 : i32
      %dma_wait3A_459 = arith.constant 0 : i32
      %dma_wait3A_460 = tpu.memref_slice %arg11[%dma_wait3A_458, %dma_wait3A_459] : memref<100x128xf32, #tpu.memory_space<vmem_shared>> -> memref<100x128xf32, #tpu.memory_space<vmem_shared>>
      tpu.wait_indirect_dma semaphore(%arg15 : memref<!tpu.dma_semaphore, #tpu.memory_space<semaphore_mem>>) src(%dma_wait3A_454 : memref<80x128xf32, #tpu.memory_space<vmem>>) dst(%dma_wait3A_460 : memref<100x128xf32, #tpu.memory_space<vmem_shared>>)
      %dma_wait3A_461 = arith.constant 3 : i32
      %dma_wait3A_462 = arith.constant 240 : i32
      %dma_wait3A_463 = arith.constant 0 : i32
      %dma_wait3A_464 = tpu.memref_slice %arg6[%dma_wait3A_462, %dma_wait3A_463] : memref<400x128xf32, #tpu.memory_space<vmem>> -> memref<80x128xf32, #tpu.memory_space<vmem>>
      %dma_wait3A_465 = arith.constant 0 : i32
      %dma_wait3A_466 = tpu.memref_slice %arg8[%dma_wait3A_461, %dma_wait3A_465] : memref<5x80xi32, #tpu.memory_space<vmem>> -> memref<1x80xi32, #tpu.memory_space<vmem>>
      %dma_wait3A_467 = tpu.memref_squeeze %dma_wait3A_466 : memref<1x80xi32, #tpu.memory_space<vmem>> -> memref<80xi32, #tpu.memory_space<vmem>>
      %dma_wait3A_468 = arith.constant 0 : i32
      %dma_wait3A_469 = arith.constant 0 : i32
      %dma_wait3A_470 = tpu.memref_slice %arg11[%dma_wait3A_468, %dma_wait3A_469] : memref<100x128xf32, #tpu.memory_space<vmem_shared>> -> memref<100x128xf32, #tpu.memory_space<vmem_shared>>
      tpu.wait_indirect_dma semaphore(%arg15 : memref<!tpu.dma_semaphore, #tpu.memory_space<semaphore_mem>>) src(%dma_wait3A_464 : memref<80x128xf32, #tpu.memory_space<vmem>>) dst(%dma_wait3A_470 : memref<100x128xf32, #tpu.memory_space<vmem_shared>>)
      %dma_wait3A_471 = arith.constant 4 : i32
      %dma_wait3A_472 = arith.constant 320 : i32
      %dma_wait3A_473 = arith.constant 0 : i32
      %dma_wait3A_474 = tpu.memref_slice %arg6[%dma_wait3A_472, %dma_wait3A_473] : memref<400x128xf32, #tpu.memory_space<vmem>> -> memref<80x128xf32, #tpu.memory_space<vmem>>
      %dma_wait3A_475 = arith.constant 0 : i32
      %dma_wait3A_476 = tpu.memref_slice %arg8[%dma_wait3A_471, %dma_wait3A_475] : memref<5x80xi32, #tpu.memory_space<vmem>> -> memref<1x80xi32, #tpu.memory_space<vmem>>
      %dma_wait3A_477 = tpu.memref_squeeze %dma_wait3A_476 : memref<1x80xi32, #tpu.memory_space<vmem>> -> memref<80xi32, #tpu.memory_space<vmem>>
      %dma_wait3A_478 = arith.constant 0 : i32
      %dma_wait3A_479 = arith.constant 0 : i32
      %dma_wait3A_480 = tpu.memref_slice %arg11[%dma_wait3A_478, %dma_wait3A_479] : memref<100x128xf32, #tpu.memory_space<vmem_shared>> -> memref<100x128xf32, #tpu.memory_space<vmem_shared>>
      tpu.wait_indirect_dma semaphore(%arg15 : memref<!tpu.dma_semaphore, #tpu.memory_space<semaphore_mem>>) src(%dma_wait3A_474 : memref<80x128xf32, #tpu.memory_space<vmem>>) dst(%dma_wait3A_480 : memref<100x128xf32, #tpu.memory_space<vmem_shared>>)
      %add3A_481 = arith.constant 2 : i32
      %add3A_482 = arith.addi %mul3A_250, %add3A_481 : i32
      %mul3A_483 = arith.constant 400 : i32
      %mul3A_484 = arith.muli %add3A_482, %mul3A_483 : i32
      %add3A_485 = arith.addi %mul3A_2, %mul3A_484 : i32
      %dma_start3A_486 = arith.constant 0 : i32
      %dma_start3A_487 = tpu.memref_slice %arg2[%add3A_485, %dma_start3A_486] : memref<320000x128xf32, #tpu.memory_space<hbm>> -> memref<400x128xf32, #tpu.memory_space<hbm>>
      %dma_start3A_488 = arith.constant 0 : i32
      %dma_start3A_489 = tpu.memref_slice %arg2[%add3A_485, %dma_start3A_488] : memref<320000x128xf32, #tpu.memory_space<hbm>> -> memref<400x128xf32, #tpu.memory_space<hbm>>
      tpu.enqueue_dma source(%dma_start3A_489 : memref<400x128xf32, #tpu.memory_space<hbm>>) target(%arg6 : memref<400x128xf32, #tpu.memory_space<vmem>>) target_semaphore(%arg13 : memref<!tpu.dma_semaphore, #tpu.memory_space<semaphore_mem>>)
      %add3A_490 = arith.constant 0 : i32
      %add3A_491 = arith.addi %add3A_485, %add3A_490 : i32
      %dma_start3A_492 = arith.constant 0 : i32
      %dma_start3A_493 = arith.constant 0 : i32
      %dma_start3A_494 = tpu.memref_slice %arg8[%dma_start3A_492, %dma_start3A_493] : memref<5x80xi32, #tpu.memory_space<vmem>> -> memref<1x80xi32, #tpu.memory_space<vmem>>
      %dma_start3A_495 = tpu.memref_squeeze %dma_start3A_494 : memref<1x80xi32, #tpu.memory_space<vmem>> -> memref<80xi32, #tpu.memory_space<vmem>>
      %dma_start3A_496 = tpu.memref_slice %arg3[%add3A_491] : memref<320000xi32, #tpu.memory_space<hbm>> -> memref<80xi32, #tpu.memory_space<hbm>>
      %dma_start3A_497 = arith.constant 0 : i32
      %dma_start3A_498 = tpu.memref_slice %arg8[%dma_start3A_492, %dma_start3A_497] : memref<5x80xi32, #tpu.memory_space<vmem>> -> memref<1x80xi32, #tpu.memory_space<vmem>>
      %dma_start3A_499 = tpu.memref_squeeze %dma_start3A_498 : memref<1x80xi32, #tpu.memory_space<vmem>> -> memref<80xi32, #tpu.memory_space<vmem>>
      %dma_start3A_500 = tpu.memref_slice %arg3[%add3A_491] : memref<320000xi32, #tpu.memory_space<hbm>> -> memref<80xi32, #tpu.memory_space<hbm>>
      tpu.enqueue_dma source(%dma_start3A_500 : memref<80xi32, #tpu.memory_space<hbm>>) target(%dma_start3A_499 : memref<80xi32, #tpu.memory_space<vmem>>) target_semaphore(%arg13 : memref<!tpu.dma_semaphore, #tpu.memory_space<semaphore_mem>>)
      %add3A_501 = arith.constant 80 : i32
      %add3A_502 = arith.addi %add3A_485, %add3A_501 : i32
      %dma_start3A_503 = arith.constant 1 : i32
      %dma_start3A_504 = arith.constant 0 : i32
      %dma_start3A_505 = tpu.memref_slice %arg8[%dma_start3A_503, %dma_start3A_504] : memref<5x80xi32, #tpu.memory_space<vmem>> -> memref<1x80xi32, #tpu.memory_space<vmem>>
      %dma_start3A_506 = tpu.memref_squeeze %dma_start3A_505 : memref<1x80xi32, #tpu.memory_space<vmem>> -> memref<80xi32, #tpu.memory_space<vmem>>
      %dma_start3A_507 = tpu.memref_slice %arg3[%add3A_502] : memref<320000xi32, #tpu.memory_space<hbm>> -> memref<80xi32, #tpu.memory_space<hbm>>
      %dma_start3A_508 = arith.constant 0 : i32
      %dma_start3A_509 = tpu.memref_slice %arg8[%dma_start3A_503, %dma_start3A_508] : memref<5x80xi32, #tpu.memory_space<vmem>> -> memref<1x80xi32, #tpu.memory_space<vmem>>
      %dma_start3A_510 = tpu.memref_squeeze %dma_start3A_509 : memref<1x80xi32, #tpu.memory_space<vmem>> -> memref<80xi32, #tpu.memory_space<vmem>>
      %dma_start3A_511 = tpu.memref_slice %arg3[%add3A_502] : memref<320000xi32, #tpu.memory_space<hbm>> -> memref<80xi32, #tpu.memory_space<hbm>>
      tpu.enqueue_dma source(%dma_start3A_511 : memref<80xi32, #tpu.memory_space<hbm>>) target(%dma_start3A_510 : memref<80xi32, #tpu.memory_space<vmem>>) target_semaphore(%arg13 : memref<!tpu.dma_semaphore, #tpu.memory_space<semaphore_mem>>)
      %add3A_512 = arith.constant 160 : i32
      %add3A_513 = arith.addi %add3A_485, %add3A_512 : i32
      %dma_start3A_514 = arith.constant 2 : i32
      %dma_start3A_515 = arith.constant 0 : i32
      %dma_start3A_516 = tpu.memref_slice %arg8[%dma_start3A_514, %dma_start3A_515] : memref<5x80xi32, #tpu.memory_space<vmem>> -> memref<1x80xi32, #tpu.memory_space<vmem>>
      %dma_start3A_517 = tpu.memref_squeeze %dma_start3A_516 : memref<1x80xi32, #tpu.memory_space<vmem>> -> memref<80xi32, #tpu.memory_space<vmem>>
      %dma_start3A_518 = tpu.memref_slice %arg3[%add3A_513] : memref<320000xi32, #tpu.memory_space<hbm>> -> memref<80xi32, #tpu.memory_space<hbm>>
      %dma_start3A_519 = arith.constant 0 : i32
      %dma_start3A_520 = tpu.memref_slice %arg8[%dma_start3A_514, %dma_start3A_519] : memref<5x80xi32, #tpu.memory_space<vmem>> -> memref<1x80xi32, #tpu.memory_space<vmem>>
      %dma_start3A_521 = tpu.memref_squeeze %dma_start3A_520 : memref<1x80xi32, #tpu.memory_space<vmem>> -> memref<80xi32, #tpu.memory_space<vmem>>
      %dma_start3A_522 = tpu.memref_slice %arg3[%add3A_513] : memref<320000xi32, #tpu.memory_space<hbm>> -> memref<80xi32, #tpu.memory_space<hbm>>
      tpu.enqueue_dma source(%dma_start3A_522 : memref<80xi32, #tpu.memory_space<hbm>>) target(%dma_start3A_521 : memref<80xi32, #tpu.memory_space<vmem>>) target_semaphore(%arg13 : memref<!tpu.dma_semaphore, #tpu.memory_space<semaphore_mem>>)
      %add3A_523 = arith.constant 240 : i32
      %add3A_524 = arith.addi %add3A_485, %add3A_523 : i32
      %dma_start3A_525 = arith.constant 3 : i32
      %dma_start3A_526 = arith.constant 0 : i32
      %dma_start3A_527 = tpu.memref_slice %arg8[%dma_start3A_525, %dma_start3A_526] : memref<5x80xi32, #tpu.memory_space<vmem>> -> memref<1x80xi32, #tpu.memory_space<vmem>>
      %dma_start3A_528 = tpu.memref_squeeze %dma_start3A_527 : memref<1x80xi32, #tpu.memory_space<vmem>> -> memref<80xi32, #tpu.memory_space<vmem>>
      %dma_start3A_529 = tpu.memref_slice %arg3[%add3A_524] : memref<320000xi32, #tpu.memory_space<hbm>> -> memref<80xi32, #tpu.memory_space<hbm>>
      %dma_start3A_530 = arith.constant 0 : i32
      %dma_start3A_531 = tpu.memref_slice %arg8[%dma_start3A_525, %dma_start3A_530] : memref<5x80xi32, #tpu.memory_space<vmem>> -> memref<1x80xi32, #tpu.memory_space<vmem>>
      %dma_start3A_532 = tpu.memref_squeeze %dma_start3A_531 : memref<1x80xi32, #tpu.memory_space<vmem>> -> memref<80xi32, #tpu.memory_space<vmem>>
      %dma_start3A_533 = tpu.memref_slice %arg3[%add3A_524] : memref<320000xi32, #tpu.memory_space<hbm>> -> memref<80xi32, #tpu.memory_space<hbm>>
      tpu.enqueue_dma source(%dma_start3A_533 : memref<80xi32, #tpu.memory_space<hbm>>) target(%dma_start3A_532 : memref<80xi32, #tpu.memory_space<vmem>>) target_semaphore(%arg13 : memref<!tpu.dma_semaphore, #tpu.memory_space<semaphore_mem>>)
      %add3A_534 = arith.constant 320 : i32
      %add3A_535 = arith.addi %add3A_485, %add3A_534 : i32
      %dma_start3A_536 = arith.constant 4 : i32
      %dma_start3A_537 = arith.constant 0 : i32
      %dma_start3A_538 = tpu.memref_slice %arg8[%dma_start3A_536, %dma_start3A_537] : memref<5x80xi32, #tpu.memory_space<vmem>> -> memref<1x80xi32, #tpu.memory_space<vmem>>
      %dma_start3A_539 = tpu.memref_squeeze %dma_start3A_538 : memref<1x80xi32, #tpu.memory_space<vmem>> -> memref<80xi32, #tpu.memory_space<vmem>>
      %dma_start3A_540 = tpu.memref_slice %arg3[%add3A_535] : memref<320000xi32, #tpu.memory_space<hbm>> -> memref<80xi32, #tpu.memory_space<hbm>>
      %dma_start3A_541 = arith.constant 0 : i32
      %dma_start3A_542 = tpu.memref_slice %arg8[%dma_start3A_536, %dma_start3A_541] : memref<5x80xi32, #tpu.memory_space<vmem>> -> memref<1x80xi32, #tpu.memory_space<vmem>>
      %dma_start3A_543 = tpu.memref_squeeze %dma_start3A_542 : memref<1x80xi32, #tpu.memory_space<vmem>> -> memref<80xi32, #tpu.memory_space<vmem>>
      %dma_start3A_544 = tpu.memref_slice %arg3[%add3A_535] : memref<320000xi32, #tpu.memory_space<hbm>> -> memref<80xi32, #tpu.memory_space<hbm>>
      tpu.enqueue_dma source(%dma_start3A_544 : memref<80xi32, #tpu.memory_space<hbm>>) target(%dma_start3A_543 : memref<80xi32, #tpu.memory_space<vmem>>) target_semaphore(%arg13 : memref<!tpu.dma_semaphore, #tpu.memory_space<semaphore_mem>>)
      %dma_wait3A_545 = arith.constant 0 : i32
      %dma_wait3A_546 = arith.constant 0 : i32
      %dma_wait3A_547 = tpu.memref_slice %arg2[%dma_wait3A_545, %dma_wait3A_546] : memref<320000x128xf32, #tpu.memory_space<hbm>> -> memref<400x128xf32, #tpu.memory_space<hbm>>
      %dma_wait3A_548 = arith.constant 0 : i32
      %dma_wait3A_549 = arith.constant 0 : i32
      %dma_wait3A_550 = tpu.memref_slice %arg2[%dma_wait3A_548, %dma_wait3A_549] : memref<320000x128xf32, #tpu.memory_space<hbm>> -> memref<400x128xf32, #tpu.memory_space<hbm>>
      tpu.wait_dma2 semaphore(%arg14 : memref<!tpu.dma_semaphore, #tpu.memory_space<semaphore_mem>>) src(%dma_wait3A_550 : memref<400x128xf32, #tpu.memory_space<hbm>>) dst(%arg7 : memref<400x128xf32, #tpu.memory_space<vmem>>)
      %dma_wait3A_551 = arith.constant 0 : i32
      %dma_wait3A_552 = arith.constant 0 : i32
      %dma_wait3A_553 = tpu.memref_slice %arg9[%dma_wait3A_551, %dma_wait3A_552] : memref<5x80xi32, #tpu.memory_space<vmem>> -> memref<1x80xi32, #tpu.memory_space<vmem>>
      %dma_wait3A_554 = tpu.memref_squeeze %dma_wait3A_553 : memref<1x80xi32, #tpu.memory_space<vmem>> -> memref<80xi32, #tpu.memory_space<vmem>>
      %dma_wait3A_555 = arith.constant 0 : i32
      %dma_wait3A_556 = tpu.memref_slice %arg3[%dma_wait3A_555] : memref<320000xi32, #tpu.memory_space<hbm>> -> memref<80xi32, #tpu.memory_space<hbm>>
      %dma_wait3A_557 = arith.constant 0 : i32
      %dma_wait3A_558 = tpu.memref_slice %arg9[%dma_wait3A_551, %dma_wait3A_557] : memref<5x80xi32, #tpu.memory_space<vmem>> -> memref<1x80xi32, #tpu.memory_space<vmem>>
      %dma_wait3A_559 = tpu.memref_squeeze %dma_wait3A_558 : memref<1x80xi32, #tpu.memory_space<vmem>> -> memref<80xi32, #tpu.memory_space<vmem>>
      %dma_wait3A_560 = arith.constant 0 : i32
      %dma_wait3A_561 = tpu.memref_slice %arg3[%dma_wait3A_560] : memref<320000xi32, #tpu.memory_space<hbm>> -> memref<80xi32, #tpu.memory_space<hbm>>
      tpu.wait_dma2 semaphore(%arg14 : memref<!tpu.dma_semaphore, #tpu.memory_space<semaphore_mem>>) src(%dma_wait3A_561 : memref<80xi32, #tpu.memory_space<hbm>>) dst(%dma_wait3A_559 : memref<80xi32, #tpu.memory_space<vmem>>)
      %dma_wait3A_562 = arith.constant 1 : i32
      %dma_wait3A_563 = arith.constant 0 : i32
      %dma_wait3A_564 = tpu.memref_slice %arg9[%dma_wait3A_562, %dma_wait3A_563] : memref<5x80xi32, #tpu.memory_space<vmem>> -> memref<1x80xi32, #tpu.memory_space<vmem>>
      %dma_wait3A_565 = tpu.memref_squeeze %dma_wait3A_564 : memref<1x80xi32, #tpu.memory_space<vmem>> -> memref<80xi32, #tpu.memory_space<vmem>>
      %dma_wait3A_566 = arith.constant 0 : i32
      %dma_wait3A_567 = tpu.memref_slice %arg3[%dma_wait3A_566] : memref<320000xi32, #tpu.memory_space<hbm>> -> memref<80xi32, #tpu.memory_space<hbm>>
      %dma_wait3A_568 = arith.constant 0 : i32
      %dma_wait3A_569 = tpu.memref_slice %arg9[%dma_wait3A_562, %dma_wait3A_568] : memref<5x80xi32, #tpu.memory_space<vmem>> -> memref<1x80xi32, #tpu.memory_space<vmem>>
      %dma_wait3A_570 = tpu.memref_squeeze %dma_wait3A_569 : memref<1x80xi32, #tpu.memory_space<vmem>> -> memref<80xi32, #tpu.memory_space<vmem>>
      %dma_wait3A_571 = arith.constant 0 : i32
      %dma_wait3A_572 = tpu.memref_slice %arg3[%dma_wait3A_571] : memref<320000xi32, #tpu.memory_space<hbm>> -> memref<80xi32, #tpu.memory_space<hbm>>
      tpu.wait_dma2 semaphore(%arg14 : memref<!tpu.dma_semaphore, #tpu.memory_space<semaphore_mem>>) src(%dma_wait3A_572 : memref<80xi32, #tpu.memory_space<hbm>>) dst(%dma_wait3A_570 : memref<80xi32, #tpu.memory_space<vmem>>)
      %dma_wait3A_573 = arith.constant 2 : i32
      %dma_wait3A_574 = arith.constant 0 : i32
      %dma_wait3A_575 = tpu.memref_slice %arg9[%dma_wait3A_573, %dma_wait3A_574] : memref<5x80xi32, #tpu.memory_space<vmem>> -> memref<1x80xi32, #tpu.memory_space<vmem>>
      %dma_wait3A_576 = tpu.memref_squeeze %dma_wait3A_575 : memref<1x80xi32, #tpu.memory_space<vmem>> -> memref<80xi32, #tpu.memory_space<vmem>>
      %dma_wait3A_577 = arith.constant 0 : i32
      %dma_wait3A_578 = tpu.memref_slice %arg3[%dma_wait3A_577] : memref<320000xi32, #tpu.memory_space<hbm>> -> memref<80xi32, #tpu.memory_space<hbm>>
      %dma_wait3A_579 = arith.constant 0 : i32
      %dma_wait3A_580 = tpu.memref_slice %arg9[%dma_wait3A_573, %dma_wait3A_579] : memref<5x80xi32, #tpu.memory_space<vmem>> -> memref<1x80xi32, #tpu.memory_space<vmem>>
      %dma_wait3A_581 = tpu.memref_squeeze %dma_wait3A_580 : memref<1x80xi32, #tpu.memory_space<vmem>> -> memref<80xi32, #tpu.memory_space<vmem>>
      %dma_wait3A_582 = arith.constant 0 : i32
      %dma_wait3A_583 = tpu.memref_slice %arg3[%dma_wait3A_582] : memref<320000xi32, #tpu.memory_space<hbm>> -> memref<80xi32, #tpu.memory_space<hbm>>
      tpu.wait_dma2 semaphore(%arg14 : memref<!tpu.dma_semaphore, #tpu.memory_space<semaphore_mem>>) src(%dma_wait3A_583 : memref<80xi32, #tpu.memory_space<hbm>>) dst(%dma_wait3A_581 : memref<80xi32, #tpu.memory_space<vmem>>)
      %dma_wait3A_584 = arith.constant 3 : i32
      %dma_wait3A_585 = arith.constant 0 : i32
      %dma_wait3A_586 = tpu.memref_slice %arg9[%dma_wait3A_584, %dma_wait3A_585] : memref<5x80xi32, #tpu.memory_space<vmem>> -> memref<1x80xi32, #tpu.memory_space<vmem>>
      %dma_wait3A_587 = tpu.memref_squeeze %dma_wait3A_586 : memref<1x80xi32, #tpu.memory_space<vmem>> -> memref<80xi32, #tpu.memory_space<vmem>>
      %dma_wait3A_588 = arith.constant 0 : i32
      %dma_wait3A_589 = tpu.memref_slice %arg3[%dma_wait3A_588] : memref<320000xi32, #tpu.memory_space<hbm>> -> memref<80xi32, #tpu.memory_space<hbm>>
      %dma_wait3A_590 = arith.constant 0 : i32
      %dma_wait3A_591 = tpu.memref_slice %arg9[%dma_wait3A_584, %dma_wait3A_590] : memref<5x80xi32, #tpu.memory_space<vmem>> -> memref<1x80xi32, #tpu.memory_space<vmem>>
      %dma_wait3A_592 = tpu.memref_squeeze %dma_wait3A_591 : memref<1x80xi32, #tpu.memory_space<vmem>> -> memref<80xi32, #tpu.memory_space<vmem>>
      %dma_wait3A_593 = arith.constant 0 : i32
      %dma_wait3A_594 = tpu.memref_slice %arg3[%dma_wait3A_593] : memref<320000xi32, #tpu.memory_space<hbm>> -> memref<80xi32, #tpu.memory_space<hbm>>
      tpu.wait_dma2 semaphore(%arg14 : memref<!tpu.dma_semaphore, #tpu.memory_space<semaphore_mem>>) src(%dma_wait3A_594 : memref<80xi32, #tpu.memory_space<hbm>>) dst(%dma_wait3A_592 : memref<80xi32, #tpu.memory_space<vmem>>)
      %dma_wait3A_595 = arith.constant 4 : i32
      %dma_wait3A_596 = arith.constant 0 : i32
      %dma_wait3A_597 = tpu.memref_slice %arg9[%dma_wait3A_595, %dma_wait3A_596] : memref<5x80xi32, #tpu.memory_space<vmem>> -> memref<1x80xi32, #tpu.memory_space<vmem>>
      %dma_wait3A_598 = tpu.memref_squeeze %dma_wait3A_597 : memref<1x80xi32, #tpu.memory_space<vmem>> -> memref<80xi32, #tpu.memory_space<vmem>>
      %dma_wait3A_599 = arith.constant 0 : i32
      %dma_wait3A_600 = tpu.memref_slice %arg3[%dma_wait3A_599] : memref<320000xi32, #tpu.memory_space<hbm>> -> memref<80xi32, #tpu.memory_space<hbm>>
      %dma_wait3A_601 = arith.constant 0 : i32
      %dma_wait3A_602 = tpu.memref_slice %arg9[%dma_wait3A_595, %dma_wait3A_601] : memref<5x80xi32, #tpu.memory_space<vmem>> -> memref<1x80xi32, #tpu.memory_space<vmem>>
      %dma_wait3A_603 = tpu.memref_squeeze %dma_wait3A_602 : memref<1x80xi32, #tpu.memory_space<vmem>> -> memref<80xi32, #tpu.memory_space<vmem>>
      %dma_wait3A_604 = arith.constant 0 : i32
      %dma_wait3A_605 = tpu.memref_slice %arg3[%dma_wait3A_604] : memref<320000xi32, #tpu.memory_space<hbm>> -> memref<80xi32, #tpu.memory_space<hbm>>
      tpu.wait_dma2 semaphore(%arg14 : memref<!tpu.dma_semaphore, #tpu.memory_space<semaphore_mem>>) src(%dma_wait3A_605 : memref<80xi32, #tpu.memory_space<hbm>>) dst(%dma_wait3A_603 : memref<80xi32, #tpu.memory_space<vmem>>)
      %dma_start3A_606 = arith.constant 0 : i32
      %dma_start3A_607 = arith.constant 0 : i32
      %dma_start3A_608 = arith.constant 0 : i32
      %dma_start3A_609 = tpu.memref_slice %arg7[%dma_start3A_607, %dma_start3A_608] : memref<400x128xf32, #tpu.memory_space<vmem>> -> memref<80x128xf32, #tpu.memory_space<vmem>>
      %dma_start3A_610 = arith.constant 0 : i32
      %dma_start3A_611 = tpu.memref_slice %arg9[%dma_start3A_606, %dma_start3A_610] : memref<5x80xi32, #tpu.memory_space<vmem>> -> memref<1x80xi32, #tpu.memory_space<vmem>>
      %dma_start3A_612 = tpu.memref_squeeze %dma_start3A_611 : memref<1x80xi32, #tpu.memory_space<vmem>> -> memref<80xi32, #tpu.memory_space<vmem>>
      %dma_start3A_613 = arith.constant 0 : i32
      %dma_start3A_614 = arith.constant 0 : i32
      %dma_start3A_615 = tpu.memref_slice %arg11[%dma_start3A_613, %dma_start3A_614] : memref<100x128xf32, #tpu.memory_space<vmem_shared>> -> memref<100x128xf32, #tpu.memory_space<vmem_shared>>
      tpu.enqueue_indirect_dma source(%dma_start3A_609 : memref<80x128xf32, #tpu.memory_space<vmem>>) target(%dma_start3A_615 : memref<100x128xf32, #tpu.memory_space<vmem_shared>>) offsets(%dma_start3A_612 : memref<80xi32, #tpu.memory_space<vmem>>) semaphore(%arg15 : memref<!tpu.dma_semaphore, #tpu.memory_space<semaphore_mem>>) {add = true}
      %dma_start3A_616 = arith.constant 1 : i32
      %dma_start3A_617 = arith.constant 80 : i32
      %dma_start3A_618 = arith.constant 0 : i32
      %dma_start3A_619 = tpu.memref_slice %arg7[%dma_start3A_617, %dma_start3A_618] : memref<400x128xf32, #tpu.memory_space<vmem>> -> memref<80x128xf32, #tpu.memory_space<vmem>>
      %dma_start3A_620 = arith.constant 0 : i32
      %dma_start3A_621 = tpu.memref_slice %arg9[%dma_start3A_616, %dma_start3A_620] : memref<5x80xi32, #tpu.memory_space<vmem>> -> memref<1x80xi32, #tpu.memory_space<vmem>>
      %dma_start3A_622 = tpu.memref_squeeze %dma_start3A_621 : memref<1x80xi32, #tpu.memory_space<vmem>> -> memref<80xi32, #tpu.memory_space<vmem>>
      %dma_start3A_623 = arith.constant 0 : i32
      %dma_start3A_624 = arith.constant 0 : i32
      %dma_start3A_625 = tpu.memref_slice %arg11[%dma_start3A_623, %dma_start3A_624] : memref<100x128xf32, #tpu.memory_space<vmem_shared>> -> memref<100x128xf32, #tpu.memory_space<vmem_shared>>
      tpu.enqueue_indirect_dma source(%dma_start3A_619 : memref<80x128xf32, #tpu.memory_space<vmem>>) target(%dma_start3A_625 : memref<100x128xf32, #tpu.memory_space<vmem_shared>>) offsets(%dma_start3A_622 : memref<80xi32, #tpu.memory_space<vmem>>) semaphore(%arg15 : memref<!tpu.dma_semaphore, #tpu.memory_space<semaphore_mem>>) {add = true}
      %dma_start3A_626 = arith.constant 2 : i32
      %dma_start3A_627 = arith.constant 160 : i32
      %dma_start3A_628 = arith.constant 0 : i32
      %dma_start3A_629 = tpu.memref_slice %arg7[%dma_start3A_627, %dma_start3A_628] : memref<400x128xf32, #tpu.memory_space<vmem>> -> memref<80x128xf32, #tpu.memory_space<vmem>>
      %dma_start3A_630 = arith.constant 0 : i32
      %dma_start3A_631 = tpu.memref_slice %arg9[%dma_start3A_626, %dma_start3A_630] : memref<5x80xi32, #tpu.memory_space<vmem>> -> memref<1x80xi32, #tpu.memory_space<vmem>>
      %dma_start3A_632 = tpu.memref_squeeze %dma_start3A_631 : memref<1x80xi32, #tpu.memory_space<vmem>> -> memref<80xi32, #tpu.memory_space<vmem>>
      %dma_start3A_633 = arith.constant 0 : i32
      %dma_start3A_634 = arith.constant 0 : i32
      %dma_start3A_635 = tpu.memref_slice %arg11[%dma_start3A_633, %dma_start3A_634] : memref<100x128xf32, #tpu.memory_space<vmem_shared>> -> memref<100x128xf32, #tpu.memory_space<vmem_shared>>
      tpu.enqueue_indirect_dma source(%dma_start3A_629 : memref<80x128xf32, #tpu.memory_space<vmem>>) target(%dma_start3A_635 : memref<100x128xf32, #tpu.memory_space<vmem_shared>>) offsets(%dma_start3A_632 : memref<80xi32, #tpu.memory_space<vmem>>) semaphore(%arg15 : memref<!tpu.dma_semaphore, #tpu.memory_space<semaphore_mem>>) {add = true}
      %dma_start3A_636 = arith.constant 3 : i32
      %dma_start3A_637 = arith.constant 240 : i32
      %dma_start3A_638 = arith.constant 0 : i32
      %dma_start3A_639 = tpu.memref_slice %arg7[%dma_start3A_637, %dma_start3A_638] : memref<400x128xf32, #tpu.memory_space<vmem>> -> memref<80x128xf32, #tpu.memory_space<vmem>>
      %dma_start3A_640 = arith.constant 0 : i32
      %dma_start3A_641 = tpu.memref_slice %arg9[%dma_start3A_636, %dma_start3A_640] : memref<5x80xi32, #tpu.memory_space<vmem>> -> memref<1x80xi32, #tpu.memory_space<vmem>>
      %dma_start3A_642 = tpu.memref_squeeze %dma_start3A_641 : memref<1x80xi32, #tpu.memory_space<vmem>> -> memref<80xi32, #tpu.memory_space<vmem>>
      %dma_start3A_643 = arith.constant 0 : i32
      %dma_start3A_644 = arith.constant 0 : i32
      %dma_start3A_645 = tpu.memref_slice %arg11[%dma_start3A_643, %dma_start3A_644] : memref<100x128xf32, #tpu.memory_space<vmem_shared>> -> memref<100x128xf32, #tpu.memory_space<vmem_shared>>
      tpu.enqueue_indirect_dma source(%dma_start3A_639 : memref<80x128xf32, #tpu.memory_space<vmem>>) target(%dma_start3A_645 : memref<100x128xf32, #tpu.memory_space<vmem_shared>>) offsets(%dma_start3A_642 : memref<80xi32, #tpu.memory_space<vmem>>) semaphore(%arg15 : memref<!tpu.dma_semaphore, #tpu.memory_space<semaphore_mem>>) {add = true}
      %dma_start3A_646 = arith.constant 4 : i32
      %dma_start3A_647 = arith.constant 320 : i32
      %dma_start3A_648 = arith.constant 0 : i32
      %dma_start3A_649 = tpu.memref_slice %arg7[%dma_start3A_647, %dma_start3A_648] : memref<400x128xf32, #tpu.memory_space<vmem>> -> memref<80x128xf32, #tpu.memory_space<vmem>>
      %dma_start3A_650 = arith.constant 0 : i32
      %dma_start3A_651 = tpu.memref_slice %arg9[%dma_start3A_646, %dma_start3A_650] : memref<5x80xi32, #tpu.memory_space<vmem>> -> memref<1x80xi32, #tpu.memory_space<vmem>>
      %dma_start3A_652 = tpu.memref_squeeze %dma_start3A_651 : memref<1x80xi32, #tpu.memory_space<vmem>> -> memref<80xi32, #tpu.memory_space<vmem>>
      %dma_start3A_653 = arith.constant 0 : i32
      %dma_start3A_654 = arith.constant 0 : i32
      %dma_start3A_655 = tpu.memref_slice %arg11[%dma_start3A_653, %dma_start3A_654] : memref<100x128xf32, #tpu.memory_space<vmem_shared>> -> memref<100x128xf32, #tpu.memory_space<vmem_shared>>
      tpu.enqueue_indirect_dma source(%dma_start3A_649 : memref<80x128xf32, #tpu.memory_space<vmem>>) target(%dma_start3A_655 : memref<100x128xf32, #tpu.memory_space<vmem_shared>>) offsets(%dma_start3A_652 : memref<80xi32, #tpu.memory_space<vmem>>) semaphore(%arg15 : memref<!tpu.dma_semaphore, #tpu.memory_space<semaphore_mem>>) {add = true}
      %scan3A_656 = arith.constant 0 : i32
      %scan3A_657 = arith.constant 5 : i32
      %scan3A_658 = arith.addi %scan3A_656, %scan3A_657 : i32
      %scan3A_659 = arith.constant 1 : i32
      scf.for %scan3A_711 = %scan3A_656 to %scan3A_658 step %scan3A_659  : i32 {
        %get3A = arith.index_cast %scan3A_711 : i32 to index
        %get3A_712 = arith.constant 0 : index
        %get3A_713 = tpu.vector_load %arg9[%get3A, %get3A_712] {strides = array<i32>} : memref<5x80xi32, #tpu.memory_space<vmem>>, vector<1x16xi32>,
        %get3A_714 = vector.shape_cast %get3A_713 : vector<1x16xi32> to vector<16xi32>
        %slice3A = vector.extract_strided_slice %get3A_714 {offsets = [0], sizes = [1], strides = [1]} : vector<16xi32> to vector<1xi32>
        %squeeze3A = vector.extract %slice3A[0] : i32 from vector<1xi32>
        %swap3A = arith.index_cast %squeeze3A : i32 to index
        %swap3A_715 = arith.constant 0 : index
        %swap3A_716 = tpu.vector_load %arg12[%swap3A, %swap3A_715] {strides = array<i32>} : memref<100x16xf32, #tpu.memory_space<vmem>>, vector<1x16xf32>,
        %swap3A_717 = vector.shape_cast %swap3A_716 : vector<1x16xf32> to vector<16xf32>
        %swap3A_718 = vector.shape_cast %broadcast_in_dim3A_5 : vector<16xf32> to vector<1x16xf32>
        tpu.vector_store %arg12[%swap3A, %swap3A_715], %swap3A_718 {add = true, strides = array<i32>} : memref<100x16xf32, #tpu.memory_space<vmem>>, vector<1x16xf32>,
        %slice3A_719 = vector.extract_strided_slice %get3A_714 {offsets = [1], sizes = [1], strides = [1]} : vector<16xi32> to vector<1xi32>
        %squeeze3A_720 = vector.extract %slice3A_719[0] : i32 from vector<1xi32>
        %swap3A_721 = arith.index_cast %squeeze3A_720 : i32 to index
        %swap3A_722 = arith.constant 0 : index
        %swap3A_723 = tpu.vector_load %arg12[%swap3A_721, %swap3A_722] {strides = array<i32>} : memref<100x16xf32, #tpu.memory_space<vmem>>, vector<1x16xf32>,
        %swap3A_724 = vector.shape_cast %swap3A_723 : vector<1x16xf32> to vector<16xf32>
        %swap3A_725 = vector.shape_cast %broadcast_in_dim3A_5 : vector<16xf32> to vector<1x16xf32>
        tpu.vector_store %arg12[%swap3A_721, %swap3A_722], %swap3A_725 {add = true, strides = array<i32>} : memref<100x16xf32, #tpu.memory_space<vmem>>, vector<1x16xf32>,
        %slice3A_726 = vector.extract_strided_slice %get3A_714 {offsets = [2], sizes = [1], strides = [1]} : vector<16xi32> to vector<1xi32>
        %squeeze3A_727 = vector.extract %slice3A_726[0] : i32 from vector<1xi32>
        %swap3A_728 = arith.index_cast %squeeze3A_727 : i32 to index
        %swap3A_729 = arith.constant 0 : index
        %swap3A_730 = tpu.vector_load %arg12[%swap3A_728, %swap3A_729] {strides = array<i32>} : memref<100x16xf32, #tpu.memory_space<vmem>>, vector<1x16xf32>,
        %swap3A_731 = vector.shape_cast %swap3A_730 : vector<1x16xf32> to vector<16xf32>
        %swap3A_732 = vector.shape_cast %broadcast_in_dim3A_5 : vector<16xf32> to vector<1x16xf32>
        tpu.vector_store %arg12[%swap3A_728, %swap3A_729], %swap3A_732 {add = true, strides = array<i32>} : memref<100x16xf32, #tpu.memory_space<vmem>>, vector<1x16xf32>,
        %slice3A_733 = vector.extract_strided_slice %get3A_714 {offsets = [3], sizes = [1], strides = [1]} : vector<16xi32> to vector<1xi32>
        %squeeze3A_734 = vector.extract %slice3A_733[0] : i32 from vector<1xi32>
        %swap3A_735 = arith.index_cast %squeeze3A_734 : i32 to index
        %swap3A_736 = arith.constant 0 : index
        %swap3A_737 = tpu.vector_load %arg12[%swap3A_735, %swap3A_736] {strides = array<i32>} : memref<100x16xf32, #tpu.memory_space<vmem>>, vector<1x16xf32>,
        %swap3A_738 = vector.shape_cast %swap3A_737 : vector<1x16xf32> to vector<16xf32>
        %swap3A_739 = vector.shape_cast %broadcast_in_dim3A_5 : vector<16xf32> to vector<1x16xf32>
        tpu.vector_store %arg12[%swap3A_735, %swap3A_736], %swap3A_739 {add = true, strides = array<i32>} : memref<100x16xf32, #tpu.memory_space<vmem>>, vector<1x16xf32>,
        %slice3A_740 = vector.extract_strided_slice %get3A_714 {offsets = [4], sizes = [1], strides = [1]} : vector<16xi32> to vector<1xi32>
        %squeeze3A_741 = vector.extract %slice3A_740[0] : i32 from vector<1xi32>
        %swap3A_742 = arith.index_cast %squeeze3A_741 : i32 to index
        %swap3A_743 = arith.constant 0 : index
        %swap3A_744 = tpu.vector_load %arg12[%swap3A_742, %swap3A_743] {strides = array<i32>} : memref<100x16xf32, #tpu.memory_space<vmem>>, vector<1x16xf32>,
        %swap3A_745 = vector.shape_cast %swap3A_744 : vector<1x16xf32> to vector<16xf32>
        %swap3A_746 = vector.shape_cast %broadcast_in_dim3A_5 : vector<16xf32> to vector<1x16xf32>
        tpu.vector_store %arg12[%swap3A_742, %swap3A_743], %swap3A_746 {add = true, strides = array<i32>} : memref<100x16xf32, #tpu.memory_space<vmem>>, vector<1x16xf32>,
        %slice3A_747 = vector.extract_strided_slice %get3A_714 {offsets = [5], sizes = [1], strides = [1]} : vector<16xi32> to vector<1xi32>
        %squeeze3A_748 = vector.extract %slice3A_747[0] : i32 from vector<1xi32>
        %swap3A_749 = arith.index_cast %squeeze3A_748 : i32 to index
        %swap3A_750 = arith.constant 0 : index
        %swap3A_751 = tpu.vector_load %arg12[%swap3A_749, %swap3A_750] {strides = array<i32>} : memref<100x16xf32, #tpu.memory_space<vmem>>, vector<1x16xf32>,
        %swap3A_752 = vector.shape_cast %swap3A_751 : vector<1x16xf32> to vector<16xf32>
        %swap3A_753 = vector.shape_cast %broadcast_in_dim3A_5 : vector<16xf32> to vector<1x16xf32>
        tpu.vector_store %arg12[%swap3A_749, %swap3A_750], %swap3A_753 {add = true, strides = array<i32>} : memref<100x16xf32, #tpu.memory_space<vmem>>, vector<1x16xf32>,
        %slice3A_754 = vector.extract_strided_slice %get3A_714 {offsets = [6], sizes = [1], strides = [1]} : vector<16xi32> to vector<1xi32>
        %squeeze3A_755 = vector.extract %slice3A_754[0] : i32 from vector<1xi32>
        %swap3A_756 = arith.index_cast %squeeze3A_755 : i32 to index
        %swap3A_757 = arith.constant 0 : index
        %swap3A_758 = tpu.vector_load %arg12[%swap3A_756, %swap3A_757] {strides = array<i32>} : memref<100x16xf32, #tpu.memory_space<vmem>>, vector<1x16xf32>,
        %swap3A_759 = vector.shape_cast %swap3A_758 : vector<1x16xf32> to vector<16xf32>
        %swap3A_760 = vector.shape_cast %broadcast_in_dim3A_5 : vector<16xf32> to vector<1x16xf32>
        tpu.vector_store %arg12[%swap3A_756, %swap3A_757], %swap3A_760 {add = true, strides = array<i32>} : memref<100x16xf32, #tpu.memory_space<vmem>>, vector<1x16xf32>,
        %slice3A_761 = vector.extract_strided_slice %get3A_714 {offsets = [7], sizes = [1], strides = [1]} : vector<16xi32> to vector<1xi32>
        %squeeze3A_762 = vector.extract %slice3A_761[0] : i32 from vector<1xi32>
        %swap3A_763 = arith.index_cast %squeeze3A_762 : i32 to index
        %swap3A_764 = arith.constant 0 : index
        %swap3A_765 = tpu.vector_load %arg12[%swap3A_763, %swap3A_764] {strides = array<i32>} : memref<100x16xf32, #tpu.memory_space<vmem>>, vector<1x16xf32>,
        %swap3A_766 = vector.shape_cast %swap3A_765 : vector<1x16xf32> to vector<16xf32>
        %swap3A_767 = vector.shape_cast %broadcast_in_dim3A_5 : vector<16xf32> to vector<1x16xf32>
        tpu.vector_store %arg12[%swap3A_763, %swap3A_764], %swap3A_767 {add = true, strides = array<i32>} : memref<100x16xf32, #tpu.memory_space<vmem>>, vector<1x16xf32>,
        %slice3A_768 = vector.extract_strided_slice %get3A_714 {offsets = [8], sizes = [1], strides = [1]} : vector<16xi32> to vector<1xi32>
        %squeeze3A_769 = vector.extract %slice3A_768[0] : i32 from vector<1xi32>
        %swap3A_770 = arith.index_cast %squeeze3A_769 : i32 to index
        %swap3A_771 = arith.constant 0 : index
        %swap3A_772 = tpu.vector_load %arg12[%swap3A_770, %swap3A_771] {strides = array<i32>} : memref<100x16xf32, #tpu.memory_space<vmem>>, vector<1x16xf32>,
        %swap3A_773 = vector.shape_cast %swap3A_772 : vector<1x16xf32> to vector<16xf32>
        %swap3A_774 = vector.shape_cast %broadcast_in_dim3A_5 : vector<16xf32> to vector<1x16xf32>
        tpu.vector_store %arg12[%swap3A_770, %swap3A_771], %swap3A_774 {add = true, strides = array<i32>} : memref<100x16xf32, #tpu.memory_space<vmem>>, vector<1x16xf32>,
        %slice3A_775 = vector.extract_strided_slice %get3A_714 {offsets = [9], sizes = [1], strides = [1]} : vector<16xi32> to vector<1xi32>
        %squeeze3A_776 = vector.extract %slice3A_775[0] : i32 from vector<1xi32>
        %swap3A_777 = arith.index_cast %squeeze3A_776 : i32 to index
        %swap3A_778 = arith.constant 0 : index
        %swap3A_779 = tpu.vector_load %arg12[%swap3A_777, %swap3A_778] {strides = array<i32>} : memref<100x16xf32, #tpu.memory_space<vmem>>, vector<1x16xf32>,
        %swap3A_780 = vector.shape_cast %swap3A_779 : vector<1x16xf32> to vector<16xf32>
        %swap3A_781 = vector.shape_cast %broadcast_in_dim3A_5 : vector<16xf32> to vector<1x16xf32>
        tpu.vector_store %arg12[%swap3A_777, %swap3A_778], %swap3A_781 {add = true, strides = array<i32>} : memref<100x16xf32, #tpu.memory_space<vmem>>, vector<1x16xf32>,
        %slice3A_782 = vector.extract_strided_slice %get3A_714 {offsets = [10], sizes = [1], strides = [1]} : vector<16xi32> to vector<1xi32>
        %squeeze3A_783 = vector.extract %slice3A_782[0] : i32 from vector<1xi32>
        %swap3A_784 = arith.index_cast %squeeze3A_783 : i32 to index
        %swap3A_785 = arith.constant 0 : index
        %swap3A_786 = tpu.vector_load %arg12[%swap3A_784, %swap3A_785] {strides = array<i32>} : memref<100x16xf32, #tpu.memory_space<vmem>>, vector<1x16xf32>,
        %swap3A_787 = vector.shape_cast %swap3A_786 : vector<1x16xf32> to vector<16xf32>
        %swap3A_788 = vector.shape_cast %broadcast_in_dim3A_5 : vector<16xf32> to vector<1x16xf32>
        tpu.vector_store %arg12[%swap3A_784, %swap3A_785], %swap3A_788 {add = true, strides = array<i32>} : memref<100x16xf32, #tpu.memory_space<vmem>>, vector<1x16xf32>,
        %slice3A_789 = vector.extract_strided_slice %get3A_714 {offsets = [11], sizes = [1], strides = [1]} : vector<16xi32> to vector<1xi32>
        %squeeze3A_790 = vector.extract %slice3A_789[0] : i32 from vector<1xi32>
        %swap3A_791 = arith.index_cast %squeeze3A_790 : i32 to index
        %swap3A_792 = arith.constant 0 : index
        %swap3A_793 = tpu.vector_load %arg12[%swap3A_791, %swap3A_792] {strides = array<i32>} : memref<100x16xf32, #tpu.memory_space<vmem>>, vector<1x16xf32>,
        %swap3A_794 = vector.shape_cast %swap3A_793 : vector<1x16xf32> to vector<16xf32>
        %swap3A_795 = vector.shape_cast %broadcast_in_dim3A_5 : vector<16xf32> to vector<1x16xf32>
        tpu.vector_store %arg12[%swap3A_791, %swap3A_792], %swap3A_795 {add = true, strides = array<i32>} : memref<100x16xf32, #tpu.memory_space<vmem>>, vector<1x16xf32>,
        %slice3A_796 = vector.extract_strided_slice %get3A_714 {offsets = [12], sizes = [1], strides = [1]} : vector<16xi32> to vector<1xi32>
        %squeeze3A_797 = vector.extract %slice3A_796[0] : i32 from vector<1xi32>
        %swap3A_798 = arith.index_cast %squeeze3A_797 : i32 to index
        %swap3A_799 = arith.constant 0 : index
        %swap3A_800 = tpu.vector_load %arg12[%swap3A_798, %swap3A_799] {strides = array<i32>} : memref<100x16xf32, #tpu.memory_space<vmem>>, vector<1x16xf32>,
        %swap3A_801 = vector.shape_cast %swap3A_800 : vector<1x16xf32> to vector<16xf32>
        %swap3A_802 = vector.shape_cast %broadcast_in_dim3A_5 : vector<16xf32> to vector<1x16xf32>
        tpu.vector_store %arg12[%swap3A_798, %swap3A_799], %swap3A_802 {add = true, strides = array<i32>} : memref<100x16xf32, #tpu.memory_space<vmem>>, vector<1x16xf32>,
        %slice3A_803 = vector.extract_strided_slice %get3A_714 {offsets = [13], sizes = [1], strides = [1]} : vector<16xi32> to vector<1xi32>
        %squeeze3A_804 = vector.extract %slice3A_803[0] : i32 from vector<1xi32>
        %swap3A_805 = arith.index_cast %squeeze3A_804 : i32 to index
        %swap3A_806 = arith.constant 0 : index
        %swap3A_807 = tpu.vector_load %arg12[%swap3A_805, %swap3A_806] {strides = array<i32>} : memref<100x16xf32, #tpu.memory_space<vmem>>, vector<1x16xf32>,
        %swap3A_808 = vector.shape_cast %swap3A_807 : vector<1x16xf32> to vector<16xf32>
        %swap3A_809 = vector.shape_cast %broadcast_in_dim3A_5 : vector<16xf32> to vector<1x16xf32>
        tpu.vector_store %arg12[%swap3A_805, %swap3A_806], %swap3A_809 {add = true, strides = array<i32>} : memref<100x16xf32, #tpu.memory_space<vmem>>, vector<1x16xf32>,
        %slice3A_810 = vector.extract_strided_slice %get3A_714 {offsets = [14], sizes = [1], strides = [1]} : vector<16xi32> to vector<1xi32>
        %squeeze3A_811 = vector.extract %slice3A_810[0] : i32 from vector<1xi32>
        %swap3A_812 = arith.index_cast %squeeze3A_811 : i32 to index
        %swap3A_813 = arith.constant 0 : index
        %swap3A_814 = tpu.vector_load %arg12[%swap3A_812, %swap3A_813] {strides = array<i32>} : memref<100x16xf32, #tpu.memory_space<vmem>>, vector<1x16xf32>,
        %swap3A_815 = vector.shape_cast %swap3A_814 : vector<1x16xf32> to vector<16xf32>
        %swap3A_816 = vector.shape_cast %broadcast_in_dim3A_5 : vector<16xf32> to vector<1x16xf32>
        tpu.vector_store %arg12[%swap3A_812, %swap3A_813], %swap3A_816 {add = true, strides = array<i32>} : memref<100x16xf32, #tpu.memory_space<vmem>>, vector<1x16xf32>,
        %slice3A_817 = vector.extract_strided_slice %get3A_714 {offsets = [15], sizes = [1], strides = [1]} : vector<16xi32> to vector<1xi32>
        %squeeze3A_818 = vector.extract %slice3A_817[0] : i32 from vector<1xi32>
        %swap3A_819 = arith.index_cast %squeeze3A_818 : i32 to index
        %swap3A_820 = arith.constant 0 : index
        %swap3A_821 = tpu.vector_load %arg12[%swap3A_819, %swap3A_820] {strides = array<i32>} : memref<100x16xf32, #tpu.memory_space<vmem>>, vector<1x16xf32>,
        %swap3A_822 = vector.shape_cast %swap3A_821 : vector<1x16xf32> to vector<16xf32>
        %swap3A_823 = vector.shape_cast %broadcast_in_dim3A_5 : vector<16xf32> to vector<1x16xf32>
        tpu.vector_store %arg12[%swap3A_819, %swap3A_820], %swap3A_823 {add = true, strides = array<i32>} : memref<100x16xf32, #tpu.memory_space<vmem>>, vector<1x16xf32>,
        %get3A_824 = arith.index_cast %scan3A_711 : i32 to index
        %get3A_825 = arith.constant 16 : index
        %get3A_826 = tpu.vector_load %arg9[%get3A_824, %get3A_825] {strides = array<i32>} : memref<5x80xi32, #tpu.memory_space<vmem>>, vector<1x16xi32>,
        %get3A_827 = vector.shape_cast %get3A_826 : vector<1x16xi32> to vector<16xi32>
        %slice3A_828 = vector.extract_strided_slice %get3A_827 {offsets = [0], sizes = [1], strides = [1]} : vector<16xi32> to vector<1xi32>
        %squeeze3A_829 = vector.extract %slice3A_828[0] : i32 from vector<1xi32>
        %swap3A_830 = arith.index_cast %squeeze3A_829 : i32 to index
        %swap3A_831 = arith.constant 0 : index
        %swap3A_832 = tpu.vector_load %arg12[%swap3A_830, %swap3A_831] {strides = array<i32>} : memref<100x16xf32, #tpu.memory_space<vmem>>, vector<1x16xf32>,
        %swap3A_833 = vector.shape_cast %swap3A_832 : vector<1x16xf32> to vector<16xf32>
        %swap3A_834 = vector.shape_cast %broadcast_in_dim3A_5 : vector<16xf32> to vector<1x16xf32>
        tpu.vector_store %arg12[%swap3A_830, %swap3A_831], %swap3A_834 {add = true, strides = array<i32>} : memref<100x16xf32, #tpu.memory_space<vmem>>, vector<1x16xf32>,
        %slice3A_835 = vector.extract_strided_slice %get3A_827 {offsets = [1], sizes = [1], strides = [1]} : vector<16xi32> to vector<1xi32>
        %squeeze3A_836 = vector.extract %slice3A_835[0] : i32 from vector<1xi32>
        %swap3A_837 = arith.index_cast %squeeze3A_836 : i32 to index
        %swap3A_838 = arith.constant 0 : index
        %swap3A_839 = tpu.vector_load %arg12[%swap3A_837, %swap3A_838] {strides = array<i32>} : memref<100x16xf32, #tpu.memory_space<vmem>>, vector<1x16xf32>,
        %swap3A_840 = vector.shape_cast %swap3A_839 : vector<1x16xf32> to vector<16xf32>
        %swap3A_841 = vector.shape_cast %broadcast_in_dim3A_5 : vector<16xf32> to vector<1x16xf32>
        tpu.vector_store %arg12[%swap3A_837, %swap3A_838], %swap3A_841 {add = true, strides = array<i32>} : memref<100x16xf32, #tpu.memory_space<vmem>>, vector<1x16xf32>,
        %slice3A_842 = vector.extract_strided_slice %get3A_827 {offsets = [2], sizes = [1], strides = [1]} : vector<16xi32> to vector<1xi32>
        %squeeze3A_843 = vector.extract %slice3A_842[0] : i32 from vector<1xi32>
        %swap3A_844 = arith.index_cast %squeeze3A_843 : i32 to index
        %swap3A_845 = arith.constant 0 : index
        %swap3A_846 = tpu.vector_load %arg12[%swap3A_844, %swap3A_845] {strides = array<i32>} : memref<100x16xf32, #tpu.memory_space<vmem>>, vector<1x16xf32>,
        %swap3A_847 = vector.shape_cast %swap3A_846 : vector<1x16xf32> to vector<16xf32>
        %swap3A_848 = vector.shape_cast %broadcast_in_dim3A_5 : vector<16xf32> to vector<1x16xf32>
        tpu.vector_store %arg12[%swap3A_844, %swap3A_845], %swap3A_848 {add = true, strides = array<i32>} : memref<100x16xf32, #tpu.memory_space<vmem>>, vector<1x16xf32>,
        %slice3A_849 = vector.extract_strided_slice %get3A_827 {offsets = [3], sizes = [1], strides = [1]} : vector<16xi32> to vector<1xi32>
        %squeeze3A_850 = vector.extract %slice3A_849[0] : i32 from vector<1xi32>
        %swap3A_851 = arith.index_cast %squeeze3A_850 : i32 to index
        %swap3A_852 = arith.constant 0 : index
        %swap3A_853 = tpu.vector_load %arg12[%swap3A_851, %swap3A_852] {strides = array<i32>} : memref<100x16xf32, #tpu.memory_space<vmem>>, vector<1x16xf32>,
        %swap3A_854 = vector.shape_cast %swap3A_853 : vector<1x16xf32> to vector<16xf32>
        %swap3A_855 = vector.shape_cast %broadcast_in_dim3A_5 : vector<16xf32> to vector<1x16xf32>
        tpu.vector_store %arg12[%swap3A_851, %swap3A_852], %swap3A_855 {add = true, strides = array<i32>} : memref<100x16xf32, #tpu.memory_space<vmem>>, vector<1x16xf32>,
        %slice3A_856 = vector.extract_strided_slice %get3A_827 {offsets = [4], sizes = [1], strides = [1]} : vector<16xi32> to vector<1xi32>
        %squeeze3A_857 = vector.extract %slice3A_856[0] : i32 from vector<1xi32>
        %swap3A_858 = arith.index_cast %squeeze3A_857 : i32 to index
        %swap3A_859 = arith.constant 0 : index
        %swap3A_860 = tpu.vector_load %arg12[%swap3A_858, %swap3A_859] {strides = array<i32>} : memref<100x16xf32, #tpu.memory_space<vmem>>, vector<1x16xf32>,
        %swap3A_861 = vector.shape_cast %swap3A_860 : vector<1x16xf32> to vector<16xf32>
        %swap3A_862 = vector.shape_cast %broadcast_in_dim3A_5 : vector<16xf32> to vector<1x16xf32>
        tpu.vector_store %arg12[%swap3A_858, %swap3A_859], %swap3A_862 {add = true, strides = array<i32>} : memref<100x16xf32, #tpu.memory_space<vmem>>, vector<1x16xf32>,
        %slice3A_863 = vector.extract_strided_slice %get3A_827 {offsets = [5], sizes = [1], strides = [1]} : vector<16xi32> to vector<1xi32>
        %squeeze3A_864 = vector.extract %slice3A_863[0] : i32 from vector<1xi32>
        %swap3A_865 = arith.index_cast %squeeze3A_864 : i32 to index
        %swap3A_866 = arith.constant 0 : index
        %swap3A_867 = tpu.vector_load %arg12[%swap3A_865, %swap3A_866] {strides = array<i32>} : memref<100x16xf32, #tpu.memory_space<vmem>>, vector<1x16xf32>,
        %swap3A_868 = vector.shape_cast %swap3A_867 : vector<1x16xf32> to vector<16xf32>
        %swap3A_869 = vector.shape_cast %broadcast_in_dim3A_5 : vector<16xf32> to vector<1x16xf32>
        tpu.vector_store %arg12[%swap3A_865, %swap3A_866], %swap3A_869 {add = true, strides = array<i32>} : memref<100x16xf32, #tpu.memory_space<vmem>>, vector<1x16xf32>,
        %slice3A_870 = vector.extract_strided_slice %get3A_827 {offsets = [6], sizes = [1], strides = [1]} : vector<16xi32> to vector<1xi32>
        %squeeze3A_871 = vector.extract %slice3A_870[0] : i32 from vector<1xi32>
        %swap3A_872 = arith.index_cast %squeeze3A_871 : i32 to index
        %swap3A_873 = arith.constant 0 : index
        %swap3A_874 = tpu.vector_load %arg12[%swap3A_872, %swap3A_873] {strides = array<i32>} : memref<100x16xf32, #tpu.memory_space<vmem>>, vector<1x16xf32>,
        %swap3A_875 = vector.shape_cast %swap3A_874 : vector<1x16xf32> to vector<16xf32>
        %swap3A_876 = vector.shape_cast %broadcast_in_dim3A_5 : vector<16xf32> to vector<1x16xf32>
        tpu.vector_store %arg12[%swap3A_872, %swap3A_873], %swap3A_876 {add = true, strides = array<i32>} : memref<100x16xf32, #tpu.memory_space<vmem>>, vector<1x16xf32>,
        %slice3A_877 = vector.extract_strided_slice %get3A_827 {offsets = [7], sizes = [1], strides = [1]} : vector<16xi32> to vector<1xi32>
        %squeeze3A_878 = vector.extract %slice3A_877[0] : i32 from vector<1xi32>
        %swap3A_879 = arith.index_cast %squeeze3A_878 : i32 to index
        %swap3A_880 = arith.constant 0 : index
        %swap3A_881 = tpu.vector_load %arg12[%swap3A_879, %swap3A_880] {strides = array<i32>} : memref<100x16xf32, #tpu.memory_space<vmem>>, vector<1x16xf32>,
        %swap3A_882 = vector.shape_cast %swap3A_881 : vector<1x16xf32> to vector<16xf32>
        %swap3A_883 = vector.shape_cast %broadcast_in_dim3A_5 : vector<16xf32> to vector<1x16xf32>
        tpu.vector_store %arg12[%swap3A_879, %swap3A_880], %swap3A_883 {add = true, strides = array<i32>} : memref<100x16xf32, #tpu.memory_space<vmem>>, vector<1x16xf32>,
        %slice3A_884 = vector.extract_strided_slice %get3A_827 {offsets = [8], sizes = [1], strides = [1]} : vector<16xi32> to vector<1xi32>
        %squeeze3A_885 = vector.extract %slice3A_884[0] : i32 from vector<1xi32>
        %swap3A_886 = arith.index_cast %squeeze3A_885 : i32 to index
        %swap3A_887 = arith.constant 0 : index
        %swap3A_888 = tpu.vector_load %arg12[%swap3A_886, %swap3A_887] {strides = array<i32>} : memref<100x16xf32, #tpu.memory_space<vmem>>, vector<1x16xf32>,
        %swap3A_889 = vector.shape_cast %swap3A_888 : vector<1x16xf32> to vector<16xf32>
        %swap3A_890 = vector.shape_cast %broadcast_in_dim3A_5 : vector<16xf32> to vector<1x16xf32>
        tpu.vector_store %arg12[%swap3A_886, %swap3A_887], %swap3A_890 {add = true, strides = array<i32>} : memref<100x16xf32, #tpu.memory_space<vmem>>, vector<1x16xf32>,
        %slice3A_891 = vector.extract_strided_slice %get3A_827 {offsets = [9], sizes = [1], strides = [1]} : vector<16xi32> to vector<1xi32>
        %squeeze3A_892 = vector.extract %slice3A_891[0] : i32 from vector<1xi32>
        %swap3A_893 = arith.index_cast %squeeze3A_892 : i32 to index
        %swap3A_894 = arith.constant 0 : index
        %swap3A_895 = tpu.vector_load %arg12[%swap3A_893, %swap3A_894] {strides = array<i32>} : memref<100x16xf32, #tpu.memory_space<vmem>>, vector<1x16xf32>,
        %swap3A_896 = vector.shape_cast %swap3A_895 : vector<1x16xf32> to vector<16xf32>
        %swap3A_897 = vector.shape_cast %broadcast_in_dim3A_5 : vector<16xf32> to vector<1x16xf32>
        tpu.vector_store %arg12[%swap3A_893, %swap3A_894], %swap3A_897 {add = true, strides = array<i32>} : memref<100x16xf32, #tpu.memory_space<vmem>>, vector<1x16xf32>,
        %slice3A_898 = vector.extract_strided_slice %get3A_827 {offsets = [10], sizes = [1], strides = [1]} : vector<16xi32> to vector<1xi32>
        %squeeze3A_899 = vector.extract %slice3A_898[0] : i32 from vector<1xi32>
        %swap3A_900 = arith.index_cast %squeeze3A_899 : i32 to index
        %swap3A_901 = arith.constant 0 : index
        %swap3A_902 = tpu.vector_load %arg12[%swap3A_900, %swap3A_901] {strides = array<i32>} : memref<100x16xf32, #tpu.memory_space<vmem>>, vector<1x16xf32>,
        %swap3A_903 = vector.shape_cast %swap3A_902 : vector<1x16xf32> to vector<16xf32>
        %swap3A_904 = vector.shape_cast %broadcast_in_dim3A_5 : vector<16xf32> to vector<1x16xf32>
        tpu.vector_store %arg12[%swap3A_900, %swap3A_901], %swap3A_904 {add = true, strides = array<i32>} : memref<100x16xf32, #tpu.memory_space<vmem>>, vector<1x16xf32>,
        %slice3A_905 = vector.extract_strided_slice %get3A_827 {offsets = [11], sizes = [1], strides = [1]} : vector<16xi32> to vector<1xi32>
        %squeeze3A_906 = vector.extract %slice3A_905[0] : i32 from vector<1xi32>
        %swap3A_907 = arith.index_cast %squeeze3A_906 : i32 to index
        %swap3A_908 = arith.constant 0 : index
        %swap3A_909 = tpu.vector_load %arg12[%swap3A_907, %swap3A_908] {strides = array<i32>} : memref<100x16xf32, #tpu.memory_space<vmem>>, vector<1x16xf32>,
        %swap3A_910 = vector.shape_cast %swap3A_909 : vector<1x16xf32> to vector<16xf32>
        %swap3A_911 = vector.shape_cast %broadcast_in_dim3A_5 : vector<16xf32> to vector<1x16xf32>
        tpu.vector_store %arg12[%swap3A_907, %swap3A_908], %swap3A_911 {add = true, strides = array<i32>} : memref<100x16xf32, #tpu.memory_space<vmem>>, vector<1x16xf32>,
        %slice3A_912 = vector.extract_strided_slice %get3A_827 {offsets = [12], sizes = [1], strides = [1]} : vector<16xi32> to vector<1xi32>
        %squeeze3A_913 = vector.extract %slice3A_912[0] : i32 from vector<1xi32>
        %swap3A_914 = arith.index_cast %squeeze3A_913 : i32 to index
        %swap3A_915 = arith.constant 0 : index
        %swap3A_916 = tpu.vector_load %arg12[%swap3A_914, %swap3A_915] {strides = array<i32>} : memref<100x16xf32, #tpu.memory_space<vmem>>, vector<1x16xf32>,
        %swap3A_917 = vector.shape_cast %swap3A_916 : vector<1x16xf32> to vector<16xf32>
        %swap3A_918 = vector.shape_cast %broadcast_in_dim3A_5 : vector<16xf32> to vector<1x16xf32>
        tpu.vector_store %arg12[%swap3A_914, %swap3A_915], %swap3A_918 {add = true, strides = array<i32>} : memref<100x16xf32, #tpu.memory_space<vmem>>, vector<1x16xf32>,
        %slice3A_919 = vector.extract_strided_slice %get3A_827 {offsets = [13], sizes = [1], strides = [1]} : vector<16xi32> to vector<1xi32>
        %squeeze3A_920 = vector.extract %slice3A_919[0] : i32 from vector<1xi32>
        %swap3A_921 = arith.index_cast %squeeze3A_920 : i32 to index
        %swap3A_922 = arith.constant 0 : index
        %swap3A_923 = tpu.vector_load %arg12[%swap3A_921, %swap3A_922] {strides = array<i32>} : memref<100x16xf32, #tpu.memory_space<vmem>>, vector<1x16xf32>,
        %swap3A_924 = vector.shape_cast %swap3A_923 : vector<1x16xf32> to vector<16xf32>
        %swap3A_925 = vector.shape_cast %broadcast_in_dim3A_5 : vector<16xf32> to vector<1x16xf32>
        tpu.vector_store %arg12[%swap3A_921, %swap3A_922], %swap3A_925 {add = true, strides = array<i32>} : memref<100x16xf32, #tpu.memory_space<vmem>>, vector<1x16xf32>,
        %slice3A_926 = vector.extract_strided_slice %get3A_827 {offsets = [14], sizes = [1], strides = [1]} : vector<16xi32> to vector<1xi32>
        %squeeze3A_927 = vector.extract %slice3A_926[0] : i32 from vector<1xi32>
        %swap3A_928 = arith.index_cast %squeeze3A_927 : i32 to index
        %swap3A_929 = arith.constant 0 : index
        %swap3A_930 = tpu.vector_load %arg12[%swap3A_928, %swap3A_929] {strides = array<i32>} : memref<100x16xf32, #tpu.memory_space<vmem>>, vector<1x16xf32>,
        %swap3A_931 = vector.shape_cast %swap3A_930 : vector<1x16xf32> to vector<16xf32>
        %swap3A_932 = vector.shape_cast %broadcast_in_dim3A_5 : vector<16xf32> to vector<1x16xf32>
        tpu.vector_store %arg12[%swap3A_928, %swap3A_929], %swap3A_932 {add = true, strides = array<i32>} : memref<100x16xf32, #tpu.memory_space<vmem>>, vector<1x16xf32>,
        %slice3A_933 = vector.extract_strided_slice %get3A_827 {offsets = [15], sizes = [1], strides = [1]} : vector<16xi32> to vector<1xi32>
        %squeeze3A_934 = vector.extract %slice3A_933[0] : i32 from vector<1xi32>
        %swap3A_935 = arith.index_cast %squeeze3A_934 : i32 to index
        %swap3A_936 = arith.constant 0 : index
        %swap3A_937 = tpu.vector_load %arg12[%swap3A_935, %swap3A_936] {strides = array<i32>} : memref<100x16xf32, #tpu.memory_space<vmem>>, vector<1x16xf32>,
        %swap3A_938 = vector.shape_cast %swap3A_937 : vector<1x16xf32> to vector<16xf32>
        %swap3A_939 = vector.shape_cast %broadcast_in_dim3A_5 : vector<16xf32> to vector<1x16xf32>
        tpu.vector_store %arg12[%swap3A_935, %swap3A_936], %swap3A_939 {add = true, strides = array<i32>} : memref<100x16xf32, #tpu.memory_space<vmem>>, vector<1x16xf32>,
        %get3A_940 = arith.index_cast %scan3A_711 : i32 to index
        %get3A_941 = arith.constant 32 : index
        %get3A_942 = tpu.vector_load %arg9[%get3A_940, %get3A_941] {strides = array<i32>} : memref<5x80xi32, #tpu.memory_space<vmem>>, vector<1x16xi32>,
        %get3A_943 = vector.shape_cast %get3A_942 : vector<1x16xi32> to vector<16xi32>
        %slice3A_944 = vector.extract_strided_slice %get3A_943 {offsets = [0], sizes = [1], strides = [1]} : vector<16xi32> to vector<1xi32>
        %squeeze3A_945 = vector.extract %slice3A_944[0] : i32 from vector<1xi32>
        %swap3A_946 = arith.index_cast %squeeze3A_945 : i32 to index
        %swap3A_947 = arith.constant 0 : index
        %swap3A_948 = tpu.vector_load %arg12[%swap3A_946, %swap3A_947] {strides = array<i32>} : memref<100x16xf32, #tpu.memory_space<vmem>>, vector<1x16xf32>,
        %swap3A_949 = vector.shape_cast %swap3A_948 : vector<1x16xf32> to vector<16xf32>
        %swap3A_950 = vector.shape_cast %broadcast_in_dim3A_5 : vector<16xf32> to vector<1x16xf32>
        tpu.vector_store %arg12[%swap3A_946, %swap3A_947], %swap3A_950 {add = true, strides = array<i32>} : memref<100x16xf32, #tpu.memory_space<vmem>>, vector<1x16xf32>,
        %slice3A_951 = vector.extract_strided_slice %get3A_943 {offsets = [1], sizes = [1], strides = [1]} : vector<16xi32> to vector<1xi32>
        %squeeze3A_952 = vector.extract %slice3A_951[0] : i32 from vector<1xi32>
        %swap3A_953 = arith.index_cast %squeeze3A_952 : i32 to index
        %swap3A_954 = arith.constant 0 : index
        %swap3A_955 = tpu.vector_load %arg12[%swap3A_953, %swap3A_954] {strides = array<i32>} : memref<100x16xf32, #tpu.memory_space<vmem>>, vector<1x16xf32>,
        %swap3A_956 = vector.shape_cast %swap3A_955 : vector<1x16xf32> to vector<16xf32>
        %swap3A_957 = vector.shape_cast %broadcast_in_dim3A_5 : vector<16xf32> to vector<1x16xf32>
        tpu.vector_store %arg12[%swap3A_953, %swap3A_954], %swap3A_957 {add = true, strides = array<i32>} : memref<100x16xf32, #tpu.memory_space<vmem>>, vector<1x16xf32>,
        %slice3A_958 = vector.extract_strided_slice %get3A_943 {offsets = [2], sizes = [1], strides = [1]} : vector<16xi32> to vector<1xi32>
        %squeeze3A_959 = vector.extract %slice3A_958[0] : i32 from vector<1xi32>
        %swap3A_960 = arith.index_cast %squeeze3A_959 : i32 to index
        %swap3A_961 = arith.constant 0 : index
        %swap3A_962 = tpu.vector_load %arg12[%swap3A_960, %swap3A_961] {strides = array<i32>} : memref<100x16xf32, #tpu.memory_space<vmem>>, vector<1x16xf32>,
        %swap3A_963 = vector.shape_cast %swap3A_962 : vector<1x16xf32> to vector<16xf32>
        %swap3A_964 = vector.shape_cast %broadcast_in_dim3A_5 : vector<16xf32> to vector<1x16xf32>
        tpu.vector_store %arg12[%swap3A_960, %swap3A_961], %swap3A_964 {add = true, strides = array<i32>} : memref<100x16xf32, #tpu.memory_space<vmem>>, vector<1x16xf32>,
        %slice3A_965 = vector.extract_strided_slice %get3A_943 {offsets = [3], sizes = [1], strides = [1]} : vector<16xi32> to vector<1xi32>
        %squeeze3A_966 = vector.extract %slice3A_965[0] : i32 from vector<1xi32>
        %swap3A_967 = arith.index_cast %squeeze3A_966 : i32 to index
        %swap3A_968 = arith.constant 0 : index
        %swap3A_969 = tpu.vector_load %arg12[%swap3A_967, %swap3A_968] {strides = array<i32>} : memref<100x16xf32, #tpu.memory_space<vmem>>, vector<1x16xf32>,
        %swap3A_970 = vector.shape_cast %swap3A_969 : vector<1x16xf32> to vector<16xf32>
        %swap3A_971 = vector.shape_cast %broadcast_in_dim3A_5 : vector<16xf32> to vector<1x16xf32>
        tpu.vector_store %arg12[%swap3A_967, %swap3A_968], %swap3A_971 {add = true, strides = array<i32>} : memref<100x16xf32, #tpu.memory_space<vmem>>, vector<1x16xf32>,
        %slice3A_972 = vector.extract_strided_slice %get3A_943 {offsets = [4], sizes = [1], strides = [1]} : vector<16xi32> to vector<1xi32>
        %squeeze3A_973 = vector.extract %slice3A_972[0] : i32 from vector<1xi32>
        %swap3A_974 = arith.index_cast %squeeze3A_973 : i32 to index
        %swap3A_975 = arith.constant 0 : index
        %swap3A_976 = tpu.vector_load %arg12[%swap3A_974, %swap3A_975] {strides = array<i32>} : memref<100x16xf32, #tpu.memory_space<vmem>>, vector<1x16xf32>,
        %swap3A_977 = vector.shape_cast %swap3A_976 : vector<1x16xf32> to vector<16xf32>
        %swap3A_978 = vector.shape_cast %broadcast_in_dim3A_5 : vector<16xf32> to vector<1x16xf32>
        tpu.vector_store %arg12[%swap3A_974, %swap3A_975], %swap3A_978 {add = true, strides = array<i32>} : memref<100x16xf32, #tpu.memory_space<vmem>>, vector<1x16xf32>,
        %slice3A_979 = vector.extract_strided_slice %get3A_943 {offsets = [5], sizes = [1], strides = [1]} : vector<16xi32> to vector<1xi32>
        %squeeze3A_980 = vector.extract %slice3A_979[0] : i32 from vector<1xi32>
        %swap3A_981 = arith.index_cast %squeeze3A_980 : i32 to index
        %swap3A_982 = arith.constant 0 : index
        %swap3A_983 = tpu.vector_load %arg12[%swap3A_981, %swap3A_982] {strides = array<i32>} : memref<100x16xf32, #tpu.memory_space<vmem>>, vector<1x16xf32>,
        %swap3A_984 = vector.shape_cast %swap3A_983 : vector<1x16xf32> to vector<16xf32>
        %swap3A_985 = vector.shape_cast %broadcast_in_dim3A_5 : vector<16xf32> to vector<1x16xf32>
        tpu.vector_store %arg12[%swap3A_981, %swap3A_982], %swap3A_985 {add = true, strides = array<i32>} : memref<100x16xf32, #tpu.memory_space<vmem>>, vector<1x16xf32>,
        %slice3A_986 = vector.extract_strided_slice %get3A_943 {offsets = [6], sizes = [1], strides = [1]} : vector<16xi32> to vector<1xi32>
        %squeeze3A_987 = vector.extract %slice3A_986[0] : i32 from vector<1xi32>
        %swap3A_988 = arith.index_cast %squeeze3A_987 : i32 to index
        %swap3A_989 = arith.constant 0 : index
        %swap3A_990 = tpu.vector_load %arg12[%swap3A_988, %swap3A_989] {strides = array<i32>} : memref<100x16xf32, #tpu.memory_space<vmem>>, vector<1x16xf32>,
        %swap3A_991 = vector.shape_cast %swap3A_990 : vector<1x16xf32> to vector<16xf32>
        %swap3A_992 = vector.shape_cast %broadcast_in_dim3A_5 : vector<16xf32> to vector<1x16xf32>
        tpu.vector_store %arg12[%swap3A_988, %swap3A_989], %swap3A_992 {add = true, strides = array<i32>} : memref<100x16xf32, #tpu.memory_space<vmem>>, vector<1x16xf32>,
        %slice3A_993 = vector.extract_strided_slice %get3A_943 {offsets = [7], sizes = [1], strides = [1]} : vector<16xi32> to vector<1xi32>
        %squeeze3A_994 = vector.extract %slice3A_993[0] : i32 from vector<1xi32>
        %swap3A_995 = arith.index_cast %squeeze3A_994 : i32 to index
        %swap3A_996 = arith.constant 0 : index
        %swap3A_997 = tpu.vector_load %arg12[%swap3A_995, %swap3A_996] {strides = array<i32>} : memref<100x16xf32, #tpu.memory_space<vmem>>, vector<1x16xf32>,
        %swap3A_998 = vector.shape_cast %swap3A_997 : vector<1x16xf32> to vector<16xf32>
        %swap3A_999 = vector.shape_cast %broadcast_in_dim3A_5 : vector<16xf32> to vector<1x16xf32>
        tpu.vector_store %arg12[%swap3A_995, %swap3A_996], %swap3A_999 {add = true, strides = array<i32>} : memref<100x16xf32, #tpu.memory_space<vmem>>, vector<1x16xf32>,
        %slice3A_1000 = vector.extract_strided_slice %get3A_943 {offsets = [8], sizes = [1], strides = [1]} : vector<16xi32> to vector<1xi32>
        %squeeze3A_1001 = vector.extract %slice3A_1000[0] : i32 from vector<1xi32>
        %swap3A_1002 = arith.index_cast %squeeze3A_1001 : i32 to index
        %swap3A_1003 = arith.constant 0 : index
        %swap3A_1004 = tpu.vector_load %arg12[%swap3A_1002, %swap3A_1003] {strides = array<i32>} : memref<100x16xf32, #tpu.memory_space<vmem>>, vector<1x16xf32>,
        %swap3A_1005 = vector.shape_cast %swap3A_1004 : vector<1x16xf32> to vector<16xf32>
        %swap3A_1006 = vector.shape_cast %broadcast_in_dim3A_5 : vector<16xf32> to vector<1x16xf32>
        tpu.vector_store %arg12[%swap3A_1002, %swap3A_1003], %swap3A_1006 {add = true, strides = array<i32>} : memref<100x16xf32, #tpu.memory_space<vmem>>, vector<1x16xf32>,
        %slice3A_1007 = vector.extract_strided_slice %get3A_943 {offsets = [9], sizes = [1], strides = [1]} : vector<16xi32> to vector<1xi32>
        %squeeze3A_1008 = vector.extract %slice3A_1007[0] : i32 from vector<1xi32>
        %swap3A_1009 = arith.index_cast %squeeze3A_1008 : i32 to index
        %swap3A_1010 = arith.constant 0 : index
        %swap3A_1011 = tpu.vector_load %arg12[%swap3A_1009, %swap3A_1010] {strides = array<i32>} : memref<100x16xf32, #tpu.memory_space<vmem>>, vector<1x16xf32>,
        %swap3A_1012 = vector.shape_cast %swap3A_1011 : vector<1x16xf32> to vector<16xf32>
        %swap3A_1013 = vector.shape_cast %broadcast_in_dim3A_5 : vector<16xf32> to vector<1x16xf32>
        tpu.vector_store %arg12[%swap3A_1009, %swap3A_1010], %swap3A_1013 {add = true, strides = array<i32>} : memref<100x16xf32, #tpu.memory_space<vmem>>, vector<1x16xf32>,
        %slice3A_1014 = vector.extract_strided_slice %get3A_943 {offsets = [10], sizes = [1], strides = [1]} : vector<16xi32> to vector<1xi32>
        %squeeze3A_1015 = vector.extract %slice3A_1014[0] : i32 from vector<1xi32>
        %swap3A_1016 = arith.index_cast %squeeze3A_1015 : i32 to index
        %swap3A_1017 = arith.constant 0 : index
        %swap3A_1018 = tpu.vector_load %arg12[%swap3A_1016, %swap3A_1017] {strides = array<i32>} : memref<100x16xf32, #tpu.memory_space<vmem>>, vector<1x16xf32>,
        %swap3A_1019 = vector.shape_cast %swap3A_1018 : vector<1x16xf32> to vector<16xf32>
        %swap3A_1020 = vector.shape_cast %broadcast_in_dim3A_5 : vector<16xf32> to vector<1x16xf32>
        tpu.vector_store %arg12[%swap3A_1016, %swap3A_1017], %swap3A_1020 {add = true, strides = array<i32>} : memref<100x16xf32, #tpu.memory_space<vmem>>, vector<1x16xf32>,
        %slice3A_1021 = vector.extract_strided_slice %get3A_943 {offsets = [11], sizes = [1], strides = [1]} : vector<16xi32> to vector<1xi32>
        %squeeze3A_1022 = vector.extract %slice3A_1021[0] : i32 from vector<1xi32>
        %swap3A_1023 = arith.index_cast %squeeze3A_1022 : i32 to index
        %swap3A_1024 = arith.constant 0 : index
        %swap3A_1025 = tpu.vector_load %arg12[%swap3A_1023, %swap3A_1024] {strides = array<i32>} : memref<100x16xf32, #tpu.memory_space<vmem>>, vector<1x16xf32>,
        %swap3A_1026 = vector.shape_cast %swap3A_1025 : vector<1x16xf32> to vector<16xf32>
        %swap3A_1027 = vector.shape_cast %broadcast_in_dim3A_5 : vector<16xf32> to vector<1x16xf32>
        tpu.vector_store %arg12[%swap3A_1023, %swap3A_1024], %swap3A_1027 {add = true, strides = array<i32>} : memref<100x16xf32, #tpu.memory_space<vmem>>, vector<1x16xf32>,
        %slice3A_1028 = vector.extract_strided_slice %get3A_943 {offsets = [12], sizes = [1], strides = [1]} : vector<16xi32> to vector<1xi32>
        %squeeze3A_1029 = vector.extract %slice3A_1028[0] : i32 from vector<1xi32>
        %swap3A_1030 = arith.index_cast %squeeze3A_1029 : i32 to index
        %swap3A_1031 = arith.constant 0 : index
        %swap3A_1032 = tpu.vector_load %arg12[%swap3A_1030, %swap3A_1031] {strides = array<i32>} : memref<100x16xf32, #tpu.memory_space<vmem>>, vector<1x16xf32>,
        %swap3A_1033 = vector.shape_cast %swap3A_1032 : vector<1x16xf32> to vector<16xf32>
        %swap3A_1034 = vector.shape_cast %broadcast_in_dim3A_5 : vector<16xf32> to vector<1x16xf32>
        tpu.vector_store %arg12[%swap3A_1030, %swap3A_1031], %swap3A_1034 {add = true, strides = array<i32>} : memref<100x16xf32, #tpu.memory_space<vmem>>, vector<1x16xf32>,
        %slice3A_1035 = vector.extract_strided_slice %get3A_943 {offsets = [13], sizes = [1], strides = [1]} : vector<16xi32> to vector<1xi32>
        %squeeze3A_1036 = vector.extract %slice3A_1035[0] : i32 from vector<1xi32>
        %swap3A_1037 = arith.index_cast %squeeze3A_1036 : i32 to index
        %swap3A_1038 = arith.constant 0 : index
        %swap3A_1039 = tpu.vector_load %arg12[%swap3A_1037, %swap3A_1038] {strides = array<i32>} : memref<100x16xf32, #tpu.memory_space<vmem>>, vector<1x16xf32>,
        %swap3A_1040 = vector.shape_cast %swap3A_1039 : vector<1x16xf32> to vector<16xf32>
        %swap3A_1041 = vector.shape_cast %broadcast_in_dim3A_5 : vector<16xf32> to vector<1x16xf32>
        tpu.vector_store %arg12[%swap3A_1037, %swap3A_1038], %swap3A_1041 {add = true, strides = array<i32>} : memref<100x16xf32, #tpu.memory_space<vmem>>, vector<1x16xf32>,
        %slice3A_1042 = vector.extract_strided_slice %get3A_943 {offsets = [14], sizes = [1], strides = [1]} : vector<16xi32> to vector<1xi32>
        %squeeze3A_1043 = vector.extract %slice3A_1042[0] : i32 from vector<1xi32>
        %swap3A_1044 = arith.index_cast %squeeze3A_1043 : i32 to index
        %swap3A_1045 = arith.constant 0 : index
        %swap3A_1046 = tpu.vector_load %arg12[%swap3A_1044, %swap3A_1045] {strides = array<i32>} : memref<100x16xf32, #tpu.memory_space<vmem>>, vector<1x16xf32>,
        %swap3A_1047 = vector.shape_cast %swap3A_1046 : vector<1x16xf32> to vector<16xf32>
        %swap3A_1048 = vector.shape_cast %broadcast_in_dim3A_5 : vector<16xf32> to vector<1x16xf32>
        tpu.vector_store %arg12[%swap3A_1044, %swap3A_1045], %swap3A_1048 {add = true, strides = array<i32>} : memref<100x16xf32, #tpu.memory_space<vmem>>, vector<1x16xf32>,
        %slice3A_1049 = vector.extract_strided_slice %get3A_943 {offsets = [15], sizes = [1], strides = [1]} : vector<16xi32> to vector<1xi32>
        %squeeze3A_1050 = vector.extract %slice3A_1049[0] : i32 from vector<1xi32>
        %swap3A_1051 = arith.index_cast %squeeze3A_1050 : i32 to index
        %swap3A_1052 = arith.constant 0 : index
        %swap3A_1053 = tpu.vector_load %arg12[%swap3A_1051, %swap3A_1052] {strides = array<i32>} : memref<100x16xf32, #tpu.memory_space<vmem>>, vector<1x16xf32>,
        %swap3A_1054 = vector.shape_cast %swap3A_1053 : vector<1x16xf32> to vector<16xf32>
        %swap3A_1055 = vector.shape_cast %broadcast_in_dim3A_5 : vector<16xf32> to vector<1x16xf32>
        tpu.vector_store %arg12[%swap3A_1051, %swap3A_1052], %swap3A_1055 {add = true, strides = array<i32>} : memref<100x16xf32, #tpu.memory_space<vmem>>, vector<1x16xf32>,
        %get3A_1056 = arith.index_cast %scan3A_711 : i32 to index
        %get3A_1057 = arith.constant 48 : index
        %get3A_1058 = tpu.vector_load %arg9[%get3A_1056, %get3A_1057] {strides = array<i32>} : memref<5x80xi32, #tpu.memory_space<vmem>>, vector<1x16xi32>,
        %get3A_1059 = vector.shape_cast %get3A_1058 : vector<1x16xi32> to vector<16xi32>
        %slice3A_1060 = vector.extract_strided_slice %get3A_1059 {offsets = [0], sizes = [1], strides = [1]} : vector<16xi32> to vector<1xi32>
        %squeeze3A_1061 = vector.extract %slice3A_1060[0] : i32 from vector<1xi32>
        %swap3A_1062 = arith.index_cast %squeeze3A_1061 : i32 to index
        %swap3A_1063 = arith.constant 0 : index
        %swap3A_1064 = tpu.vector_load %arg12[%swap3A_1062, %swap3A_1063] {strides = array<i32>} : memref<100x16xf32, #tpu.memory_space<vmem>>, vector<1x16xf32>,
        %swap3A_1065 = vector.shape_cast %swap3A_1064 : vector<1x16xf32> to vector<16xf32>
        %swap3A_1066 = vector.shape_cast %broadcast_in_dim3A_5 : vector<16xf32> to vector<1x16xf32>
        tpu.vector_store %arg12[%swap3A_1062, %swap3A_1063], %swap3A_1066 {add = true, strides = array<i32>} : memref<100x16xf32, #tpu.memory_space<vmem>>, vector<1x16xf32>,
        %slice3A_1067 = vector.extract_strided_slice %get3A_1059 {offsets = [1], sizes = [1], strides = [1]} : vector<16xi32> to vector<1xi32>
        %squeeze3A_1068 = vector.extract %slice3A_1067[0] : i32 from vector<1xi32>
        %swap3A_1069 = arith.index_cast %squeeze3A_1068 : i32 to index
        %swap3A_1070 = arith.constant 0 : index
        %swap3A_1071 = tpu.vector_load %arg12[%swap3A_1069, %swap3A_1070] {strides = array<i32>} : memref<100x16xf32, #tpu.memory_space<vmem>>, vector<1x16xf32>,
        %swap3A_1072 = vector.shape_cast %swap3A_1071 : vector<1x16xf32> to vector<16xf32>
        %swap3A_1073 = vector.shape_cast %broadcast_in_dim3A_5 : vector<16xf32> to vector<1x16xf32>
        tpu.vector_store %arg12[%swap3A_1069, %swap3A_1070], %swap3A_1073 {add = true, strides = array<i32>} : memref<100x16xf32, #tpu.memory_space<vmem>>, vector<1x16xf32>,
        %slice3A_1074 = vector.extract_strided_slice %get3A_1059 {offsets = [2], sizes = [1], strides = [1]} : vector<16xi32> to vector<1xi32>
        %squeeze3A_1075 = vector.extract %slice3A_1074[0] : i32 from vector<1xi32>
        %swap3A_1076 = arith.index_cast %squeeze3A_1075 : i32 to index
        %swap3A_1077 = arith.constant 0 : index
        %swap3A_1078 = tpu.vector_load %arg12[%swap3A_1076, %swap3A_1077] {strides = array<i32>} : memref<100x16xf32, #tpu.memory_space<vmem>>, vector<1x16xf32>,
        %swap3A_1079 = vector.shape_cast %swap3A_1078 : vector<1x16xf32> to vector<16xf32>
        %swap3A_1080 = vector.shape_cast %broadcast_in_dim3A_5 : vector<16xf32> to vector<1x16xf32>
        tpu.vector_store %arg12[%swap3A_1076, %swap3A_1077], %swap3A_1080 {add = true, strides = array<i32>} : memref<100x16xf32, #tpu.memory_space<vmem>>, vector<1x16xf32>,
        %slice3A_1081 = vector.extract_strided_slice %get3A_1059 {offsets = [3], sizes = [1], strides = [1]} : vector<16xi32> to vector<1xi32>
        %squeeze3A_1082 = vector.extract %slice3A_1081[0] : i32 from vector<1xi32>
        %swap3A_1083 = arith.index_cast %squeeze3A_1082 : i32 to index
        %swap3A_1084 = arith.constant 0 : index
        %swap3A_1085 = tpu.vector_load %arg12[%swap3A_1083, %swap3A_1084] {strides = array<i32>} : memref<100x16xf32, #tpu.memory_space<vmem>>, vector<1x16xf32>,
        %swap3A_1086 = vector.shape_cast %swap3A_1085 : vector<1x16xf32> to vector<16xf32>
        %swap3A_1087 = vector.shape_cast %broadcast_in_dim3A_5 : vector<16xf32> to vector<1x16xf32>
        tpu.vector_store %arg12[%swap3A_1083, %swap3A_1084], %swap3A_1087 {add = true, strides = array<i32>} : memref<100x16xf32, #tpu.memory_space<vmem>>, vector<1x16xf32>,
        %slice3A_1088 = vector.extract_strided_slice %get3A_1059 {offsets = [4], sizes = [1], strides = [1]} : vector<16xi32> to vector<1xi32>
        %squeeze3A_1089 = vector.extract %slice3A_1088[0] : i32 from vector<1xi32>
        %swap3A_1090 = arith.index_cast %squeeze3A_1089 : i32 to index
        %swap3A_1091 = arith.constant 0 : index
        %swap3A_1092 = tpu.vector_load %arg12[%swap3A_1090, %swap3A_1091] {strides = array<i32>} : memref<100x16xf32, #tpu.memory_space<vmem>>, vector<1x16xf32>,
        %swap3A_1093 = vector.shape_cast %swap3A_1092 : vector<1x16xf32> to vector<16xf32>
        %swap3A_1094 = vector.shape_cast %broadcast_in_dim3A_5 : vector<16xf32> to vector<1x16xf32>
        tpu.vector_store %arg12[%swap3A_1090, %swap3A_1091], %swap3A_1094 {add = true, strides = array<i32>} : memref<100x16xf32, #tpu.memory_space<vmem>>, vector<1x16xf32>,
        %slice3A_1095 = vector.extract_strided_slice %get3A_1059 {offsets = [5], sizes = [1], strides = [1]} : vector<16xi32> to vector<1xi32>
        %squeeze3A_1096 = vector.extract %slice3A_1095[0] : i32 from vector<1xi32>
        %swap3A_1097 = arith.index_cast %squeeze3A_1096 : i32 to index
        %swap3A_1098 = arith.constant 0 : index
        %swap3A_1099 = tpu.vector_load %arg12[%swap3A_1097, %swap3A_1098] {strides = array<i32>} : memref<100x16xf32, #tpu.memory_space<vmem>>, vector<1x16xf32>,
        %swap3A_1100 = vector.shape_cast %swap3A_1099 : vector<1x16xf32> to vector<16xf32>
        %swap3A_1101 = vector.shape_cast %broadcast_in_dim3A_5 : vector<16xf32> to vector<1x16xf32>
        tpu.vector_store %arg12[%swap3A_1097, %swap3A_1098], %swap3A_1101 {add = true, strides = array<i32>} : memref<100x16xf32, #tpu.memory_space<vmem>>, vector<1x16xf32>,
        %slice3A_1102 = vector.extract_strided_slice %get3A_1059 {offsets = [6], sizes = [1], strides = [1]} : vector<16xi32> to vector<1xi32>
        %squeeze3A_1103 = vector.extract %slice3A_1102[0] : i32 from vector<1xi32>
        %swap3A_1104 = arith.index_cast %squeeze3A_1103 : i32 to index
        %swap3A_1105 = arith.constant 0 : index
        %swap3A_1106 = tpu.vector_load %arg12[%swap3A_1104, %swap3A_1105] {strides = array<i32>} : memref<100x16xf32, #tpu.memory_space<vmem>>, vector<1x16xf32>,
        %swap3A_1107 = vector.shape_cast %swap3A_1106 : vector<1x16xf32> to vector<16xf32>
        %swap3A_1108 = vector.shape_cast %broadcast_in_dim3A_5 : vector<16xf32> to vector<1x16xf32>
        tpu.vector_store %arg12[%swap3A_1104, %swap3A_1105], %swap3A_1108 {add = true, strides = array<i32>} : memref<100x16xf32, #tpu.memory_space<vmem>>, vector<1x16xf32>,
        %slice3A_1109 = vector.extract_strided_slice %get3A_1059 {offsets = [7], sizes = [1], strides = [1]} : vector<16xi32> to vector<1xi32>
        %squeeze3A_1110 = vector.extract %slice3A_1109[0] : i32 from vector<1xi32>
        %swap3A_1111 = arith.index_cast %squeeze3A_1110 : i32 to index
        %swap3A_1112 = arith.constant 0 : index
        %swap3A_1113 = tpu.vector_load %arg12[%swap3A_1111, %swap3A_1112] {strides = array<i32>} : memref<100x16xf32, #tpu.memory_space<vmem>>, vector<1x16xf32>,
        %swap3A_1114 = vector.shape_cast %swap3A_1113 : vector<1x16xf32> to vector<16xf32>
        %swap3A_1115 = vector.shape_cast %broadcast_in_dim3A_5 : vector<16xf32> to vector<1x16xf32>
        tpu.vector_store %arg12[%swap3A_1111, %swap3A_1112], %swap3A_1115 {add = true, strides = array<i32>} : memref<100x16xf32, #tpu.memory_space<vmem>>, vector<1x16xf32>,
        %slice3A_1116 = vector.extract_strided_slice %get3A_1059 {offsets = [8], sizes = [1], strides = [1]} : vector<16xi32> to vector<1xi32>
        %squeeze3A_1117 = vector.extract %slice3A_1116[0] : i32 from vector<1xi32>
        %swap3A_1118 = arith.index_cast %squeeze3A_1117 : i32 to index
        %swap3A_1119 = arith.constant 0 : index
        %swap3A_1120 = tpu.vector_load %arg12[%swap3A_1118, %swap3A_1119] {strides = array<i32>} : memref<100x16xf32, #tpu.memory_space<vmem>>, vector<1x16xf32>,
        %swap3A_1121 = vector.shape_cast %swap3A_1120 : vector<1x16xf32> to vector<16xf32>
        %swap3A_1122 = vector.shape_cast %broadcast_in_dim3A_5 : vector<16xf32> to vector<1x16xf32>
        tpu.vector_store %arg12[%swap3A_1118, %swap3A_1119], %swap3A_1122 {add = true, strides = array<i32>} : memref<100x16xf32, #tpu.memory_space<vmem>>, vector<1x16xf32>,
        %slice3A_1123 = vector.extract_strided_slice %get3A_1059 {offsets = [9], sizes = [1], strides = [1]} : vector<16xi32> to vector<1xi32>
        %squeeze3A_1124 = vector.extract %slice3A_1123[0] : i32 from vector<1xi32>
        %swap3A_1125 = arith.index_cast %squeeze3A_1124 : i32 to index
        %swap3A_1126 = arith.constant 0 : index
        %swap3A_1127 = tpu.vector_load %arg12[%swap3A_1125, %swap3A_1126] {strides = array<i32>} : memref<100x16xf32, #tpu.memory_space<vmem>>, vector<1x16xf32>,
        %swap3A_1128 = vector.shape_cast %swap3A_1127 : vector<1x16xf32> to vector<16xf32>
        %swap3A_1129 = vector.shape_cast %broadcast_in_dim3A_5 : vector<16xf32> to vector<1x16xf32>
        tpu.vector_store %arg12[%swap3A_1125, %swap3A_1126], %swap3A_1129 {add = true, strides = array<i32>} : memref<100x16xf32, #tpu.memory_space<vmem>>, vector<1x16xf32>,
        %slice3A_1130 = vector.extract_strided_slice %get3A_1059 {offsets = [10], sizes = [1], strides = [1]} : vector<16xi32> to vector<1xi32>
        %squeeze3A_1131 = vector.extract %slice3A_1130[0] : i32 from vector<1xi32>
        %swap3A_1132 = arith.index_cast %squeeze3A_1131 : i32 to index
        %swap3A_1133 = arith.constant 0 : index
        %swap3A_1134 = tpu.vector_load %arg12[%swap3A_1132, %swap3A_1133] {strides = array<i32>} : memref<100x16xf32, #tpu.memory_space<vmem>>, vector<1x16xf32>,
        %swap3A_1135 = vector.shape_cast %swap3A_1134 : vector<1x16xf32> to vector<16xf32>
        %swap3A_1136 = vector.shape_cast %broadcast_in_dim3A_5 : vector<16xf32> to vector<1x16xf32>
        tpu.vector_store %arg12[%swap3A_1132, %swap3A_1133], %swap3A_1136 {add = true, strides = array<i32>} : memref<100x16xf32, #tpu.memory_space<vmem>>, vector<1x16xf32>,
        %slice3A_1137 = vector.extract_strided_slice %get3A_1059 {offsets = [11], sizes = [1], strides = [1]} : vector<16xi32> to vector<1xi32>
        %squeeze3A_1138 = vector.extract %slice3A_1137[0] : i32 from vector<1xi32>
        %swap3A_1139 = arith.index_cast %squeeze3A_1138 : i32 to index
        %swap3A_1140 = arith.constant 0 : index
        %swap3A_1141 = tpu.vector_load %arg12[%swap3A_1139, %swap3A_1140] {strides = array<i32>} : memref<100x16xf32, #tpu.memory_space<vmem>>, vector<1x16xf32>,
        %swap3A_1142 = vector.shape_cast %swap3A_1141 : vector<1x16xf32> to vector<16xf32>
        %swap3A_1143 = vector.shape_cast %broadcast_in_dim3A_5 : vector<16xf32> to vector<1x16xf32>
        tpu.vector_store %arg12[%swap3A_1139, %swap3A_1140], %swap3A_1143 {add = true, strides = array<i32>} : memref<100x16xf32, #tpu.memory_space<vmem>>, vector<1x16xf32>,
        %slice3A_1144 = vector.extract_strided_slice %get3A_1059 {offsets = [12], sizes = [1], strides = [1]} : vector<16xi32> to vector<1xi32>
        %squeeze3A_1145 = vector.extract %slice3A_1144[0] : i32 from vector<1xi32>
        %swap3A_1146 = arith.index_cast %squeeze3A_1145 : i32 to index
        %swap3A_1147 = arith.constant 0 : index
        %swap3A_1148 = tpu.vector_load %arg12[%swap3A_1146, %swap3A_1147] {strides = array<i32>} : memref<100x16xf32, #tpu.memory_space<vmem>>, vector<1x16xf32>,
        %swap3A_1149 = vector.shape_cast %swap3A_1148 : vector<1x16xf32> to vector<16xf32>
        %swap3A_1150 = vector.shape_cast %broadcast_in_dim3A_5 : vector<16xf32> to vector<1x16xf32>
        tpu.vector_store %arg12[%swap3A_1146, %swap3A_1147], %swap3A_1150 {add = true, strides = array<i32>} : memref<100x16xf32, #tpu.memory_space<vmem>>, vector<1x16xf32>,
        %slice3A_1151 = vector.extract_strided_slice %get3A_1059 {offsets = [13], sizes = [1], strides = [1]} : vector<16xi32> to vector<1xi32>
        %squeeze3A_1152 = vector.extract %slice3A_1151[0] : i32 from vector<1xi32>
        %swap3A_1153 = arith.index_cast %squeeze3A_1152 : i32 to index
        %swap3A_1154 = arith.constant 0 : index
        %swap3A_1155 = tpu.vector_load %arg12[%swap3A_1153, %swap3A_1154] {strides = array<i32>} : memref<100x16xf32, #tpu.memory_space<vmem>>, vector<1x16xf32>,
        %swap3A_1156 = vector.shape_cast %swap3A_1155 : vector<1x16xf32> to vector<16xf32>
        %swap3A_1157 = vector.shape_cast %broadcast_in_dim3A_5 : vector<16xf32> to vector<1x16xf32>
        tpu.vector_store %arg12[%swap3A_1153, %swap3A_1154], %swap3A_1157 {add = true, strides = array<i32>} : memref<100x16xf32, #tpu.memory_space<vmem>>, vector<1x16xf32>,
        %slice3A_1158 = vector.extract_strided_slice %get3A_1059 {offsets = [14], sizes = [1], strides = [1]} : vector<16xi32> to vector<1xi32>
        %squeeze3A_1159 = vector.extract %slice3A_1158[0] : i32 from vector<1xi32>
        %swap3A_1160 = arith.index_cast %squeeze3A_1159 : i32 to index
        %swap3A_1161 = arith.constant 0 : index
        %swap3A_1162 = tpu.vector_load %arg12[%swap3A_1160, %swap3A_1161] {strides = array<i32>} : memref<100x16xf32, #tpu.memory_space<vmem>>, vector<1x16xf32>,
        %swap3A_1163 = vector.shape_cast %swap3A_1162 : vector<1x16xf32> to vector<16xf32>
        %swap3A_1164 = vector.shape_cast %broadcast_in_dim3A_5 : vector<16xf32> to vector<1x16xf32>
        tpu.vector_store %arg12[%swap3A_1160, %swap3A_1161], %swap3A_1164 {add = true, strides = array<i32>} : memref<100x16xf32, #tpu.memory_space<vmem>>, vector<1x16xf32>,
        %slice3A_1165 = vector.extract_strided_slice %get3A_1059 {offsets = [15], sizes = [1], strides = [1]} : vector<16xi32> to vector<1xi32>
        %squeeze3A_1166 = vector.extract %slice3A_1165[0] : i32 from vector<1xi32>
        %swap3A_1167 = arith.index_cast %squeeze3A_1166 : i32 to index
        %swap3A_1168 = arith.constant 0 : index
        %swap3A_1169 = tpu.vector_load %arg12[%swap3A_1167, %swap3A_1168] {strides = array<i32>} : memref<100x16xf32, #tpu.memory_space<vmem>>, vector<1x16xf32>,
        %swap3A_1170 = vector.shape_cast %swap3A_1169 : vector<1x16xf32> to vector<16xf32>
        %swap3A_1171 = vector.shape_cast %broadcast_in_dim3A_5 : vector<16xf32> to vector<1x16xf32>
        tpu.vector_store %arg12[%swap3A_1167, %swap3A_1168], %swap3A_1171 {add = true, strides = array<i32>} : memref<100x16xf32, #tpu.memory_space<vmem>>, vector<1x16xf32>,
        %get3A_1172 = arith.index_cast %scan3A_711 : i32 to index
        %get3A_1173 = arith.constant 64 : index
        %get3A_1174 = tpu.vector_load %arg9[%get3A_1172, %get3A_1173] {strides = array<i32>} : memref<5x80xi32, #tpu.memory_space<vmem>>, vector<1x16xi32>,
        %get3A_1175 = vector.shape_cast %get3A_1174 : vector<1x16xi32> to vector<16xi32>
        %slice3A_1176 = vector.extract_strided_slice %get3A_1175 {offsets = [0], sizes = [1], strides = [1]} : vector<16xi32> to vector<1xi32>
        %squeeze3A_1177 = vector.extract %slice3A_1176[0] : i32 from vector<1xi32>
        %swap3A_1178 = arith.index_cast %squeeze3A_1177 : i32 to index
        %swap3A_1179 = arith.constant 0 : index
        %swap3A_1180 = tpu.vector_load %arg12[%swap3A_1178, %swap3A_1179] {strides = array<i32>} : memref<100x16xf32, #tpu.memory_space<vmem>>, vector<1x16xf32>,
        %swap3A_1181 = vector.shape_cast %swap3A_1180 : vector<1x16xf32> to vector<16xf32>
        %swap3A_1182 = vector.shape_cast %broadcast_in_dim3A_5 : vector<16xf32> to vector<1x16xf32>
        tpu.vector_store %arg12[%swap3A_1178, %swap3A_1179], %swap3A_1182 {add = true, strides = array<i32>} : memref<100x16xf32, #tpu.memory_space<vmem>>, vector<1x16xf32>,
        %slice3A_1183 = vector.extract_strided_slice %get3A_1175 {offsets = [1], sizes = [1], strides = [1]} : vector<16xi32> to vector<1xi32>
        %squeeze3A_1184 = vector.extract %slice3A_1183[0] : i32 from vector<1xi32>
        %swap3A_1185 = arith.index_cast %squeeze3A_1184 : i32 to index
        %swap3A_1186 = arith.constant 0 : index
        %swap3A_1187 = tpu.vector_load %arg12[%swap3A_1185, %swap3A_1186] {strides = array<i32>} : memref<100x16xf32, #tpu.memory_space<vmem>>, vector<1x16xf32>,
        %swap3A_1188 = vector.shape_cast %swap3A_1187 : vector<1x16xf32> to vector<16xf32>
        %swap3A_1189 = vector.shape_cast %broadcast_in_dim3A_5 : vector<16xf32> to vector<1x16xf32>
        tpu.vector_store %arg12[%swap3A_1185, %swap3A_1186], %swap3A_1189 {add = true, strides = array<i32>} : memref<100x16xf32, #tpu.memory_space<vmem>>, vector<1x16xf32>,
        %slice3A_1190 = vector.extract_strided_slice %get3A_1175 {offsets = [2], sizes = [1], strides = [1]} : vector<16xi32> to vector<1xi32>
        %squeeze3A_1191 = vector.extract %slice3A_1190[0] : i32 from vector<1xi32>
        %swap3A_1192 = arith.index_cast %squeeze3A_1191 : i32 to index
        %swap3A_1193 = arith.constant 0 : index
        %swap3A_1194 = tpu.vector_load %arg12[%swap3A_1192, %swap3A_1193] {strides = array<i32>} : memref<100x16xf32, #tpu.memory_space<vmem>>, vector<1x16xf32>,
        %swap3A_1195 = vector.shape_cast %swap3A_1194 : vector<1x16xf32> to vector<16xf32>
        %swap3A_1196 = vector.shape_cast %broadcast_in_dim3A_5 : vector<16xf32> to vector<1x16xf32>
        tpu.vector_store %arg12[%swap3A_1192, %swap3A_1193], %swap3A_1196 {add = true, strides = array<i32>} : memref<100x16xf32, #tpu.memory_space<vmem>>, vector<1x16xf32>,
        %slice3A_1197 = vector.extract_strided_slice %get3A_1175 {offsets = [3], sizes = [1], strides = [1]} : vector<16xi32> to vector<1xi32>
        %squeeze3A_1198 = vector.extract %slice3A_1197[0] : i32 from vector<1xi32>
        %swap3A_1199 = arith.index_cast %squeeze3A_1198 : i32 to index
        %swap3A_1200 = arith.constant 0 : index
        %swap3A_1201 = tpu.vector_load %arg12[%swap3A_1199, %swap3A_1200] {strides = array<i32>} : memref<100x16xf32, #tpu.memory_space<vmem>>, vector<1x16xf32>,
        %swap3A_1202 = vector.shape_cast %swap3A_1201 : vector<1x16xf32> to vector<16xf32>
        %swap3A_1203 = vector.shape_cast %broadcast_in_dim3A_5 : vector<16xf32> to vector<1x16xf32>
        tpu.vector_store %arg12[%swap3A_1199, %swap3A_1200], %swap3A_1203 {add = true, strides = array<i32>} : memref<100x16xf32, #tpu.memory_space<vmem>>, vector<1x16xf32>,
        %slice3A_1204 = vector.extract_strided_slice %get3A_1175 {offsets = [4], sizes = [1], strides = [1]} : vector<16xi32> to vector<1xi32>
        %squeeze3A_1205 = vector.extract %slice3A_1204[0] : i32 from vector<1xi32>
        %swap3A_1206 = arith.index_cast %squeeze3A_1205 : i32 to index
        %swap3A_1207 = arith.constant 0 : index
        %swap3A_1208 = tpu.vector_load %arg12[%swap3A_1206, %swap3A_1207] {strides = array<i32>} : memref<100x16xf32, #tpu.memory_space<vmem>>, vector<1x16xf32>,
        %swap3A_1209 = vector.shape_cast %swap3A_1208 : vector<1x16xf32> to vector<16xf32>
        %swap3A_1210 = vector.shape_cast %broadcast_in_dim3A_5 : vector<16xf32> to vector<1x16xf32>
        tpu.vector_store %arg12[%swap3A_1206, %swap3A_1207], %swap3A_1210 {add = true, strides = array<i32>} : memref<100x16xf32, #tpu.memory_space<vmem>>, vector<1x16xf32>,
        %slice3A_1211 = vector.extract_strided_slice %get3A_1175 {offsets = [5], sizes = [1], strides = [1]} : vector<16xi32> to vector<1xi32>
        %squeeze3A_1212 = vector.extract %slice3A_1211[0] : i32 from vector<1xi32>
        %swap3A_1213 = arith.index_cast %squeeze3A_1212 : i32 to index
        %swap3A_1214 = arith.constant 0 : index
        %swap3A_1215 = tpu.vector_load %arg12[%swap3A_1213, %swap3A_1214] {strides = array<i32>} : memref<100x16xf32, #tpu.memory_space<vmem>>, vector<1x16xf32>,
        %swap3A_1216 = vector.shape_cast %swap3A_1215 : vector<1x16xf32> to vector<16xf32>
        %swap3A_1217 = vector.shape_cast %broadcast_in_dim3A_5 : vector<16xf32> to vector<1x16xf32>
        tpu.vector_store %arg12[%swap3A_1213, %swap3A_1214], %swap3A_1217 {add = true, strides = array<i32>} : memref<100x16xf32, #tpu.memory_space<vmem>>, vector<1x16xf32>,
        %slice3A_1218 = vector.extract_strided_slice %get3A_1175 {offsets = [6], sizes = [1], strides = [1]} : vector<16xi32> to vector<1xi32>
        %squeeze3A_1219 = vector.extract %slice3A_1218[0] : i32 from vector<1xi32>
        %swap3A_1220 = arith.index_cast %squeeze3A_1219 : i32 to index
        %swap3A_1221 = arith.constant 0 : index
        %swap3A_1222 = tpu.vector_load %arg12[%swap3A_1220, %swap3A_1221] {strides = array<i32>} : memref<100x16xf32, #tpu.memory_space<vmem>>, vector<1x16xf32>,
        %swap3A_1223 = vector.shape_cast %swap3A_1222 : vector<1x16xf32> to vector<16xf32>
        %swap3A_1224 = vector.shape_cast %broadcast_in_dim3A_5 : vector<16xf32> to vector<1x16xf32>
        tpu.vector_store %arg12[%swap3A_1220, %swap3A_1221], %swap3A_1224 {add = true, strides = array<i32>} : memref<100x16xf32, #tpu.memory_space<vmem>>, vector<1x16xf32>,
        %slice3A_1225 = vector.extract_strided_slice %get3A_1175 {offsets = [7], sizes = [1], strides = [1]} : vector<16xi32> to vector<1xi32>
        %squeeze3A_1226 = vector.extract %slice3A_1225[0] : i32 from vector<1xi32>
        %swap3A_1227 = arith.index_cast %squeeze3A_1226 : i32 to index
        %swap3A_1228 = arith.constant 0 : index
        %swap3A_1229 = tpu.vector_load %arg12[%swap3A_1227, %swap3A_1228] {strides = array<i32>} : memref<100x16xf32, #tpu.memory_space<vmem>>, vector<1x16xf32>,
        %swap3A_1230 = vector.shape_cast %swap3A_1229 : vector<1x16xf32> to vector<16xf32>
        %swap3A_1231 = vector.shape_cast %broadcast_in_dim3A_5 : vector<16xf32> to vector<1x16xf32>
        tpu.vector_store %arg12[%swap3A_1227, %swap3A_1228], %swap3A_1231 {add = true, strides = array<i32>} : memref<100x16xf32, #tpu.memory_space<vmem>>, vector<1x16xf32>,
        %slice3A_1232 = vector.extract_strided_slice %get3A_1175 {offsets = [8], sizes = [1], strides = [1]} : vector<16xi32> to vector<1xi32>
        %squeeze3A_1233 = vector.extract %slice3A_1232[0] : i32 from vector<1xi32>
        %swap3A_1234 = arith.index_cast %squeeze3A_1233 : i32 to index
        %swap3A_1235 = arith.constant 0 : index
        %swap3A_1236 = tpu.vector_load %arg12[%swap3A_1234, %swap3A_1235] {strides = array<i32>} : memref<100x16xf32, #tpu.memory_space<vmem>>, vector<1x16xf32>,
        %swap3A_1237 = vector.shape_cast %swap3A_1236 : vector<1x16xf32> to vector<16xf32>
        %swap3A_1238 = vector.shape_cast %broadcast_in_dim3A_5 : vector<16xf32> to vector<1x16xf32>
        tpu.vector_store %arg12[%swap3A_1234, %swap3A_1235], %swap3A_1238 {add = true, strides = array<i32>} : memref<100x16xf32, #tpu.memory_space<vmem>>, vector<1x16xf32>,
        %slice3A_1239 = vector.extract_strided_slice %get3A_1175 {offsets = [9], sizes = [1], strides = [1]} : vector<16xi32> to vector<1xi32>
        %squeeze3A_1240 = vector.extract %slice3A_1239[0] : i32 from vector<1xi32>
        %swap3A_1241 = arith.index_cast %squeeze3A_1240 : i32 to index
        %swap3A_1242 = arith.constant 0 : index
        %swap3A_1243 = tpu.vector_load %arg12[%swap3A_1241, %swap3A_1242] {strides = array<i32>} : memref<100x16xf32, #tpu.memory_space<vmem>>, vector<1x16xf32>,
        %swap3A_1244 = vector.shape_cast %swap3A_1243 : vector<1x16xf32> to vector<16xf32>
        %swap3A_1245 = vector.shape_cast %broadcast_in_dim3A_5 : vector<16xf32> to vector<1x16xf32>
        tpu.vector_store %arg12[%swap3A_1241, %swap3A_1242], %swap3A_1245 {add = true, strides = array<i32>} : memref<100x16xf32, #tpu.memory_space<vmem>>, vector<1x16xf32>,
        %slice3A_1246 = vector.extract_strided_slice %get3A_1175 {offsets = [10], sizes = [1], strides = [1]} : vector<16xi32> to vector<1xi32>
        %squeeze3A_1247 = vector.extract %slice3A_1246[0] : i32 from vector<1xi32>
        %swap3A_1248 = arith.index_cast %squeeze3A_1247 : i32 to index
        %swap3A_1249 = arith.constant 0 : index
        %swap3A_1250 = tpu.vector_load %arg12[%swap3A_1248, %swap3A_1249] {strides = array<i32>} : memref<100x16xf32, #tpu.memory_space<vmem>>, vector<1x16xf32>,
        %swap3A_1251 = vector.shape_cast %swap3A_1250 : vector<1x16xf32> to vector<16xf32>
        %swap3A_1252 = vector.shape_cast %broadcast_in_dim3A_5 : vector<16xf32> to vector<1x16xf32>
        tpu.vector_store %arg12[%swap3A_1248, %swap3A_1249], %swap3A_1252 {add = true, strides = array<i32>} : memref<100x16xf32, #tpu.memory_space<vmem>>, vector<1x16xf32>,
        %slice3A_1253 = vector.extract_strided_slice %get3A_1175 {offsets = [11], sizes = [1], strides = [1]} : vector<16xi32> to vector<1xi32>
        %squeeze3A_1254 = vector.extract %slice3A_1253[0] : i32 from vector<1xi32>
        %swap3A_1255 = arith.index_cast %squeeze3A_1254 : i32 to index
        %swap3A_1256 = arith.constant 0 : index
        %swap3A_1257 = tpu.vector_load %arg12[%swap3A_1255, %swap3A_1256] {strides = array<i32>} : memref<100x16xf32, #tpu.memory_space<vmem>>, vector<1x16xf32>,
        %swap3A_1258 = vector.shape_cast %swap3A_1257 : vector<1x16xf32> to vector<16xf32>
        %swap3A_1259 = vector.shape_cast %broadcast_in_dim3A_5 : vector<16xf32> to vector<1x16xf32>
        tpu.vector_store %arg12[%swap3A_1255, %swap3A_1256], %swap3A_1259 {add = true, strides = array<i32>} : memref<100x16xf32, #tpu.memory_space<vmem>>, vector<1x16xf32>,
        %slice3A_1260 = vector.extract_strided_slice %get3A_1175 {offsets = [12], sizes = [1], strides = [1]} : vector<16xi32> to vector<1xi32>
        %squeeze3A_1261 = vector.extract %slice3A_1260[0] : i32 from vector<1xi32>
        %swap3A_1262 = arith.index_cast %squeeze3A_1261 : i32 to index
        %swap3A_1263 = arith.constant 0 : index
        %swap3A_1264 = tpu.vector_load %arg12[%swap3A_1262, %swap3A_1263] {strides = array<i32>} : memref<100x16xf32, #tpu.memory_space<vmem>>, vector<1x16xf32>,
        %swap3A_1265 = vector.shape_cast %swap3A_1264 : vector<1x16xf32> to vector<16xf32>
        %swap3A_1266 = vector.shape_cast %broadcast_in_dim3A_5 : vector<16xf32> to vector<1x16xf32>
        tpu.vector_store %arg12[%swap3A_1262, %swap3A_1263], %swap3A_1266 {add = true, strides = array<i32>} : memref<100x16xf32, #tpu.memory_space<vmem>>, vector<1x16xf32>,
        %slice3A_1267 = vector.extract_strided_slice %get3A_1175 {offsets = [13], sizes = [1], strides = [1]} : vector<16xi32> to vector<1xi32>
        %squeeze3A_1268 = vector.extract %slice3A_1267[0] : i32 from vector<1xi32>
        %swap3A_1269 = arith.index_cast %squeeze3A_1268 : i32 to index
        %swap3A_1270 = arith.constant 0 : index
        %swap3A_1271 = tpu.vector_load %arg12[%swap3A_1269, %swap3A_1270] {strides = array<i32>} : memref<100x16xf32, #tpu.memory_space<vmem>>, vector<1x16xf32>,
        %swap3A_1272 = vector.shape_cast %swap3A_1271 : vector<1x16xf32> to vector<16xf32>
        %swap3A_1273 = vector.shape_cast %broadcast_in_dim3A_5 : vector<16xf32> to vector<1x16xf32>
        tpu.vector_store %arg12[%swap3A_1269, %swap3A_1270], %swap3A_1273 {add = true, strides = array<i32>} : memref<100x16xf32, #tpu.memory_space<vmem>>, vector<1x16xf32>,
        %slice3A_1274 = vector.extract_strided_slice %get3A_1175 {offsets = [14], sizes = [1], strides = [1]} : vector<16xi32> to vector<1xi32>
        %squeeze3A_1275 = vector.extract %slice3A_1274[0] : i32 from vector<1xi32>
        %swap3A_1276 = arith.index_cast %squeeze3A_1275 : i32 to index
        %swap3A_1277 = arith.constant 0 : index
        %swap3A_1278 = tpu.vector_load %arg12[%swap3A_1276, %swap3A_1277] {strides = array<i32>} : memref<100x16xf32, #tpu.memory_space<vmem>>, vector<1x16xf32>,
        %swap3A_1279 = vector.shape_cast %swap3A_1278 : vector<1x16xf32> to vector<16xf32>
        %swap3A_1280 = vector.shape_cast %broadcast_in_dim3A_5 : vector<16xf32> to vector<1x16xf32>
        tpu.vector_store %arg12[%swap3A_1276, %swap3A_1277], %swap3A_1280 {add = true, strides = array<i32>} : memref<100x16xf32, #tpu.memory_space<vmem>>, vector<1x16xf32>,
        %slice3A_1281 = vector.extract_strided_slice %get3A_1175 {offsets = [15], sizes = [1], strides = [1]} : vector<16xi32> to vector<1xi32>
        %squeeze3A_1282 = vector.extract %slice3A_1281[0] : i32 from vector<1xi32>
        %swap3A_1283 = arith.index_cast %squeeze3A_1282 : i32 to index
        %swap3A_1284 = arith.constant 0 : index
        %swap3A_1285 = tpu.vector_load %arg12[%swap3A_1283, %swap3A_1284] {strides = array<i32>} : memref<100x16xf32, #tpu.memory_space<vmem>>, vector<1x16xf32>,
        %swap3A_1286 = vector.shape_cast %swap3A_1285 : vector<1x16xf32> to vector<16xf32>
        %swap3A_1287 = vector.shape_cast %broadcast_in_dim3A_5 : vector<16xf32> to vector<1x16xf32>
        tpu.vector_store %arg12[%swap3A_1283, %swap3A_1284], %swap3A_1287 {add = true, strides = array<i32>} : memref<100x16xf32, #tpu.memory_space<vmem>>, vector<1x16xf32>,
      }
      %scan3A_660 = arith.constant 5 : i32
      %dma_wait3A_661 = arith.constant 0 : i32
      %dma_wait3A_662 = arith.constant 0 : i32
      %dma_wait3A_663 = arith.constant 0 : i32
      %dma_wait3A_664 = tpu.memref_slice %arg7[%dma_wait3A_662, %dma_wait3A_663] : memref<400x128xf32, #tpu.memory_space<vmem>> -> memref<80x128xf32, #tpu.memory_space<vmem>>
      %dma_wait3A_665 = arith.constant 0 : i32
      %dma_wait3A_666 = tpu.memref_slice %arg9[%dma_wait3A_661, %dma_wait3A_665] : memref<5x80xi32, #tpu.memory_space<vmem>> -> memref<1x80xi32, #tpu.memory_space<vmem>>
      %dma_wait3A_667 = tpu.memref_squeeze %dma_wait3A_666 : memref<1x80xi32, #tpu.memory_space<vmem>> -> memref<80xi32, #tpu.memory_space<vmem>>
      %dma_wait3A_668 = arith.constant 0 : i32
      %dma_wait3A_669 = arith.constant 0 : i32
      %dma_wait3A_670 = tpu.memref_slice %arg11[%dma_wait3A_668, %dma_wait3A_669] : memref<100x128xf32, #tpu.memory_space<vmem_shared>> -> memref<100x128xf32, #tpu.memory_space<vmem_shared>>
      tpu.wait_indirect_dma semaphore(%arg15 : memref<!tpu.dma_semaphore, #tpu.memory_space<semaphore_mem>>) src(%dma_wait3A_664 : memref<80x128xf32, #tpu.memory_space<vmem>>) dst(%dma_wait3A_670 : memref<100x128xf32, #tpu.memory_space<vmem_shared>>)
      %dma_wait3A_671 = arith.constant 1 : i32
      %dma_wait3A_672 = arith.constant 80 : i32
      %dma_wait3A_673 = arith.constant 0 : i32
      %dma_wait3A_674 = tpu.memref_slice %arg7[%dma_wait3A_672, %dma_wait3A_673] : memref<400x128xf32, #tpu.memory_space<vmem>> -> memref<80x128xf32, #tpu.memory_space<vmem>>
      %dma_wait3A_675 = arith.constant 0 : i32
      %dma_wait3A_676 = tpu.memref_slice %arg9[%dma_wait3A_671, %dma_wait3A_675] : memref<5x80xi32, #tpu.memory_space<vmem>> -> memref<1x80xi32, #tpu.memory_space<vmem>>
      %dma_wait3A_677 = tpu.memref_squeeze %dma_wait3A_676 : memref<1x80xi32, #tpu.memory_space<vmem>> -> memref<80xi32, #tpu.memory_space<vmem>>
      %dma_wait3A_678 = arith.constant 0 : i32
      %dma_wait3A_679 = arith.constant 0 : i32
      %dma_wait3A_680 = tpu.memref_slice %arg11[%dma_wait3A_678, %dma_wait3A_679] : memref<100x128xf32, #tpu.memory_space<vmem_shared>> -> memref<100x128xf32, #tpu.memory_space<vmem_shared>>
      tpu.wait_indirect_dma semaphore(%arg15 : memref<!tpu.dma_semaphore, #tpu.memory_space<semaphore_mem>>) src(%dma_wait3A_674 : memref<80x128xf32, #tpu.memory_space<vmem>>) dst(%dma_wait3A_680 : memref<100x128xf32, #tpu.memory_space<vmem_shared>>)
      %dma_wait3A_681 = arith.constant 2 : i32
      %dma_wait3A_682 = arith.constant 160 : i32
      %dma_wait3A_683 = arith.constant 0 : i32
      %dma_wait3A_684 = tpu.memref_slice %arg7[%dma_wait3A_682, %dma_wait3A_683] : memref<400x128xf32, #tpu.memory_space<vmem>> -> memref<80x128xf32, #tpu.memory_space<vmem>>
      %dma_wait3A_685 = arith.constant 0 : i32
      %dma_wait3A_686 = tpu.memref_slice %arg9[%dma_wait3A_681, %dma_wait3A_685] : memref<5x80xi32, #tpu.memory_space<vmem>> -> memref<1x80xi32, #tpu.memory_space<vmem>>
      %dma_wait3A_687 = tpu.memref_squeeze %dma_wait3A_686 : memref<1x80xi32, #tpu.memory_space<vmem>> -> memref<80xi32, #tpu.memory_space<vmem>>
      %dma_wait3A_688 = arith.constant 0 : i32
      %dma_wait3A_689 = arith.constant 0 : i32
      %dma_wait3A_690 = tpu.memref_slice %arg11[%dma_wait3A_688, %dma_wait3A_689] : memref<100x128xf32, #tpu.memory_space<vmem_shared>> -> memref<100x128xf32, #tpu.memory_space<vmem_shared>>
      tpu.wait_indirect_dma semaphore(%arg15 : memref<!tpu.dma_semaphore, #tpu.memory_space<semaphore_mem>>) src(%dma_wait3A_684 : memref<80x128xf32, #tpu.memory_space<vmem>>) dst(%dma_wait3A_690 : memref<100x128xf32, #tpu.memory_space<vmem_shared>>)
      %dma_wait3A_691 = arith.constant 3 : i32
      %dma_wait3A_692 = arith.constant 240 : i32
      %dma_wait3A_693 = arith.constant 0 : i32
      %dma_wait3A_694 = tpu.memref_slice %arg7[%dma_wait3A_692, %dma_wait3A_693] : memref<400x128xf32, #tpu.memory_space<vmem>> -> memref<80x128xf32, #tpu.memory_space<vmem>>
      %dma_wait3A_695 = arith.constant 0 : i32
      %dma_wait3A_696 = tpu.memref_slice %arg9[%dma_wait3A_691, %dma_wait3A_695] : memref<5x80xi32, #tpu.memory_space<vmem>> -> memref<1x80xi32, #tpu.memory_space<vmem>>
      %dma_wait3A_697 = tpu.memref_squeeze %dma_wait3A_696 : memref<1x80xi32, #tpu.memory_space<vmem>> -> memref<80xi32, #tpu.memory_space<vmem>>
      %dma_wait3A_698 = arith.constant 0 : i32
      %dma_wait3A_699 = arith.constant 0 : i32
      %dma_wait3A_700 = tpu.memref_slice %arg11[%dma_wait3A_698, %dma_wait3A_699] : memref<100x128xf32, #tpu.memory_space<vmem_shared>> -> memref<100x128xf32, #tpu.memory_space<vmem_shared>>
      tpu.wait_indirect_dma semaphore(%arg15 : memref<!tpu.dma_semaphore, #tpu.memory_space<semaphore_mem>>) src(%dma_wait3A_694 : memref<80x128xf32, #tpu.memory_space<vmem>>) dst(%dma_wait3A_700 : memref<100x128xf32, #tpu.memory_space<vmem_shared>>)
      %dma_wait3A_701 = arith.constant 4 : i32
      %dma_wait3A_702 = arith.constant 320 : i32
      %dma_wait3A_703 = arith.constant 0 : i32
      %dma_wait3A_704 = tpu.memref_slice %arg7[%dma_wait3A_702, %dma_wait3A_703] : memref<400x128xf32, #tpu.memory_space<vmem>> -> memref<80x128xf32, #tpu.memory_space<vmem>>
      %dma_wait3A_705 = arith.constant 0 : i32
      %dma_wait3A_706 = tpu.memref_slice %arg9[%dma_wait3A_701, %dma_wait3A_705] : memref<5x80xi32, #tpu.memory_space<vmem>> -> memref<1x80xi32, #tpu.memory_space<vmem>>
      %dma_wait3A_707 = tpu.memref_squeeze %dma_wait3A_706 : memref<1x80xi32, #tpu.memory_space<vmem>> -> memref<80xi32, #tpu.memory_space<vmem>>
      %dma_wait3A_708 = arith.constant 0 : i32
      %dma_wait3A_709 = arith.constant 0 : i32
      %dma_wait3A_710 = tpu.memref_slice %arg11[%dma_wait3A_708, %dma_wait3A_709] : memref<100x128xf32, #tpu.memory_space<vmem_shared>> -> memref<100x128xf32, #tpu.memory_space<vmem_shared>>
      tpu.wait_indirect_dma semaphore(%arg15 : memref<!tpu.dma_semaphore, #tpu.memory_space<semaphore_mem>>) src(%dma_wait3A_704 : memref<80x128xf32, #tpu.memory_space<vmem>>) dst(%dma_wait3A_710 : memref<100x128xf32, #tpu.memory_space<vmem_shared>>)
    }
    %scan3A_76 = arith.constant 8 : i32
    %dma_wait3A = arith.constant 0 : i32
    %dma_wait3A_77 = arith.constant 0 : i32
    %dma_wait3A_78 = tpu.memref_slice %arg2[%dma_wait3A, %dma_wait3A_77] : memref<320000x128xf32, #tpu.memory_space<hbm>> -> memref<400x128xf32, #tpu.memory_space<hbm>>
    %dma_wait3A_79 = arith.constant 0 : i32
    %dma_wait3A_80 = arith.constant 0 : i32
    %dma_wait3A_81 = tpu.memref_slice %arg2[%dma_wait3A_79, %dma_wait3A_80] : memref<320000x128xf32, #tpu.memory_space<hbm>> -> memref<400x128xf32, #tpu.memory_space<hbm>>
    tpu.wait_dma2 semaphore(%arg13 : memref<!tpu.dma_semaphore, #tpu.memory_space<semaphore_mem>>) src(%dma_wait3A_81 : memref<400x128xf32, #tpu.memory_space<hbm>>) dst(%arg6 : memref<400x128xf32, #tpu.memory_space<vmem>>)
    %dma_wait3A_82 = arith.constant 0 : i32
    %dma_wait3A_83 = arith.constant 0 : i32
    %dma_wait3A_84 = tpu.memref_slice %arg8[%dma_wait3A_82, %dma_wait3A_83] : memref<5x80xi32, #tpu.memory_space<vmem>> -> memref<1x80xi32, #tpu.memory_space<vmem>>
    %dma_wait3A_85 = tpu.memref_squeeze %dma_wait3A_84 : memref<1x80xi32, #tpu.memory_space<vmem>> -> memref<80xi32, #tpu.memory_space<vmem>>
    %dma_wait3A_86 = arith.constant 0 : i32
    %dma_wait3A_87 = tpu.memref_slice %arg3[%dma_wait3A_86] : memref<320000xi32, #tpu.memory_space<hbm>> -> memref<80xi32, #tpu.memory_space<hbm>>
    %dma_wait3A_88 = arith.constant 0 : i32
    %dma_wait3A_89 = tpu.memref_slice %arg8[%dma_wait3A_82, %dma_wait3A_88] : memref<5x80xi32, #tpu.memory_space<vmem>> -> memref<1x80xi32, #tpu.memory_space<vmem>>
    %dma_wait3A_90 = tpu.memref_squeeze %dma_wait3A_89 : memref<1x80xi32, #tpu.memory_space<vmem>> -> memref<80xi32, #tpu.memory_space<vmem>>
    %dma_wait3A_91 = arith.constant 0 : i32
    %dma_wait3A_92 = tpu.memref_slice %arg3[%dma_wait3A_91] : memref<320000xi32, #tpu.memory_space<hbm>> -> memref<80xi32, #tpu.memory_space<hbm>>
    tpu.wait_dma2 semaphore(%arg13 : memref<!tpu.dma_semaphore, #tpu.memory_space<semaphore_mem>>) src(%dma_wait3A_92 : memref<80xi32, #tpu.memory_space<hbm>>) dst(%dma_wait3A_90 : memref<80xi32, #tpu.memory_space<vmem>>)
    %dma_wait3A_93 = arith.constant 1 : i32
    %dma_wait3A_94 = arith.constant 0 : i32
    %dma_wait3A_95 = tpu.memref_slice %arg8[%dma_wait3A_93, %dma_wait3A_94] : memref<5x80xi32, #tpu.memory_space<vmem>> -> memref<1x80xi32, #tpu.memory_space<vmem>>
    %dma_wait3A_96 = tpu.memref_squeeze %dma_wait3A_95 : memref<1x80xi32, #tpu.memory_space<vmem>> -> memref<80xi32, #tpu.memory_space<vmem>>
    %dma_wait3A_97 = arith.constant 0 : i32
    %dma_wait3A_98 = tpu.memref_slice %arg3[%dma_wait3A_97] : memref<320000xi32, #tpu.memory_space<hbm>> -> memref<80xi32, #tpu.memory_space<hbm>>
    %dma_wait3A_99 = arith.constant 0 : i32
    %dma_wait3A_100 = tpu.memref_slice %arg8[%dma_wait3A_93, %dma_wait3A_99] : memref<5x80xi32, #tpu.memory_space<vmem>> -> memref<1x80xi32, #tpu.memory_space<vmem>>
    %dma_wait3A_101 = tpu.memref_squeeze %dma_wait3A_100 : memref<1x80xi32, #tpu.memory_space<vmem>> -> memref<80xi32, #tpu.memory_space<vmem>>
    %dma_wait3A_102 = arith.constant 0 : i32
    %dma_wait3A_103 = tpu.memref_slice %arg3[%dma_wait3A_102] : memref<320000xi32, #tpu.memory_space<hbm>> -> memref<80xi32, #tpu.memory_space<hbm>>
    tpu.wait_dma2 semaphore(%arg13 : memref<!tpu.dma_semaphore, #tpu.memory_space<semaphore_mem>>) src(%dma_wait3A_103 : memref<80xi32, #tpu.memory_space<hbm>>) dst(%dma_wait3A_101 : memref<80xi32, #tpu.memory_space<vmem>>)
    %dma_wait3A_104 = arith.constant 2 : i32
    %dma_wait3A_105 = arith.constant 0 : i32
    %dma_wait3A_106 = tpu.memref_slice %arg8[%dma_wait3A_104, %dma_wait3A_105] : memref<5x80xi32, #tpu.memory_space<vmem>> -> memref<1x80xi32, #tpu.memory_space<vmem>>
    %dma_wait3A_107 = tpu.memref_squeeze %dma_wait3A_106 : memref<1x80xi32, #tpu.memory_space<vmem>> -> memref<80xi32, #tpu.memory_space<vmem>>
    %dma_wait3A_108 = arith.constant 0 : i32
    %dma_wait3A_109 = tpu.memref_slice %arg3[%dma_wait3A_108] : memref<320000xi32, #tpu.memory_space<hbm>> -> memref<80xi32, #tpu.memory_space<hbm>>
    %dma_wait3A_110 = arith.constant 0 : i32
    %dma_wait3A_111 = tpu.memref_slice %arg8[%dma_wait3A_104, %dma_wait3A_110] : memref<5x80xi32, #tpu.memory_space<vmem>> -> memref<1x80xi32, #tpu.memory_space<vmem>>
    %dma_wait3A_112 = tpu.memref_squeeze %dma_wait3A_111 : memref<1x80xi32, #tpu.memory_space<vmem>> -> memref<80xi32, #tpu.memory_space<vmem>>
    %dma_wait3A_113 = arith.constant 0 : i32
    %dma_wait3A_114 = tpu.memref_slice %arg3[%dma_wait3A_113] : memref<320000xi32, #tpu.memory_space<hbm>> -> memref<80xi32, #tpu.memory_space<hbm>>
    tpu.wait_dma2 semaphore(%arg13 : memref<!tpu.dma_semaphore, #tpu.memory_space<semaphore_mem>>) src(%dma_wait3A_114 : memref<80xi32, #tpu.memory_space<hbm>>) dst(%dma_wait3A_112 : memref<80xi32, #tpu.memory_space<vmem>>)
    %dma_wait3A_115 = arith.constant 3 : i32
    %dma_wait3A_116 = arith.constant 0 : i32
    %dma_wait3A_117 = tpu.memref_slice %arg8[%dma_wait3A_115, %dma_wait3A_116] : memref<5x80xi32, #tpu.memory_space<vmem>> -> memref<1x80xi32, #tpu.memory_space<vmem>>
    %dma_wait3A_118 = tpu.memref_squeeze %dma_wait3A_117 : memref<1x80xi32, #tpu.memory_space<vmem>> -> memref<80xi32, #tpu.memory_space<vmem>>
    %dma_wait3A_119 = arith.constant 0 : i32
    %dma_wait3A_120 = tpu.memref_slice %arg3[%dma_wait3A_119] : memref<320000xi32, #tpu.memory_space<hbm>> -> memref<80xi32, #tpu.memory_space<hbm>>
    %dma_wait3A_121 = arith.constant 0 : i32
    %dma_wait3A_122 = tpu.memref_slice %arg8[%dma_wait3A_115, %dma_wait3A_121] : memref<5x80xi32, #tpu.memory_space<vmem>> -> memref<1x80xi32, #tpu.memory_space<vmem>>
    %dma_wait3A_123 = tpu.memref_squeeze %dma_wait3A_122 : memref<1x80xi32, #tpu.memory_space<vmem>> -> memref<80xi32, #tpu.memory_space<vmem>>
    %dma_wait3A_124 = arith.constant 0 : i32
    %dma_wait3A_125 = tpu.memref_slice %arg3[%dma_wait3A_124] : memref<320000xi32, #tpu.memory_space<hbm>> -> memref<80xi32, #tpu.memory_space<hbm>>
    tpu.wait_dma2 semaphore(%arg13 : memref<!tpu.dma_semaphore, #tpu.memory_space<semaphore_mem>>) src(%dma_wait3A_125 : memref<80xi32, #tpu.memory_space<hbm>>) dst(%dma_wait3A_123 : memref<80xi32, #tpu.memory_space<vmem>>)
    %dma_wait3A_126 = arith.constant 4 : i32
    %dma_wait3A_127 = arith.constant 0 : i32
    %dma_wait3A_128 = tpu.memref_slice %arg8[%dma_wait3A_126, %dma_wait3A_127] : memref<5x80xi32, #tpu.memory_space<vmem>> -> memref<1x80xi32, #tpu.memory_space<vmem>>
    %dma_wait3A_129 = tpu.memref_squeeze %dma_wait3A_128 : memref<1x80xi32, #tpu.memory_space<vmem>> -> memref<80xi32, #tpu.memory_space<vmem>>
    %dma_wait3A_130 = arith.constant 0 : i32
    %dma_wait3A_131 = tpu.memref_slice %arg3[%dma_wait3A_130] : memref<320000xi32, #tpu.memory_space<hbm>> -> memref<80xi32, #tpu.memory_space<hbm>>
    %dma_wait3A_132 = arith.constant 0 : i32
    %dma_wait3A_133 = tpu.memref_slice %arg8[%dma_wait3A_126, %dma_wait3A_132] : memref<5x80xi32, #tpu.memory_space<vmem>> -> memref<1x80xi32, #tpu.memory_space<vmem>>
    %dma_wait3A_134 = tpu.memref_squeeze %dma_wait3A_133 : memref<1x80xi32, #tpu.memory_space<vmem>> -> memref<80xi32, #tpu.memory_space<vmem>>
    %dma_wait3A_135 = arith.constant 0 : i32
    %dma_wait3A_136 = tpu.memref_slice %arg3[%dma_wait3A_135] : memref<320000xi32, #tpu.memory_space<hbm>> -> memref<80xi32, #tpu.memory_space<hbm>>
    tpu.wait_dma2 semaphore(%arg13 : memref<!tpu.dma_semaphore, #tpu.memory_space<semaphore_mem>>) src(%dma_wait3A_136 : memref<80xi32, #tpu.memory_space<hbm>>) dst(%dma_wait3A_134 : memref<80xi32, #tpu.memory_space<vmem>>)
    %dma_start3A_137 = arith.constant 0 : i32
    %dma_start3A_138 = arith.constant 0 : i32
    %dma_start3A_139 = arith.constant 0 : i32
    %dma_start3A_140 = tpu.memref_slice %arg6[%dma_start3A_138, %dma_start3A_139] : memref<400x128xf32, #tpu.memory_space<vmem>> -> memref<80x128xf32, #tpu.memory_space<vmem>>
    %dma_start3A_141 = arith.constant 0 : i32
    %dma_start3A_142 = tpu.memref_slice %arg8[%dma_start3A_137, %dma_start3A_141] : memref<5x80xi32, #tpu.memory_space<vmem>> -> memref<1x80xi32, #tpu.memory_space<vmem>>
    %dma_start3A_143 = tpu.memref_squeeze %dma_start3A_142 : memref<1x80xi32, #tpu.memory_space<vmem>> -> memref<80xi32, #tpu.memory_space<vmem>>
    %dma_start3A_144 = arith.constant 0 : i32
    %dma_start3A_145 = arith.constant 0 : i32
    %dma_start3A_146 = tpu.memref_slice %arg11[%dma_start3A_144, %dma_start3A_145] : memref<100x128xf32, #tpu.memory_space<vmem_shared>> -> memref<100x128xf32, #tpu.memory_space<vmem_shared>>
    tpu.enqueue_indirect_dma source(%dma_start3A_140 : memref<80x128xf32, #tpu.memory_space<vmem>>) target(%dma_start3A_146 : memref<100x128xf32, #tpu.memory_space<vmem_shared>>) offsets(%dma_start3A_143 : memref<80xi32, #tpu.memory_space<vmem>>) semaphore(%arg15 : memref<!tpu.dma_semaphore, #tpu.memory_space<semaphore_mem>>) {add = true}
    %dma_start3A_147 = arith.constant 1 : i32
    %dma_start3A_148 = arith.constant 80 : i32
    %dma_start3A_149 = arith.constant 0 : i32
    %dma_start3A_150 = tpu.memref_slice %arg6[%dma_start3A_148, %dma_start3A_149] : memref<400x128xf32, #tpu.memory_space<vmem>> -> memref<80x128xf32, #tpu.memory_space<vmem>>
    %dma_start3A_151 = arith.constant 0 : i32
    %dma_start3A_152 = tpu.memref_slice %arg8[%dma_start3A_147, %dma_start3A_151] : memref<5x80xi32, #tpu.memory_space<vmem>> -> memref<1x80xi32, #tpu.memory_space<vmem>>
    %dma_start3A_153 = tpu.memref_squeeze %dma_start3A_152 : memref<1x80xi32, #tpu.memory_space<vmem>> -> memref<80xi32, #tpu.memory_space<vmem>>
    %dma_start3A_154 = arith.constant 0 : i32
    %dma_start3A_155 = arith.constant 0 : i32
    %dma_start3A_156 = tpu.memref_slice %arg11[%dma_start3A_154, %dma_start3A_155] : memref<100x128xf32, #tpu.memory_space<vmem_shared>> -> memref<100x128xf32, #tpu.memory_space<vmem_shared>>
    tpu.enqueue_indirect_dma source(%dma_start3A_150 : memref<80x128xf32, #tpu.memory_space<vmem>>) target(%dma_start3A_156 : memref<100x128xf32, #tpu.memory_space<vmem_shared>>) offsets(%dma_start3A_153 : memref<80xi32, #tpu.memory_space<vmem>>) semaphore(%arg15 : memref<!tpu.dma_semaphore, #tpu.memory_space<semaphore_mem>>) {add = true}
    %dma_start3A_157 = arith.constant 2 : i32
    %dma_start3A_158 = arith.constant 160 : i32
    %dma_start3A_159 = arith.constant 0 : i32
    %dma_start3A_160 = tpu.memref_slice %arg6[%dma_start3A_158, %dma_start3A_159] : memref<400x128xf32, #tpu.memory_space<vmem>> -> memref<80x128xf32, #tpu.memory_space<vmem>>
    %dma_start3A_161 = arith.constant 0 : i32
    %dma_start3A_162 = tpu.memref_slice %arg8[%dma_start3A_157, %dma_start3A_161] : memref<5x80xi32, #tpu.memory_space<vmem>> -> memref<1x80xi32, #tpu.memory_space<vmem>>
    %dma_start3A_163 = tpu.memref_squeeze %dma_start3A_162 : memref<1x80xi32, #tpu.memory_space<vmem>> -> memref<80xi32, #tpu.memory_space<vmem>>
    %dma_start3A_164 = arith.constant 0 : i32
    %dma_start3A_165 = arith.constant 0 : i32
    %dma_start3A_166 = tpu.memref_slice %arg11[%dma_start3A_164, %dma_start3A_165] : memref<100x128xf32, #tpu.memory_space<vmem_shared>> -> memref<100x128xf32, #tpu.memory_space<vmem_shared>>
    tpu.enqueue_indirect_dma source(%dma_start3A_160 : memref<80x128xf32, #tpu.memory_space<vmem>>) target(%dma_start3A_166 : memref<100x128xf32, #tpu.memory_space<vmem_shared>>) offsets(%dma_start3A_163 : memref<80xi32, #tpu.memory_space<vmem>>) semaphore(%arg15 : memref<!tpu.dma_semaphore, #tpu.memory_space<semaphore_mem>>) {add = true}
    %dma_start3A_167 = arith.constant 3 : i32
    %dma_start3A_168 = arith.constant 240 : i32
    %dma_start3A_169 = arith.constant 0 : i32
    %dma_start3A_170 = tpu.memref_slice %arg6[%dma_start3A_168, %dma_start3A_169] : memref<400x128xf32, #tpu.memory_space<vmem>> -> memref<80x128xf32, #tpu.memory_space<vmem>>
    %dma_start3A_171 = arith.constant 0 : i32
    %dma_start3A_172 = tpu.memref_slice %arg8[%dma_start3A_167, %dma_start3A_171] : memref<5x80xi32, #tpu.memory_space<vmem>> -> memref<1x80xi32, #tpu.memory_space<vmem>>
    %dma_start3A_173 = tpu.memref_squeeze %dma_start3A_172 : memref<1x80xi32, #tpu.memory_space<vmem>> -> memref<80xi32, #tpu.memory_space<vmem>>
    %dma_start3A_174 = arith.constant 0 : i32
    %dma_start3A_175 = arith.constant 0 : i32
    %dma_start3A_176 = tpu.memref_slice %arg11[%dma_start3A_174, %dma_start3A_175] : memref<100x128xf32, #tpu.memory_space<vmem_shared>> -> memref<100x128xf32, #tpu.memory_space<vmem_shared>>
    tpu.enqueue_indirect_dma source(%dma_start3A_170 : memref<80x128xf32, #tpu.memory_space<vmem>>) target(%dma_start3A_176 : memref<100x128xf32, #tpu.memory_space<vmem_shared>>) offsets(%dma_start3A_173 : memref<80xi32, #tpu.memory_space<vmem>>) semaphore(%arg15 : memref<!tpu.dma_semaphore, #tpu.memory_space<semaphore_mem>>) {add = true}
    %dma_start3A_177 = arith.constant 4 : i32
    %dma_start3A_178 = arith.constant 320 : i32
    %dma_start3A_179 = arith.constant 0 : i32
    %dma_start3A_180 = tpu.memref_slice %arg6[%dma_start3A_178, %dma_start3A_179] : memref<400x128xf32, #tpu.memory_space<vmem>> -> memref<80x128xf32, #tpu.memory_space<vmem>>
    %dma_start3A_181 = arith.constant 0 : i32
    %dma_start3A_182 = tpu.memref_slice %arg8[%dma_start3A_177, %dma_start3A_181] : memref<5x80xi32, #tpu.memory_space<vmem>> -> memref<1x80xi32, #tpu.memory_space<vmem>>
    %dma_start3A_183 = tpu.memref_squeeze %dma_start3A_182 : memref<1x80xi32, #tpu.memory_space<vmem>> -> memref<80xi32, #tpu.memory_space<vmem>>
    %dma_start3A_184 = arith.constant 0 : i32
    %dma_start3A_185 = arith.constant 0 : i32
    %dma_start3A_186 = tpu.memref_slice %arg11[%dma_start3A_184, %dma_start3A_185] : memref<100x128xf32, #tpu.memory_space<vmem_shared>> -> memref<100x128xf32, #tpu.memory_space<vmem_shared>>
    tpu.enqueue_indirect_dma source(%dma_start3A_180 : memref<80x128xf32, #tpu.memory_space<vmem>>) target(%dma_start3A_186 : memref<100x128xf32, #tpu.memory_space<vmem_shared>>) offsets(%dma_start3A_183 : memref<80xi32, #tpu.memory_space<vmem>>) semaphore(%arg15 : memref<!tpu.dma_semaphore, #tpu.memory_space<semaphore_mem>>) {add = true}
    %scan3A_187 = arith.constant 0 : i32
    %scan3A_188 = arith.constant 5 : i32
    %scan3A_189 = arith.addi %scan3A_187, %scan3A_188 : i32
    %scan3A_190 = arith.constant 1 : i32
    scf.for %scan3A_248 = %scan3A_187 to %scan3A_189 step %scan3A_190  : i32 {
      %get3A = arith.index_cast %scan3A_248 : i32 to index
      %get3A_249 = arith.constant 0 : index
      %get3A_250 = tpu.vector_load %arg8[%get3A, %get3A_249] {strides = array<i32>} : memref<5x80xi32, #tpu.memory_space<vmem>>, vector<1x16xi32>,
      %get3A_251 = vector.shape_cast %get3A_250 : vector<1x16xi32> to vector<16xi32>
      %slice3A = vector.extract_strided_slice %get3A_251 {offsets = [0], sizes = [1], strides = [1]} : vector<16xi32> to vector<1xi32>
      %squeeze3A = vector.extract %slice3A[0] : i32 from vector<1xi32>
      %swap3A = arith.index_cast %squeeze3A : i32 to index
      %swap3A_252 = arith.constant 0 : index
      %swap3A_253 = tpu.vector_load %arg12[%swap3A, %swap3A_252] {strides = array<i32>} : memref<100x16xf32, #tpu.memory_space<vmem>>, vector<1x16xf32>,
      %swap3A_254 = vector.shape_cast %swap3A_253 : vector<1x16xf32> to vector<16xf32>
      %swap3A_255 = vector.shape_cast %broadcast_in_dim3A_5 : vector<16xf32> to vector<1x16xf32>
      tpu.vector_store %arg12[%swap3A, %swap3A_252], %swap3A_255 {add = true, strides = array<i32>} : memref<100x16xf32, #tpu.memory_space<vmem>>, vector<1x16xf32>,
      %slice3A_256 = vector.extract_strided_slice %get3A_251 {offsets = [1], sizes = [1], strides = [1]} : vector<16xi32> to vector<1xi32>
      %squeeze3A_257 = vector.extract %slice3A_256[0] : i32 from vector<1xi32>
      %swap3A_258 = arith.index_cast %squeeze3A_257 : i32 to index
      %swap3A_259 = arith.constant 0 : index
      %swap3A_260 = tpu.vector_load %arg12[%swap3A_258, %swap3A_259] {strides = array<i32>} : memref<100x16xf32, #tpu.memory_space<vmem>>, vector<1x16xf32>,
      %swap3A_261 = vector.shape_cast %swap3A_260 : vector<1x16xf32> to vector<16xf32>
      %swap3A_262 = vector.shape_cast %broadcast_in_dim3A_5 : vector<16xf32> to vector<1x16xf32>
      tpu.vector_store %arg12[%swap3A_258, %swap3A_259], %swap3A_262 {add = true, strides = array<i32>} : memref<100x16xf32, #tpu.memory_space<vmem>>, vector<1x16xf32>,
      %slice3A_263 = vector.extract_strided_slice %get3A_251 {offsets = [2], sizes = [1], strides = [1]} : vector<16xi32> to vector<1xi32>
      %squeeze3A_264 = vector.extract %slice3A_263[0] : i32 from vector<1xi32>
      %swap3A_265 = arith.index_cast %squeeze3A_264 : i32 to index
      %swap3A_266 = arith.constant 0 : index
      %swap3A_267 = tpu.vector_load %arg12[%swap3A_265, %swap3A_266] {strides = array<i32>} : memref<100x16xf32, #tpu.memory_space<vmem>>, vector<1x16xf32>,
      %swap3A_268 = vector.shape_cast %swap3A_267 : vector<1x16xf32> to vector<16xf32>
      %swap3A_269 = vector.shape_cast %broadcast_in_dim3A_5 : vector<16xf32> to vector<1x16xf32>
      tpu.vector_store %arg12[%swap3A_265, %swap3A_266], %swap3A_269 {add = true, strides = array<i32>} : memref<100x16xf32, #tpu.memory_space<vmem>>, vector<1x16xf32>,
      %slice3A_270 = vector.extract_strided_slice %get3A_251 {offsets = [3], sizes = [1], strides = [1]} : vector<16xi32> to vector<1xi32>
      %squeeze3A_271 = vector.extract %slice3A_270[0] : i32 from vector<1xi32>
      %swap3A_272 = arith.index_cast %squeeze3A_271 : i32 to index
      %swap3A_273 = arith.constant 0 : index
      %swap3A_274 = tpu.vector_load %arg12[%swap3A_272, %swap3A_273] {strides = array<i32>} : memref<100x16xf32, #tpu.memory_space<vmem>>, vector<1x16xf32>,
      %swap3A_275 = vector.shape_cast %swap3A_274 : vector<1x16xf32> to vector<16xf32>
      %swap3A_276 = vector.shape_cast %broadcast_in_dim3A_5 : vector<16xf32> to vector<1x16xf32>
      tpu.vector_store %arg12[%swap3A_272, %swap3A_273], %swap3A_276 {add = true, strides = array<i32>} : memref<100x16xf32, #tpu.memory_space<vmem>>, vector<1x16xf32>,
      %slice3A_277 = vector.extract_strided_slice %get3A_251 {offsets = [4], sizes = [1], strides = [1]} : vector<16xi32> to vector<1xi32>
      %squeeze3A_278 = vector.extract %slice3A_277[0] : i32 from vector<1xi32>
      %swap3A_279 = arith.index_cast %squeeze3A_278 : i32 to index
      %swap3A_280 = arith.constant 0 : index
      %swap3A_281 = tpu.vector_load %arg12[%swap3A_279, %swap3A_280] {strides = array<i32>} : memref<100x16xf32, #tpu.memory_space<vmem>>, vector<1x16xf32>,
      %swap3A_282 = vector.shape_cast %swap3A_281 : vector<1x16xf32> to vector<16xf32>
      %swap3A_283 = vector.shape_cast %broadcast_in_dim3A_5 : vector<16xf32> to vector<1x16xf32>
      tpu.vector_store %arg12[%swap3A_279, %swap3A_280], %swap3A_283 {add = true, strides = array<i32>} : memref<100x16xf32, #tpu.memory_space<vmem>>, vector<1x16xf32>,
      %slice3A_284 = vector.extract_strided_slice %get3A_251 {offsets = [5], sizes = [1], strides = [1]} : vector<16xi32> to vector<1xi32>
      %squeeze3A_285 = vector.extract %slice3A_284[0] : i32 from vector<1xi32>
      %swap3A_286 = arith.index_cast %squeeze3A_285 : i32 to index
      %swap3A_287 = arith.constant 0 : index
      %swap3A_288 = tpu.vector_load %arg12[%swap3A_286, %swap3A_287] {strides = array<i32>} : memref<100x16xf32, #tpu.memory_space<vmem>>, vector<1x16xf32>,
      %swap3A_289 = vector.shape_cast %swap3A_288 : vector<1x16xf32> to vector<16xf32>
      %swap3A_290 = vector.shape_cast %broadcast_in_dim3A_5 : vector<16xf32> to vector<1x16xf32>
      tpu.vector_store %arg12[%swap3A_286, %swap3A_287], %swap3A_290 {add = true, strides = array<i32>} : memref<100x16xf32, #tpu.memory_space<vmem>>, vector<1x16xf32>,
      %slice3A_291 = vector.extract_strided_slice %get3A_251 {offsets = [6], sizes = [1], strides = [1]} : vector<16xi32> to vector<1xi32>
      %squeeze3A_292 = vector.extract %slice3A_291[0] : i32 from vector<1xi32>
      %swap3A_293 = arith.index_cast %squeeze3A_292 : i32 to index
      %swap3A_294 = arith.constant 0 : index
      %swap3A_295 = tpu.vector_load %arg12[%swap3A_293, %swap3A_294] {strides = array<i32>} : memref<100x16xf32, #tpu.memory_space<vmem>>, vector<1x16xf32>,
      %swap3A_296 = vector.shape_cast %swap3A_295 : vector<1x16xf32> to vector<16xf32>
      %swap3A_297 = vector.shape_cast %broadcast_in_dim3A_5 : vector<16xf32> to vector<1x16xf32>
      tpu.vector_store %arg12[%swap3A_293, %swap3A_294], %swap3A_297 {add = true, strides = array<i32>} : memref<100x16xf32, #tpu.memory_space<vmem>>, vector<1x16xf32>,
      %slice3A_298 = vector.extract_strided_slice %get3A_251 {offsets = [7], sizes = [1], strides = [1]} : vector<16xi32> to vector<1xi32>
      %squeeze3A_299 = vector.extract %slice3A_298[0] : i32 from vector<1xi32>
      %swap3A_300 = arith.index_cast %squeeze3A_299 : i32 to index
      %swap3A_301 = arith.constant 0 : index
      %swap3A_302 = tpu.vector_load %arg12[%swap3A_300, %swap3A_301] {strides = array<i32>} : memref<100x16xf32, #tpu.memory_space<vmem>>, vector<1x16xf32>,
      %swap3A_303 = vector.shape_cast %swap3A_302 : vector<1x16xf32> to vector<16xf32>
      %swap3A_304 = vector.shape_cast %broadcast_in_dim3A_5 : vector<16xf32> to vector<1x16xf32>
      tpu.vector_store %arg12[%swap3A_300, %swap3A_301], %swap3A_304 {add = true, strides = array<i32>} : memref<100x16xf32, #tpu.memory_space<vmem>>, vector<1x16xf32>,
      %slice3A_305 = vector.extract_strided_slice %get3A_251 {offsets = [8], sizes = [1], strides = [1]} : vector<16xi32> to vector<1xi32>
      %squeeze3A_306 = vector.extract %slice3A_305[0] : i32 from vector<1xi32>
      %swap3A_307 = arith.index_cast %squeeze3A_306 : i32 to index
      %swap3A_308 = arith.constant 0 : index
      %swap3A_309 = tpu.vector_load %arg12[%swap3A_307, %swap3A_308] {strides = array<i32>} : memref<100x16xf32, #tpu.memory_space<vmem>>, vector<1x16xf32>,
      %swap3A_310 = vector.shape_cast %swap3A_309 : vector<1x16xf32> to vector<16xf32>
      %swap3A_311 = vector.shape_cast %broadcast_in_dim3A_5 : vector<16xf32> to vector<1x16xf32>
      tpu.vector_store %arg12[%swap3A_307, %swap3A_308], %swap3A_311 {add = true, strides = array<i32>} : memref<100x16xf32, #tpu.memory_space<vmem>>, vector<1x16xf32>,
      %slice3A_312 = vector.extract_strided_slice %get3A_251 {offsets = [9], sizes = [1], strides = [1]} : vector<16xi32> to vector<1xi32>
      %squeeze3A_313 = vector.extract %slice3A_312[0] : i32 from vector<1xi32>
      %swap3A_314 = arith.index_cast %squeeze3A_313 : i32 to index
      %swap3A_315 = arith.constant 0 : index
      %swap3A_316 = tpu.vector_load %arg12[%swap3A_314, %swap3A_315] {strides = array<i32>} : memref<100x16xf32, #tpu.memory_space<vmem>>, vector<1x16xf32>,
      %swap3A_317 = vector.shape_cast %swap3A_316 : vector<1x16xf32> to vector<16xf32>
      %swap3A_318 = vector.shape_cast %broadcast_in_dim3A_5 : vector<16xf32> to vector<1x16xf32>
      tpu.vector_store %arg12[%swap3A_314, %swap3A_315], %swap3A_318 {add = true, strides = array<i32>} : memref<100x16xf32, #tpu.memory_space<vmem>>, vector<1x16xf32>,
      %slice3A_319 = vector.extract_strided_slice %get3A_251 {offsets = [10], sizes = [1], strides = [1]} : vector<16xi32> to vector<1xi32>
      %squeeze3A_320 = vector.extract %slice3A_319[0] : i32 from vector<1xi32>
      %swap3A_321 = arith.index_cast %squeeze3A_320 : i32 to index
      %swap3A_322 = arith.constant 0 : index
      %swap3A_323 = tpu.vector_load %arg12[%swap3A_321, %swap3A_322] {strides = array<i32>} : memref<100x16xf32, #tpu.memory_space<vmem>>, vector<1x16xf32>,
      %swap3A_324 = vector.shape_cast %swap3A_323 : vector<1x16xf32> to vector<16xf32>
      %swap3A_325 = vector.shape_cast %broadcast_in_dim3A_5 : vector<16xf32> to vector<1x16xf32>
      tpu.vector_store %arg12[%swap3A_321, %swap3A_322], %swap3A_325 {add = true, strides = array<i32>} : memref<100x16xf32, #tpu.memory_space<vmem>>, vector<1x16xf32>,
      %slice3A_326 = vector.extract_strided_slice %get3A_251 {offsets = [11], sizes = [1], strides = [1]} : vector<16xi32> to vector<1xi32>
      %squeeze3A_327 = vector.extract %slice3A_326[0] : i32 from vector<1xi32>
      %swap3A_328 = arith.index_cast %squeeze3A_327 : i32 to index
      %swap3A_329 = arith.constant 0 : index
      %swap3A_330 = tpu.vector_load %arg12[%swap3A_328, %swap3A_329] {strides = array<i32>} : memref<100x16xf32, #tpu.memory_space<vmem>>, vector<1x16xf32>,
      %swap3A_331 = vector.shape_cast %swap3A_330 : vector<1x16xf32> to vector<16xf32>
      %swap3A_332 = vector.shape_cast %broadcast_in_dim3A_5 : vector<16xf32> to vector<1x16xf32>
      tpu.vector_store %arg12[%swap3A_328, %swap3A_329], %swap3A_332 {add = true, strides = array<i32>} : memref<100x16xf32, #tpu.memory_space<vmem>>, vector<1x16xf32>,
      %slice3A_333 = vector.extract_strided_slice %get3A_251 {offsets = [12], sizes = [1], strides = [1]} : vector<16xi32> to vector<1xi32>
      %squeeze3A_334 = vector.extract %slice3A_333[0] : i32 from vector<1xi32>
      %swap3A_335 = arith.index_cast %squeeze3A_334 : i32 to index
      %swap3A_336 = arith.constant 0 : index
      %swap3A_337 = tpu.vector_load %arg12[%swap3A_335, %swap3A_336] {strides = array<i32>} : memref<100x16xf32, #tpu.memory_space<vmem>>, vector<1x16xf32>,
      %swap3A_338 = vector.shape_cast %swap3A_337 : vector<1x16xf32> to vector<16xf32>
      %swap3A_339 = vector.shape_cast %broadcast_in_dim3A_5 : vector<16xf32> to vector<1x16xf32>
      tpu.vector_store %arg12[%swap3A_335, %swap3A_336], %swap3A_339 {add = true, strides = array<i32>} : memref<100x16xf32, #tpu.memory_space<vmem>>, vector<1x16xf32>,
      %slice3A_340 = vector.extract_strided_slice %get3A_251 {offsets = [13], sizes = [1], strides = [1]} : vector<16xi32> to vector<1xi32>
      %squeeze3A_341 = vector.extract %slice3A_340[0] : i32 from vector<1xi32>
      %swap3A_342 = arith.index_cast %squeeze3A_341 : i32 to index
      %swap3A_343 = arith.constant 0 : index
      %swap3A_344 = tpu.vector_load %arg12[%swap3A_342, %swap3A_343] {strides = array<i32>} : memref<100x16xf32, #tpu.memory_space<vmem>>, vector<1x16xf32>,
      %swap3A_345 = vector.shape_cast %swap3A_344 : vector<1x16xf32> to vector<16xf32>
      %swap3A_346 = vector.shape_cast %broadcast_in_dim3A_5 : vector<16xf32> to vector<1x16xf32>
      tpu.vector_store %arg12[%swap3A_342, %swap3A_343], %swap3A_346 {add = true, strides = array<i32>} : memref<100x16xf32, #tpu.memory_space<vmem>>, vector<1x16xf32>,
      %slice3A_347 = vector.extract_strided_slice %get3A_251 {offsets = [14], sizes = [1], strides = [1]} : vector<16xi32> to vector<1xi32>
      %squeeze3A_348 = vector.extract %slice3A_347[0] : i32 from vector<1xi32>
      %swap3A_349 = arith.index_cast %squeeze3A_348 : i32 to index
      %swap3A_350 = arith.constant 0 : index
      %swap3A_351 = tpu.vector_load %arg12[%swap3A_349, %swap3A_350] {strides = array<i32>} : memref<100x16xf32, #tpu.memory_space<vmem>>, vector<1x16xf32>,
      %swap3A_352 = vector.shape_cast %swap3A_351 : vector<1x16xf32> to vector<16xf32>
      %swap3A_353 = vector.shape_cast %broadcast_in_dim3A_5 : vector<16xf32> to vector<1x16xf32>
      tpu.vector_store %arg12[%swap3A_349, %swap3A_350], %swap3A_353 {add = true, strides = array<i32>} : memref<100x16xf32, #tpu.memory_space<vmem>>, vector<1x16xf32>,
      %slice3A_354 = vector.extract_strided_slice %get3A_251 {offsets = [15], sizes = [1], strides = [1]} : vector<16xi32> to vector<1xi32>
      %squeeze3A_355 = vector.extract %slice3A_354[0] : i32 from vector<1xi32>
      %swap3A_356 = arith.index_cast %squeeze3A_355 : i32 to index
      %swap3A_357 = arith.constant 0 : index
      %swap3A_358 = tpu.vector_load %arg12[%swap3A_356, %swap3A_357] {strides = array<i32>} : memref<100x16xf32, #tpu.memory_space<vmem>>, vector<1x16xf32>,
      %swap3A_359 = vector.shape_cast %swap3A_358 : vector<1x16xf32> to vector<16xf32>
      %swap3A_360 = vector.shape_cast %broadcast_in_dim3A_5 : vector<16xf32> to vector<1x16xf32>
      tpu.vector_store %arg12[%swap3A_356, %swap3A_357], %swap3A_360 {add = true, strides = array<i32>} : memref<100x16xf32, #tpu.memory_space<vmem>>, vector<1x16xf32>,
      %get3A_361 = arith.index_cast %scan3A_248 : i32 to index
      %get3A_362 = arith.constant 16 : index
      %get3A_363 = tpu.vector_load %arg8[%get3A_361, %get3A_362] {strides = array<i32>} : memref<5x80xi32, #tpu.memory_space<vmem>>, vector<1x16xi32>,
      %get3A_364 = vector.shape_cast %get3A_363 : vector<1x16xi32> to vector<16xi32>
      %slice3A_365 = vector.extract_strided_slice %get3A_364 {offsets = [0], sizes = [1], strides = [1]} : vector<16xi32> to vector<1xi32>
      %squeeze3A_366 = vector.extract %slice3A_365[0] : i32 from vector<1xi32>
      %swap3A_367 = arith.index_cast %squeeze3A_366 : i32 to index
      %swap3A_368 = arith.constant 0 : index
      %swap3A_369 = tpu.vector_load %arg12[%swap3A_367, %swap3A_368] {strides = array<i32>} : memref<100x16xf32, #tpu.memory_space<vmem>>, vector<1x16xf32>,
      %swap3A_370 = vector.shape_cast %swap3A_369 : vector<1x16xf32> to vector<16xf32>
      %swap3A_371 = vector.shape_cast %broadcast_in_dim3A_5 : vector<16xf32> to vector<1x16xf32>
      tpu.vector_store %arg12[%swap3A_367, %swap3A_368], %swap3A_371 {add = true, strides = array<i32>} : memref<100x16xf32, #tpu.memory_space<vmem>>, vector<1x16xf32>,
      %slice3A_372 = vector.extract_strided_slice %get3A_364 {offsets = [1], sizes = [1], strides = [1]} : vector<16xi32> to vector<1xi32>
      %squeeze3A_373 = vector.extract %slice3A_372[0] : i32 from vector<1xi32>
      %swap3A_374 = arith.index_cast %squeeze3A_373 : i32 to index
      %swap3A_375 = arith.constant 0 : index
      %swap3A_376 = tpu.vector_load %arg12[%swap3A_374, %swap3A_375] {strides = array<i32>} : memref<100x16xf32, #tpu.memory_space<vmem>>, vector<1x16xf32>,
      %swap3A_377 = vector.shape_cast %swap3A_376 : vector<1x16xf32> to vector<16xf32>
      %swap3A_378 = vector.shape_cast %broadcast_in_dim3A_5 : vector<16xf32> to vector<1x16xf32>
      tpu.vector_store %arg12[%swap3A_374, %swap3A_375], %swap3A_378 {add = true, strides = array<i32>} : memref<100x16xf32, #tpu.memory_space<vmem>>, vector<1x16xf32>,
      %slice3A_379 = vector.extract_strided_slice %get3A_364 {offsets = [2], sizes = [1], strides = [1]} : vector<16xi32> to vector<1xi32>
      %squeeze3A_380 = vector.extract %slice3A_379[0] : i32 from vector<1xi32>
      %swap3A_381 = arith.index_cast %squeeze3A_380 : i32 to index
      %swap3A_382 = arith.constant 0 : index
      %swap3A_383 = tpu.vector_load %arg12[%swap3A_381, %swap3A_382] {strides = array<i32>} : memref<100x16xf32, #tpu.memory_space<vmem>>, vector<1x16xf32>,
      %swap3A_384 = vector.shape_cast %swap3A_383 : vector<1x16xf32> to vector<16xf32>
      %swap3A_385 = vector.shape_cast %broadcast_in_dim3A_5 : vector<16xf32> to vector<1x16xf32>
      tpu.vector_store %arg12[%swap3A_381, %swap3A_382], %swap3A_385 {add = true, strides = array<i32>} : memref<100x16xf32, #tpu.memory_space<vmem>>, vector<1x16xf32>,
      %slice3A_386 = vector.extract_strided_slice %get3A_364 {offsets = [3], sizes = [1], strides = [1]} : vector<16xi32> to vector<1xi32>
      %squeeze3A_387 = vector.extract %slice3A_386[0] : i32 from vector<1xi32>
      %swap3A_388 = arith.index_cast %squeeze3A_387 : i32 to index
      %swap3A_389 = arith.constant 0 : index
      %swap3A_390 = tpu.vector_load %arg12[%swap3A_388, %swap3A_389] {strides = array<i32>} : memref<100x16xf32, #tpu.memory_space<vmem>>, vector<1x16xf32>,
      %swap3A_391 = vector.shape_cast %swap3A_390 : vector<1x16xf32> to vector<16xf32>
      %swap3A_392 = vector.shape_cast %broadcast_in_dim3A_5 : vector<16xf32> to vector<1x16xf32>
      tpu.vector_store %arg12[%swap3A_388, %swap3A_389], %swap3A_392 {add = true, strides = array<i32>} : memref<100x16xf32, #tpu.memory_space<vmem>>, vector<1x16xf32>,
      %slice3A_393 = vector.extract_strided_slice %get3A_364 {offsets = [4], sizes = [1], strides = [1]} : vector<16xi32> to vector<1xi32>
      %squeeze3A_394 = vector.extract %slice3A_393[0] : i32 from vector<1xi32>
      %swap3A_395 = arith.index_cast %squeeze3A_394 : i32 to index
      %swap3A_396 = arith.constant 0 : index
      %swap3A_397 = tpu.vector_load %arg12[%swap3A_395, %swap3A_396] {strides = array<i32>} : memref<100x16xf32, #tpu.memory_space<vmem>>, vector<1x16xf32>,
      %swap3A_398 = vector.shape_cast %swap3A_397 : vector<1x16xf32> to vector<16xf32>
      %swap3A_399 = vector.shape_cast %broadcast_in_dim3A_5 : vector<16xf32> to vector<1x16xf32>
      tpu.vector_store %arg12[%swap3A_395, %swap3A_396], %swap3A_399 {add = true, strides = array<i32>} : memref<100x16xf32, #tpu.memory_space<vmem>>, vector<1x16xf32>,
      %slice3A_400 = vector.extract_strided_slice %get3A_364 {offsets = [5], sizes = [1], strides = [1]} : vector<16xi32> to vector<1xi32>
      %squeeze3A_401 = vector.extract %slice3A_400[0] : i32 from vector<1xi32>
      %swap3A_402 = arith.index_cast %squeeze3A_401 : i32 to index
      %swap3A_403 = arith.constant 0 : index
      %swap3A_404 = tpu.vector_load %arg12[%swap3A_402, %swap3A_403] {strides = array<i32>} : memref<100x16xf32, #tpu.memory_space<vmem>>, vector<1x16xf32>,
      %swap3A_405 = vector.shape_cast %swap3A_404 : vector<1x16xf32> to vector<16xf32>
      %swap3A_406 = vector.shape_cast %broadcast_in_dim3A_5 : vector<16xf32> to vector<1x16xf32>
      tpu.vector_store %arg12[%swap3A_402, %swap3A_403], %swap3A_406 {add = true, strides = array<i32>} : memref<100x16xf32, #tpu.memory_space<vmem>>, vector<1x16xf32>,
      %slice3A_407 = vector.extract_strided_slice %get3A_364 {offsets = [6], sizes = [1], strides = [1]} : vector<16xi32> to vector<1xi32>
      %squeeze3A_408 = vector.extract %slice3A_407[0] : i32 from vector<1xi32>
      %swap3A_409 = arith.index_cast %squeeze3A_408 : i32 to index
      %swap3A_410 = arith.constant 0 : index
      %swap3A_411 = tpu.vector_load %arg12[%swap3A_409, %swap3A_410] {strides = array<i32>} : memref<100x16xf32, #tpu.memory_space<vmem>>, vector<1x16xf32>,
      %swap3A_412 = vector.shape_cast %swap3A_411 : vector<1x16xf32> to vector<16xf32>
      %swap3A_413 = vector.shape_cast %broadcast_in_dim3A_5 : vector<16xf32> to vector<1x16xf32>
      tpu.vector_store %arg12[%swap3A_409, %swap3A_410], %swap3A_413 {add = true, strides = array<i32>} : memref<100x16xf32, #tpu.memory_space<vmem>>, vector<1x16xf32>,
      %slice3A_414 = vector.extract_strided_slice %get3A_364 {offsets = [7], sizes = [1], strides = [1]} : vector<16xi32> to vector<1xi32>
      %squeeze3A_415 = vector.extract %slice3A_414[0] : i32 from vector<1xi32>
      %swap3A_416 = arith.index_cast %squeeze3A_415 : i32 to index
      %swap3A_417 = arith.constant 0 : index
      %swap3A_418 = tpu.vector_load %arg12[%swap3A_416, %swap3A_417] {strides = array<i32>} : memref<100x16xf32, #tpu.memory_space<vmem>>, vector<1x16xf32>,
      %swap3A_419 = vector.shape_cast %swap3A_418 : vector<1x16xf32> to vector<16xf32>
      %swap3A_420 = vector.shape_cast %broadcast_in_dim3A_5 : vector<16xf32> to vector<1x16xf32>
      tpu.vector_store %arg12[%swap3A_416, %swap3A_417], %swap3A_420 {add = true, strides = array<i32>} : memref<100x16xf32, #tpu.memory_space<vmem>>, vector<1x16xf32>,
      %slice3A_421 = vector.extract_strided_slice %get3A_364 {offsets = [8], sizes = [1], strides = [1]} : vector<16xi32> to vector<1xi32>
      %squeeze3A_422 = vector.extract %slice3A_421[0] : i32 from vector<1xi32>
      %swap3A_423 = arith.index_cast %squeeze3A_422 : i32 to index
      %swap3A_424 = arith.constant 0 : index
      %swap3A_425 = tpu.vector_load %arg12[%swap3A_423, %swap3A_424] {strides = array<i32>} : memref<100x16xf32, #tpu.memory_space<vmem>>, vector<1x16xf32>,
      %swap3A_426 = vector.shape_cast %swap3A_425 : vector<1x16xf32> to vector<16xf32>
      %swap3A_427 = vector.shape_cast %broadcast_in_dim3A_5 : vector<16xf32> to vector<1x16xf32>
      tpu.vector_store %arg12[%swap3A_423, %swap3A_424], %swap3A_427 {add = true, strides = array<i32>} : memref<100x16xf32, #tpu.memory_space<vmem>>, vector<1x16xf32>,
      %slice3A_428 = vector.extract_strided_slice %get3A_364 {offsets = [9], sizes = [1], strides = [1]} : vector<16xi32> to vector<1xi32>
      %squeeze3A_429 = vector.extract %slice3A_428[0] : i32 from vector<1xi32>
      %swap3A_430 = arith.index_cast %squeeze3A_429 : i32 to index
      %swap3A_431 = arith.constant 0 : index
      %swap3A_432 = tpu.vector_load %arg12[%swap3A_430, %swap3A_431] {strides = array<i32>} : memref<100x16xf32, #tpu.memory_space<vmem>>, vector<1x16xf32>,
      %swap3A_433 = vector.shape_cast %swap3A_432 : vector<1x16xf32> to vector<16xf32>
      %swap3A_434 = vector.shape_cast %broadcast_in_dim3A_5 : vector<16xf32> to vector<1x16xf32>
      tpu.vector_store %arg12[%swap3A_430, %swap3A_431], %swap3A_434 {add = true, strides = array<i32>} : memref<100x16xf32, #tpu.memory_space<vmem>>, vector<1x16xf32>,
      %slice3A_435 = vector.extract_strided_slice %get3A_364 {offsets = [10], sizes = [1], strides = [1]} : vector<16xi32> to vector<1xi32>
      %squeeze3A_436 = vector.extract %slice3A_435[0] : i32 from vector<1xi32>
      %swap3A_437 = arith.index_cast %squeeze3A_436 : i32 to index
      %swap3A_438 = arith.constant 0 : index
      %swap3A_439 = tpu.vector_load %arg12[%swap3A_437, %swap3A_438] {strides = array<i32>} : memref<100x16xf32, #tpu.memory_space<vmem>>, vector<1x16xf32>,
      %swap3A_440 = vector.shape_cast %swap3A_439 : vector<1x16xf32> to vector<16xf32>
      %swap3A_441 = vector.shape_cast %broadcast_in_dim3A_5 : vector<16xf32> to vector<1x16xf32>
      tpu.vector_store %arg12[%swap3A_437, %swap3A_438], %swap3A_441 {add = true, strides = array<i32>} : memref<100x16xf32, #tpu.memory_space<vmem>>, vector<1x16xf32>,
      %slice3A_442 = vector.extract_strided_slice %get3A_364 {offsets = [11], sizes = [1], strides = [1]} : vector<16xi32> to vector<1xi32>
      %squeeze3A_443 = vector.extract %slice3A_442[0] : i32 from vector<1xi32>
      %swap3A_444 = arith.index_cast %squeeze3A_443 : i32 to index
      %swap3A_445 = arith.constant 0 : index
      %swap3A_446 = tpu.vector_load %arg12[%swap3A_444, %swap3A_445] {strides = array<i32>} : memref<100x16xf32, #tpu.memory_space<vmem>>, vector<1x16xf32>,
      %swap3A_447 = vector.shape_cast %swap3A_446 : vector<1x16xf32> to vector<16xf32>
      %swap3A_448 = vector.shape_cast %broadcast_in_dim3A_5 : vector<16xf32> to vector<1x16xf32>
      tpu.vector_store %arg12[%swap3A_444, %swap3A_445], %swap3A_448 {add = true, strides = array<i32>} : memref<100x16xf32, #tpu.memory_space<vmem>>, vector<1x16xf32>,
      %slice3A_449 = vector.extract_strided_slice %get3A_364 {offsets = [12], sizes = [1], strides = [1]} : vector<16xi32> to vector<1xi32>
      %squeeze3A_450 = vector.extract %slice3A_449[0] : i32 from vector<1xi32>
      %swap3A_451 = arith.index_cast %squeeze3A_450 : i32 to index
      %swap3A_452 = arith.constant 0 : index
      %swap3A_453 = tpu.vector_load %arg12[%swap3A_451, %swap3A_452] {strides = array<i32>} : memref<100x16xf32, #tpu.memory_space<vmem>>, vector<1x16xf32>,
      %swap3A_454 = vector.shape_cast %swap3A_453 : vector<1x16xf32> to vector<16xf32>
      %swap3A_455 = vector.shape_cast %broadcast_in_dim3A_5 : vector<16xf32> to vector<1x16xf32>
      tpu.vector_store %arg12[%swap3A_451, %swap3A_452], %swap3A_455 {add = true, strides = array<i32>} : memref<100x16xf32, #tpu.memory_space<vmem>>, vector<1x16xf32>,
      %slice3A_456 = vector.extract_strided_slice %get3A_364 {offsets = [13], sizes = [1], strides = [1]} : vector<16xi32> to vector<1xi32>
      %squeeze3A_457 = vector.extract %slice3A_456[0] : i32 from vector<1xi32>
      %swap3A_458 = arith.index_cast %squeeze3A_457 : i32 to index
      %swap3A_459 = arith.constant 0 : index
      %swap3A_460 = tpu.vector_load %arg12[%swap3A_458, %swap3A_459] {strides = array<i32>} : memref<100x16xf32, #tpu.memory_space<vmem>>, vector<1x16xf32>,
      %swap3A_461 = vector.shape_cast %swap3A_460 : vector<1x16xf32> to vector<16xf32>
      %swap3A_462 = vector.shape_cast %broadcast_in_dim3A_5 : vector<16xf32> to vector<1x16xf32>
      tpu.vector_store %arg12[%swap3A_458, %swap3A_459], %swap3A_462 {add = true, strides = array<i32>} : memref<100x16xf32, #tpu.memory_space<vmem>>, vector<1x16xf32>,
      %slice3A_463 = vector.extract_strided_slice %get3A_364 {offsets = [14], sizes = [1], strides = [1]} : vector<16xi32> to vector<1xi32>
      %squeeze3A_464 = vector.extract %slice3A_463[0] : i32 from vector<1xi32>
      %swap3A_465 = arith.index_cast %squeeze3A_464 : i32 to index
      %swap3A_466 = arith.constant 0 : index
      %swap3A_467 = tpu.vector_load %arg12[%swap3A_465, %swap3A_466] {strides = array<i32>} : memref<100x16xf32, #tpu.memory_space<vmem>>, vector<1x16xf32>,
      %swap3A_468 = vector.shape_cast %swap3A_467 : vector<1x16xf32> to vector<16xf32>
      %swap3A_469 = vector.shape_cast %broadcast_in_dim3A_5 : vector<16xf32> to vector<1x16xf32>
      tpu.vector_store %arg12[%swap3A_465, %swap3A_466], %swap3A_469 {add = true, strides = array<i32>} : memref<100x16xf32, #tpu.memory_space<vmem>>, vector<1x16xf32>,
      %slice3A_470 = vector.extract_strided_slice %get3A_364 {offsets = [15], sizes = [1], strides = [1]} : vector<16xi32> to vector<1xi32>
      %squeeze3A_471 = vector.extract %slice3A_470[0] : i32 from vector<1xi32>
      %swap3A_472 = arith.index_cast %squeeze3A_471 : i32 to index
      %swap3A_473 = arith.constant 0 : index
      %swap3A_474 = tpu.vector_load %arg12[%swap3A_472, %swap3A_473] {strides = array<i32>} : memref<100x16xf32, #tpu.memory_space<vmem>>, vector<1x16xf32>,
      %swap3A_475 = vector.shape_cast %swap3A_474 : vector<1x16xf32> to vector<16xf32>
      %swap3A_476 = vector.shape_cast %broadcast_in_dim3A_5 : vector<16xf32> to vector<1x16xf32>
      tpu.vector_store %arg12[%swap3A_472, %swap3A_473], %swap3A_476 {add = true, strides = array<i32>} : memref<100x16xf32, #tpu.memory_space<vmem>>, vector<1x16xf32>,
      %get3A_477 = arith.index_cast %scan3A_248 : i32 to index
      %get3A_478 = arith.constant 32 : index
      %get3A_479 = tpu.vector_load %arg8[%get3A_477, %get3A_478] {strides = array<i32>} : memref<5x80xi32, #tpu.memory_space<vmem>>, vector<1x16xi32>,
      %get3A_480 = vector.shape_cast %get3A_479 : vector<1x16xi32> to vector<16xi32>
      %slice3A_481 = vector.extract_strided_slice %get3A_480 {offsets = [0], sizes = [1], strides = [1]} : vector<16xi32> to vector<1xi32>
      %squeeze3A_482 = vector.extract %slice3A_481[0] : i32 from vector<1xi32>
      %swap3A_483 = arith.index_cast %squeeze3A_482 : i32 to index
      %swap3A_484 = arith.constant 0 : index
      %swap3A_485 = tpu.vector_load %arg12[%swap3A_483, %swap3A_484] {strides = array<i32>} : memref<100x16xf32, #tpu.memory_space<vmem>>, vector<1x16xf32>,
      %swap3A_486 = vector.shape_cast %swap3A_485 : vector<1x16xf32> to vector<16xf32>
      %swap3A_487 = vector.shape_cast %broadcast_in_dim3A_5 : vector<16xf32> to vector<1x16xf32>
      tpu.vector_store %arg12[%swap3A_483, %swap3A_484], %swap3A_487 {add = true, strides = array<i32>} : memref<100x16xf32, #tpu.memory_space<vmem>>, vector<1x16xf32>,
      %slice3A_488 = vector.extract_strided_slice %get3A_480 {offsets = [1], sizes = [1], strides = [1]} : vector<16xi32> to vector<1xi32>
      %squeeze3A_489 = vector.extract %slice3A_488[0] : i32 from vector<1xi32>
      %swap3A_490 = arith.index_cast %squeeze3A_489 : i32 to index
      %swap3A_491 = arith.constant 0 : index
      %swap3A_492 = tpu.vector_load %arg12[%swap3A_490, %swap3A_491] {strides = array<i32>} : memref<100x16xf32, #tpu.memory_space<vmem>>, vector<1x16xf32>,
      %swap3A_493 = vector.shape_cast %swap3A_492 : vector<1x16xf32> to vector<16xf32>
      %swap3A_494 = vector.shape_cast %broadcast_in_dim3A_5 : vector<16xf32> to vector<1x16xf32>
      tpu.vector_store %arg12[%swap3A_490, %swap3A_491], %swap3A_494 {add = true, strides = array<i32>} : memref<100x16xf32, #tpu.memory_space<vmem>>, vector<1x16xf32>,
      %slice3A_495 = vector.extract_strided_slice %get3A_480 {offsets = [2], sizes = [1], strides = [1]} : vector<16xi32> to vector<1xi32>
      %squeeze3A_496 = vector.extract %slice3A_495[0] : i32 from vector<1xi32>
      %swap3A_497 = arith.index_cast %squeeze3A_496 : i32 to index
      %swap3A_498 = arith.constant 0 : index
      %swap3A_499 = tpu.vector_load %arg12[%swap3A_497, %swap3A_498] {strides = array<i32>} : memref<100x16xf32, #tpu.memory_space<vmem>>, vector<1x16xf32>,
      %swap3A_500 = vector.shape_cast %swap3A_499 : vector<1x16xf32> to vector<16xf32>
      %swap3A_501 = vector.shape_cast %broadcast_in_dim3A_5 : vector<16xf32> to vector<1x16xf32>
      tpu.vector_store %arg12[%swap3A_497, %swap3A_498], %swap3A_501 {add = true, strides = array<i32>} : memref<100x16xf32, #tpu.memory_space<vmem>>, vector<1x16xf32>,
      %slice3A_502 = vector.extract_strided_slice %get3A_480 {offsets = [3], sizes = [1], strides = [1]} : vector<16xi32> to vector<1xi32>
      %squeeze3A_503 = vector.extract %slice3A_502[0] : i32 from vector<1xi32>
      %swap3A_504 = arith.index_cast %squeeze3A_503 : i32 to index
      %swap3A_505 = arith.constant 0 : index
      %swap3A_506 = tpu.vector_load %arg12[%swap3A_504, %swap3A_505] {strides = array<i32>} : memref<100x16xf32, #tpu.memory_space<vmem>>, vector<1x16xf32>,
      %swap3A_507 = vector.shape_cast %swap3A_506 : vector<1x16xf32> to vector<16xf32>
      %swap3A_508 = vector.shape_cast %broadcast_in_dim3A_5 : vector<16xf32> to vector<1x16xf32>
      tpu.vector_store %arg12[%swap3A_504, %swap3A_505], %swap3A_508 {add = true, strides = array<i32>} : memref<100x16xf32, #tpu.memory_space<vmem>>, vector<1x16xf32>,
      %slice3A_509 = vector.extract_strided_slice %get3A_480 {offsets = [4], sizes = [1], strides = [1]} : vector<16xi32> to vector<1xi32>
      %squeeze3A_510 = vector.extract %slice3A_509[0] : i32 from vector<1xi32>
      %swap3A_511 = arith.index_cast %squeeze3A_510 : i32 to index
      %swap3A_512 = arith.constant 0 : index
      %swap3A_513 = tpu.vector_load %arg12[%swap3A_511, %swap3A_512] {strides = array<i32>} : memref<100x16xf32, #tpu.memory_space<vmem>>, vector<1x16xf32>,
      %swap3A_514 = vector.shape_cast %swap3A_513 : vector<1x16xf32> to vector<16xf32>
      %swap3A_515 = vector.shape_cast %broadcast_in_dim3A_5 : vector<16xf32> to vector<1x16xf32>
      tpu.vector_store %arg12[%swap3A_511, %swap3A_512], %swap3A_515 {add = true, strides = array<i32>} : memref<100x16xf32, #tpu.memory_space<vmem>>, vector<1x16xf32>,
      %slice3A_516 = vector.extract_strided_slice %get3A_480 {offsets = [5], sizes = [1], strides = [1]} : vector<16xi32> to vector<1xi32>
      %squeeze3A_517 = vector.extract %slice3A_516[0] : i32 from vector<1xi32>
      %swap3A_518 = arith.index_cast %squeeze3A_517 : i32 to index
      %swap3A_519 = arith.constant 0 : index
      %swap3A_520 = tpu.vector_load %arg12[%swap3A_518, %swap3A_519] {strides = array<i32>} : memref<100x16xf32, #tpu.memory_space<vmem>>, vector<1x16xf32>,
      %swap3A_521 = vector.shape_cast %swap3A_520 : vector<1x16xf32> to vector<16xf32>
      %swap3A_522 = vector.shape_cast %broadcast_in_dim3A_5 : vector<16xf32> to vector<1x16xf32>
      tpu.vector_store %arg12[%swap3A_518, %swap3A_519], %swap3A_522 {add = true, strides = array<i32>} : memref<100x16xf32, #tpu.memory_space<vmem>>, vector<1x16xf32>,
      %slice3A_523 = vector.extract_strided_slice %get3A_480 {offsets = [6], sizes = [1], strides = [1]} : vector<16xi32> to vector<1xi32>
      %squeeze3A_524 = vector.extract %slice3A_523[0] : i32 from vector<1xi32>
      %swap3A_525 = arith.index_cast %squeeze3A_524 : i32 to index
      %swap3A_526 = arith.constant 0 : index
      %swap3A_527 = tpu.vector_load %arg12[%swap3A_525, %swap3A_526] {strides = array<i32>} : memref<100x16xf32, #tpu.memory_space<vmem>>, vector<1x16xf32>,
      %swap3A_528 = vector.shape_cast %swap3A_527 : vector<1x16xf32> to vector<16xf32>
      %swap3A_529 = vector.shape_cast %broadcast_in_dim3A_5 : vector<16xf32> to vector<1x16xf32>
      tpu.vector_store %arg12[%swap3A_525, %swap3A_526], %swap3A_529 {add = true, strides = array<i32>} : memref<100x16xf32, #tpu.memory_space<vmem>>, vector<1x16xf32>,
      %slice3A_530 = vector.extract_strided_slice %get3A_480 {offsets = [7], sizes = [1], strides = [1]} : vector<16xi32> to vector<1xi32>
      %squeeze3A_531 = vector.extract %slice3A_530[0] : i32 from vector<1xi32>
      %swap3A_532 = arith.index_cast %squeeze3A_531 : i32 to index
      %swap3A_533 = arith.constant 0 : index
      %swap3A_534 = tpu.vector_load %arg12[%swap3A_532, %swap3A_533] {strides = array<i32>} : memref<100x16xf32, #tpu.memory_space<vmem>>, vector<1x16xf32>,
      %swap3A_535 = vector.shape_cast %swap3A_534 : vector<1x16xf32> to vector<16xf32>
      %swap3A_536 = vector.shape_cast %broadcast_in_dim3A_5 : vector<16xf32> to vector<1x16xf32>
      tpu.vector_store %arg12[%swap3A_532, %swap3A_533], %swap3A_536 {add = true, strides = array<i32>} : memref<100x16xf32, #tpu.memory_space<vmem>>, vector<1x16xf32>,
      %slice3A_537 = vector.extract_strided_slice %get3A_480 {offsets = [8], sizes = [1], strides = [1]} : vector<16xi32> to vector<1xi32>
      %squeeze3A_538 = vector.extract %slice3A_537[0] : i32 from vector<1xi32>
      %swap3A_539 = arith.index_cast %squeeze3A_538 : i32 to index
      %swap3A_540 = arith.constant 0 : index
      %swap3A_541 = tpu.vector_load %arg12[%swap3A_539, %swap3A_540] {strides = array<i32>} : memref<100x16xf32, #tpu.memory_space<vmem>>, vector<1x16xf32>,
      %swap3A_542 = vector.shape_cast %swap3A_541 : vector<1x16xf32> to vector<16xf32>
      %swap3A_543 = vector.shape_cast %broadcast_in_dim3A_5 : vector<16xf32> to vector<1x16xf32>
      tpu.vector_store %arg12[%swap3A_539, %swap3A_540], %swap3A_543 {add = true, strides = array<i32>} : memref<100x16xf32, #tpu.memory_space<vmem>>, vector<1x16xf32>,
      %slice3A_544 = vector.extract_strided_slice %get3A_480 {offsets = [9], sizes = [1], strides = [1]} : vector<16xi32> to vector<1xi32>
      %squeeze3A_545 = vector.extract %slice3A_544[0] : i32 from vector<1xi32>
      %swap3A_546 = arith.index_cast %squeeze3A_545 : i32 to index
      %swap3A_547 = arith.constant 0 : index
      %swap3A_548 = tpu.vector_load %arg12[%swap3A_546, %swap3A_547] {strides = array<i32>} : memref<100x16xf32, #tpu.memory_space<vmem>>, vector<1x16xf32>,
      %swap3A_549 = vector.shape_cast %swap3A_548 : vector<1x16xf32> to vector<16xf32>
      %swap3A_550 = vector.shape_cast %broadcast_in_dim3A_5 : vector<16xf32> to vector<1x16xf32>
      tpu.vector_store %arg12[%swap3A_546, %swap3A_547], %swap3A_550 {add = true, strides = array<i32>} : memref<100x16xf32, #tpu.memory_space<vmem>>, vector<1x16xf32>,
      %slice3A_551 = vector.extract_strided_slice %get3A_480 {offsets = [10], sizes = [1], strides = [1]} : vector<16xi32> to vector<1xi32>
      %squeeze3A_552 = vector.extract %slice3A_551[0] : i32 from vector<1xi32>
      %swap3A_553 = arith.index_cast %squeeze3A_552 : i32 to index
      %swap3A_554 = arith.constant 0 : index
      %swap3A_555 = tpu.vector_load %arg12[%swap3A_553, %swap3A_554] {strides = array<i32>} : memref<100x16xf32, #tpu.memory_space<vmem>>, vector<1x16xf32>,
      %swap3A_556 = vector.shape_cast %swap3A_555 : vector<1x16xf32> to vector<16xf32>
      %swap3A_557 = vector.shape_cast %broadcast_in_dim3A_5 : vector<16xf32> to vector<1x16xf32>
      tpu.vector_store %arg12[%swap3A_553, %swap3A_554], %swap3A_557 {add = true, strides = array<i32>} : memref<100x16xf32, #tpu.memory_space<vmem>>, vector<1x16xf32>,
      %slice3A_558 = vector.extract_strided_slice %get3A_480 {offsets = [11], sizes = [1], strides = [1]} : vector<16xi32> to vector<1xi32>
      %squeeze3A_559 = vector.extract %slice3A_558[0] : i32 from vector<1xi32>
      %swap3A_560 = arith.index_cast %squeeze3A_559 : i32 to index
      %swap3A_561 = arith.constant 0 : index
      %swap3A_562 = tpu.vector_load %arg12[%swap3A_560, %swap3A_561] {strides = array<i32>} : memref<100x16xf32, #tpu.memory_space<vmem>>, vector<1x16xf32>,
      %swap3A_563 = vector.shape_cast %swap3A_562 : vector<1x16xf32> to vector<16xf32>
      %swap3A_564 = vector.shape_cast %broadcast_in_dim3A_5 : vector<16xf32> to vector<1x16xf32>
      tpu.vector_store %arg12[%swap3A_560, %swap3A_561], %swap3A_564 {add = true, strides = array<i32>} : memref<100x16xf32, #tpu.memory_space<vmem>>, vector<1x16xf32>,
      %slice3A_565 = vector.extract_strided_slice %get3A_480 {offsets = [12], sizes = [1], strides = [1]} : vector<16xi32> to vector<1xi32>
      %squeeze3A_566 = vector.extract %slice3A_565[0] : i32 from vector<1xi32>
      %swap3A_567 = arith.index_cast %squeeze3A_566 : i32 to index
      %swap3A_568 = arith.constant 0 : index
      %swap3A_569 = tpu.vector_load %arg12[%swap3A_567, %swap3A_568] {strides = array<i32>} : memref<100x16xf32, #tpu.memory_space<vmem>>, vector<1x16xf32>,
      %swap3A_570 = vector.shape_cast %swap3A_569 : vector<1x16xf32> to vector<16xf32>
      %swap3A_571 = vector.shape_cast %broadcast_in_dim3A_5 : vector<16xf32> to vector<1x16xf32>
      tpu.vector_store %arg12[%swap3A_567, %swap3A_568], %swap3A_571 {add = true, strides = array<i32>} : memref<100x16xf32, #tpu.memory_space<vmem>>, vector<1x16xf32>,
      %slice3A_572 = vector.extract_strided_slice %get3A_480 {offsets = [13], sizes = [1], strides = [1]} : vector<16xi32> to vector<1xi32>
      %squeeze3A_573 = vector.extract %slice3A_572[0] : i32 from vector<1xi32>
      %swap3A_574 = arith.index_cast %squeeze3A_573 : i32 to index
      %swap3A_575 = arith.constant 0 : index
      %swap3A_576 = tpu.vector_load %arg12[%swap3A_574, %swap3A_575] {strides = array<i32>} : memref<100x16xf32, #tpu.memory_space<vmem>>, vector<1x16xf32>,
      %swap3A_577 = vector.shape_cast %swap3A_576 : vector<1x16xf32> to vector<16xf32>
      %swap3A_578 = vector.shape_cast %broadcast_in_dim3A_5 : vector<16xf32> to vector<1x16xf32>
      tpu.vector_store %arg12[%swap3A_574, %swap3A_575], %swap3A_578 {add = true, strides = array<i32>} : memref<100x16xf32, #tpu.memory_space<vmem>>, vector<1x16xf32>,
      %slice3A_579 = vector.extract_strided_slice %get3A_480 {offsets = [14], sizes = [1], strides = [1]} : vector<16xi32> to vector<1xi32>
      %squeeze3A_580 = vector.extract %slice3A_579[0] : i32 from vector<1xi32>
      %swap3A_581 = arith.index_cast %squeeze3A_580 : i32 to index
      %swap3A_582 = arith.constant 0 : index
      %swap3A_583 = tpu.vector_load %arg12[%swap3A_581, %swap3A_582] {strides = array<i32>} : memref<100x16xf32, #tpu.memory_space<vmem>>, vector<1x16xf32>,
      %swap3A_584 = vector.shape_cast %swap3A_583 : vector<1x16xf32> to vector<16xf32>
      %swap3A_585 = vector.shape_cast %broadcast_in_dim3A_5 : vector<16xf32> to vector<1x16xf32>
      tpu.vector_store %arg12[%swap3A_581, %swap3A_582], %swap3A_585 {add = true, strides = array<i32>} : memref<100x16xf32, #tpu.memory_space<vmem>>, vector<1x16xf32>,
      %slice3A_586 = vector.extract_strided_slice %get3A_480 {offsets = [15], sizes = [1], strides = [1]} : vector<16xi32> to vector<1xi32>
      %squeeze3A_587 = vector.extract %slice3A_586[0] : i32 from vector<1xi32>
      %swap3A_588 = arith.index_cast %squeeze3A_587 : i32 to index
      %swap3A_589 = arith.constant 0 : index
      %swap3A_590 = tpu.vector_load %arg12[%swap3A_588, %swap3A_589] {strides = array<i32>} : memref<100x16xf32, #tpu.memory_space<vmem>>, vector<1x16xf32>,
      %swap3A_591 = vector.shape_cast %swap3A_590 : vector<1x16xf32> to vector<16xf32>
      %swap3A_592 = vector.shape_cast %broadcast_in_dim3A_5 : vector<16xf32> to vector<1x16xf32>
      tpu.vector_store %arg12[%swap3A_588, %swap3A_589], %swap3A_592 {add = true, strides = array<i32>} : memref<100x16xf32, #tpu.memory_space<vmem>>, vector<1x16xf32>,
      %get3A_593 = arith.index_cast %scan3A_248 : i32 to index
      %get3A_594 = arith.constant 48 : index
      %get3A_595 = tpu.vector_load %arg8[%get3A_593, %get3A_594] {strides = array<i32>} : memref<5x80xi32, #tpu.memory_space<vmem>>, vector<1x16xi32>,
      %get3A_596 = vector.shape_cast %get3A_595 : vector<1x16xi32> to vector<16xi32>
      %slice3A_597 = vector.extract_strided_slice %get3A_596 {offsets = [0], sizes = [1], strides = [1]} : vector<16xi32> to vector<1xi32>
      %squeeze3A_598 = vector.extract %slice3A_597[0] : i32 from vector<1xi32>
      %swap3A_599 = arith.index_cast %squeeze3A_598 : i32 to index
      %swap3A_600 = arith.constant 0 : index
      %swap3A_601 = tpu.vector_load %arg12[%swap3A_599, %swap3A_600] {strides = array<i32>} : memref<100x16xf32, #tpu.memory_space<vmem>>, vector<1x16xf32>,
      %swap3A_602 = vector.shape_cast %swap3A_601 : vector<1x16xf32> to vector<16xf32>
      %swap3A_603 = vector.shape_cast %broadcast_in_dim3A_5 : vector<16xf32> to vector<1x16xf32>
      tpu.vector_store %arg12[%swap3A_599, %swap3A_600], %swap3A_603 {add = true, strides = array<i32>} : memref<100x16xf32, #tpu.memory_space<vmem>>, vector<1x16xf32>,
      %slice3A_604 = vector.extract_strided_slice %get3A_596 {offsets = [1], sizes = [1], strides = [1]} : vector<16xi32> to vector<1xi32>
      %squeeze3A_605 = vector.extract %slice3A_604[0] : i32 from vector<1xi32>
      %swap3A_606 = arith.index_cast %squeeze3A_605 : i32 to index
      %swap3A_607 = arith.constant 0 : index
      %swap3A_608 = tpu.vector_load %arg12[%swap3A_606, %swap3A_607] {strides = array<i32>} : memref<100x16xf32, #tpu.memory_space<vmem>>, vector<1x16xf32>,
      %swap3A_609 = vector.shape_cast %swap3A_608 : vector<1x16xf32> to vector<16xf32>
      %swap3A_610 = vector.shape_cast %broadcast_in_dim3A_5 : vector<16xf32> to vector<1x16xf32>
      tpu.vector_store %arg12[%swap3A_606, %swap3A_607], %swap3A_610 {add = true, strides = array<i32>} : memref<100x16xf32, #tpu.memory_space<vmem>>, vector<1x16xf32>,
      %slice3A_611 = vector.extract_strided_slice %get3A_596 {offsets = [2], sizes = [1], strides = [1]} : vector<16xi32> to vector<1xi32>
      %squeeze3A_612 = vector.extract %slice3A_611[0] : i32 from vector<1xi32>
      %swap3A_613 = arith.index_cast %squeeze3A_612 : i32 to index
      %swap3A_614 = arith.constant 0 : index
      %swap3A_615 = tpu.vector_load %arg12[%swap3A_613, %swap3A_614] {strides = array<i32>} : memref<100x16xf32, #tpu.memory_space<vmem>>, vector<1x16xf32>,
      %swap3A_616 = vector.shape_cast %swap3A_615 : vector<1x16xf32> to vector<16xf32>
      %swap3A_617 = vector.shape_cast %broadcast_in_dim3A_5 : vector<16xf32> to vector<1x16xf32>
      tpu.vector_store %arg12[%swap3A_613, %swap3A_614], %swap3A_617 {add = true, strides = array<i32>} : memref<100x16xf32, #tpu.memory_space<vmem>>, vector<1x16xf32>,
      %slice3A_618 = vector.extract_strided_slice %get3A_596 {offsets = [3], sizes = [1], strides = [1]} : vector<16xi32> to vector<1xi32>
      %squeeze3A_619 = vector.extract %slice3A_618[0] : i32 from vector<1xi32>
      %swap3A_620 = arith.index_cast %squeeze3A_619 : i32 to index
      %swap3A_621 = arith.constant 0 : index
      %swap3A_622 = tpu.vector_load %arg12[%swap3A_620, %swap3A_621] {strides = array<i32>} : memref<100x16xf32, #tpu.memory_space<vmem>>, vector<1x16xf32>,
      %swap3A_623 = vector.shape_cast %swap3A_622 : vector<1x16xf32> to vector<16xf32>
      %swap3A_624 = vector.shape_cast %broadcast_in_dim3A_5 : vector<16xf32> to vector<1x16xf32>
      tpu.vector_store %arg12[%swap3A_620, %swap3A_621], %swap3A_624 {add = true, strides = array<i32>} : memref<100x16xf32, #tpu.memory_space<vmem>>, vector<1x16xf32>,
      %slice3A_625 = vector.extract_strided_slice %get3A_596 {offsets = [4], sizes = [1], strides = [1]} : vector<16xi32> to vector<1xi32>
      %squeeze3A_626 = vector.extract %slice3A_625[0] : i32 from vector<1xi32>
      %swap3A_627 = arith.index_cast %squeeze3A_626 : i32 to index
      %swap3A_628 = arith.constant 0 : index
      %swap3A_629 = tpu.vector_load %arg12[%swap3A_627, %swap3A_628] {strides = array<i32>} : memref<100x16xf32, #tpu.memory_space<vmem>>, vector<1x16xf32>,
      %swap3A_630 = vector.shape_cast %swap3A_629 : vector<1x16xf32> to vector<16xf32>
      %swap3A_631 = vector.shape_cast %broadcast_in_dim3A_5 : vector<16xf32> to vector<1x16xf32>
      tpu.vector_store %arg12[%swap3A_627, %swap3A_628], %swap3A_631 {add = true, strides = array<i32>} : memref<100x16xf32, #tpu.memory_space<vmem>>, vector<1x16xf32>,
      %slice3A_632 = vector.extract_strided_slice %get3A_596 {offsets = [5], sizes = [1], strides = [1]} : vector<16xi32> to vector<1xi32>
      %squeeze3A_633 = vector.extract %slice3A_632[0] : i32 from vector<1xi32>
      %swap3A_634 = arith.index_cast %squeeze3A_633 : i32 to index
      %swap3A_635 = arith.constant 0 : index
      %swap3A_636 = tpu.vector_load %arg12[%swap3A_634, %swap3A_635] {strides = array<i32>} : memref<100x16xf32, #tpu.memory_space<vmem>>, vector<1x16xf32>,
      %swap3A_637 = vector.shape_cast %swap3A_636 : vector<1x16xf32> to vector<16xf32>
      %swap3A_638 = vector.shape_cast %broadcast_in_dim3A_5 : vector<16xf32> to vector<1x16xf32>
      tpu.vector_store %arg12[%swap3A_634, %swap3A_635], %swap3A_638 {add = true, strides = array<i32>} : memref<100x16xf32, #tpu.memory_space<vmem>>, vector<1x16xf32>,
      %slice3A_639 = vector.extract_strided_slice %get3A_596 {offsets = [6], sizes = [1], strides = [1]} : vector<16xi32> to vector<1xi32>
      %squeeze3A_640 = vector.extract %slice3A_639[0] : i32 from vector<1xi32>
      %swap3A_641 = arith.index_cast %squeeze3A_640 : i32 to index
      %swap3A_642 = arith.constant 0 : index
      %swap3A_643 = tpu.vector_load %arg12[%swap3A_641, %swap3A_642] {strides = array<i32>} : memref<100x16xf32, #tpu.memory_space<vmem>>, vector<1x16xf32>,
      %swap3A_644 = vector.shape_cast %swap3A_643 : vector<1x16xf32> to vector<16xf32>
      %swap3A_645 = vector.shape_cast %broadcast_in_dim3A_5 : vector<16xf32> to vector<1x16xf32>
      tpu.vector_store %arg12[%swap3A_641, %swap3A_642], %swap3A_645 {add = true, strides = array<i32>} : memref<100x16xf32, #tpu.memory_space<vmem>>, vector<1x16xf32>,
      %slice3A_646 = vector.extract_strided_slice %get3A_596 {offsets = [7], sizes = [1], strides = [1]} : vector<16xi32> to vector<1xi32>
      %squeeze3A_647 = vector.extract %slice3A_646[0] : i32 from vector<1xi32>
      %swap3A_648 = arith.index_cast %squeeze3A_647 : i32 to index
      %swap3A_649 = arith.constant 0 : index
      %swap3A_650 = tpu.vector_load %arg12[%swap3A_648, %swap3A_649] {strides = array<i32>} : memref<100x16xf32, #tpu.memory_space<vmem>>, vector<1x16xf32>,
      %swap3A_651 = vector.shape_cast %swap3A_650 : vector<1x16xf32> to vector<16xf32>
      %swap3A_652 = vector.shape_cast %broadcast_in_dim3A_5 : vector<16xf32> to vector<1x16xf32>
      tpu.vector_store %arg12[%swap3A_648, %swap3A_649], %swap3A_652 {add = true, strides = array<i32>} : memref<100x16xf32, #tpu.memory_space<vmem>>, vector<1x16xf32>,
      %slice3A_653 = vector.extract_strided_slice %get3A_596 {offsets = [8], sizes = [1], strides = [1]} : vector<16xi32> to vector<1xi32>
      %squeeze3A_654 = vector.extract %slice3A_653[0] : i32 from vector<1xi32>
      %swap3A_655 = arith.index_cast %squeeze3A_654 : i32 to index
      %swap3A_656 = arith.constant 0 : index
      %swap3A_657 = tpu.vector_load %arg12[%swap3A_655, %swap3A_656] {strides = array<i32>} : memref<100x16xf32, #tpu.memory_space<vmem>>, vector<1x16xf32>,
      %swap3A_658 = vector.shape_cast %swap3A_657 : vector<1x16xf32> to vector<16xf32>
      %swap3A_659 = vector.shape_cast %broadcast_in_dim3A_5 : vector<16xf32> to vector<1x16xf32>
      tpu.vector_store %arg12[%swap3A_655, %swap3A_656], %swap3A_659 {add = true, strides = array<i32>} : memref<100x16xf32, #tpu.memory_space<vmem>>, vector<1x16xf32>,
      %slice3A_660 = vector.extract_strided_slice %get3A_596 {offsets = [9], sizes = [1], strides = [1]} : vector<16xi32> to vector<1xi32>
      %squeeze3A_661 = vector.extract %slice3A_660[0] : i32 from vector<1xi32>
      %swap3A_662 = arith.index_cast %squeeze3A_661 : i32 to index
      %swap3A_663 = arith.constant 0 : index
      %swap3A_664 = tpu.vector_load %arg12[%swap3A_662, %swap3A_663] {strides = array<i32>} : memref<100x16xf32, #tpu.memory_space<vmem>>, vector<1x16xf32>,
      %swap3A_665 = vector.shape_cast %swap3A_664 : vector<1x16xf32> to vector<16xf32>
      %swap3A_666 = vector.shape_cast %broadcast_in_dim3A_5 : vector<16xf32> to vector<1x16xf32>
      tpu.vector_store %arg12[%swap3A_662, %swap3A_663], %swap3A_666 {add = true, strides = array<i32>} : memref<100x16xf32, #tpu.memory_space<vmem>>, vector<1x16xf32>,
      %slice3A_667 = vector.extract_strided_slice %get3A_596 {offsets = [10], sizes = [1], strides = [1]} : vector<16xi32> to vector<1xi32>
      %squeeze3A_668 = vector.extract %slice3A_667[0] : i32 from vector<1xi32>
      %swap3A_669 = arith.index_cast %squeeze3A_668 : i32 to index
      %swap3A_670 = arith.constant 0 : index
      %swap3A_671 = tpu.vector_load %arg12[%swap3A_669, %swap3A_670] {strides = array<i32>} : memref<100x16xf32, #tpu.memory_space<vmem>>, vector<1x16xf32>,
      %swap3A_672 = vector.shape_cast %swap3A_671 : vector<1x16xf32> to vector<16xf32>
      %swap3A_673 = vector.shape_cast %broadcast_in_dim3A_5 : vector<16xf32> to vector<1x16xf32>
      tpu.vector_store %arg12[%swap3A_669, %swap3A_670], %swap3A_673 {add = true, strides = array<i32>} : memref<100x16xf32, #tpu.memory_space<vmem>>, vector<1x16xf32>,
      %slice3A_674 = vector.extract_strided_slice %get3A_596 {offsets = [11], sizes = [1], strides = [1]} : vector<16xi32> to vector<1xi32>
      %squeeze3A_675 = vector.extract %slice3A_674[0] : i32 from vector<1xi32>
      %swap3A_676 = arith.index_cast %squeeze3A_675 : i32 to index
      %swap3A_677 = arith.constant 0 : index
      %swap3A_678 = tpu.vector_load %arg12[%swap3A_676, %swap3A_677] {strides = array<i32>} : memref<100x16xf32, #tpu.memory_space<vmem>>, vector<1x16xf32>,
      %swap3A_679 = vector.shape_cast %swap3A_678 : vector<1x16xf32> to vector<16xf32>
      %swap3A_680 = vector.shape_cast %broadcast_in_dim3A_5 : vector<16xf32> to vector<1x16xf32>
      tpu.vector_store %arg12[%swap3A_676, %swap3A_677], %swap3A_680 {add = true, strides = array<i32>} : memref<100x16xf32, #tpu.memory_space<vmem>>, vector<1x16xf32>,
      %slice3A_681 = vector.extract_strided_slice %get3A_596 {offsets = [12], sizes = [1], strides = [1]} : vector<16xi32> to vector<1xi32>
      %squeeze3A_682 = vector.extract %slice3A_681[0] : i32 from vector<1xi32>
      %swap3A_683 = arith.index_cast %squeeze3A_682 : i32 to index
      %swap3A_684 = arith.constant 0 : index
      %swap3A_685 = tpu.vector_load %arg12[%swap3A_683, %swap3A_684] {strides = array<i32>} : memref<100x16xf32, #tpu.memory_space<vmem>>, vector<1x16xf32>,
      %swap3A_686 = vector.shape_cast %swap3A_685 : vector<1x16xf32> to vector<16xf32>
      %swap3A_687 = vector.shape_cast %broadcast_in_dim3A_5 : vector<16xf32> to vector<1x16xf32>
      tpu.vector_store %arg12[%swap3A_683, %swap3A_684], %swap3A_687 {add = true, strides = array<i32>} : memref<100x16xf32, #tpu.memory_space<vmem>>, vector<1x16xf32>,
      %slice3A_688 = vector.extract_strided_slice %get3A_596 {offsets = [13], sizes = [1], strides = [1]} : vector<16xi32> to vector<1xi32>
      %squeeze3A_689 = vector.extract %slice3A_688[0] : i32 from vector<1xi32>
      %swap3A_690 = arith.index_cast %squeeze3A_689 : i32 to index
      %swap3A_691 = arith.constant 0 : index
      %swap3A_692 = tpu.vector_load %arg12[%swap3A_690, %swap3A_691] {strides = array<i32>} : memref<100x16xf32, #tpu.memory_space<vmem>>, vector<1x16xf32>,
      %swap3A_693 = vector.shape_cast %swap3A_692 : vector<1x16xf32> to vector<16xf32>
      %swap3A_694 = vector.shape_cast %broadcast_in_dim3A_5 : vector<16xf32> to vector<1x16xf32>
      tpu.vector_store %arg12[%swap3A_690, %swap3A_691], %swap3A_694 {add = true, strides = array<i32>} : memref<100x16xf32, #tpu.memory_space<vmem>>, vector<1x16xf32>,
      %slice3A_695 = vector.extract_strided_slice %get3A_596 {offsets = [14], sizes = [1], strides = [1]} : vector<16xi32> to vector<1xi32>
      %squeeze3A_696 = vector.extract %slice3A_695[0] : i32 from vector<1xi32>
      %swap3A_697 = arith.index_cast %squeeze3A_696 : i32 to index
      %swap3A_698 = arith.constant 0 : index
      %swap3A_699 = tpu.vector_load %arg12[%swap3A_697, %swap3A_698] {strides = array<i32>} : memref<100x16xf32, #tpu.memory_space<vmem>>, vector<1x16xf32>,
      %swap3A_700 = vector.shape_cast %swap3A_699 : vector<1x16xf32> to vector<16xf32>
      %swap3A_701 = vector.shape_cast %broadcast_in_dim3A_5 : vector<16xf32> to vector<1x16xf32>
      tpu.vector_store %arg12[%swap3A_697, %swap3A_698], %swap3A_701 {add = true, strides = array<i32>} : memref<100x16xf32, #tpu.memory_space<vmem>>, vector<1x16xf32>,
      %slice3A_702 = vector.extract_strided_slice %get3A_596 {offsets = [15], sizes = [1], strides = [1]} : vector<16xi32> to vector<1xi32>
      %squeeze3A_703 = vector.extract %slice3A_702[0] : i32 from vector<1xi32>
      %swap3A_704 = arith.index_cast %squeeze3A_703 : i32 to index
      %swap3A_705 = arith.constant 0 : index
      %swap3A_706 = tpu.vector_load %arg12[%swap3A_704, %swap3A_705] {strides = array<i32>} : memref<100x16xf32, #tpu.memory_space<vmem>>, vector<1x16xf32>,
      %swap3A_707 = vector.shape_cast %swap3A_706 : vector<1x16xf32> to vector<16xf32>
      %swap3A_708 = vector.shape_cast %broadcast_in_dim3A_5 : vector<16xf32> to vector<1x16xf32>
      tpu.vector_store %arg12[%swap3A_704, %swap3A_705], %swap3A_708 {add = true, strides = array<i32>} : memref<100x16xf32, #tpu.memory_space<vmem>>, vector<1x16xf32>,
      %get3A_709 = arith.index_cast %scan3A_248 : i32 to index
      %get3A_710 = arith.constant 64 : index
      %get3A_711 = tpu.vector_load %arg8[%get3A_709, %get3A_710] {strides = array<i32>} : memref<5x80xi32, #tpu.memory_space<vmem>>, vector<1x16xi32>,
      %get3A_712 = vector.shape_cast %get3A_711 : vector<1x16xi32> to vector<16xi32>
      %slice3A_713 = vector.extract_strided_slice %get3A_712 {offsets = [0], sizes = [1], strides = [1]} : vector<16xi32> to vector<1xi32>
      %squeeze3A_714 = vector.extract %slice3A_713[0] : i32 from vector<1xi32>
      %swap3A_715 = arith.index_cast %squeeze3A_714 : i32 to index
      %swap3A_716 = arith.constant 0 : index
      %swap3A_717 = tpu.vector_load %arg12[%swap3A_715, %swap3A_716] {strides = array<i32>} : memref<100x16xf32, #tpu.memory_space<vmem>>, vector<1x16xf32>,
      %swap3A_718 = vector.shape_cast %swap3A_717 : vector<1x16xf32> to vector<16xf32>
      %swap3A_719 = vector.shape_cast %broadcast_in_dim3A_5 : vector<16xf32> to vector<1x16xf32>
      tpu.vector_store %arg12[%swap3A_715, %swap3A_716], %swap3A_719 {add = true, strides = array<i32>} : memref<100x16xf32, #tpu.memory_space<vmem>>, vector<1x16xf32>,
      %slice3A_720 = vector.extract_strided_slice %get3A_712 {offsets = [1], sizes = [1], strides = [1]} : vector<16xi32> to vector<1xi32>
      %squeeze3A_721 = vector.extract %slice3A_720[0] : i32 from vector<1xi32>
      %swap3A_722 = arith.index_cast %squeeze3A_721 : i32 to index
      %swap3A_723 = arith.constant 0 : index
      %swap3A_724 = tpu.vector_load %arg12[%swap3A_722, %swap3A_723] {strides = array<i32>} : memref<100x16xf32, #tpu.memory_space<vmem>>, vector<1x16xf32>,
      %swap3A_725 = vector.shape_cast %swap3A_724 : vector<1x16xf32> to vector<16xf32>
      %swap3A_726 = vector.shape_cast %broadcast_in_dim3A_5 : vector<16xf32> to vector<1x16xf32>
      tpu.vector_store %arg12[%swap3A_722, %swap3A_723], %swap3A_726 {add = true, strides = array<i32>} : memref<100x16xf32, #tpu.memory_space<vmem>>, vector<1x16xf32>,
      %slice3A_727 = vector.extract_strided_slice %get3A_712 {offsets = [2], sizes = [1], strides = [1]} : vector<16xi32> to vector<1xi32>
      %squeeze3A_728 = vector.extract %slice3A_727[0] : i32 from vector<1xi32>
      %swap3A_729 = arith.index_cast %squeeze3A_728 : i32 to index
      %swap3A_730 = arith.constant 0 : index
      %swap3A_731 = tpu.vector_load %arg12[%swap3A_729, %swap3A_730] {strides = array<i32>} : memref<100x16xf32, #tpu.memory_space<vmem>>, vector<1x16xf32>,
      %swap3A_732 = vector.shape_cast %swap3A_731 : vector<1x16xf32> to vector<16xf32>
      %swap3A_733 = vector.shape_cast %broadcast_in_dim3A_5 : vector<16xf32> to vector<1x16xf32>
      tpu.vector_store %arg12[%swap3A_729, %swap3A_730], %swap3A_733 {add = true, strides = array<i32>} : memref<100x16xf32, #tpu.memory_space<vmem>>, vector<1x16xf32>,
      %slice3A_734 = vector.extract_strided_slice %get3A_712 {offsets = [3], sizes = [1], strides = [1]} : vector<16xi32> to vector<1xi32>
      %squeeze3A_735 = vector.extract %slice3A_734[0] : i32 from vector<1xi32>
      %swap3A_736 = arith.index_cast %squeeze3A_735 : i32 to index
      %swap3A_737 = arith.constant 0 : index
      %swap3A_738 = tpu.vector_load %arg12[%swap3A_736, %swap3A_737] {strides = array<i32>} : memref<100x16xf32, #tpu.memory_space<vmem>>, vector<1x16xf32>,
      %swap3A_739 = vector.shape_cast %swap3A_738 : vector<1x16xf32> to vector<16xf32>
      %swap3A_740 = vector.shape_cast %broadcast_in_dim3A_5 : vector<16xf32> to vector<1x16xf32>
      tpu.vector_store %arg12[%swap3A_736, %swap3A_737], %swap3A_740 {add = true, strides = array<i32>} : memref<100x16xf32, #tpu.memory_space<vmem>>, vector<1x16xf32>,
      %slice3A_741 = vector.extract_strided_slice %get3A_712 {offsets = [4], sizes = [1], strides = [1]} : vector<16xi32> to vector<1xi32>
      %squeeze3A_742 = vector.extract %slice3A_741[0] : i32 from vector<1xi32>
      %swap3A_743 = arith.index_cast %squeeze3A_742 : i32 to index
      %swap3A_744 = arith.constant 0 : index
      %swap3A_745 = tpu.vector_load %arg12[%swap3A_743, %swap3A_744] {strides = array<i32>} : memref<100x16xf32, #tpu.memory_space<vmem>>, vector<1x16xf32>,
      %swap3A_746 = vector.shape_cast %swap3A_745 : vector<1x16xf32> to vector<16xf32>
      %swap3A_747 = vector.shape_cast %broadcast_in_dim3A_5 : vector<16xf32> to vector<1x16xf32>
      tpu.vector_store %arg12[%swap3A_743, %swap3A_744], %swap3A_747 {add = true, strides = array<i32>} : memref<100x16xf32, #tpu.memory_space<vmem>>, vector<1x16xf32>,
      %slice3A_748 = vector.extract_strided_slice %get3A_712 {offsets = [5], sizes = [1], strides = [1]} : vector<16xi32> to vector<1xi32>
      %squeeze3A_749 = vector.extract %slice3A_748[0] : i32 from vector<1xi32>
      %swap3A_750 = arith.index_cast %squeeze3A_749 : i32 to index
      %swap3A_751 = arith.constant 0 : index
      %swap3A_752 = tpu.vector_load %arg12[%swap3A_750, %swap3A_751] {strides = array<i32>} : memref<100x16xf32, #tpu.memory_space<vmem>>, vector<1x16xf32>,
      %swap3A_753 = vector.shape_cast %swap3A_752 : vector<1x16xf32> to vector<16xf32>
      %swap3A_754 = vector.shape_cast %broadcast_in_dim3A_5 : vector<16xf32> to vector<1x16xf32>
      tpu.vector_store %arg12[%swap3A_750, %swap3A_751], %swap3A_754 {add = true, strides = array<i32>} : memref<100x16xf32, #tpu.memory_space<vmem>>, vector<1x16xf32>,
      %slice3A_755 = vector.extract_strided_slice %get3A_712 {offsets = [6], sizes = [1], strides = [1]} : vector<16xi32> to vector<1xi32>
      %squeeze3A_756 = vector.extract %slice3A_755[0] : i32 from vector<1xi32>
      %swap3A_757 = arith.index_cast %squeeze3A_756 : i32 to index
      %swap3A_758 = arith.constant 0 : index
      %swap3A_759 = tpu.vector_load %arg12[%swap3A_757, %swap3A_758] {strides = array<i32>} : memref<100x16xf32, #tpu.memory_space<vmem>>, vector<1x16xf32>,
      %swap3A_760 = vector.shape_cast %swap3A_759 : vector<1x16xf32> to vector<16xf32>
      %swap3A_761 = vector.shape_cast %broadcast_in_dim3A_5 : vector<16xf32> to vector<1x16xf32>
      tpu.vector_store %arg12[%swap3A_757, %swap3A_758], %swap3A_761 {add = true, strides = array<i32>} : memref<100x16xf32, #tpu.memory_space<vmem>>, vector<1x16xf32>,
      %slice3A_762 = vector.extract_strided_slice %get3A_712 {offsets = [7], sizes = [1], strides = [1]} : vector<16xi32> to vector<1xi32>
      %squeeze3A_763 = vector.extract %slice3A_762[0] : i32 from vector<1xi32>
      %swap3A_764 = arith.index_cast %squeeze3A_763 : i32 to index
      %swap3A_765 = arith.constant 0 : index
      %swap3A_766 = tpu.vector_load %arg12[%swap3A_764, %swap3A_765] {strides = array<i32>} : memref<100x16xf32, #tpu.memory_space<vmem>>, vector<1x16xf32>,
      %swap3A_767 = vector.shape_cast %swap3A_766 : vector<1x16xf32> to vector<16xf32>
      %swap3A_768 = vector.shape_cast %broadcast_in_dim3A_5 : vector<16xf32> to vector<1x16xf32>
      tpu.vector_store %arg12[%swap3A_764, %swap3A_765], %swap3A_768 {add = true, strides = array<i32>} : memref<100x16xf32, #tpu.memory_space<vmem>>, vector<1x16xf32>,
      %slice3A_769 = vector.extract_strided_slice %get3A_712 {offsets = [8], sizes = [1], strides = [1]} : vector<16xi32> to vector<1xi32>
      %squeeze3A_770 = vector.extract %slice3A_769[0] : i32 from vector<1xi32>
      %swap3A_771 = arith.index_cast %squeeze3A_770 : i32 to index
      %swap3A_772 = arith.constant 0 : index
      %swap3A_773 = tpu.vector_load %arg12[%swap3A_771, %swap3A_772] {strides = array<i32>} : memref<100x16xf32, #tpu.memory_space<vmem>>, vector<1x16xf32>,
      %swap3A_774 = vector.shape_cast %swap3A_773 : vector<1x16xf32> to vector<16xf32>
      %swap3A_775 = vector.shape_cast %broadcast_in_dim3A_5 : vector<16xf32> to vector<1x16xf32>
      tpu.vector_store %arg12[%swap3A_771, %swap3A_772], %swap3A_775 {add = true, strides = array<i32>} : memref<100x16xf32, #tpu.memory_space<vmem>>, vector<1x16xf32>,
      %slice3A_776 = vector.extract_strided_slice %get3A_712 {offsets = [9], sizes = [1], strides = [1]} : vector<16xi32> to vector<1xi32>
      %squeeze3A_777 = vector.extract %slice3A_776[0] : i32 from vector<1xi32>
      %swap3A_778 = arith.index_cast %squeeze3A_777 : i32 to index
      %swap3A_779 = arith.constant 0 : index
      %swap3A_780 = tpu.vector_load %arg12[%swap3A_778, %swap3A_779] {strides = array<i32>} : memref<100x16xf32, #tpu.memory_space<vmem>>, vector<1x16xf32>,
      %swap3A_781 = vector.shape_cast %swap3A_780 : vector<1x16xf32> to vector<16xf32>
      %swap3A_782 = vector.shape_cast %broadcast_in_dim3A_5 : vector<16xf32> to vector<1x16xf32>
      tpu.vector_store %arg12[%swap3A_778, %swap3A_779], %swap3A_782 {add = true, strides = array<i32>} : memref<100x16xf32, #tpu.memory_space<vmem>>, vector<1x16xf32>,
      %slice3A_783 = vector.extract_strided_slice %get3A_712 {offsets = [10], sizes = [1], strides = [1]} : vector<16xi32> to vector<1xi32>
      %squeeze3A_784 = vector.extract %slice3A_783[0] : i32 from vector<1xi32>
      %swap3A_785 = arith.index_cast %squeeze3A_784 : i32 to index
      %swap3A_786 = arith.constant 0 : index
      %swap3A_787 = tpu.vector_load %arg12[%swap3A_785, %swap3A_786] {strides = array<i32>} : memref<100x16xf32, #tpu.memory_space<vmem>>, vector<1x16xf32>,
      %swap3A_788 = vector.shape_cast %swap3A_787 : vector<1x16xf32> to vector<16xf32>
      %swap3A_789 = vector.shape_cast %broadcast_in_dim3A_5 : vector<16xf32> to vector<1x16xf32>
      tpu.vector_store %arg12[%swap3A_785, %swap3A_786], %swap3A_789 {add = true, strides = array<i32>} : memref<100x16xf32, #tpu.memory_space<vmem>>, vector<1x16xf32>,
      %slice3A_790 = vector.extract_strided_slice %get3A_712 {offsets = [11], sizes = [1], strides = [1]} : vector<16xi32> to vector<1xi32>
      %squeeze3A_791 = vector.extract %slice3A_790[0] : i32 from vector<1xi32>
      %swap3A_792 = arith.index_cast %squeeze3A_791 : i32 to index
      %swap3A_793 = arith.constant 0 : index
      %swap3A_794 = tpu.vector_load %arg12[%swap3A_792, %swap3A_793] {strides = array<i32>} : memref<100x16xf32, #tpu.memory_space<vmem>>, vector<1x16xf32>,
      %swap3A_795 = vector.shape_cast %swap3A_794 : vector<1x16xf32> to vector<16xf32>
      %swap3A_796 = vector.shape_cast %broadcast_in_dim3A_5 : vector<16xf32> to vector<1x16xf32>
      tpu.vector_store %arg12[%swap3A_792, %swap3A_793], %swap3A_796 {add = true, strides = array<i32>} : memref<100x16xf32, #tpu.memory_space<vmem>>, vector<1x16xf32>,
      %slice3A_797 = vector.extract_strided_slice %get3A_712 {offsets = [12], sizes = [1], strides = [1]} : vector<16xi32> to vector<1xi32>
      %squeeze3A_798 = vector.extract %slice3A_797[0] : i32 from vector<1xi32>
      %swap3A_799 = arith.index_cast %squeeze3A_798 : i32 to index
      %swap3A_800 = arith.constant 0 : index
      %swap3A_801 = tpu.vector_load %arg12[%swap3A_799, %swap3A_800] {strides = array<i32>} : memref<100x16xf32, #tpu.memory_space<vmem>>, vector<1x16xf32>,
      %swap3A_802 = vector.shape_cast %swap3A_801 : vector<1x16xf32> to vector<16xf32>
      %swap3A_803 = vector.shape_cast %broadcast_in_dim3A_5 : vector<16xf32> to vector<1x16xf32>
      tpu.vector_store %arg12[%swap3A_799, %swap3A_800], %swap3A_803 {add = true, strides = array<i32>} : memref<100x16xf32, #tpu.memory_space<vmem>>, vector<1x16xf32>,
      %slice3A_804 = vector.extract_strided_slice %get3A_712 {offsets = [13], sizes = [1], strides = [1]} : vector<16xi32> to vector<1xi32>
      %squeeze3A_805 = vector.extract %slice3A_804[0] : i32 from vector<1xi32>
      %swap3A_806 = arith.index_cast %squeeze3A_805 : i32 to index
      %swap3A_807 = arith.constant 0 : index
      %swap3A_808 = tpu.vector_load %arg12[%swap3A_806, %swap3A_807] {strides = array<i32>} : memref<100x16xf32, #tpu.memory_space<vmem>>, vector<1x16xf32>,
      %swap3A_809 = vector.shape_cast %swap3A_808 : vector<1x16xf32> to vector<16xf32>
      %swap3A_810 = vector.shape_cast %broadcast_in_dim3A_5 : vector<16xf32> to vector<1x16xf32>
      tpu.vector_store %arg12[%swap3A_806, %swap3A_807], %swap3A_810 {add = true, strides = array<i32>} : memref<100x16xf32, #tpu.memory_space<vmem>>, vector<1x16xf32>,
      %slice3A_811 = vector.extract_strided_slice %get3A_712 {offsets = [14], sizes = [1], strides = [1]} : vector<16xi32> to vector<1xi32>
      %squeeze3A_812 = vector.extract %slice3A_811[0] : i32 from vector<1xi32>
      %swap3A_813 = arith.index_cast %squeeze3A_812 : i32 to index
      %swap3A_814 = arith.constant 0 : index
      %swap3A_815 = tpu.vector_load %arg12[%swap3A_813, %swap3A_814] {strides = array<i32>} : memref<100x16xf32, #tpu.memory_space<vmem>>, vector<1x16xf32>,
      %swap3A_816 = vector.shape_cast %swap3A_815 : vector<1x16xf32> to vector<16xf32>
      %swap3A_817 = vector.shape_cast %broadcast_in_dim3A_5 : vector<16xf32> to vector<1x16xf32>
      tpu.vector_store %arg12[%swap3A_813, %swap3A_814], %swap3A_817 {add = true, strides = array<i32>} : memref<100x16xf32, #tpu.memory_space<vmem>>, vector<1x16xf32>,
      %slice3A_818 = vector.extract_strided_slice %get3A_712 {offsets = [15], sizes = [1], strides = [1]} : vector<16xi32> to vector<1xi32>
      %squeeze3A_819 = vector.extract %slice3A_818[0] : i32 from vector<1xi32>
      %swap3A_820 = arith.index_cast %squeeze3A_819 : i32 to index
      %swap3A_821 = arith.constant 0 : index
      %swap3A_822 = tpu.vector_load %arg12[%swap3A_820, %swap3A_821] {strides = array<i32>} : memref<100x16xf32, #tpu.memory_space<vmem>>, vector<1x16xf32>,
      %swap3A_823 = vector.shape_cast %swap3A_822 : vector<1x16xf32> to vector<16xf32>
      %swap3A_824 = vector.shape_cast %broadcast_in_dim3A_5 : vector<16xf32> to vector<1x16xf32>
      tpu.vector_store %arg12[%swap3A_820, %swap3A_821], %swap3A_824 {add = true, strides = array<i32>} : memref<100x16xf32, #tpu.memory_space<vmem>>, vector<1x16xf32>,
    }
    %scan3A_191 = arith.constant 5 : i32
    %dma_wait3A_192 = arith.constant 0 : i32
    %dma_wait3A_193 = arith.constant 0 : i32
    %dma_wait3A_194 = arith.constant 0 : i32
    %dma_wait3A_195 = tpu.memref_slice %arg6[%dma_wait3A_193, %dma_wait3A_194] : memref<400x128xf32, #tpu.memory_space<vmem>> -> memref<80x128xf32, #tpu.memory_space<vmem>>
    %dma_wait3A_196 = arith.constant 0 : i32
    %dma_wait3A_197 = tpu.memref_slice %arg8[%dma_wait3A_192, %dma_wait3A_196] : memref<5x80xi32, #tpu.memory_space<vmem>> -> memref<1x80xi32, #tpu.memory_space<vmem>>
    %dma_wait3A_198 = tpu.memref_squeeze %dma_wait3A_197 : memref<1x80xi32, #tpu.memory_space<vmem>> -> memref<80xi32, #tpu.memory_space<vmem>>
    %dma_wait3A_199 = arith.constant 0 : i32
    %dma_wait3A_200 = arith.constant 0 : i32
    %dma_wait3A_201 = tpu.memref_slice %arg11[%dma_wait3A_199, %dma_wait3A_200] : memref<100x128xf32, #tpu.memory_space<vmem_shared>> -> memref<100x128xf32, #tpu.memory_space<vmem_shared>>
    tpu.wait_indirect_dma semaphore(%arg15 : memref<!tpu.dma_semaphore, #tpu.memory_space<semaphore_mem>>) src(%dma_wait3A_195 : memref<80x128xf32, #tpu.memory_space<vmem>>) dst(%dma_wait3A_201 : memref<100x128xf32, #tpu.memory_space<vmem_shared>>)
    %dma_wait3A_202 = arith.constant 1 : i32
    %dma_wait3A_203 = arith.constant 80 : i32
    %dma_wait3A_204 = arith.constant 0 : i32
    %dma_wait3A_205 = tpu.memref_slice %arg6[%dma_wait3A_203, %dma_wait3A_204] : memref<400x128xf32, #tpu.memory_space<vmem>> -> memref<80x128xf32, #tpu.memory_space<vmem>>
    %dma_wait3A_206 = arith.constant 0 : i32
    %dma_wait3A_207 = tpu.memref_slice %arg8[%dma_wait3A_202, %dma_wait3A_206] : memref<5x80xi32, #tpu.memory_space<vmem>> -> memref<1x80xi32, #tpu.memory_space<vmem>>
    %dma_wait3A_208 = tpu.memref_squeeze %dma_wait3A_207 : memref<1x80xi32, #tpu.memory_space<vmem>> -> memref<80xi32, #tpu.memory_space<vmem>>
    %dma_wait3A_209 = arith.constant 0 : i32
    %dma_wait3A_210 = arith.constant 0 : i32
    %dma_wait3A_211 = tpu.memref_slice %arg11[%dma_wait3A_209, %dma_wait3A_210] : memref<100x128xf32, #tpu.memory_space<vmem_shared>> -> memref<100x128xf32, #tpu.memory_space<vmem_shared>>
    tpu.wait_indirect_dma semaphore(%arg15 : memref<!tpu.dma_semaphore, #tpu.memory_space<semaphore_mem>>) src(%dma_wait3A_205 : memref<80x128xf32, #tpu.memory_space<vmem>>) dst(%dma_wait3A_211 : memref<100x128xf32, #tpu.memory_space<vmem_shared>>)
    %dma_wait3A_212 = arith.constant 2 : i32
    %dma_wait3A_213 = arith.constant 160 : i32
    %dma_wait3A_214 = arith.constant 0 : i32
    %dma_wait3A_215 = tpu.memref_slice %arg6[%dma_wait3A_213, %dma_wait3A_214] : memref<400x128xf32, #tpu.memory_space<vmem>> -> memref<80x128xf32, #tpu.memory_space<vmem>>
    %dma_wait3A_216 = arith.constant 0 : i32
    %dma_wait3A_217 = tpu.memref_slice %arg8[%dma_wait3A_212, %dma_wait3A_216] : memref<5x80xi32, #tpu.memory_space<vmem>> -> memref<1x80xi32, #tpu.memory_space<vmem>>
    %dma_wait3A_218 = tpu.memref_squeeze %dma_wait3A_217 : memref<1x80xi32, #tpu.memory_space<vmem>> -> memref<80xi32, #tpu.memory_space<vmem>>
    %dma_wait3A_219 = arith.constant 0 : i32
    %dma_wait3A_220 = arith.constant 0 : i32
    %dma_wait3A_221 = tpu.memref_slice %arg11[%dma_wait3A_219, %dma_wait3A_220] : memref<100x128xf32, #tpu.memory_space<vmem_shared>> -> memref<100x128xf32, #tpu.memory_space<vmem_shared>>
    tpu.wait_indirect_dma semaphore(%arg15 : memref<!tpu.dma_semaphore, #tpu.memory_space<semaphore_mem>>) src(%dma_wait3A_215 : memref<80x128xf32, #tpu.memory_space<vmem>>) dst(%dma_wait3A_221 : memref<100x128xf32, #tpu.memory_space<vmem_shared>>)
    %dma_wait3A_222 = arith.constant 3 : i32
    %dma_wait3A_223 = arith.constant 240 : i32
    %dma_wait3A_224 = arith.constant 0 : i32
    %dma_wait3A_225 = tpu.memref_slice %arg6[%dma_wait3A_223, %dma_wait3A_224] : memref<400x128xf32, #tpu.memory_space<vmem>> -> memref<80x128xf32, #tpu.memory_space<vmem>>
    %dma_wait3A_226 = arith.constant 0 : i32
    %dma_wait3A_227 = tpu.memref_slice %arg8[%dma_wait3A_222, %dma_wait3A_226] : memref<5x80xi32, #tpu.memory_space<vmem>> -> memref<1x80xi32, #tpu.memory_space<vmem>>
    %dma_wait3A_228 = tpu.memref_squeeze %dma_wait3A_227 : memref<1x80xi32, #tpu.memory_space<vmem>> -> memref<80xi32, #tpu.memory_space<vmem>>
    %dma_wait3A_229 = arith.constant 0 : i32
    %dma_wait3A_230 = arith.constant 0 : i32
    %dma_wait3A_231 = tpu.memref_slice %arg11[%dma_wait3A_229, %dma_wait3A_230] : memref<100x128xf32, #tpu.memory_space<vmem_shared>> -> memref<100x128xf32, #tpu.memory_space<vmem_shared>>
    tpu.wait_indirect_dma semaphore(%arg15 : memref<!tpu.dma_semaphore, #tpu.memory_space<semaphore_mem>>) src(%dma_wait3A_225 : memref<80x128xf32, #tpu.memory_space<vmem>>) dst(%dma_wait3A_231 : memref<100x128xf32, #tpu.memory_space<vmem_shared>>)
    %dma_wait3A_232 = arith.constant 4 : i32
    %dma_wait3A_233 = arith.constant 320 : i32
    %dma_wait3A_234 = arith.constant 0 : i32
    %dma_wait3A_235 = tpu.memref_slice %arg6[%dma_wait3A_233, %dma_wait3A_234] : memref<400x128xf32, #tpu.memory_space<vmem>> -> memref<80x128xf32, #tpu.memory_space<vmem>>
    %dma_wait3A_236 = arith.constant 0 : i32
    %dma_wait3A_237 = tpu.memref_slice %arg8[%dma_wait3A_232, %dma_wait3A_236] : memref<5x80xi32, #tpu.memory_space<vmem>> -> memref<1x80xi32, #tpu.memory_space<vmem>>
    %dma_wait3A_238 = tpu.memref_squeeze %dma_wait3A_237 : memref<1x80xi32, #tpu.memory_space<vmem>> -> memref<80xi32, #tpu.memory_space<vmem>>
    %dma_wait3A_239 = arith.constant 0 : i32
    %dma_wait3A_240 = arith.constant 0 : i32
    %dma_wait3A_241 = tpu.memref_slice %arg11[%dma_wait3A_239, %dma_wait3A_240] : memref<100x128xf32, #tpu.memory_space<vmem_shared>> -> memref<100x128xf32, #tpu.memory_space<vmem_shared>>
    tpu.wait_indirect_dma semaphore(%arg15 : memref<!tpu.dma_semaphore, #tpu.memory_space<semaphore_mem>>) src(%dma_wait3A_235 : memref<80x128xf32, #tpu.memory_space<vmem>>) dst(%dma_wait3A_241 : memref<100x128xf32, #tpu.memory_space<vmem_shared>>)
    "tpu.region"() ({
      %run_scoped3A = tpu.sem_alloc : memref<!tpu.dma_semaphore, #tpu.memory_space<semaphore_mem>>
      %dma_start3A_248 = arith.constant 0 : i32
      %dma_start3A_249 = arith.constant 0 : i32
      %dma_start3A_250 = tpu.memref_slice %arg5[%add3A, %dma_start3A_248, %dma_start3A_249] : memref<32x100x16xf32, #tpu.memory_space<hbm>> -> memref<1x100x16xf32, #tpu.memory_space<hbm>>
      %dma_start3A_251 = tpu.memref_squeeze %dma_start3A_250 : memref<1x100x16xf32, #tpu.memory_space<hbm>> -> memref<100x16xf32, #tpu.memory_space<hbm>>
      %dma_start3A_252 = arith.constant 0 : i32
      %dma_start3A_253 = arith.constant 0 : i32
      %dma_start3A_254 = tpu.memref_slice %arg5[%add3A, %dma_start3A_252, %dma_start3A_253] : memref<32x100x16xf32, #tpu.memory_space<hbm>> -> memref<1x100x16xf32, #tpu.memory_space<hbm>>
      %dma_start3A_255 = tpu.memref_squeeze %dma_start3A_254 : memref<1x100x16xf32, #tpu.memory_space<hbm>> -> memref<100x16xf32, #tpu.memory_space<hbm>>
      tpu.enqueue_dma source(%arg12 : memref<100x16xf32, #tpu.memory_space<vmem>>) target(%dma_start3A_255 : memref<100x16xf32, #tpu.memory_space<hbm>>) target_semaphore(%run_scoped3A : memref<!tpu.dma_semaphore, #tpu.memory_space<semaphore_mem>>)
      %dma_wait3A_256 = arith.constant 0 : i32
      %dma_wait3A_257 = arith.constant 0 : i32
      %dma_wait3A_258 = tpu.memref_slice %arg5[%add3A, %dma_wait3A_256, %dma_wait3A_257] : memref<32x100x16xf32, #tpu.memory_space<hbm>> -> memref<1x100x16xf32, #tpu.memory_space<hbm>>
      %dma_wait3A_259 = tpu.memref_squeeze %dma_wait3A_258 : memref<1x100x16xf32, #tpu.memory_space<hbm>> -> memref<100x16xf32, #tpu.memory_space<hbm>>
      %dma_wait3A_260 = arith.constant 0 : i32
      %dma_wait3A_261 = arith.constant 0 : i32
      %dma_wait3A_262 = tpu.memref_slice %arg5[%add3A, %dma_wait3A_260, %dma_wait3A_261] : memref<32x100x16xf32, #tpu.memory_space<hbm>> -> memref<1x100x16xf32, #tpu.memory_space<hbm>>
      %dma_wait3A_263 = tpu.memref_squeeze %dma_wait3A_262 : memref<1x100x16xf32, #tpu.memory_space<hbm>> -> memref<100x16xf32, #tpu.memory_space<hbm>>
      tpu.wait_dma2 semaphore(%run_scoped3A : memref<!tpu.dma_semaphore, #tpu.memory_space<semaphore_mem>>) src(%arg12 : memref<100x16xf32, #tpu.memory_space<vmem>>) dst(%dma_wait3A_263 : memref<100x16xf32, #tpu.memory_space<hbm>>)
      tpu.yield
    }) : () -> ()
    %barrier3A_242 = arith.constant 0 : index
    tpu.barrier barrier_id(%barrier3A_242)
    %eq3A_243 = arith.constant 0 : i32
    %eq3A_244 = arith.cmpi eq, %arg1, %eq3A_243 : i32
    %convert_element_type3A_245 = arith.extui %eq3A_244 : i1 to i32
    %cond3A_246 = arith.constant 0 : i32
    %cond3A_247 = arith.cmpi ne, %convert_element_type3A_245, %cond3A_246 : i32
    scf.if %cond3A_247 {
      "tpu.region"() ({
        %run_scoped3A = tpu.sem_alloc : memref<!tpu.dma_semaphore, #tpu.memory_space<semaphore_mem>>
        %dma_start3A_248 = arith.constant 0 : i32
        %dma_start3A_249 = arith.constant 0 : i32
        %dma_start3A_250 = tpu.memref_slice %arg4[%arg0, %dma_start3A_248, %dma_start3A_249] : memref<2x100x128xf32, #tpu.memory_space<hbm>> -> memref<1x100x128xf32, #tpu.memory_space<hbm>>
        %dma_start3A_251 = tpu.memref_squeeze %dma_start3A_250 : memref<1x100x128xf32, #tpu.memory_space<hbm>> -> memref<100x128xf32, #tpu.memory_space<hbm>>
        tpu.enqueue_dma source(%arg11 : memref<100x128xf32, #tpu.memory_space<vmem_shared>>) target(%dma_start3A_251 : memref<100x128xf32, #tpu.memory_space<hbm>>) target_semaphore(%run_scoped3A : memref<!tpu.dma_semaphore, #tpu.memory_space<semaphore_mem>>)
        %dma_wait3A_252 = arith.constant 0 : i32
        %dma_wait3A_253 = arith.constant 0 : i32
        %dma_wait3A_254 = tpu.memref_slice %arg4[%arg0, %dma_wait3A_252, %dma_wait3A_253] : memref<2x100x128xf32, #tpu.memory_space<hbm>> -> memref<1x100x128xf32, #tpu.memory_space<hbm>>
        %dma_wait3A_255 = tpu.memref_squeeze %dma_wait3A_254 : memref<1x100x128xf32, #tpu.memory_space<hbm>> -> memref<100x128xf32, #tpu.memory_space<hbm>>
        tpu.wait_dma2 semaphore(%run_scoped3A : memref<!tpu.dma_semaphore, #tpu.memory_space<semaphore_mem>>) src(%arg11 : memref<100x128xf32, #tpu.memory_space<vmem_shared>>) dst(%dma_wait3A_255 : memref<100x128xf32, #tpu.memory_space<hbm>>)
        tpu.yield
      }) : () -> ()
    } else {
    }
    return
  }
}

module attributes {stable_mosaic.version = 14 : i64} {
  func.func @_tc_partials_body(%arg0: i32, %arg1: memref<1x1x1280xi32, #tpu.memory_space<vmem>>, %arg2: memref<1280x128xf32, #tpu.memory_space<vmem>>, %arg3: memref<100x128xf32, #tpu.memory_space<vmem>>, %arg4: memref<100x1xf32, #tpu.memory_space<vmem>>) attributes {dimension_semantics = [#tpu.dimension_semantics<arbitrary>], iteration_bounds = array<i64: 80>, scalar_prefetch = 0 : i64, scratch_operands = 0 : i64, tpu.core_type = #tpu.core_type<tc>, window_params = [{transform_indices = @transform_0, window_bounds = array<i64: 1, 1, 1280>}, {transform_indices = @transform_1, window_bounds = array<i64: 1280, 128>}, {pipeline_mode = #tpu.pipeline_mode<synchronous>, transform_indices = @transform_2, window_bounds = array<i64: 100, 128>}, {pipeline_mode = #tpu.pipeline_mode<synchronous>, transform_indices = @transform_3, window_bounds = array<i64: 100, 1>}]} {
    %eq3A = arith.constant 0 : i32
    %eq3A_0 = arith.cmpi eq, %arg0, %eq3A : i32
    %convert_element_type3A = arith.extui %eq3A_0 : i1 to i32
    %cond3A = arith.constant 0 : i32
    %cond3A_1 = arith.cmpi ne, %convert_element_type3A, %cond3A : i32
    scf.if %cond3A_1 {
      %broadcast_in_dim3A_26 = arith.constant 0.000000e+00 : f32
      %broadcast_in_dim3A_27 = vector.broadcast %broadcast_in_dim3A_26 : f32 to vector<100x128xf32>
      %swap3A_28 = arith.constant 0 : index
      %swap3A_29 = arith.constant 0 : index
      %swap3A_30 = vector.load %arg3[%swap3A_28, %swap3A_29] : memref<100x128xf32, #tpu.memory_space<vmem>>, vector<100x128xf32>
      tpu.vector_store %arg3[%swap3A_28, %swap3A_29], %broadcast_in_dim3A_27 {strides = array<i32>} : memref<100x128xf32, #tpu.memory_space<vmem>>, vector<100x128xf32>,
      %broadcast_in_dim3A_31 = arith.constant 0.000000e+00 : f32
      %broadcast_in_dim3A_32 = vector.broadcast %broadcast_in_dim3A_31 : f32 to vector<100x1xf32>
      %swap3A_33 = arith.constant 0 : index
      %swap3A_34 = arith.constant 0 : index
      %swap3A_35 = vector.load %arg4[%swap3A_33, %swap3A_34] : memref<100x1xf32, #tpu.memory_space<vmem>>, vector<100x1xf32>
      tpu.vector_store %arg4[%swap3A_33, %swap3A_34], %broadcast_in_dim3A_32 {strides = array<i32>} : memref<100x1xf32, #tpu.memory_space<vmem>>, vector<100x1xf32>,
    } else {
    }
    %iota3A = tpu.iota {dimensions = array<i32: 0>} : vector<100x1280xi32>
    %get3A = arith.constant 0 : index
    %get3A_2 = arith.constant 0 : index
    %get3A_3 = arith.constant 0 : index
    %get3A_4 = vector.load %arg1[%get3A, %get3A_2, %get3A_3] : memref<1x1x1280xi32, #tpu.memory_space<vmem>>, vector<1x1x1280xi32>
    %reshape3A = vector.shape_cast %get3A_4 : vector<1x1x1280xi32> to vector<1x1280xi32>
    %eq3A_5 = vector.broadcast %reshape3A : vector<1x1280xi32> to vector<100x1280xi32>
    %eq3A_6 = arith.cmpi eq, %eq3A_5, %iota3A : vector<100x1280xi32>
    %convert_element_type3A_7 = arith.extui %eq3A_6 : vector<100x1280xi1> to vector<100x1280xi32>
    %convert_element_type3A_8 = arith.sitofp %convert_element_type3A_7 : vector<100x1280xi32> to vector<100x1280xf32>
    %get3A_9 = arith.constant 0 : index
    %get3A_10 = arith.constant 0 : index
    %get3A_11 = vector.load %arg3[%get3A_9, %get3A_10] : memref<100x128xf32, #tpu.memory_space<vmem>>, vector<100x128xf32>
    %get3A_12 = arith.constant 0 : index
    %get3A_13 = arith.constant 0 : index
    %get3A_14 = vector.load %arg2[%get3A_12, %get3A_13] : memref<1280x128xf32, #tpu.memory_space<vmem>>, vector<1280x128xf32>
    %dot_general3A = arith.constant dense<0.000000e+00> : vector<100x128xf32>
    %dot_general3A_15 = tpu.matmul %convert_element_type3A_8, %get3A_14, %dot_general3A {dimension_numbers = #tpu.dot_dimension_numbers<[1], [0], [0], [1], [0, 0, 1, 1], [], []>, transpose_lhs_hint = false} : vector<100x1280xf32>, vector<1280x128xf32>, vector<100x128xf32> -> vector<100x128xf32>
    %add3A = arith.addf %get3A_11, %dot_general3A_15 : vector<100x128xf32>
    %swap3A = arith.constant 0 : index
    %swap3A_16 = arith.constant 0 : index
    %swap3A_17 = vector.load %arg3[%swap3A, %swap3A_16] : memref<100x128xf32, #tpu.memory_space<vmem>>, vector<100x128xf32>
    tpu.vector_store %arg3[%swap3A, %swap3A_16], %add3A {strides = array<i32>} : memref<100x128xf32, #tpu.memory_space<vmem>>, vector<100x128xf32>,
    %get3A_18 = arith.constant 0 : index
    %get3A_19 = arith.constant 0 : index
    %get3A_20 = vector.load %arg4[%get3A_18, %get3A_19] : memref<100x1xf32, #tpu.memory_space<vmem>>, vector<100x1xf32>
    %reduce_sum3A = arith.constant dense<0.000000e+00> : vector<100xf32>
    %reduce_sum3A_21 = vector.multi_reduction <add>, %convert_element_type3A_8, %reduce_sum3A [1] : vector<100x1280xf32> to vector<100xf32>
    %broadcast_in_dim3A = vector.shape_cast %reduce_sum3A_21 : vector<100xf32> to vector<100x1xf32>
    %add3A_22 = arith.addf %get3A_20, %broadcast_in_dim3A : vector<100x1xf32>
    %swap3A_23 = arith.constant 0 : index
    %swap3A_24 = arith.constant 0 : index
    %swap3A_25 = vector.load %arg4[%swap3A_23, %swap3A_24] : memref<100x1xf32, #tpu.memory_space<vmem>>, vector<100x1xf32>
    tpu.vector_store %arg4[%swap3A_23, %swap3A_24], %add3A_22 {strides = array<i32>} : memref<100x1xf32, #tpu.memory_space<vmem>>, vector<100x1xf32>,
    return
  }
  func.func @transform_0(%arg0: i32) -> (i32, i32, i32) {
    %add3A = arith.constant 170 : i32
    %add3A_0 = arith.addi %add3A, %arg0 : i32
    %c0_i32 = arith.constant 0 : i32
    %c0_i32_1 = arith.constant 0 : i32
    %c0_i32_2 = arith.constant 0 : i32
    return %add3A_0, %c0_i32, %c0_i32_1 : i32, i32, i32
  }
  func.func @transform_1(%arg0: i32) -> (i32, i32) {
    %add3A = arith.constant 170 : i32
    %add3A_0 = arith.addi %add3A, %arg0 : i32
    %c0_i32 = arith.constant 0 : i32
    %c0_i32_1 = arith.constant 0 : i32
    return %add3A_0, %c0_i32 : i32, i32
  }
  func.func @transform_2(%arg0: i32) -> (i32, i32) {
    %c0_i32 = arith.constant 0 : i32
    %c0_i32_0 = arith.constant 0 : i32
    %c0_i32_1 = arith.constant 0 : i32
    return %c0_i32, %c0_i32_0 : i32, i32
  }
  func.func @transform_3(%arg0: i32) -> (i32, i32) {
    %c0_i32 = arith.constant 0 : i32
    %c0_i32_0 = arith.constant 0 : i32
    %c0_i32_1 = arith.constant 0 : i32
    return %c0_i32, %c0_i32_0 : i32, i32
  }
}

module attributes {stable_mosaic.version = 14 : i64} {
  func.func @_loss_body(%arg0: memref<2x100x128xf32, #tpu.memory_space<vmem>>, %arg1: memref<32x100x16xf32, #tpu.memory_space<vmem>>, %arg2: memref<100x128xf32, #tpu.memory_space<vmem>>, %arg3: memref<100x1xf32, #tpu.memory_space<vmem>>, %arg4: memref<100x128xf32, #tpu.memory_space<vmem>>, %arg5: memref<20x128xf32, #tpu.memory_space<vmem>>, %arg6: memref<20x20xf32, #tpu.memory_space<vmem>>, %arg7: memref<1x1xf32, #tpu.memory_space<vmem>>) attributes {dimension_semantics = [], scalar_prefetch = 0 : i64, scratch_operands = 0 : i64, tpu.core_type = #tpu.core_type<tc>} {
    %get3A = arith.constant 0 : index
    %get3A_0 = arith.constant 0 : index
    %get3A_1 = arith.constant 0 : index
    %get3A_2 = vector.load %arg0[%get3A, %get3A_0, %get3A_1] : memref<2x100x128xf32, #tpu.memory_space<vmem>>, vector<2x100x128xf32>
    %reduce_sum3A = arith.constant dense<0.000000e+00> : vector<100x128xf32>
    %reduce_sum3A_3 = vector.multi_reduction <add>, %get3A_2, %reduce_sum3A [0] : vector<2x100x128xf32> to vector<100x128xf32>
    %get3A_4 = arith.constant 0 : index
    %get3A_5 = arith.constant 0 : index
    %get3A_6 = vector.load %arg2[%get3A_4, %get3A_5] : memref<100x128xf32, #tpu.memory_space<vmem>>, vector<100x128xf32>
    %add3A = arith.addf %reduce_sum3A_3, %get3A_6 : vector<100x128xf32>
    %get3A_7 = arith.constant 0 : index
    %get3A_8 = arith.constant 0 : index
    %get3A_9 = arith.constant 0 : index
    %get3A_10 = vector.load %arg1[%get3A_7, %get3A_8, %get3A_9] : memref<32x100x16xf32, #tpu.memory_space<vmem>>, vector<32x100x16xf32>
    %reduce_sum3A_11 = arith.constant dense<0.000000e+00> : vector<100x16xf32>
    %reduce_sum3A_12 = vector.multi_reduction <add>, %get3A_10, %reduce_sum3A_11 [0] : vector<32x100x16xf32> to vector<100x16xf32>
    %slice3A = vector.extract_strided_slice %reduce_sum3A_12 {offsets = [0, 0], sizes = [100, 1], strides = [1, 1]} : vector<100x16xf32> to vector<100x1xf32>
    %squeeze3A = vector.shape_cast %slice3A : vector<100x1xf32> to vector<100xf32>
    %get3A_13 = arith.constant 0 : index
    %get3A_14 = arith.constant 0 : index
    %get3A_15 = vector.load %arg3[%get3A_13, %get3A_14] : memref<100x1xf32, #tpu.memory_space<vmem>>, vector<100x1xf32>
    %get3A_16 = vector.shape_cast %get3A_15 : vector<100x1xf32> to vector<100xf32>
    %add3A_17 = arith.addf %squeeze3A, %get3A_16 : vector<100xf32>
    %max3A = arith.constant 1.000000e+00 : f32
    %max3A_18 = vector.broadcast %max3A : f32 to vector<100xf32>
    %max3A_19 = arith.maximumf %add3A_17, %max3A_18 : vector<100xf32>
    %broadcast_in_dim3A = vector.shape_cast %max3A_19 : vector<100xf32> to vector<100x1xf32>
    %div3A = vector.broadcast %broadcast_in_dim3A : vector<100x1xf32> to vector<100x128xf32>
    %div3A_20 = arith.divf %add3A, %div3A : vector<100x128xf32>
    %gt3A = arith.constant 0.000000e+00 : f32
    %gt3A_21 = vector.broadcast %gt3A : f32 to vector<100xf32>
    %gt3A_22 = arith.cmpf ogt, %add3A_17, %gt3A_21 : vector<100xf32>
    %convert_element_type3A = arith.extui %gt3A_22 : vector<100xi1> to vector<100xi32>
    %convert_element_type3A_23 = arith.sitofp %convert_element_type3A : vector<100xi32> to vector<100xf32>
    %get3A_24 = arith.constant 0 : index
    %get3A_25 = arith.constant 0 : index
    %get3A_26 = vector.load %arg4[%get3A_24, %get3A_25] : memref<100x128xf32, #tpu.memory_space<vmem>>, vector<100x128xf32>
    %sub3A = arith.subf %div3A_20, %get3A_26 : vector<100x128xf32>
    %integer_pow3A = arith.mulf %sub3A, %sub3A : vector<100x128xf32>
    %reduce_sum3A_27 = arith.constant dense<0.000000e+00> : vector<100xf32>
    %reduce_sum3A_28 = vector.multi_reduction <add>, %integer_pow3A, %reduce_sum3A_27 [1] : vector<100x128xf32> to vector<100xf32>
    %div3A_29 = arith.constant 1.280000e+02 : f32
    %div3A_30 = vector.broadcast %div3A_29 : f32 to vector<100xf32>
    %div3A_31 = arith.divf %reduce_sum3A_28, %div3A_30 : vector<100xf32>
    %mul3A = arith.mulf %convert_element_type3A_23, %div3A_31 : vector<100xf32>
    %reduce_sum3A_32 = vector.shape_cast %mul3A : vector<100xf32> to vector<1x100xf32>
    %reduce_sum3A_33 = arith.constant dense<0.000000e+00> : vector<1xf32>
    %reduce_sum3A_34 = vector.multi_reduction <add>, %reduce_sum3A_32, %reduce_sum3A_33 [1] : vector<1x100xf32> to vector<1xf32>
    %reduce_sum3A_35 = vector.shape_cast %reduce_sum3A_34 : vector<1xf32> to vector<1x1xf32>
    %reduce_sum3A_36 = vector.extract %reduce_sum3A_35[0, 0] : f32 from vector<1x1xf32>
    %reshape3A = vector.shape_cast %add3A : vector<100x128xf32> to vector<20x5x128xf32>
    %reduce_sum3A_37 = arith.constant dense<0.000000e+00> : vector<20x128xf32>
    %reduce_sum3A_38 = vector.multi_reduction <add>, %reshape3A, %reduce_sum3A_37 [1] : vector<20x5x128xf32> to vector<20x128xf32>
    %reshape3A_39 = vector.shape_cast %add3A_17 : vector<100xf32> to vector<20x5xf32>
    %reduce_sum3A_40 = arith.constant dense<0.000000e+00> : vector<20xf32>
    %reduce_sum3A_41 = vector.multi_reduction <add>, %reshape3A_39, %reduce_sum3A_40 [1] : vector<20x5xf32> to vector<20xf32>
    %max3A_42 = arith.constant 1.000000e+00 : f32
    %max3A_43 = vector.broadcast %max3A_42 : f32 to vector<20xf32>
    %max3A_44 = arith.maximumf %reduce_sum3A_41, %max3A_43 : vector<20xf32>
    %broadcast_in_dim3A_45 = vector.shape_cast %max3A_44 : vector<20xf32> to vector<20x1xf32>
    %div3A_46 = vector.broadcast %broadcast_in_dim3A_45 : vector<20x1xf32> to vector<20x128xf32>
    %div3A_47 = arith.divf %reduce_sum3A_38, %div3A_46 : vector<20x128xf32>
    %gt3A_48 = arith.constant 0.000000e+00 : f32
    %gt3A_49 = vector.broadcast %gt3A_48 : f32 to vector<20xf32>
    %gt3A_50 = arith.cmpf ogt, %reduce_sum3A_41, %gt3A_49 : vector<20xf32>
    %convert_element_type3A_51 = arith.extui %gt3A_50 : vector<20xi1> to vector<20xi32>
    %convert_element_type3A_52 = arith.sitofp %convert_element_type3A_51 : vector<20xi32> to vector<20xf32>
    %get3A_53 = arith.constant 0 : index
    %get3A_54 = arith.constant 0 : index
    %get3A_55 = vector.load %arg5[%get3A_53, %get3A_54] : memref<20x128xf32, #tpu.memory_space<vmem>>, vector<20x128xf32>
    %sub3A_56 = arith.subf %div3A_47, %get3A_55 : vector<20x128xf32>
    %integer_pow3A_57 = arith.mulf %sub3A_56, %sub3A_56 : vector<20x128xf32>
    %reduce_sum3A_58 = arith.constant dense<0.000000e+00> : vector<20xf32>
    %reduce_sum3A_59 = vector.multi_reduction <add>, %integer_pow3A_57, %reduce_sum3A_58 [1] : vector<20x128xf32> to vector<20xf32>
    %div3A_60 = arith.constant 1.280000e+02 : f32
    %div3A_61 = vector.broadcast %div3A_60 : f32 to vector<20xf32>
    %div3A_62 = arith.divf %reduce_sum3A_59, %div3A_61 : vector<20xf32>
    %mul3A_63 = arith.mulf %convert_element_type3A_52, %div3A_62 : vector<20xf32>
    %reduce_sum3A_64 = vector.shape_cast %mul3A_63 : vector<20xf32> to vector<1x20xf32>
    %reduce_sum3A_65 = arith.constant dense<0.000000e+00> : vector<1xf32>
    %reduce_sum3A_66 = vector.multi_reduction <add>, %reduce_sum3A_64, %reduce_sum3A_65 [1] : vector<1x20xf32> to vector<1xf32>
    %reduce_sum3A_67 = vector.shape_cast %reduce_sum3A_66 : vector<1xf32> to vector<1x1xf32>
    %reduce_sum3A_68 = vector.extract %reduce_sum3A_67[0, 0] : f32 from vector<1x1xf32>
    %broadcast_in_dim3A_69 = vector.shape_cast %div3A_47 : vector<20x128xf32> to vector<20x1x128xf32>
    %broadcast_in_dim3A_70 = vector.shape_cast %div3A_47 : vector<20x128xf32> to vector<1x20x128xf32>
    %sub3A_71 = vector.broadcast %broadcast_in_dim3A_69 : vector<20x1x128xf32> to vector<20x20x128xf32>
    %sub3A_72 = vector.broadcast %broadcast_in_dim3A_70 : vector<1x20x128xf32> to vector<20x20x128xf32>
    %sub3A_73 = arith.subf %sub3A_71, %sub3A_72 : vector<20x20x128xf32>
    %mul3A_74 = arith.mulf %sub3A_73, %sub3A_73 : vector<20x20x128xf32>
    %reduce_sum3A_75 = arith.constant dense<0.000000e+00> : vector<20x20xf32>
    %reduce_sum3A_76 = vector.multi_reduction <add>, %mul3A_74, %reduce_sum3A_75 [2] : vector<20x20x128xf32> to vector<20x20xf32>
    %add3A_77 = arith.constant 9.99999996E-13 : f32
    %add3A_78 = vector.broadcast %add3A_77 : f32 to vector<20x20xf32>
    %add3A_79 = arith.addf %reduce_sum3A_76, %add3A_78 : vector<20x20xf32>
    %sqrt3A = math.sqrt %add3A_79 : vector<20x20xf32>
    %iota3A = tpu.iota {dimensions = array<i32: 0>} : vector<20x20xi32>
    %iota3A_80 = tpu.iota {dimensions = array<i32: 1>} : vector<20x20xi32>
    %gt3A_81 = arith.cmpi sgt, %iota3A_80, %iota3A : vector<20x20xi32>
    %convert_element_type3A_82 = arith.extui %gt3A_81 : vector<20x20xi1> to vector<20x20xi32>
    %convert_element_type3A_83 = arith.sitofp %convert_element_type3A_82 : vector<20x20xi32> to vector<20x20xf32>
    %broadcast_in_dim3A_84 = vector.shape_cast %convert_element_type3A_52 : vector<20xf32> to vector<20x1xf32>
    %mul3A_85 = vector.broadcast %broadcast_in_dim3A_84 : vector<20x1xf32> to vector<20x20xf32>
    %mul3A_86 = arith.mulf %convert_element_type3A_83, %mul3A_85 : vector<20x20xf32>
    %broadcast_in_dim3A_87 = vector.shape_cast %convert_element_type3A_52 : vector<20xf32> to vector<1x20xf32>
    %mul3A_88 = vector.broadcast %broadcast_in_dim3A_87 : vector<1x20xf32> to vector<20x20xf32>
    %mul3A_89 = arith.mulf %mul3A_86, %mul3A_88 : vector<20x20xf32>
    %get3A_90 = arith.constant 0 : index
    %get3A_91 = arith.constant 0 : index
    %get3A_92 = vector.load %arg6[%get3A_90, %get3A_91] : memref<20x20xf32, #tpu.memory_space<vmem>>, vector<20x20xf32>
    %sub3A_93 = arith.subf %sqrt3A, %get3A_92 : vector<20x20xf32>
    %integer_pow3A_94 = arith.mulf %sub3A_93, %sub3A_93 : vector<20x20xf32>
    %mul3A_95 = arith.mulf %mul3A_89, %integer_pow3A_94 : vector<20x20xf32>
    %reduce_sum3A_96 = vector.shape_cast %mul3A_95 : vector<20x20xf32> to vector<1x20x20xf32>
    %reduce_sum3A_97 = arith.constant dense<0.000000e+00> : vector<1xf32>
    %reduce_sum3A_98 = vector.multi_reduction <add>, %reduce_sum3A_96, %reduce_sum3A_97 [1, 2] : vector<1x20x20xf32> to vector<1xf32>
    %reduce_sum3A_99 = vector.shape_cast %reduce_sum3A_98 : vector<1xf32> to vector<1x1x1xf32>
    %reduce_sum3A_100 = vector.extract %reduce_sum3A_99[0, 0, 0] : f32 from vector<1x1x1xf32>
    %add3A_101 = arith.addf %reduce_sum3A_36, %reduce_sum3A_68 : f32
    %add3A_102 = arith.addf %add3A_101, %reduce_sum3A_100 : f32
    %reshape3A_103 = vector.broadcast %add3A_102 : f32 to vector<1x1xf32>
    %swap3A = arith.constant 0 : index
    %swap3A_104 = arith.constant 0 : index
    %swap3A_105 = vector.load %arg7[%swap3A, %swap3A_104] : memref<1x1xf32, #tpu.memory_space<vmem>>, vector<1x1xf32>
    tpu.vector_store %arg7[%swap3A, %swap3A_104], %reshape3A_103 {strides = array<i32>} : memref<1x1xf32, #tpu.memory_space<vmem>>, vector<1x1xf32>,
    return
  }
}

</mosaic_0001>

<sc_bundles>
// kernel: _run.5.cloned.1.call-start
scs
__scs_entry_jumppad:
0x0: {  	(pc) =	sbr.rel $0x88, $3  }
0x1: {  	(tag) =	ssettag $0x0;
	lr =	simm.s32 $0x1  }
0x2: {  	[smem:$0x3F9B] =	sst lr;
	_ =	strace $0xD0000000  }
0x3: {  	_ = 	snop  }
0x4: {  	_ = 	snop  }
0x5: {  	_ = 	snop  }
0x6: {  	_ = 	snop  }
0x7: {  	_ = 	snop  }
__scs_overlays_trampoline_lowered:
0x8: {  	[smem:$0x3FAA] =	sst s0  }
0x9: {  	[smem:$0x3FAB] =	sst s1  }
0xa: {  	[smem:$0x3FAC] =	sst s2  }
0xb: {  	[smem:$0x3FAD] =	sst s3  }
0xc: {  	[smem:$0x3FAE] =	sst s4  }
0xd: {  	[smem:$0x3FAF] =	sst s5  }
0xe: {  	[smem:$0x3FB0] =	sst s6  }
0xf: {  	[smem:$0x3FB1] =	sst s7  }
0x10: {  	[smem:$0x3FB2] =	sst s8  }
0x11: {  	[smem:$0x3FB3] =	sst s9;
	s0 =	simm.s32 @!p0 $0x0  }
0x12: {  	s1 =	sld [smem:$0x3F99];
	s0 =	simm.s32 @p0 $0x1  }
0x13: {  	[smem:$0x3FB4] =	sst s0;
	s0 =	simm.s32 @!p1 $0x0  }
0x14: {  	s2 =	sld [smem:$0x3F98];
	s0 =	simm.s32 @p1 $0x1  }
0x15: {  	[smem:$0x3FB5] =	sst s0;
	s0 =	simm.s32 @!p2 $0x0  }
0x16: {  	s3 =	sld [smem:$0x3FDB];
	s0 =	simm.s32 @p2 $0x1  }
0x17: {  	s4 =	simm.s32 $0x1BF5;
	[smem:$0x3FB7] =	sst s0  }
0x18: {  	s0 =	sld [smem:$0x3F9A];
	_ =	swait.ge [sflag:s4], $0x0  }
0x19: {  	s7 =	sld [smem:$0x3F9B]  }
0x1a: {  	s8 =	sadd.s32 $0xFFFFE003, lr  }
0x1b: {  	s9 =	sadd.s32 $0xFFFFFEF7, lr;
	s5 =	simm.s32 $0xFFFFFFFF;
	p2 =	slt.u32 s8, $0xFFFFF086  }
0x1c: {  	p1 =	slt.u32 s9, $0xF7A;
	s5 =	simm.s32 @!p2 $0x0  }
0x1d: {  	s5 =	simm.s32 @p1 $0x1;
	p0 =	seq.s32 s7, s2  }
0x1e: {  	s7 =	smul.u32 @!p0 $0xF7A, s2;
	p2 =	seq.s32 @!p0 s5, $0x0  }
0x1f: {  	s9 =	smul.u32 $0xF7A, s1;
	s8 =	simm.s32 @!p0 $0x1BF5;
	p2 =	por !p2, p0  }
0x20: {  	[sflag:s8] =	ssyncset.s32 @!p0 $0xFFFFF086;
	s6 =	sadd.s32 @!p0 s3, s7;
	s7 =	simm.s32 @!p0 $0x108  }
0x21: {  	s3 =	sadd.s32 s3, s9;
	s6 =	sadd.s32 @!p0 $0x88, s6;
	s7 =	simm.s32 @p2 $0x1082  }
0x22: {  	[simem:s7], [sflag:s8] =	dma.local @!p0 [hbm:s6], $0xF7A  }
0x23: {  	s9 =	sor.u32 $0xD0000000, s2;
	s6 =	simm.s32 $0x108;
	_ =	swait.ge @!p0 [sflag:s8], $0x0  }
0x24: {  	s3 =	sadd.s32 $0x88, s3;
	s6 =	simm.s32 @!p1 $0x1082;
	[sflag:s4] =	ssyncset.s32 $0xFFFFF086  }
0x25: {  	[simem:s6], [sflag:s4] =	dma.local [hbm:s3], $0xF7A  }
0x26: {  	[smem:$0x3F9B] =	sst s1;
	(tag) =	ssettag s2;
	_ =	strace s9  }
0x27: {  	s1 =	sld [smem:$0x3FAB]  }
0x28: {  	s2 =	sld [smem:$0x3FAC]  }
0x29: {  	s4 =	sld [smem:$0x3FAE]  }
0x2a: {  	p0 =	seq.s32 s5, $0x0;
	s5 =	sld [smem:$0x3FAF]  }
0x2b: {  	s6 =	sld [smem:$0x3FB0]  }
0x2c: {  	s7 =	sld [smem:$0x3FB1]  }
0x2d: {  	s3 =	simm.s32 $0x108;
	s8 =	sld [smem:$0x3FB2]  }
0x2e: {  	s3 =	simm.s32 @!p0 $0x1082;
	s9 =	sld [smem:$0x3FB3]  }
0x2f: {  	lr =	sadd.s32 s0, s3;
	s0 =	sld [smem:$0x3FAA]  }
0x30: {  	s3 =	sld [smem:$0x3FAD]  }
0x31: {  	[smem:$0x3FB6] =	sst s10  }
0x32: {  	s10 =	sld [smem:$0x3FB4];
	_ =	sdelay $0x3  }
0x33: {  	p0 =	seq.s32 s10, $0x1;
	s10 =	sld [smem:$0x3FB6];
	_ =	sdelay $0x3  }
0x34: {  	[smem:$0x3FB6] =	sst s10  }
0x35: {  	s10 =	sld [smem:$0x3FB5];
	_ =	sdelay $0x3  }
0x36: {  	p1 =	seq.s32 s10, $0x1;
	s10 =	sld [smem:$0x3FB6];
	_ =	sdelay $0x3  }
0x37: {  	[smem:$0x3FB6] =	sst s10  }
0x38: {  	s10 =	sld [smem:$0x3FB7]  }
0x39: {  	_ = 	snop;
	(pc) =	sbr.ind lr, $3  }
0x3a: {  	_ = 	snop  }
0x3b: {  	_ = 	snop  }
0x3c: {  	p2 =	seq.s32 s10, $0x1;
	s10 =	sld [smem:$0x3FB6]  }
0x3d: {  	_ =	shalt  }
0x3e: {  	_ =	shalt  }
0x3f: {  	_ =	shalt  }
0x40: {  	_ =	shalt  }
0x41: {  	_ =	shalt  }
0x42: {  	_ =	shalt  }
0x43: {  	_ =	shalt  }
0x44: {  	_ =	shalt  }
0x45: {  	_ =	shalt  }
0x46: {  	_ =	shalt  }
0x47: {  	_ =	shalt  }
0x48: {  	_ =	shalt  }
0x49: {  	_ =	shalt  }
0x4a: {  	_ =	shalt  }
0x4b: {  	_ =	shalt  }
0x4c: {  	_ =	shalt  }
0x4d: {  	_ =	shalt  }
0x4e: {  	_ =	shalt  }
0x4f: {  	_ =	shalt  }
0x50: {  	_ =	shalt  }
0x51: {  	_ =	shalt  }
0x52: {  	_ =	shalt  }
0x53: {  	_ =	shalt  }
0x54: {  	_ =	shalt  }
0x55: {  	_ =	shalt  }
0x56: {  	_ =	shalt  }
0x57: {  	_ =	shalt  }
0x58: {  	_ =	shalt  }
0x59: {  	_ =	shalt  }
0x5a: {  	_ =	shalt  }
0x5b: {  	_ =	shalt  }
0x5c: {  	_ =	shalt  }
0x5d: {  	_ =	shalt  }
0x5e: {  	_ =	shalt  }
0x5f: {  	_ =	shalt  }
0x60: {  	_ =	shalt  }
0x61: {  	_ =	shalt  }
0x62: {  	_ =	shalt  }
0x63: {  	_ =	shalt  }
0x64: {  	_ =	shalt  }
0x65: {  	_ =	shalt  }
0x66: {  	_ =	shalt  }
0x67: {  	_ =	shalt  }
0x68: {  	_ =	shalt  }
0x69: {  	_ =	shalt  }
0x6a: {  	_ =	shalt  }
0x6b: {  	_ =	shalt  }
0x6c: {  	_ =	shalt  }
0x6d: {  	_ =	shalt  }
0x6e: {  	_ =	shalt  }
0x6f: {  	_ =	shalt  }
0x70: {  	_ =	shalt  }
0x71: {  	_ =	shalt  }
0x72: {  	_ =	shalt  }
0x73: {  	_ =	shalt  }
0x74: {  	_ =	shalt  }
0x75: {  	_ =	shalt  }
0x76: {  	_ =	shalt  }
0x77: {  	_ =	shalt  }
0x78: {  	_ =	shalt  }
0x79: {  	_ =	shalt  }
0x7a: {  	_ =	shalt  }
0x7b: {  	_ =	shalt  }
0x7c: {  	_ =	shalt  }
0x7d: {  	_ =	shalt  }
0x7e: {  	_ =	shalt  }
0x7f: {  	_ =	shalt  }
0x80: {  	_ =	shalt  }
0x81: {  	_ =	shalt  }
0x82: {  	_ =	shalt  }
0x83: {  	_ =	shalt  }
0x84: {  	_ =	shalt  }
0x85: {  	_ =	shalt  }
0x86: {  	_ =	shalt  }
0x87: {  	_ =	shalt  }
.Lfunc_end0:
.L_simem_size_0:
called_computation_lowered:
.L_overlay_start_0:
0x88: {  	s2 =	sld [smem:$0x3FD9]  }
0x89: {  	s3 =	sld [smem:$0x3FFE];
	_ =	sdelay $0x1  }
0x8a: {  	s1 =	srdreg.scid  }
0x8b: {  	s0 =	sand.u32 $0x1, s1  }
0x8c: {  	s17 =	sshll.u32 s0, $0xA;
	s2 =	sadd.s32 s3, s2  }
0x8d: {  	s2 =	sadd.s32 s2, s17  }
0x8e: {  	[smem:$0x3FC2] =	sst s2  }
0x8f: {  	_ = 	snop  }
0x90: {  	s2 =	sld [smem:$0x3FC9]  }
0x91: {  	s18 =	sld [smem:$0x3FC8];
	(tm) =	ssettm $0x1  }
0x92: {  	s4 =	sld [smem:$0x3FFB];
	_ =	sdelay $0x3  }
0x93: {  	_ =	strace s4  }
0x94: {  	s4 =	sld [smem:$0x3FFC];
	_ =	sdelay $0x3  }
0x95: {  	_ =	strace s4  }
0x96: {  	s4 =	sld [smem:$0x3FFD];
	_ =	sdelay $0x3  }
0x97: {  	_ =	strace s4  }
0x98: {  	_ =	strace $0x8FFFFFFF  }
0x99: {  	s19 =	sld [smem:$0x3FDB];
	_ =	sdelay $0x1  }
0x9a: {  	s5 =	simm.s32 $_scs_section_size  }
0x9b: {  	s6 =	simm.s32 $_size__tile_overlayer_lowered;
	s7 =	simm.s32 $_tile_overlayer_lowered  }
0x9c: {  	s22 =	simm.s32 $0x1BFF;
	s21 =	sshll.u32 s7, $0x1;
	s4 =	sadd.s32 s5, s19  }
0x9d: {  	s8 =	simm.s32 $0x0;
	s20 =	sshll.u32 s6, $0x1;
	s6 =	sadd.s32 s21, s4  }
0x9e: {  	[timem:s8], [sflag:s22] =	dma.local [hbm:s6], s20  }
0x9f: {  	_ =	swait.ge [sflag:s22], s20  }
0xa0: {  	s5 =	ssub.s32 $0x0, s20;
	[sflag:s22] =	ssyncset.done $0x0  }
0xa1: {  	[sflag:s22] =	ssyncadd.s32 s5;
	_ =	sdelay $0x1  }
0xa2: {  	s23 =	simm.s32 $0x1B8B  }
0xa3: {  	_ =	swait.ge [sflag:s23], $0x1  }
0xa4: {  	[sflag:s23] =	ssyncset.done $0x0  }
0xa5: {  	s25 =	simm.s32 $0x1B8E;
	s24 =	sld [smem:$0x3FFE];
	[sflag:s23] =	ssyncadd.s32 $0xFFFFFFFF  }
0xa6: {  	s26 =	simm.s32 $execute0_lowered;
	[smem:$0x3FD2] =	sst s25  }
0xa7: {  	s6 =	sshll.u32 s26, $0x1;
	_ =	strace $0x80000046;
	[dreg:$0x1] =	wrdreg $0xFFFFFFFF  }
0xa8: {  	s28 =	simm.s32 $_size_execute0_lowered;
	s4 =	sadd.s32 s4, s6;
	[dreg:$0x0] =	wrdreg $0x0  }
0xa9: {  	s6 =	sshll.u32 s28, $0x1;
	[dreg:$0x2] =	wrdreg s4  }
0xaa: {  	[dreg:$0x3] =	wrdreg s6  }
0xab: {  	[dreg:$0x4] =	wrdreg $0xC0  }
0xac: {  	_ =	task [dreg:s8], $0x5FFFF  }
0xad: {  	[dreg:$0x1] =	wrdreg $0xFFFFFFFF  }
0xae: {  	[dreg:$0x0] =	wrdreg $0x60  }
0xaf: {  	[dreg:$0x2] =	wrdreg s2  }
0xb0: {  	[dreg:$0x3] =	wrdreg s18  }
0xb1: {  	[dreg:$0x4] =	wrdreg s24  }
0xb2: {  	[dreg:$0x5] =	wrdreg $0x198000  }
0xb3: {  	[dreg:$0x6] =	wrdreg $0x9  }
0xb4: {  	_ =	task.clear_ibuf [dreg:s8], $0x7FFFF;
	_ =	strace $0x90000046  }
0xb5: {  	s29 =	simm.s32 $0x9;
	_ =	strace $0x80000048  }
0xb6: {  	_ =	swait.ge [sflag:s29], $0x1  }
0xb7: {  	[sflag:s29] =	ssyncadd.s32 $0xFFFFFFFF  }
0xb8: {  	_ =	strace $0x90000048  }
0xb9: {  	_ =	sfence  }
0xba: {  	s30 =	sld [smem:$0x0];
	_ =	sdelay $0x2  }
0xbb: {  	s31 =	sshll.u32 s1, $0xD;
	s1 =	sshrl.u32 s1, $0x2  }
0xbc: {  	s3 =	sand.u32 $0x4000, s31;
	s1 =	sadd.s32 s1, s30  }
0xbd: {  	s0 =	sor.u32 s3, s0;
	s1 =	sshll.u32 s1, $0x11  }
0xbe: {  	s0 =	sor.u32 s1, s0  }
0xbf: {  	s0 =	sadd.s32 $0x8F2B, s0  }
0xc0: {  	[sflag:s0] =	ssyncadd.remote.s32 $0x1  }
0xc1: {  	_ =	sfence.sel $0xFFFF  }
0xc2: {  	[dreg:$0x0] =	wrdreg $0xFFFFFFFF;
	(pc) =	sbr.abs _section_cstart, $3  }
0xc3: {  	[dreg:$0x1] =	wrdreg $0xFFFFFFFF  }
0xc4: {  	_ =	task.clear_ibuf [dreg:s8], $0x2FFFF;
	_ =	strace $0x9FFFFFFF  }
0xc5: {  	(tm) =	ssettm $0x7FFFFFFF  }
tec
execute0_lowered:
.L_overlay_start_1:
0x0: {  	(tag) =	ssettag $0x1  }
0x1: {  	s0 =	rddreg [dreg:$0x0]  }
0x2: {  	s2 =	rddreg [dreg:$0x1]  }
0x3: {  	s1 =	rddreg [dreg:$0x2]  }
0x4: {  	s3 =	rddreg [dreg:$0x3]  }
0x5: {  	s4 =	srdreg.scid;
	s5 =	stileid.u32  }
0x6: {  	s8 =	simm.s32 $0x0;
	s17 =	simm.s32 $0x19000;
	s18 =	simm.s32 $0x19080  }
0x7: {  	s28 =	simm.s32 $0x19600;
	s29 =	simm.s32 $0x1;
	s30 =	simm.s32 $0x50  }
0x8: {  	s31 =	simm.s32 $0x2800;
	s4 =	sand.u32 $0x1, s4;
	s6 =	sshll.u32 s5, $0x1  }
0x9: {  	[smem:$0x7FF] =	sst s8;
	s7 =	smul.u32 $0x680, s4;
	s6 =	sor.u32 s4, s6  }
0xa: {  	p0 =	sne.s32 s5, $0x0;
	s5 =	simm.s32 $0x7800;
	s19 =	smul.u32 $0x680, s6  }
0xb: {  	s8 =	simm.s32 $0x3;
	s4 =	ssub.s32 $0x2, s4;
	s9 =	smul.u32 $0x1A90, s6  }
0xc: {  	_ =	strace $0x80000047;
	s6 =	smul.u32 $0x1A900, s6;
	s20 =	sshrl.u32 s4, $0x1  }
0xd: {  	s7 =	sadd.s32 s7, s1;
	s4 =	ssub.s32 s4, s20;
	s20 =	simm.s32 $0x19180  }
0xe: {  	s1 =	sadd.s32 s19, s1;
	s10 =	sshrl.u32 s9, $0x3;
	s6 =	sadd.s32 s0, s6  }
0xf: {  	s11 =	sadd.s32 $0x190, s9;
	s25 =	sadd.s32 $0xE600, s7;
	[dreg:$0x5] =	wrdreg s6  }
0x10: {  	s12 =	sadd.s32 $0x320, s9;
	s26 =	smax.u32 s4, $0x1;
	[dreg:$0xc] =	wrdreg s25  }
0x11: {  	s19 =	simm.s32 $0x19100;
	s21 =	sadd.s32 s2, s10;
	[dreg:$0xd] =	wrdreg s26  }
0x12: {  	s7 =	simm.s32 $0xA000;
	s1 =	sadd.s32 $0x1600, s1;
	[dreg:$0x6] =	wrdreg s21  }
0x13: {  	s9 =	simm.s32 $0x2;
	s22 =	sadd.s32 $0xA, s21;
	[dreg:$0xb] =	wrdreg s1  }
0x14: {  	s25 =	simm.s32 $0x19500;
	s23 =	sadd.s32 $0x14, s21;
	[dreg:$0x7] =	wrdreg s22  }
0x15: {  	s26 =	simm.s32 $0x19580;
	s24 =	sadd.s32 $0x1E, s21;
	[dreg:$0x8] =	wrdreg s23  }
0x16: {  	s10 =	simm.s32 $0x0;
	s6 =	sadd.s32 $0x28, s21;
	[dreg:$0x9] =	wrdreg s24  }
0x17: {  	s21 =	simm.s32 $0x19200;
	s1 =	simm.s32 $0x5000;
	[dreg:$0xa] =	wrdreg s6  }
0x18: {  	v0 =	vimm.f32 $0.0e+00;
	v1 =	vimm.f32 $1.000000000e+00;
	s22 =	simm.s32 $0xC800;
	s23 =	simm.s32 $0x19400;
	s24 =	simm.s32 $0x19480  }
.LBB2_1:
.Ltmp0:
0x19: {  	(pc) =	sbr.rel @p0 .LBB2_5-.Ltmp0, $1  }
0x1a: {  	_ =	sdelay $0x3  }
0x1b: {  	s6 =	simm.s32 $0x0  }
0x1c: {  	s4 =	sshra.s32 s6, $0x2;
	s6 =	sadd.s32 $0x200, s6  }
.LBB2_3:
0x1d: {  	p1 =	sne.s32 s6, $0xC600;
	[tilespmem:s4+$0x70] =	vst v0  }
0x1e: {  	[tilespmem:s4+$0x0] =	vst v0  }
0x1f: {  	[tilespmem:s4+$0x10] =	vst v0  }
.Ltmp1:
0x20: {  	[tilespmem:s4+$0x20] =	vst v0;
	(pc) =	sbr.rel @p1 .LBB2_3-.Ltmp1, $4  }
0x21: {  	[tilespmem:s4+$0x30] =	vst v0  }
0x22: {  	[tilespmem:s4+$0x40] =	vst v0  }
0x23: {  	[tilespmem:s4+$0x50] =	vst v0  }
0x24: {  	[tilespmem:s4+$0x60] =	vst v0;
	s4 =	sshra.s32 s6, $0x2;
	s6 =	sadd.s32 $0x200, s6  }
0x25: {  	[tilespmem:s4+$0x70] =	vst v0  }
0x26: {  	[tilespmem:s4+$0x0] =	vst v0  }
0x27: {  	[tilespmem:s4+$0x10] =	vst v0  }
0x28: {  	[tilespmem:s4+$0x20] =	vst v0  }
0x29: {  	[tilespmem:s4+$0x30] =	vst v0  }
0x2a: {  	[tilespmem:s4+$0x40] =	vst v0  }
0x2b: {  	[tilespmem:s4+$0x50] =	vst v0  }
0x2c: {  	[tilespmem:s4+$0x60] =	vst v0;
	s15 =	simm.s32 $0x0;
	s16 =	simm.s32 $0x4  }
0x2d: {  	[spmem:s3] =	stream.linear.scatter [tilespmem:s15], [sflag:$0x4], $0x3200, $0x38;
	[tilespmem:$0x1CF20] =	vst v63  }
0x2e: {  	_ =	swait.ge [sflag:s16], $0x3200  }
0x2f: {  	[sflag:s16] =	ssyncset.done $0x0  }
0x30: {  	[sflag:s16] =	ssyncadd.s32 $0xFFFFCE00  }
.LBB2_5:
0x31: {  	[dreg:$0xe] =	wrdreg s10;
	s4 =	simm.s32 $0x200;
	s6 =	simm.s32 $0x0  }
.LBB2_6:
0x32: {  	p1 =	sne.s32 s4, $0xC600;
	[tilespmem:s6+$0x19B20] =	vst v0;
	s6 =	smov.u32 s4;
	s4 =	sadd.s32 $0x200, s4  }
.Ltmp2:
0x33: {  	(pc) =	sbr.rel @p1 .LBB2_6-.Ltmp2, $2  }
0x34: {  	_ =	sdelay $0x2  }
0x35: {  	s6 =	sshra.s32 s6, $0x2  }
0x36: {  	[tilespmem:s6+$0x19B20] =	vst v0  }
0x37: {  	[bflag:$0x0] =	sbarrier.arrive $0xFFFF  }
0x38: {  	s6 =	simm.s32 $0x0;
	s4 =	rddreg [dreg:$0x5]  }
0x39: {  	[tilespmem:s6], [sflag:$0x1] =	stream.linear.gather [hbm4b:s4+s6], $0xC800, $0x38;
	[tilespmem:$0x1CF20] =	vst v63  }
0x3a: {  	s10 =	rddreg [dreg:$0x6]  }
0x3b: {  	[tilespmem:s17], [sflag:$0x1] =	stream.linear.gather [hbm4b:s10+s6], $0x50, $0x38;
	[tilespmem:$0x1CF20] =	vst v63  }
0x3c: {  	s13 =	rddreg [dreg:$0x7]  }
0x3d: {  	[tilespmem:s18], [sflag:$0x1] =	stream.linear.gather [hbm4b:s13+s6], $0x50, $0x38;
	[tilespmem:$0x1CF20] =	vst v63  }
0x3e: {  	s14 =	rddreg [dreg:$0x8]  }
0x3f: {  	[tilespmem:s19], [sflag:$0x1] =	stream.linear.gather [hbm4b:s14+s6], $0x50, $0x38;
	[tilespmem:$0x1CF20] =	vst v63  }
0x40: {  	s15 =	rddreg [dreg:$0x9]  }
0x41: {  	[tilespmem:s20], [sflag:$0x1] =	stream.linear.gather [hbm4b:s15+s6], $0x50, $0x38;
	[tilespmem:$0x1CF20] =	vst v63  }
0x42: {  	s16 =	rddreg [dreg:$0xa]  }
0x43: {  	[tilespmem:s21], [sflag:$0x1] =	stream.linear.gather [hbm4b:s16+s6], $0x50, $0x38;
	[tilespmem:$0x1CF20] =	vst v63  }
0x44: {  	s16 =	simm.s32 $0x0  }
.LBB2_8:
0x45: {  	s4 =	smul.u32 $0x320, s16;
	_ =	sdelay $0x1  }
0x46: {  	s10 =	sadd.s32 s4, s11  }
0x47: {  	s13 =	sshll.u32 s10, $0x4  }
0x48: {  	s10 =	sshrl.u32 s10, $0x3;
	s13 =	sadd.s32 s0, s13  }
0x49: {  	[tilespmem:s22], [sflag:$0x2] =	stream.linear.gather [hbm4b:s13+s6], $0xC800, $0x38;
	[tilespmem:$0x1CF20] =	vst v63  }
0x4a: {  	s10 =	sadd.s32 s2, s10  }
0x4b: {  	[tilespmem:s23], [sflag:$0x2] =	stream.linear.gather [hbm4b:s10+s6], $0x50, $0x38;
	[tilespmem:$0x1CF20] =	vst v63  }
0x4c: {  	s15 =	sadd.s32 $0xA, s10  }
0x4d: {  	[tilespmem:s24], [sflag:$0x2] =	stream.linear.gather [hbm4b:s15+s6], $0x50, $0x38;
	[tilespmem:$0x1CF20] =	vst v63  }
0x4e: {  	s14 =	sadd.s32 $0x14, s10  }
0x4f: {  	[tilespmem:s25], [sflag:$0x2] =	stream.linear.gather [hbm4b:s14+s6], $0x50, $0x38;
	[tilespmem:$0x1CF20] =	vst v63  }
0x50: {  	s15 =	sadd.s32 $0x1E, s10  }
0x51: {  	[tilespmem:s26], [sflag:$0x2] =	stream.linear.gather [hbm4b:s15+s6], $0x50, $0x38;
	[tilespmem:$0x1CF20] =	vst v63  }
0x52: {  	s10 =	sadd.s32 $0x28, s10  }
0x53: {  	[tilespmem:s28], [sflag:$0x2] =	stream.linear.gather [hbm4b:s10+s6], $0x50, $0x38;
	[tilespmem:$0x1CF20] =	vst v63  }
0x54: {  	_ =	swait.ge [sflag:s29], $0xC800  }
0x55: {  	[sflag:s29] =	ssyncset.done $0x0  }
0x56: {  	[sflag:s29] =	ssyncadd.s32 $0xFFFF3800  }
0x57: {  	_ =	swait.ge [sflag:s29], $0x50  }
0x58: {  	[sflag:s29] =	ssyncset.done $0x0  }
0x59: {  	[sflag:s29] =	ssyncadd.s32 $0xFFFFFFB0  }
0x5a: {  	_ =	swait.ge [sflag:s29], $0x50  }
0x5b: {  	[sflag:s29] =	ssyncset.done $0x0  }
0x5c: {  	[sflag:s29] =	ssyncadd.s32 $0xFFFFFFB0  }
0x5d: {  	_ =	swait.ge [sflag:s29], $0x50  }
0x5e: {  	[sflag:s29] =	ssyncset.done $0x0  }
0x5f: {  	[sflag:s29] =	ssyncadd.s32 $0xFFFFFFB0  }
0x60: {  	_ =	swait.ge [sflag:s29], $0x50  }
0x61: {  	[sflag:s29] =	ssyncset.done $0x0  }
0x62: {  	[sflag:s29] =	ssyncadd.s32 $0xFFFFFFB0  }
0x63: {  	_ =	swait.ge [sflag:s29], $0x50  }
0x64: {  	[sflag:s29] =	ssyncset.done $0x0  }
0x65: {  	[sflag:s29] =	ssyncadd.s32 $0xFFFFFFB0  }
0x66: {  	[spmem:s3] =	stream.indirect.scatter.add.f32 [tilespmem:s6], [sflag:$0x3], $0x80, s17, s30, $0xb8;
	[tilespmem:$0x1CF20] =	vst v63  }
0x67: {  	_ = 	snop  }
0x68: {  	[spmem:s3] =	stream.indirect.scatter.add.f32 [tilespmem:s31], [sflag:$0x3], $0x80, s18, s30, $0xb8;
	[tilespmem:$0x1CF20] =	vst v63  }
0x69: {  	_ = 	snop  }
0x6a: {  	[spmem:s3] =	stream.indirect.scatter.add.f32 [tilespmem:s1], [sflag:$0x3], $0x80, s19, s30, $0xb8;
	[tilespmem:$0x1CF20] =	vst v63  }
0x6b: {  	_ = 	snop  }
0x6c: {  	[spmem:s3] =	stream.indirect.scatter.add.f32 [tilespmem:s5], [sflag:$0x3], $0x80, s20, s30, $0xb8;
	[tilespmem:$0x1CF20] =	vst v63  }
0x6d: {  	s10 =	simm.s32 $0x0  }
0x6e: {  	[spmem:s3] =	stream.indirect.scatter.add.f32 [tilespmem:s7], [sflag:$0x3], $0x80, s21, s30, $0xb8;
	[tilespmem:$0x1CF20] =	vst v63  }
0x6f: {  	v2 =	vld [tilespmem:s10+$0x19000];
	_ =	sdelay $0x4  }
0x70: {  	v2 =	vshll.u32 v2, $0x9  }
0x71: {  	v2 =	vshra.s32 v2, $0x2  }
0x72: {  	v2 =	vadd.s32 $0x19B20, v2  }
0x73: {  	(v2sf) =	vpush v2, $0x0  }
0x74: {  	(v2sf) =	vpush v2, $0x1  }
0x75: {  	(v2sf) =	vpush v2, $0x2  }
0x76: {  	(v2sf) =	vpush v2, $0x3  }
0x77: {  	(v2sf) =	vpush v2, $0x4  }
0x78: {  	(v2sf) =	vpush v2, $0x5  }
0x79: {  	(v2sf) =	vpush v2, $0x6  }
0x7a: {  	(v2sf) =	vpush v2, $0x7  }
0x7b: {  	(v2sf) =	vpush v2, $0x8  }
0x7c: {  	(v2sf) =	vpush v2, $0x9  }
0x7d: {  	(v2sf) =	vpush v2, $0xA  }
0x7e: {  	(v2sf) =	vpush v2, $0xB  }
0x7f: {  	(v2sf) =	vpush v2, $0xC  }
0x80: {  	(v2sf) =	vpush v2, $0xD  }
0x81: {  	(v2sf) =	vpush v2, $0xE  }
0x82: {  	s14 =	spop (v2sf);
	(v2sf) =	vpush v2, $0xF  }
0x83: {  	[tilespmem:s14+$0x0] =	vst.add.f32.msk $0xffff, v1;
	s15 =	spop (v2sf)  }
0x84: {  	[tilespmem:s15+$0x0] =	vst.add.f32.msk $0xffff, v1;
	s14 =	spop (v2sf)  }
0x85: {  	[tilespmem:s14+$0x0] =	vst.add.f32.msk $0xffff, v1;
	s15 =	spop (v2sf)  }
0x86: {  	[tilespmem:s15+$0x0] =	vst.add.f32.msk $0xffff, v1;
	s14 =	spop (v2sf)  }
0x87: {  	[tilespmem:s14+$0x0] =	vst.add.f32.msk $0xffff, v1;
	s15 =	spop (v2sf)  }
0x88: {  	[tilespmem:s15+$0x0] =	vst.add.f32.msk $0xffff, v1;
	s14 =	spop (v2sf)  }
0x89: {  	[tilespmem:s14+$0x0] =	vst.add.f32.msk $0xffff, v1;
	s15 =	spop (v2sf)  }
0x8a: {  	[tilespmem:s15+$0x0] =	vst.add.f32.msk $0xffff, v1;
	s14 =	spop (v2sf)  }
0x8b: {  	[tilespmem:s14+$0x0] =	vst.add.f32.msk $0xffff, v1;
	s15 =	spop (v2sf)  }
0x8c: {  	[tilespmem:s15+$0x0] =	vst.add.f32.msk $0xffff, v1;
	s14 =	spop (v2sf)  }
0x8d: {  	[tilespmem:s14+$0x0] =	vst.add.f32.msk $0xffff, v1;
	s15 =	spop (v2sf)  }
0x8e: {  	[tilespmem:s15+$0x0] =	vst.add.f32.msk $0xffff, v1;
	s14 =	spop (v2sf)  }
0x8f: {  	[tilespmem:s14+$0x0] =	vst.add.f32.msk $0xffff, v1;
	s15 =	spop (v2sf)  }
0x90: {  	[tilespmem:s15+$0x0] =	vst.add.f32.msk $0xffff, v1;
	s14 =	spop (v2sf)  }
0x91: {  	[tilespmem:s14+$0x0] =	vst.add.f32.msk $0xffff, v1;
	s15 =	spop (v2sf)  }
0x92: {  	[tilespmem:s15+$0x0] =	vst.add.f32.msk $0xffff, v1  }
0x93: {  	v2 =	vld [tilespmem:s10+$0x19010];
	_ =	sdelay $0x4  }
0x94: {  	v2 =	vshll.u32 v2, $0x9  }
0x95: {  	v2 =	vshra.s32 v2, $0x2  }
0x96: {  	v2 =	vadd.s32 $0x19B20, v2  }
0x97: {  	(v2sf) =	vpush v2, $0x0  }
0x98: {  	(v2sf) =	vpush v2, $0x1  }
0x99: {  	(v2sf) =	vpush v2, $0x2  }
0x9a: {  	(v2sf) =	vpush v2, $0x3  }
0x9b: {  	(v2sf) =	vpush v2, $0x4  }
0x9c: {  	(v2sf) =	vpush v2, $0x5  }
0x9d: {  	(v2sf) =	vpush v2, $0x6  }
0x9e: {  	(v2sf) =	vpush v2, $0x7  }
0x9f: {  	(v2sf) =	vpush v2, $0x8  }
0xa0: {  	(v2sf) =	vpush v2, $0x9  }
0xa1: {  	(v2sf) =	vpush v2, $0xA  }
0xa2: {  	(v2sf) =	vpush v2, $0xB  }
0xa3: {  	(v2sf) =	vpush v2, $0xC  }
0xa4: {  	(v2sf) =	vpush v2, $0xD  }
0xa5: {  	(v2sf) =	vpush v2, $0xE  }
0xa6: {  	s14 =	spop (v2sf);
	(v2sf) =	vpush v2, $0xF  }
0xa7: {  	[tilespmem:s14+$0x0] =	vst.add.f32.msk $0xffff, v1;
	s15 =	spop (v2sf)  }
0xa8: {  	[tilespmem:s15+$0x0] =	vst.add.f32.msk $0xffff, v1;
	s14 =	spop (v2sf)  }
0xa9: {  	[tilespmem:s14+$0x0] =	vst.add.f32.msk $0xffff, v1;
	s15 =	spop (v2sf)  }
0xaa: {  	[tilespmem:s15+$0x0] =	vst.add.f32.msk $0xffff, v1;
	s14 =	spop (v2sf)  }
0xab: {  	[tilespmem:s14+$0x0] =	vst.add.f32.msk $0xffff, v1;
	s15 =	spop (v2sf)  }
0xac: {  	[tilespmem:s15+$0x0] =	vst.add.f32.msk $0xffff, v1;
	s14 =	spop (v2sf)  }
0xad: {  	[tilespmem:s14+$0x0] =	vst.add.f32.msk $0xffff, v1;
	s15 =	spop (v2sf)  }
0xae: {  	[tilespmem:s15+$0x0] =	vst.add.f32.msk $0xffff, v1;
	s14 =	spop (v2sf)  }
0xaf: {  	[tilespmem:s14+$0x0] =	vst.add.f32.msk $0xffff, v1;
	s15 =	spop (v2sf)  }
0xb0: {  	[tilespmem:s15+$0x0] =	vst.add.f32.msk $0xffff, v1;
	s14 =	spop (v2sf)  }
0xb1: {  	[tilespmem:s14+$0x0] =	vst.add.f32.msk $0xffff, v1;
	s15 =	spop (v2sf)  }
0xb2: {  	[tilespmem:s15+$0x0] =	vst.add.f32.msk $0xffff, v1;
	s14 =	spop (v2sf)  }
0xb3: {  	[tilespmem:s14+$0x0] =	vst.add.f32.msk $0xffff, v1;
	s15 =	spop (v2sf)  }
0xb4: {  	[tilespmem:s15+$0x0] =	vst.add.f32.msk $0xffff, v1;
	s14 =	spop (v2sf)  }
0xb5: {  	[tilespmem:s14+$0x0] =	vst.add.f32.msk $0xffff, v1;
	s15 =	spop (v2sf)  }
0xb6: {  	[tilespmem:s15+$0x0] =	vst.add.f32.msk $0xffff, v1  }
0xb7: {  	v2 =	vld [tilespmem:s10+$0x19020];
	_ =	sdelay $0x4  }
0xb8: {  	v2 =	vshll.u32 v2, $0x9  }
0xb9: {  	v2 =	vshra.s32 v2, $0x2  }
0xba: {  	v2 =	vadd.s32 $0x19B20, v2  }
0xbb: {  	(v2sf) =	vpush v2, $0x0  }
0xbc: {  	(v2sf) =	vpush v2, $0x1  }
0xbd: {  	(v2sf) =	vpush v2, $0x2  }
0xbe: {  	(v2sf) =	vpush v2, $0x3  }
0xbf: {  	(v2sf) =	vpush v2, $0x4  }
0xc0: {  	(v2sf) =	vpush v2, $0x5  }
0xc1: {  	(v2sf) =	vpush v2, $0x6  }
0xc2: {  	(v2sf) =	vpush v2, $0x7  }
0xc3: {  	(v2sf) =	vpush v2, $0x8  }
0xc4: {  	(v2sf) =	vpush v2, $0x9  }
0xc5: {  	(v2sf) =	vpush v2, $0xA  }
0xc6: {  	(v2sf) =	vpush v2, $0xB  }
0xc7: {  	(v2sf) =	vpush v2, $0xC  }
0xc8: {  	(v2sf) =	vpush v2, $0xD  }
0xc9: {  	(v2sf) =	vpush v2, $0xE  }
0xca: {  	s14 =	spop (v2sf);
	(v2sf) =	vpush v2, $0xF  }
0xcb: {  	[tilespmem:s14+$0x0] =	vst.add.f32.msk $0xffff, v1;
	s15 =	spop (v2sf)  }
0xcc: {  	[tilespmem:s15+$0x0] =	vst.add.f32.msk $0xffff, v1;
	s14 =	spop (v2sf)  }
0xcd: {  	[tilespmem:s14+$0x0] =	vst.add.f32.msk $0xffff, v1;
	s15 =	spop (v2sf)  }
0xce: {  	[tilespmem:s15+$0x0] =	vst.add.f32.msk $0xffff, v1;
	s14 =	spop (v2sf)  }
0xcf: {  	[tilespmem:s14+$0x0] =	vst.add.f32.msk $0xffff, v1;
	s15 =	spop (v2sf)  }
0xd0: {  	[tilespmem:s15+$0x0] =	vst.add.f32.msk $0xffff, v1;
	s14 =	spop (v2sf)  }
0xd1: {  	[tilespmem:s14+$0x0] =	vst.add.f32.msk $0xffff, v1;
	s15 =	spop (v2sf)  }
0xd2: {  	[tilespmem:s15+$0x0] =	vst.add.f32.msk $0xffff, v1;
	s14 =	spop (v2sf)  }
0xd3: {  	[tilespmem:s14+$0x0] =	vst.add.f32.msk $0xffff, v1;
	s15 =	spop (v2sf)  }
0xd4: {  	[tilespmem:s15+$0x0] =	vst.add.f32.msk $0xffff, v1;
	s14 =	spop (v2sf)  }
0xd5: {  	[tilespmem:s14+$0x0] =	vst.add.f32.msk $0xffff, v1;
	s15 =	spop (v2sf)  }
0xd6: {  	[tilespmem:s15+$0x0] =	vst.add.f32.msk $0xffff, v1;
	s14 =	spop (v2sf)  }
0xd7: {  	[tilespmem:s14+$0x0] =	vst.add.f32.msk $0xffff, v1;
	s15 =	spop (v2sf)  }
0xd8: {  	[tilespmem:s15+$0x0] =	vst.add.f32.msk $0xffff, v1;
	s14 =	spop (v2sf)  }
0xd9: {  	[tilespmem:s14+$0x0] =	vst.add.f32.msk $0xffff, v1;
	s15 =	spop (v2sf)  }
0xda: {  	[tilespmem:s15+$0x0] =	vst.add.f32.msk $0xffff, v1  }
0xdb: {  	v2 =	vld [tilespmem:s10+$0x19030];
	_ =	sdelay $0x4  }
0xdc: {  	v2 =	vshll.u32 v2, $0x9  }
0xdd: {  	v2 =	vshra.s32 v2, $0x2  }
0xde: {  	v2 =	vadd.s32 $0x19B20, v2  }
0xdf: {  	(v2sf) =	vpush v2, $0x0  }
0xe0: {  	(v2sf) =	vpush v2, $0x1  }
0xe1: {  	(v2sf) =	vpush v2, $0x2  }
0xe2: {  	(v2sf) =	vpush v2, $0x3  }
0xe3: {  	(v2sf) =	vpush v2, $0x4  }
0xe4: {  	(v2sf) =	vpush v2, $0x5  }
0xe5: {  	(v2sf) =	vpush v2, $0x6  }
0xe6: {  	(v2sf) =	vpush v2, $0x7  }
0xe7: {  	(v2sf) =	vpush v2, $0x8  }
0xe8: {  	(v2sf) =	vpush v2, $0x9  }
0xe9: {  	(v2sf) =	vpush v2, $0xA  }
0xea: {  	(v2sf) =	vpush v2, $0xB  }
0xeb: {  	(v2sf) =	vpush v2, $0xC  }
0xec: {  	(v2sf) =	vpush v2, $0xD  }
0xed: {  	(v2sf) =	vpush v2, $0xE  }
0xee: {  	s14 =	spop (v2sf);
	(v2sf) =	vpush v2, $0xF  }
0xef: {  	[tilespmem:s14+$0x0] =	vst.add.f32.msk $0xffff, v1;
	s15 =	spop (v2sf)  }
0xf0: {  	[tilespmem:s15+$0x0] =	vst.add.f32.msk $0xffff, v1;
	s14 =	spop (v2sf)  }
0xf1: {  	[tilespmem:s14+$0x0] =	vst.add.f32.msk $0xffff, v1;
	s15 =	spop (v2sf)  }
0xf2: {  	[tilespmem:s15+$0x0] =	vst.add.f32.msk $0xffff, v1;
	s14 =	spop (v2sf)  }
0xf3: {  	[tilespmem:s14+$0x0] =	vst.add.f32.msk $0xffff, v1;
	s15 =	spop (v2sf)  }
0xf4: {  	[tilespmem:s15+$0x0] =	vst.add.f32.msk $0xffff, v1;
	s14 =	spop (v2sf)  }
0xf5: {  	[tilespmem:s14+$0x0] =	vst.add.f32.msk $0xffff, v1;
	s15 =	spop (v2sf)  }
0xf6: {  	[tilespmem:s15+$0x0] =	vst.add.f32.msk $0xffff, v1;
	s14 =	spop (v2sf)  }
0xf7: {  	[tilespmem:s14+$0x0] =	vst.add.f32.msk $0xffff, v1;
	s15 =	spop (v2sf)  }
0xf8: {  	[tilespmem:s15+$0x0] =	vst.add.f32.msk $0xffff, v1;
	s14 =	spop (v2sf)  }
0xf9: {  	[tilespmem:s14+$0x0] =	vst.add.f32.msk $0xffff, v1;
	s15 =	spop (v2sf)  }
0xfa: {  	[tilespmem:s15+$0x0] =	vst.add.f32.msk $0xffff, v1;
	s14 =	spop (v2sf)  }
0xfb: {  	[tilespmem:s14+$0x0] =	vst.add.f32.msk $0xffff, v1;
	s15 =	spop (v2sf)  }
0xfc: {  	[tilespmem:s15+$0x0] =	vst.add.f32.msk $0xffff, v1;
	s14 =	spop (v2sf)  }
0xfd: {  	[tilespmem:s14+$0x0] =	vst.add.f32.msk $0xffff, v1;
	s15 =	spop (v2sf)  }
0xfe: {  	[tilespmem:s15+$0x0] =	vst.add.f32.msk $0xffff, v1  }
0xff: {  	v2 =	vld [tilespmem:s10+$0x19040];
	_ =	sdelay $0x4  }
0x100: {  	v2 =	vshll.u32 v2, $0x9  }
0x101: {  	v2 =	vshra.s32 v2, $0x2  }
0x102: {  	v2 =	vadd.s32 $0x19B20, v2  }
0x103: {  	(v2sf) =	vpush v2, $0x0  }
0x104: {  	(v2sf) =	vpush v2, $0x1  }
0x105: {  	(v2sf) =	vpush v2, $0x2  }
0x106: {  	(v2sf) =	vpush v2, $0x3  }
0x107: {  	(v2sf) =	vpush v2, $0x4  }
0x108: {  	(v2sf) =	vpush v2, $0x5  }
0x109: {  	(v2sf) =	vpush v2, $0x6  }
0x10a: {  	(v2sf) =	vpush v2, $0x7  }
0x10b: {  	(v2sf) =	vpush v2, $0x8  }
0x10c: {  	(v2sf) =	vpush v2, $0x9  }
0x10d: {  	(v2sf) =	vpush v2, $0xA  }
0x10e: {  	(v2sf) =	vpush v2, $0xB  }
0x10f: {  	(v2sf) =	vpush v2, $0xC  }
0x110: {  	(v2sf) =	vpush v2, $0xD  }
0x111: {  	(v2sf) =	vpush v2, $0xE  }
0x112: {  	s14 =	spop (v2sf);
	(v2sf) =	vpush v2, $0xF  }
0x113: {  	[tilespmem:s14+$0x0] =	vst.add.f32.msk $0xffff, v1;
	s15 =	spop (v2sf)  }
0x114: {  	[tilespmem:s15+$0x0] =	vst.add.f32.msk $0xffff, v1;
	s13 =	spop (v2sf)  }
0x115: {  	[tilespmem:s13+$0x0] =	vst.add.f32.msk $0xffff, v1;
	s14 =	spop (v2sf)  }
0x116: {  	[tilespmem:s14+$0x0] =	vst.add.f32.msk $0xffff, v1;
	s15 =	spop (v2sf)  }
0x117: {  	[tilespmem:s15+$0x0] =	vst.add.f32.msk $0xffff, v1;
	s13 =	spop (v2sf)  }
0x118: {  	[tilespmem:s13+$0x0] =	vst.add.f32.msk $0xffff, v1;
	s14 =	spop (v2sf)  }
0x119: {  	[tilespmem:s14+$0x0] =	vst.add.f32.msk $0xffff, v1;
	s15 =	spop (v2sf)  }
0x11a: {  	[tilespmem:s15+$0x0] =	vst.add.f32.msk $0xffff, v1;
	s13 =	spop (v2sf)  }
0x11b: {  	[tilespmem:s13+$0x0] =	vst.add.f32.msk $0xffff, v1;
	s14 =	spop (v2sf)  }
0x11c: {  	[tilespmem:s14+$0x0] =	vst.add.f32.msk $0xffff, v1;
	s15 =	spop (v2sf)  }
0x11d: {  	[tilespmem:s15+$0x0] =	vst.add.f32.msk $0xffff, v1;
	s13 =	spop (v2sf)  }
0x11e: {  	[tilespmem:s13+$0x0] =	vst.add.f32.msk $0xffff, v1;
	s14 =	spop (v2sf)  }
0x11f: {  	[tilespmem:s14+$0x0] =	vst.add.f32.msk $0xffff, v1;
	s15 =	spop (v2sf)  }
0x120: {  	[tilespmem:s15+$0x0] =	vst.add.f32.msk $0xffff, v1;
	s14 =	spop (v2sf)  }
0x121: {  	s10 =	simm.s32 $0x200;
	s13 =	simm.s32 $0x400;
	[tilespmem:s14+$0x0] =	vst.add.f32.msk $0xffff, v1;
	s15 =	spop (v2sf)  }
.LBB2_9:
0x122: {  	p1 =	sne.s32 s13, $0x800  }
0x123: {  	s14 =	sshra.s32 s10, $0x2;
	[tilespmem:s15+$0x0] =	vst.add.f32.msk $0xffff, v1;
	s10 =	smov.u32 s13;
	s13 =	sadd.s32 $0x200, s13  }
0x124: {  	v2 =	vld [tilespmem:s14+$0x19000];
	_ =	sdelay $0x4  }
0x125: {  	v2 =	vshll.u32 v2, $0x9  }
0x126: {  	v2 =	vshra.s32 v2, $0x2  }
0x127: {  	v2 =	vadd.s32 $0x19B20, v2  }
0x128: {  	(v2sf) =	vpush v2, $0x0  }
0x129: {  	(v2sf) =	vpush v2, $0x1  }
0x12a: {  	(v2sf) =	vpush v2, $0x2  }
0x12b: {  	(v2sf) =	vpush v2, $0x3  }
0x12c: {  	(v2sf) =	vpush v2, $0x4  }
0x12d: {  	(v2sf) =	vpush v2, $0x5  }
0x12e: {  	(v2sf) =	vpush v2, $0x6  }
0x12f: {  	(v2sf) =	vpush v2, $0x7  }
0x130: {  	(v2sf) =	vpush v2, $0x8  }
0x131: {  	(v2sf) =	vpush v2, $0x9  }
0x132: {  	(v2sf) =	vpush v2, $0xA  }
0x133: {  	(v2sf) =	vpush v2, $0xB  }
0x134: {  	(v2sf) =	vpush v2, $0xC  }
0x135: {  	(v2sf) =	vpush v2, $0xD  }
0x136: {  	(v2sf) =	vpush v2, $0xE  }
0x137: {  	s15 =	spop (v2sf);
	(v2sf) =	vpush v2, $0xF  }
0x138: {  	[tilespmem:s15+$0x0] =	vst.add.f32.msk $0xffff, v1;
	s15 =	spop (v2sf)  }
0x139: {  	[tilespmem:s15+$0x0] =	vst.add.f32.msk $0xffff, v1;
	s15 =	spop (v2sf)  }
0x13a: {  	[tilespmem:s15+$0x0] =	vst.add.f32.msk $0xffff, v1;
	s15 =	spop (v2sf)  }
0x13b: {  	[tilespmem:s15+$0x0] =	vst.add.f32.msk $0xffff, v1;
	s15 =	spop (v2sf)  }
0x13c: {  	[tilespmem:s15+$0x0] =	vst.add.f32.msk $0xffff, v1;
	s15 =	spop (v2sf)  }
0x13d: {  	[tilespmem:s15+$0x0] =	vst.add.f32.msk $0xffff, v1;
	s15 =	spop (v2sf)  }
0x13e: {  	[tilespmem:s15+$0x0] =	vst.add.f32.msk $0xffff, v1;
	s15 =	spop (v2sf)  }
0x13f: {  	[tilespmem:s15+$0x0] =	vst.add.f32.msk $0xffff, v1;
	s15 =	spop (v2sf)  }
0x140: {  	[tilespmem:s15+$0x0] =	vst.add.f32.msk $0xffff, v1;
	s15 =	spop (v2sf)  }
0x141: {  	[tilespmem:s15+$0x0] =	vst.add.f32.msk $0xffff, v1;
	s15 =	spop (v2sf)  }
0x142: {  	[tilespmem:s15+$0x0] =	vst.add.f32.msk $0xffff, v1;
	s15 =	spop (v2sf)  }
0x143: {  	[tilespmem:s15+$0x0] =	vst.add.f32.msk $0xffff, v1;
	s15 =	spop (v2sf)  }
0x144: {  	[tilespmem:s15+$0x0] =	vst.add.f32.msk $0xffff, v1;
	s15 =	spop (v2sf)  }
0x145: {  	[tilespmem:s15+$0x0] =	vst.add.f32.msk $0xffff, v1;
	s15 =	spop (v2sf)  }
0x146: {  	[tilespmem:s15+$0x0] =	vst.add.f32.msk $0xffff, v1;
	s15 =	spop (v2sf)  }
0x147: {  	[tilespmem:s15+$0x0] =	vst.add.f32.msk $0xffff, v1  }
0x148: {  	v2 =	vld [tilespmem:s14+$0x19010];
	_ =	sdelay $0x4  }
0x149: {  	v2 =	vshll.u32 v2, $0x9  }
0x14a: {  	v2 =	vshra.s32 v2, $0x2  }
0x14b: {  	v2 =	vadd.s32 $0x19B20, v2  }
0x14c: {  	(v2sf) =	vpush v2, $0x0  }
0x14d: {  	(v2sf) =	vpush v2, $0x1  }
0x14e: {  	(v2sf) =	vpush v2, $0x2  }
0x14f: {  	(v2sf) =	vpush v2, $0x3  }
0x150: {  	(v2sf) =	vpush v2, $0x4  }
0x151: {  	(v2sf) =	vpush v2, $0x5  }
0x152: {  	(v2sf) =	vpush v2, $0x6  }
0x153: {  	(v2sf) =	vpush v2, $0x7  }
0x154: {  	(v2sf) =	vpush v2, $0x8  }
0x155: {  	(v2sf) =	vpush v2, $0x9  }
0x156: {  	(v2sf) =	vpush v2, $0xA  }
0x157: {  	(v2sf) =	vpush v2, $0xB  }
0x158: {  	(v2sf) =	vpush v2, $0xC  }
0x159: {  	(v2sf) =	vpush v2, $0xD  }
0x15a: {  	(v2sf) =	vpush v2, $0xE  }
0x15b: {  	s15 =	spop (v2sf);
	(v2sf) =	vpush v2, $0xF  }
0x15c: {  	[tilespmem:s15+$0x0] =	vst.add.f32.msk $0xffff, v1;
	s15 =	spop (v2sf)  }
0x15d: {  	[tilespmem:s15+$0x0] =	vst.add.f32.msk $0xffff, v1;
	s15 =	spop (v2sf)  }
0x15e: {  	[tilespmem:s15+$0x0] =	vst.add.f32.msk $0xffff, v1;
	s15 =	spop (v2sf)  }
0x15f: {  	[tilespmem:s15+$0x0] =	vst.add.f32.msk $0xffff, v1;
	s15 =	spop (v2sf)  }
0x160: {  	[tilespmem:s15+$0x0] =	vst.add.f32.msk $0xffff, v1;
	s15 =	spop (v2sf)  }
0x161: {  	[tilespmem:s15+$0x0] =	vst.add.f32.msk $0xffff, v1;
	s15 =	spop (v2sf)  }
0x162: {  	[tilespmem:s15+$0x0] =	vst.add.f32.msk $0xffff, v1;
	s15 =	spop (v2sf)  }
0x163: {  	[tilespmem:s15+$0x0] =	vst.add.f32.msk $0xffff, v1;
	s15 =	spop (v2sf)  }
0x164: {  	[tilespmem:s15+$0x0] =	vst.add.f32.msk $0xffff, v1;
	s15 =	spop (v2sf)  }
0x165: {  	[tilespmem:s15+$0x0] =	vst.add.f32.msk $0xffff, v1;
	s15 =	spop (v2sf)  }
0x166: {  	[tilespmem:s15+$0x0] =	vst.add.f32.msk $0xffff, v1;
	s15 =	spop (v2sf)  }
0x167: {  	[tilespmem:s15+$0x0] =	vst.add.f32.msk $0xffff, v1;
	s15 =	spop (v2sf)  }
0x168: {  	[tilespmem:s15+$0x0] =	vst.add.f32.msk $0xffff, v1;
	s15 =	spop (v2sf)  }
0x169: {  	[tilespmem:s15+$0x0] =	vst.add.f32.msk $0xffff, v1;
	s15 =	spop (v2sf)  }
0x16a: {  	[tilespmem:s15+$0x0] =	vst.add.f32.msk $0xffff, v1;
	s15 =	spop (v2sf)  }
0x16b: {  	[tilespmem:s15+$0x0] =	vst.add.f32.msk $0xffff, v1  }
0x16c: {  	v2 =	vld [tilespmem:s14+$0x19020];
	_ =	sdelay $0x4  }
0x16d: {  	v2 =	vshll.u32 v2, $0x9  }
0x16e: {  	v2 =	vshra.s32 v2, $0x2  }
0x16f: {  	v2 =	vadd.s32 $0x19B20, v2  }
0x170: {  	(v2sf) =	vpush v2, $0x0  }
0x171: {  	(v2sf) =	vpush v2, $0x1  }
0x172: {  	(v2sf) =	vpush v2, $0x2  }
0x173: {  	(v2sf) =	vpush v2, $0x3  }
0x174: {  	(v2sf) =	vpush v2, $0x4  }
0x175: {  	(v2sf) =	vpush v2, $0x5  }
0x176: {  	(v2sf) =	vpush v2, $0x6  }
0x177: {  	(v2sf) =	vpush v2, $0x7  }
0x178: {  	(v2sf) =	vpush v2, $0x8  }
0x179: {  	(v2sf) =	vpush v2, $0x9  }
0x17a: {  	(v2sf) =	vpush v2, $0xA  }
0x17b: {  	(v2sf) =	vpush v2, $0xB  }
0x17c: {  	(v2sf) =	vpush v2, $0xC  }
0x17d: {  	(v2sf) =	vpush v2, $0xD  }
0x17e: {  	(v2sf) =	vpush v2, $0xE  }
0x17f: {  	s15 =	spop (v2sf);
	(v2sf) =	vpush v2, $0xF  }
0x180: {  	[tilespmem:s15+$0x0] =	vst.add.f32.msk $0xffff, v1;
	s15 =	spop (v2sf)  }
0x181: {  	[tilespmem:s15+$0x0] =	vst.add.f32.msk $0xffff, v1;
	s15 =	spop (v2sf)  }
0x182: {  	[tilespmem:s15+$0x0] =	vst.add.f32.msk $0xffff, v1;
	s15 =	spop (v2sf)  }
0x183: {  	[tilespmem:s15+$0x0] =	vst.add.f32.msk $0xffff, v1;
	s15 =	spop (v2sf)  }
0x184: {  	[tilespmem:s15+$0x0] =	vst.add.f32.msk $0xffff, v1;
	s15 =	spop (v2sf)  }
0x185: {  	[tilespmem:s15+$0x0] =	vst.add.f32.msk $0xffff, v1;
	s15 =	spop (v2sf)  }
0x186: {  	[tilespmem:s15+$0x0] =	vst.add.f32.msk $0xffff, v1;
	s15 =	spop (v2sf)  }
0x187: {  	[tilespmem:s15+$0x0] =	vst.add.f32.msk $0xffff, v1;
	s15 =	spop (v2sf)  }
0x188: {  	[tilespmem:s15+$0x0] =	vst.add.f32.msk $0xffff, v1;
	s15 =	spop (v2sf)  }
0x189: {  	[tilespmem:s15+$0x0] =	vst.add.f32.msk $0xffff, v1;
	s15 =	spop (v2sf)  }
0x18a: {  	[tilespmem:s15+$0x0] =	vst.add.f32.msk $0xffff, v1;
	s15 =	spop (v2sf)  }
0x18b: {  	[tilespmem:s15+$0x0] =	vst.add.f32.msk $0xffff, v1;
	s15 =	spop (v2sf)  }
0x18c: {  	[tilespmem:s15+$0x0] =	vst.add.f32.msk $0xffff, v1;
	s15 =	spop (v2sf)  }
0x18d: {  	[tilespmem:s15+$0x0] =	vst.add.f32.msk $0xffff, v1;
	s15 =	spop (v2sf)  }
0x18e: {  	[tilespmem:s15+$0x0] =	vst.add.f32.msk $0xffff, v1;
	s15 =	spop (v2sf)  }
0x18f: {  	[tilespmem:s15+$0x0] =	vst.add.f32.msk $0xffff, v1  }
0x190: {  	v2 =	vld [tilespmem:s14+$0x19030];
	_ =	sdelay $0x4  }
0x191: {  	v2 =	vshll.u32 v2, $0x9  }
0x192: {  	v2 =	vshra.s32 v2, $0x2  }
0x193: {  	v2 =	vadd.s32 $0x19B20, v2  }
0x194: {  	(v2sf) =	vpush v2, $0x0  }
0x195: {  	(v2sf) =	vpush v2, $0x1  }
0x196: {  	(v2sf) =	vpush v2, $0x2  }
0x197: {  	(v2sf) =	vpush v2, $0x3  }
0x198: {  	(v2sf) =	vpush v2, $0x4  }
0x199: {  	(v2sf) =	vpush v2, $0x5  }
0x19a: {  	(v2sf) =	vpush v2, $0x6  }
0x19b: {  	(v2sf) =	vpush v2, $0x7  }
0x19c: {  	(v2sf) =	vpush v2, $0x8  }
0x19d: {  	(v2sf) =	vpush v2, $0x9  }
0x19e: {  	(v2sf) =	vpush v2, $0xA  }
0x19f: {  	(v2sf) =	vpush v2, $0xB  }
0x1a0: {  	(v2sf) =	vpush v2, $0xC  }
0x1a1: {  	(v2sf) =	vpush v2, $0xD  }
0x1a2: {  	(v2sf) =	vpush v2, $0xE  }
0x1a3: {  	s15 =	spop (v2sf);
	(v2sf) =	vpush v2, $0xF  }
0x1a4: {  	[tilespmem:s15+$0x0] =	vst.add.f32.msk $0xffff, v1;
	s15 =	spop (v2sf)  }
0x1a5: {  	[tilespmem:s15+$0x0] =	vst.add.f32.msk $0xffff, v1;
	s15 =	spop (v2sf)  }
0x1a6: {  	[tilespmem:s15+$0x0] =	vst.add.f32.msk $0xffff, v1;
	s15 =	spop (v2sf)  }
0x1a7: {  	[tilespmem:s15+$0x0] =	vst.add.f32.msk $0xffff, v1;
	s15 =	spop (v2sf)  }
0x1a8: {  	[tilespmem:s15+$0x0] =	vst.add.f32.msk $0xffff, v1;
	s15 =	spop (v2sf)  }
0x1a9: {  	[tilespmem:s15+$0x0] =	vst.add.f32.msk $0xffff, v1;
	s15 =	spop (v2sf)  }
0x1aa: {  	[tilespmem:s15+$0x0] =	vst.add.f32.msk $0xffff, v1;
	s15 =	spop (v2sf)  }
0x1ab: {  	[tilespmem:s15+$0x0] =	vst.add.f32.msk $0xffff, v1;
	s15 =	spop (v2sf)  }
0x1ac: {  	[tilespmem:s15+$0x0] =	vst.add.f32.msk $0xffff, v1;
	s15 =	spop (v2sf)  }
0x1ad: {  	[tilespmem:s15+$0x0] =	vst.add.f32.msk $0xffff, v1;
	s15 =	spop (v2sf)  }
0x1ae: {  	[tilespmem:s15+$0x0] =	vst.add.f32.msk $0xffff, v1;
	s15 =	spop (v2sf)  }
0x1af: {  	[tilespmem:s15+$0x0] =	vst.add.f32.msk $0xffff, v1;
	s15 =	spop (v2sf)  }
0x1b0: {  	[tilespmem:s15+$0x0] =	vst.add.f32.msk $0xffff, v1;
	s15 =	spop (v2sf)  }
0x1b1: {  	[tilespmem:s15+$0x0] =	vst.add.f32.msk $0xffff, v1;
	s15 =	spop (v2sf)  }
0x1b2: {  	[tilespmem:s15+$0x0] =	vst.add.f32.msk $0xffff, v1;
	s15 =	spop (v2sf)  }
0x1b3: {  	[tilespmem:s15+$0x0] =	vst.add.f32.msk $0xffff, v1  }
0x1b4: {  	v2 =	vld [tilespmem:s14+$0x19040];
	_ =	sdelay $0x4  }
0x1b5: {  	v2 =	vshll.u32 v2, $0x9  }
0x1b6: {  	v2 =	vshra.s32 v2, $0x2  }
0x1b7: {  	v2 =	vadd.s32 $0x19B20, v2  }
0x1b8: {  	(v2sf) =	vpush v2, $0x0  }
0x1b9: {  	(v2sf) =	vpush v2, $0x1  }
0x1ba: {  	(v2sf) =	vpush v2, $0x2  }
0x1bb: {  	(v2sf) =	vpush v2, $0x3  }
0x1bc: {  	(v2sf) =	vpush v2, $0x4  }
0x1bd: {  	(v2sf) =	vpush v2, $0x5  }
0x1be: {  	(v2sf) =	vpush v2, $0x6  }
0x1bf: {  	(v2sf) =	vpush v2, $0x7  }
0x1c0: {  	(v2sf) =	vpush v2, $0x8  }
0x1c1: {  	(v2sf) =	vpush v2, $0x9  }
0x1c2: {  	(v2sf) =	vpush v2, $0xA  }
0x1c3: {  	(v2sf) =	vpush v2, $0xB  }
0x1c4: {  	(v2sf) =	vpush v2, $0xC  }
0x1c5: {  	(v2sf) =	vpush v2, $0xD  }
0x1c6: {  	(v2sf) =	vpush v2, $0xE  }
0x1c7: {  	s14 =	spop (v2sf);
	(v2sf) =	vpush v2, $0xF  }
0x1c8: {  	[tilespmem:s14+$0x0] =	vst.add.f32.msk $0xffff, v1;
	s14 =	spop (v2sf)  }
0x1c9: {  	[tilespmem:s14+$0x0] =	vst.add.f32.msk $0xffff, v1;
	s14 =	spop (v2sf)  }
0x1ca: {  	[tilespmem:s14+$0x0] =	vst.add.f32.msk $0xffff, v1;
	s14 =	spop (v2sf)  }
0x1cb: {  	[tilespmem:s14+$0x0] =	vst.add.f32.msk $0xffff, v1;
	s14 =	spop (v2sf)  }
0x1cc: {  	[tilespmem:s14+$0x0] =	vst.add.f32.msk $0xffff, v1;
	s14 =	spop (v2sf)  }
0x1cd: {  	[tilespmem:s14+$0x0] =	vst.add.f32.msk $0xffff, v1;
	s14 =	spop (v2sf)  }
0x1ce: {  	[tilespmem:s14+$0x0] =	vst.add.f32.msk $0xffff, v1;
	s14 =	spop (v2sf)  }
0x1cf: {  	[tilespmem:s14+$0x0] =	vst.add.f32.msk $0xffff, v1;
	s14 =	spop (v2sf)  }
0x1d0: {  	[tilespmem:s14+$0x0] =	vst.add.f32.msk $0xffff, v1;
	s14 =	spop (v2sf)  }
0x1d1: {  	[tilespmem:s14+$0x0] =	vst.add.f32.msk $0xffff, v1;
	s14 =	spop (v2sf)  }
.Ltmp3:
0x1d2: {  	[tilespmem:s14+$0x0] =	vst.add.f32.msk $0xffff, v1;
	s14 =	spop (v2sf);
	(pc) =	sbr.rel @p1 .LBB2_9-.Ltmp3, $4  }
0x1d3: {  	[tilespmem:s14+$0x0] =	vst.add.f32.msk $0xffff, v1;
	s14 =	spop (v2sf)  }
0x1d4: {  	[tilespmem:s14+$0x0] =	vst.add.f32.msk $0xffff, v1;
	s14 =	spop (v2sf)  }
0x1d5: {  	[tilespmem:s14+$0x0] =	vst.add.f32.msk $0xffff, v1;
	s14 =	spop (v2sf)  }
0x1d6: {  	[tilespmem:s14+$0x0] =	vst.add.f32.msk $0xffff, v1;
	s15 =	spop (v2sf)  }
0x1d7: {  	s10 =	sshra.s32 s10, $0x2;
	[tilespmem:s15+$0x0] =	vst.add.f32.msk $0xffff, v1  }
0x1d8: {  	v2 =	vld [tilespmem:s10+$0x19000];
	_ =	sdelay $0x4  }
0x1d9: {  	v2 =	vshll.u32 v2, $0x9  }
0x1da: {  	v2 =	vshra.s32 v2, $0x2  }
0x1db: {  	v2 =	vadd.s32 $0x19B20, v2  }
0x1dc: {  	(v2sf) =	vpush v2, $0x0  }
0x1dd: {  	(v2sf) =	vpush v2, $0x1  }
0x1de: {  	(v2sf) =	vpush v2, $0x2;
	_ =	sdelay $0x1  }
0x1df: {  	(v2sf) =	vpush v2, $0x3  }
0x1e0: {  	(v2sf) =	vpush v2, $0x4  }
0x1e1: {  	(v2sf) =	vpush v2, $0x5  }
0x1e2: {  	(v2sf) =	vpush v2, $0x6  }
0x1e3: {  	(v2sf) =	vpush v2, $0x7  }
0x1e4: {  	(v2sf) =	vpush v2, $0x8  }
0x1e5: {  	(v2sf) =	vpush v2, $0x9  }
0x1e6: {  	(v2sf) =	vpush v2, $0xA  }
0x1e7: {  	(v2sf) =	vpush v2, $0xB  }
0x1e8: {  	(v2sf) =	vpush v2, $0xC  }
0x1e9: {  	(v2sf) =	vpush v2, $0xD  }
0x1ea: {  	(v2sf) =	vpush v2, $0xE;
	s13 =	spop (v2sf)  }
0x1eb: {  	(v2sf) =	vpush v2, $0xF;
	[tilespmem:s13+$0x0] =	vst.add.f32.msk $0xffff, v1;
	s15 =	spop (v2sf)  }
0x1ec: {  	[tilespmem:s15+$0x0] =	vst.add.f32.msk $0xffff, v1;
	s14 =	spop (v2sf)  }
0x1ed: {  	[tilespmem:s14+$0x0] =	vst.add.f32.msk $0xffff, v1  }
0x1ee: {  	s13 =	spop (v2sf)  }
0x1ef: {  	[tilespmem:s13+$0x0] =	vst.add.f32.msk $0xffff, v1;
	s15 =	spop (v2sf)  }
0x1f0: {  	[tilespmem:s15+$0x0] =	vst.add.f32.msk $0xffff, v1;
	s14 =	spop (v2sf)  }
0x1f1: {  	[tilespmem:s14+$0x0] =	vst.add.f32.msk $0xffff, v1;
	s15 =	spop (v2sf)  }
0x1f2: {  	[tilespmem:s15+$0x0] =	vst.add.f32.msk $0xffff, v1;
	s14 =	spop (v2sf)  }
0x1f3: {  	[tilespmem:s14+$0x0] =	vst.add.f32.msk $0xffff, v1;
	s15 =	spop (v2sf)  }
0x1f4: {  	[tilespmem:s15+$0x0] =	vst.add.f32.msk $0xffff, v1;
	s14 =	spop (v2sf)  }
0x1f5: {  	[tilespmem:s14+$0x0] =	vst.add.f32.msk $0xffff, v1;
	s15 =	spop (v2sf)  }
0x1f6: {  	[tilespmem:s15+$0x0] =	vst.add.f32.msk $0xffff, v1;
	s14 =	spop (v2sf)  }
0x1f7: {  	[tilespmem:s14+$0x0] =	vst.add.f32.msk $0xffff, v1;
	s15 =	spop (v2sf)  }
0x1f8: {  	[tilespmem:s15+$0x0] =	vst.add.f32.msk $0xffff, v1;
	s14 =	spop (v2sf)  }
0x1f9: {  	[tilespmem:s14+$0x0] =	vst.add.f32.msk $0xffff, v1;
	s15 =	spop (v2sf)  }
0x1fa: {  	[tilespmem:s15+$0x0] =	vst.add.f32.msk $0xffff, v1;
	s14 =	spop (v2sf)  }
0x1fb: {  	[tilespmem:s14+$0x0] =	vst.add.f32.msk $0xffff, v1  }
0x1fc: {  	v2 =	vld [tilespmem:s10+$0x19010];
	_ =	sdelay $0x4  }
0x1fd: {  	v2 =	vshll.u32 v2, $0x9  }
0x1fe: {  	v2 =	vshra.s32 v2, $0x2  }
0x1ff: {  	v2 =	vadd.s32 $0x19B20, v2  }
0x200: {  	(v2sf) =	vpush v2, $0x0  }
0x201: {  	(v2sf) =	vpush v2, $0x1  }
0x202: {  	(v2sf) =	vpush v2, $0x2  }
0x203: {  	(v2sf) =	vpush v2, $0x3  }
0x204: {  	(v2sf) =	vpush v2, $0x4  }
0x205: {  	(v2sf) =	vpush v2, $0x5  }
0x206: {  	(v2sf) =	vpush v2, $0x6  }
0x207: {  	(v2sf) =	vpush v2, $0x7  }
0x208: {  	(v2sf) =	vpush v2, $0x8  }
0x209: {  	(v2sf) =	vpush v2, $0x9  }
0x20a: {  	(v2sf) =	vpush v2, $0xA  }
0x20b: {  	(v2sf) =	vpush v2, $0xB  }
0x20c: {  	(v2sf) =	vpush v2, $0xC  }
0x20d: {  	(v2sf) =	vpush v2, $0xD  }
0x20e: {  	(v2sf) =	vpush v2, $0xE  }
0x20f: {  	s15 =	spop (v2sf);
	(v2sf) =	vpush v2, $0xF  }
0x210: {  	[tilespmem:s15+$0x0] =	vst.add.f32.msk $0xffff, v1;
	s14 =	spop (v2sf)  }
0x211: {  	[tilespmem:s14+$0x0] =	vst.add.f32.msk $0xffff, v1;
	s15 =	spop (v2sf)  }
0x212: {  	[tilespmem:s15+$0x0] =	vst.add.f32.msk $0xffff, v1;
	s14 =	spop (v2sf)  }
0x213: {  	[tilespmem:s14+$0x0] =	vst.add.f32.msk $0xffff, v1;
	s15 =	spop (v2sf)  }
0x214: {  	[tilespmem:s15+$0x0] =	vst.add.f32.msk $0xffff, v1;
	s14 =	spop (v2sf)  }
0x215: {  	[tilespmem:s14+$0x0] =	vst.add.f32.msk $0xffff, v1;
	s15 =	spop (v2sf)  }
0x216: {  	[tilespmem:s15+$0x0] =	vst.add.f32.msk $0xffff, v1;
	s14 =	spop (v2sf)  }
0x217: {  	[tilespmem:s14+$0x0] =	vst.add.f32.msk $0xffff, v1;
	s15 =	spop (v2sf)  }
0x218: {  	[tilespmem:s15+$0x0] =	vst.add.f32.msk $0xffff, v1;
	s14 =	spop (v2sf)  }
0x219: {  	[tilespmem:s14+$0x0] =	vst.add.f32.msk $0xffff, v1;
	s15 =	spop (v2sf)  }
0x21a: {  	[tilespmem:s15+$0x0] =	vst.add.f32.msk $0xffff, v1;
	s14 =	spop (v2sf)  }
0x21b: {  	[tilespmem:s14+$0x0] =	vst.add.f32.msk $0xffff, v1;
	s15 =	spop (v2sf)  }
0x21c: {  	[tilespmem:s15+$0x0] =	vst.add.f32.msk $0xffff, v1;
	s14 =	spop (v2sf)  }
0x21d: {  	[tilespmem:s14+$0x0] =	vst.add.f32.msk $0xffff, v1;
	s15 =	spop (v2sf)  }
0x21e: {  	[tilespmem:s15+$0x0] =	vst.add.f32.msk $0xffff, v1;
	s14 =	spop (v2sf)  }
0x21f: {  	[tilespmem:s14+$0x0] =	vst.add.f32.msk $0xffff, v1  }
0x220: {  	v2 =	vld [tilespmem:s10+$0x19020];
	_ =	sdelay $0x4  }
0x221: {  	v2 =	vshll.u32 v2, $0x9  }
0x222: {  	v2 =	vshra.s32 v2, $0x2  }
0x223: {  	v2 =	vadd.s32 $0x19B20, v2  }
0x224: {  	(v2sf) =	vpush v2, $0x0  }
0x225: {  	(v2sf) =	vpush v2, $0x1  }
0x226: {  	(v2sf) =	vpush v2, $0x2  }
0x227: {  	(v2sf) =	vpush v2, $0x3  }
0x228: {  	(v2sf) =	vpush v2, $0x4  }
0x229: {  	(v2sf) =	vpush v2, $0x5  }
0x22a: {  	(v2sf) =	vpush v2, $0x6  }
0x22b: {  	(v2sf) =	vpush v2, $0x7  }
0x22c: {  	(v2sf) =	vpush v2, $0x8  }
0x22d: {  	(v2sf) =	vpush v2, $0x9  }
0x22e: {  	(v2sf) =	vpush v2, $0xA  }
0x22f: {  	(v2sf) =	vpush v2, $0xB  }
0x230: {  	(v2sf) =	vpush v2, $0xC  }
0x231: {  	(v2sf) =	vpush v2, $0xD  }
0x232: {  	(v2sf) =	vpush v2, $0xE  }
0x233: {  	s15 =	spop (v2sf);
	(v2sf) =	vpush v2, $0xF  }
0x234: {  	[tilespmem:s15+$0x0] =	vst.add.f32.msk $0xffff, v1;
	s14 =	spop (v2sf)  }
0x235: {  	[tilespmem:s14+$0x0] =	vst.add.f32.msk $0xffff, v1;
	s15 =	spop (v2sf)  }
0x236: {  	[tilespmem:s15+$0x0] =	vst.add.f32.msk $0xffff, v1;
	s14 =	spop (v2sf)  }
0x237: {  	[tilespmem:s14+$0x0] =	vst.add.f32.msk $0xffff, v1;
	s15 =	spop (v2sf)  }
0x238: {  	[tilespmem:s15+$0x0] =	vst.add.f32.msk $0xffff, v1;
	s14 =	spop (v2sf)  }
0x239: {  	[tilespmem:s14+$0x0] =	vst.add.f32.msk $0xffff, v1;
	s15 =	spop (v2sf)  }
0x23a: {  	[tilespmem:s15+$0x0] =	vst.add.f32.msk $0xffff, v1;
	s14 =	spop (v2sf)  }
0x23b: {  	[tilespmem:s14+$0x0] =	vst.add.f32.msk $0xffff, v1;
	s15 =	spop (v2sf)  }
0x23c: {  	[tilespmem:s15+$0x0] =	vst.add.f32.msk $0xffff, v1;
	s14 =	spop (v2sf)  }
0x23d: {  	[tilespmem:s14+$0x0] =	vst.add.f32.msk $0xffff, v1;
	s15 =	spop (v2sf)  }
0x23e: {  	[tilespmem:s15+$0x0] =	vst.add.f32.msk $0xffff, v1;
	s14 =	spop (v2sf)  }
0x23f: {  	[tilespmem:s14+$0x0] =	vst.add.f32.msk $0xffff, v1;
	s15 =	spop (v2sf)  }
0x240: {  	[tilespmem:s15+$0x0] =	vst.add.f32.msk $0xffff, v1;
	s14 =	spop (v2sf)  }
0x241: {  	[tilespmem:s14+$0x0] =	vst.add.f32.msk $0xffff, v1;
	s15 =	spop (v2sf)  }
0x242: {  	[tilespmem:s15+$0x0] =	vst.add.f32.msk $0xffff, v1;
	s14 =	spop (v2sf)  }
0x243: {  	[tilespmem:s14+$0x0] =	vst.add.f32.msk $0xffff, v1  }
0x244: {  	v2 =	vld [tilespmem:s10+$0x19030];
	_ =	sdelay $0x4  }
0x245: {  	v2 =	vshll.u32 v2, $0x9  }
0x246: {  	v2 =	vshra.s32 v2, $0x2  }
0x247: {  	v2 =	vadd.s32 $0x19B20, v2  }
0x248: {  	(v2sf) =	vpush v2, $0x0  }
0x249: {  	(v2sf) =	vpush v2, $0x1  }
0x24a: {  	(v2sf) =	vpush v2, $0x2  }
0x24b: {  	(v2sf) =	vpush v2, $0x3  }
0x24c: {  	(v2sf) =	vpush v2, $0x4  }
0x24d: {  	(v2sf) =	vpush v2, $0x5  }
0x24e: {  	(v2sf) =	vpush v2, $0x6  }
0x24f: {  	(v2sf) =	vpush v2, $0x7  }
0x250: {  	(v2sf) =	vpush v2, $0x8  }
0x251: {  	(v2sf) =	vpush v2, $0x9  }
0x252: {  	(v2sf) =	vpush v2, $0xA  }
0x253: {  	(v2sf) =	vpush v2, $0xB  }
0x254: {  	(v2sf) =	vpush v2, $0xC  }
0x255: {  	(v2sf) =	vpush v2, $0xD  }
0x256: {  	(v2sf) =	vpush v2, $0xE  }
0x257: {  	s15 =	spop (v2sf);
	(v2sf) =	vpush v2, $0xF  }
0x258: {  	[tilespmem:s15+$0x0] =	vst.add.f32.msk $0xffff, v1;
	s14 =	spop (v2sf)  }
0x259: {  	[tilespmem:s14+$0x0] =	vst.add.f32.msk $0xffff, v1;
	s15 =	spop (v2sf)  }
0x25a: {  	[tilespmem:s15+$0x0] =	vst.add.f32.msk $0xffff, v1;
	s14 =	spop (v2sf)  }
0x25b: {  	[tilespmem:s14+$0x0] =	vst.add.f32.msk $0xffff, v1;
	s15 =	spop (v2sf)  }
0x25c: {  	[tilespmem:s15+$0x0] =	vst.add.f32.msk $0xffff, v1;
	s14 =	spop (v2sf)  }
0x25d: {  	[tilespmem:s14+$0x0] =	vst.add.f32.msk $0xffff, v1;
	s15 =	spop (v2sf)  }
0x25e: {  	[tilespmem:s15+$0x0] =	vst.add.f32.msk $0xffff, v1;
	s14 =	spop (v2sf)  }
0x25f: {  	[tilespmem:s14+$0x0] =	vst.add.f32.msk $0xffff, v1;
	s15 =	spop (v2sf)  }
0x260: {  	[tilespmem:s15+$0x0] =	vst.add.f32.msk $0xffff, v1;
	s14 =	spop (v2sf)  }
0x261: {  	[tilespmem:s14+$0x0] =	vst.add.f32.msk $0xffff, v1;
	s15 =	spop (v2sf)  }
0x262: {  	[tilespmem:s15+$0x0] =	vst.add.f32.msk $0xffff, v1;
	s14 =	spop (v2sf)  }
0x263: {  	[tilespmem:s14+$0x0] =	vst.add.f32.msk $0xffff, v1;
	s15 =	spop (v2sf)  }
0x264: {  	[tilespmem:s15+$0x0] =	vst.add.f32.msk $0xffff, v1;
	s14 =	spop (v2sf)  }
0x265: {  	[tilespmem:s14+$0x0] =	vst.add.f32.msk $0xffff, v1;
	s15 =	spop (v2sf)  }
0x266: {  	[tilespmem:s15+$0x0] =	vst.add.f32.msk $0xffff, v1;
	s14 =	spop (v2sf)  }
0x267: {  	[tilespmem:s14+$0x0] =	vst.add.f32.msk $0xffff, v1  }
0x268: {  	v2 =	vld [tilespmem:s10+$0x19040];
	_ =	sdelay $0x4  }
0x269: {  	v2 =	vshll.u32 v2, $0x9  }
0x26a: {  	v2 =	vshra.s32 v2, $0x2  }
0x26b: {  	v2 =	vadd.s32 $0x19B20, v2  }
0x26c: {  	(v2sf) =	vpush v2, $0x0  }
0x26d: {  	(v2sf) =	vpush v2, $0x1  }
0x26e: {  	(v2sf) =	vpush v2, $0x2  }
0x26f: {  	(v2sf) =	vpush v2, $0x3  }
0x270: {  	(v2sf) =	vpush v2, $0x4  }
0x271: {  	(v2sf) =	vpush v2, $0x5  }
0x272: {  	(v2sf) =	vpush v2, $0x6  }
0x273: {  	(v2sf) =	vpush v2, $0x7  }
0x274: {  	(v2sf) =	vpush v2, $0x8  }
0x275: {  	(v2sf) =	vpush v2, $0x9  }
0x276: {  	(v2sf) =	vpush v2, $0xA  }
0x277: {  	(v2sf) =	vpush v2, $0xB  }
0x278: {  	(v2sf) =	vpush v2, $0xC  }
0x279: {  	(v2sf) =	vpush v2, $0xD  }
0x27a: {  	(v2sf) =	vpush v2, $0xE  }
0x27b: {  	s15 =	spop (v2sf);
	(v2sf) =	vpush v2, $0xF  }
0x27c: {  	[tilespmem:s15+$0x0] =	vst.add.f32.msk $0xffff, v1;
	s13 =	spop (v2sf)  }
0x27d: {  	[tilespmem:s13+$0x0] =	vst.add.f32.msk $0xffff, v1;
	s14 =	spop (v2sf)  }
0x27e: {  	[tilespmem:s14+$0x0] =	vst.add.f32.msk $0xffff, v1;
	s15 =	spop (v2sf)  }
0x27f: {  	[tilespmem:s15+$0x0] =	vst.add.f32.msk $0xffff, v1;
	s13 =	spop (v2sf)  }
0x280: {  	[tilespmem:s13+$0x0] =	vst.add.f32.msk $0xffff, v1;
	s14 =	spop (v2sf)  }
0x281: {  	[tilespmem:s14+$0x0] =	vst.add.f32.msk $0xffff, v1;
	s15 =	spop (v2sf)  }
0x282: {  	[tilespmem:s15+$0x0] =	vst.add.f32.msk $0xffff, v1;
	s13 =	spop (v2sf)  }
0x283: {  	[tilespmem:s13+$0x0] =	vst.add.f32.msk $0xffff, v1;
	s14 =	spop (v2sf)  }
0x284: {  	[tilespmem:s14+$0x0] =	vst.add.f32.msk $0xffff, v1;
	s15 =	spop (v2sf)  }
0x285: {  	[tilespmem:s15+$0x0] =	vst.add.f32.msk $0xffff, v1;
	s13 =	spop (v2sf)  }
0x286: {  	[tilespmem:s13+$0x0] =	vst.add.f32.msk $0xffff, v1;
	s14 =	spop (v2sf)  }
0x287: {  	[tilespmem:s14+$0x0] =	vst.add.f32.msk $0xffff, v1;
	s15 =	spop (v2sf)  }
0x288: {  	[tilespmem:s15+$0x0] =	vst.add.f32.msk $0xffff, v1;
	s13 =	spop (v2sf)  }
0x289: {  	[tilespmem:s13+$0x0] =	vst.add.f32.msk $0xffff, v1;
	s14 =	spop (v2sf)  }
0x28a: {  	[tilespmem:s14+$0x0] =	vst.add.f32.msk $0xffff, v1;
	s15 =	spop (v2sf)  }
0x28b: {  	[tilespmem:s15+$0x0] =	vst.add.f32.msk $0xffff, v1  }
0x28c: {  	_ =	swait.ge [sflag:s8], $0x2800  }
0x28d: {  	[sflag:s8] =	ssyncset.done $0x0  }
0x28e: {  	[sflag:s8] =	ssyncadd.s32 $0xFFFFD800  }
0x28f: {  	_ =	swait.ge [sflag:s8], $0x2800  }
0x290: {  	[sflag:s8] =	ssyncset.done $0x0  }
0x291: {  	[sflag:s8] =	ssyncadd.s32 $0xFFFFD800  }
0x292: {  	_ =	swait.ge [sflag:s8], $0x2800  }
0x293: {  	[sflag:s8] =	ssyncset.done $0x0  }
0x294: {  	[sflag:s8] =	ssyncadd.s32 $0xFFFFD800  }
0x295: {  	_ =	swait.ge [sflag:s8], $0x2800  }
0x296: {  	[sflag:s8] =	ssyncset.done $0x0  }
0x297: {  	[sflag:s8] =	ssyncadd.s32 $0xFFFFD800  }
0x298: {  	s4 =	sadd.s32 s4, s12;
	_ =	swait.ge [sflag:s8], $0x2800  }
0x299: {  	s13 =	sshll.u32 s4, $0x4;
	s4 =	sshrl.u32 s4, $0x3;
	[sflag:s8] =	ssyncset.done $0x0  }
0x29a: {  	s10 =	sadd.s32 s0, s13;
	s13 =	simm.s32 $0x0;
	[sflag:s8] =	ssyncadd.s32 $0xFFFFD800  }
0x29b: {  	[tilespmem:s13], [sflag:$0x1] =	stream.linear.gather [hbm4b:s10+s13], $0xC800, $0x38;
	[tilespmem:$0x1CF20] =	vst v63  }
0x29c: {  	s4 =	sadd.s32 s2, s4  }
0x29d: {  	[tilespmem:s17], [sflag:$0x1] =	stream.linear.gather [hbm4b:s4+s13], $0x50, $0x38;
	[tilespmem:$0x1CF20] =	vst v63  }
0x29e: {  	s14 =	sadd.s32 $0xA, s4  }
0x29f: {  	[tilespmem:s18], [sflag:$0x1] =	stream.linear.gather [hbm4b:s14+s13], $0x50, $0x38;
	[tilespmem:$0x1CF20] =	vst v63  }
0x2a0: {  	s15 =	sadd.s32 $0x14, s4  }
0x2a1: {  	[tilespmem:s19], [sflag:$0x1] =	stream.linear.gather [hbm4b:s15+s13], $0x50, $0x38;
	[tilespmem:$0x1CF20] =	vst v63  }
0x2a2: {  	s14 =	sadd.s32 $0x1E, s4  }
0x2a3: {  	[tilespmem:s20], [sflag:$0x1] =	stream.linear.gather [hbm4b:s14+s13], $0x50, $0x38;
	[tilespmem:$0x1CF20] =	vst v63  }
0x2a4: {  	s4 =	sadd.s32 $0x28, s4  }
0x2a5: {  	[tilespmem:s21], [sflag:$0x1] =	stream.linear.gather [hbm4b:s4+s13], $0x50, $0x38;
	[tilespmem:$0x1CF20] =	vst v63  }
0x2a6: {  	_ =	swait.ge [sflag:s9], $0xC800  }
0x2a7: {  	[sflag:s9] =	ssyncset.done $0x0  }
0x2a8: {  	[sflag:s9] =	ssyncadd.s32 $0xFFFF3800  }
0x2a9: {  	_ =	swait.ge [sflag:s9], $0x50  }
0x2aa: {  	[sflag:s9] =	ssyncset.done $0x0  }
0x2ab: {  	[sflag:s9] =	ssyncadd.s32 $0xFFFFFFB0  }
0x2ac: {  	_ =	swait.ge [sflag:s9], $0x50  }
0x2ad: {  	[sflag:s9] =	ssyncset.done $0x0  }
0x2ae: {  	[sflag:s9] =	ssyncadd.s32 $0xFFFFFFB0  }
0x2af: {  	_ =	swait.ge [sflag:s9], $0x50  }
0x2b0: {  	[sflag:s9] =	ssyncset.done $0x0  }
0x2b1: {  	[sflag:s9] =	ssyncadd.s32 $0xFFFFFFB0  }
0x2b2: {  	_ =	swait.ge [sflag:s9], $0x50  }
0x2b3: {  	[sflag:s9] =	ssyncset.done $0x0  }
0x2b4: {  	[sflag:s9] =	ssyncadd.s32 $0xFFFFFFB0  }
0x2b5: {  	_ =	swait.ge [sflag:s9], $0x50  }
0x2b6: {  	[sflag:s9] =	ssyncset.done $0x0  }
0x2b7: {  	[sflag:s9] =	ssyncadd.s32 $0xFFFFFFB0  }
0x2b8: {  	[spmem:s3] =	stream.indirect.scatter.add.f32 [tilespmem:s22], [sflag:$0x3], $0x80, s23, s30, $0xb8;
	[tilespmem:$0x1CF20] =	vst v63  }
0x2b9: {  	s15 =	simm.s32 $0xF000  }
0x2ba: {  	[spmem:s3] =	stream.indirect.scatter.add.f32 [tilespmem:s15], [sflag:$0x3], $0x80, s24, s30, $0xb8;
	[tilespmem:$0x1CF20] =	vst v63  }
0x2bb: {  	s10 =	simm.s32 $0x11800  }
0x2bc: {  	[spmem:s3] =	stream.indirect.scatter.add.f32 [tilespmem:s10], [sflag:$0x3], $0x80, s25, s30, $0xb8;
	[tilespmem:$0x1CF20] =	vst v63  }
0x2bd: {  	s13 =	simm.s32 $0x14000  }
0x2be: {  	[spmem:s3] =	stream.indirect.scatter.add.f32 [tilespmem:s13], [sflag:$0x3], $0x80, s26, s30, $0xb8;
	[tilespmem:$0x1CF20] =	vst v63  }
0x2bf: {  	s14 =	simm.s32 $0x16800;
	s4 =	simm.s32 $0x0  }
0x2c0: {  	[spmem:s3] =	stream.indirect.scatter.add.f32 [tilespmem:s14], [sflag:$0x3], $0x80, s28, s30, $0xb8;
	[tilespmem:$0x1CF20] =	vst v63  }
0x2c1: {  	v2 =	vld [tilespmem:s4+$0x19400];
	_ =	sdelay $0x4  }
0x2c2: {  	v2 =	vshll.u32 v2, $0x9  }
0x2c3: {  	v2 =	vshra.s32 v2, $0x2  }
0x2c4: {  	v2 =	vadd.s32 $0x19B20, v2  }
0x2c5: {  	(v2sf) =	vpush v2, $0x0  }
0x2c6: {  	(v2sf) =	vpush v2, $0x1  }
0x2c7: {  	(v2sf) =	vpush v2, $0x2  }
0x2c8: {  	(v2sf) =	vpush v2, $0x3  }
0x2c9: {  	(v2sf) =	vpush v2, $0x4  }
0x2ca: {  	(v2sf) =	vpush v2, $0x5  }
0x2cb: {  	(v2sf) =	vpush v2, $0x6  }
0x2cc: {  	(v2sf) =	vpush v2, $0x7  }
0x2cd: {  	(v2sf) =	vpush v2, $0x8  }
0x2ce: {  	(v2sf) =	vpush v2, $0x9  }
0x2cf: {  	(v2sf) =	vpush v2, $0xA  }
0x2d0: {  	(v2sf) =	vpush v2, $0xB  }
0x2d1: {  	(v2sf) =	vpush v2, $0xC  }
0x2d2: {  	(v2sf) =	vpush v2, $0xD  }
0x2d3: {  	(v2sf) =	vpush v2, $0xE  }
0x2d4: {  	s15 =	spop (v2sf);
	(v2sf) =	vpush v2, $0xF  }
0x2d5: {  	[tilespmem:s15+$0x0] =	vst.add.f32.msk $0xffff, v1;
	s13 =	spop (v2sf)  }
0x2d6: {  	[tilespmem:s13+$0x0] =	vst.add.f32.msk $0xffff, v1;
	s14 =	spop (v2sf)  }
0x2d7: {  	[tilespmem:s14+$0x0] =	vst.add.f32.msk $0xffff, v1;
	s15 =	spop (v2sf)  }
0x2d8: {  	[tilespmem:s15+$0x0] =	vst.add.f32.msk $0xffff, v1;
	s13 =	spop (v2sf)  }
0x2d9: {  	[tilespmem:s13+$0x0] =	vst.add.f32.msk $0xffff, v1;
	s14 =	spop (v2sf)  }
0x2da: {  	[tilespmem:s14+$0x0] =	vst.add.f32.msk $0xffff, v1;
	s15 =	spop (v2sf)  }
0x2db: {  	[tilespmem:s15+$0x0] =	vst.add.f32.msk $0xffff, v1;
	s13 =	spop (v2sf)  }
0x2dc: {  	[tilespmem:s13+$0x0] =	vst.add.f32.msk $0xffff, v1;
	s14 =	spop (v2sf)  }
0x2dd: {  	[tilespmem:s14+$0x0] =	vst.add.f32.msk $0xffff, v1;
	s15 =	spop (v2sf)  }
0x2de: {  	[tilespmem:s15+$0x0] =	vst.add.f32.msk $0xffff, v1;
	s13 =	spop (v2sf)  }
0x2df: {  	[tilespmem:s13+$0x0] =	vst.add.f32.msk $0xffff, v1;
	s14 =	spop (v2sf)  }
0x2e0: {  	[tilespmem:s14+$0x0] =	vst.add.f32.msk $0xffff, v1;
	s15 =	spop (v2sf)  }
0x2e1: {  	[tilespmem:s15+$0x0] =	vst.add.f32.msk $0xffff, v1;
	s13 =	spop (v2sf)  }
0x2e2: {  	[tilespmem:s13+$0x0] =	vst.add.f32.msk $0xffff, v1;
	s14 =	spop (v2sf)  }
0x2e3: {  	[tilespmem:s14+$0x0] =	vst.add.f32.msk $0xffff, v1;
	s15 =	spop (v2sf)  }
0x2e4: {  	[tilespmem:s15+$0x0] =	vst.add.f32.msk $0xffff, v1  }
0x2e5: {  	v2 =	vld [tilespmem:s4+$0x19410];
	_ =	sdelay $0x4  }
0x2e6: {  	v2 =	vshll.u32 v2, $0x9  }
0x2e7: {  	v2 =	vshra.s32 v2, $0x2  }
0x2e8: {  	v2 =	vadd.s32 $0x19B20, v2  }
0x2e9: {  	(v2sf) =	vpush v2, $0x0  }
0x2ea: {  	(v2sf) =	vpush v2, $0x1  }
0x2eb: {  	(v2sf) =	vpush v2, $0x2  }
0x2ec: {  	(v2sf) =	vpush v2, $0x3  }
0x2ed: {  	(v2sf) =	vpush v2, $0x4  }
0x2ee: {  	(v2sf) =	vpush v2, $0x5  }
0x2ef: {  	(v2sf) =	vpush v2, $0x6  }
0x2f0: {  	(v2sf) =	vpush v2, $0x7  }
0x2f1: {  	(v2sf) =	vpush v2, $0x8  }
0x2f2: {  	(v2sf) =	vpush v2, $0x9  }
0x2f3: {  	(v2sf) =	vpush v2, $0xA  }
0x2f4: {  	(v2sf) =	vpush v2, $0xB  }
0x2f5: {  	(v2sf) =	vpush v2, $0xC  }
0x2f6: {  	(v2sf) =	vpush v2, $0xD  }
0x2f7: {  	(v2sf) =	vpush v2, $0xE  }
0x2f8: {  	s13 =	spop (v2sf);
	(v2sf) =	vpush v2, $0xF  }
0x2f9: {  	[tilespmem:s13+$0x0] =	vst.add.f32.msk $0xffff, v1;
	s14 =	spop (v2sf)  }
0x2fa: {  	[tilespmem:s14+$0x0] =	vst.add.f32.msk $0xffff, v1;
	s15 =	spop (v2sf)  }
0x2fb: {  	[tilespmem:s15+$0x0] =	vst.add.f32.msk $0xffff, v1;
	s13 =	spop (v2sf)  }
0x2fc: {  	[tilespmem:s13+$0x0] =	vst.add.f32.msk $0xffff, v1;
	s14 =	spop (v2sf)  }
0x2fd: {  	[tilespmem:s14+$0x0] =	vst.add.f32.msk $0xffff, v1;
	s15 =	spop (v2sf)  }
0x2fe: {  	[tilespmem:s15+$0x0] =	vst.add.f32.msk $0xffff, v1;
	s13 =	spop (v2sf)  }
0x2ff: {  	[tilespmem:s13+$0x0] =	vst.add.f32.msk $0xffff, v1;
	s14 =	spop (v2sf)  }
0x300: {  	[tilespmem:s14+$0x0] =	vst.add.f32.msk $0xffff, v1;
	s15 =	spop (v2sf)  }
0x301: {  	[tilespmem:s15+$0x0] =	vst.add.f32.msk $0xffff, v1;
	s13 =	spop (v2sf)  }
0x302: {  	[tilespmem:s13+$0x0] =	vst.add.f32.msk $0xffff, v1;
	s14 =	spop (v2sf)  }
0x303: {  	[tilespmem:s14+$0x0] =	vst.add.f32.msk $0xffff, v1;
	s15 =	spop (v2sf)  }
0x304: {  	[tilespmem:s15+$0x0] =	vst.add.f32.msk $0xffff, v1;
	s13 =	spop (v2sf)  }
0x305: {  	[tilespmem:s13+$0x0] =	vst.add.f32.msk $0xffff, v1;
	s14 =	spop (v2sf)  }
0x306: {  	[tilespmem:s14+$0x0] =	vst.add.f32.msk $0xffff, v1;
	s15 =	spop (v2sf)  }
0x307: {  	[tilespmem:s15+$0x0] =	vst.add.f32.msk $0xffff, v1;
	s13 =	spop (v2sf)  }
0x308: {  	[tilespmem:s13+$0x0] =	vst.add.f32.msk $0xffff, v1  }
0x309: {  	v2 =	vld [tilespmem:s4+$0x19420];
	_ =	sdelay $0x4  }
0x30a: {  	v2 =	vshll.u32 v2, $0x9  }
0x30b: {  	v2 =	vshra.s32 v2, $0x2  }
0x30c: {  	v2 =	vadd.s32 $0x19B20, v2  }
0x30d: {  	(v2sf) =	vpush v2, $0x0  }
0x30e: {  	(v2sf) =	vpush v2, $0x1  }
0x30f: {  	(v2sf) =	vpush v2, $0x2  }
0x310: {  	(v2sf) =	vpush v2, $0x3  }
0x311: {  	(v2sf) =	vpush v2, $0x4  }
0x312: {  	(v2sf) =	vpush v2, $0x5  }
0x313: {  	(v2sf) =	vpush v2, $0x6  }
0x314: {  	(v2sf) =	vpush v2, $0x7  }
0x315: {  	(v2sf) =	vpush v2, $0x8  }
0x316: {  	(v2sf) =	vpush v2, $0x9  }
0x317: {  	(v2sf) =	vpush v2, $0xA  }
0x318: {  	(v2sf) =	vpush v2, $0xB  }
0x319: {  	(v2sf) =	vpush v2, $0xC  }
0x31a: {  	(v2sf) =	vpush v2, $0xD  }
0x31b: {  	(v2sf) =	vpush v2, $0xE  }
0x31c: {  	s14 =	spop (v2sf);
	(v2sf) =	vpush v2, $0xF  }
0x31d: {  	[tilespmem:s14+$0x0] =	vst.add.f32.msk $0xffff, v1;
	s15 =	spop (v2sf)  }
0x31e: {  	[tilespmem:s15+$0x0] =	vst.add.f32.msk $0xffff, v1;
	s13 =	spop (v2sf)  }
0x31f: {  	[tilespmem:s13+$0x0] =	vst.add.f32.msk $0xffff, v1;
	s14 =	spop (v2sf)  }
0x320: {  	[tilespmem:s14+$0x0] =	vst.add.f32.msk $0xffff, v1;
	s15 =	spop (v2sf)  }
0x321: {  	[tilespmem:s15+$0x0] =	vst.add.f32.msk $0xffff, v1;
	s13 =	spop (v2sf)  }
0x322: {  	[tilespmem:s13+$0x0] =	vst.add.f32.msk $0xffff, v1;
	s14 =	spop (v2sf)  }
0x323: {  	[tilespmem:s14+$0x0] =	vst.add.f32.msk $0xffff, v1;
	s15 =	spop (v2sf)  }
0x324: {  	[tilespmem:s15+$0x0] =	vst.add.f32.msk $0xffff, v1;
	s13 =	spop (v2sf)  }
0x325: {  	[tilespmem:s13+$0x0] =	vst.add.f32.msk $0xffff, v1;
	s14 =	spop (v2sf)  }
0x326: {  	[tilespmem:s14+$0x0] =	vst.add.f32.msk $0xffff, v1;
	s15 =	spop (v2sf)  }
0x327: {  	[tilespmem:s15+$0x0] =	vst.add.f32.msk $0xffff, v1;
	s13 =	spop (v2sf)  }
0x328: {  	[tilespmem:s13+$0x0] =	vst.add.f32.msk $0xffff, v1;
	s14 =	spop (v2sf)  }
0x329: {  	[tilespmem:s14+$0x0] =	vst.add.f32.msk $0xffff, v1;
	s15 =	spop (v2sf)  }
0x32a: {  	[tilespmem:s15+$0x0] =	vst.add.f32.msk $0xffff, v1;
	s13 =	spop (v2sf)  }
0x32b: {  	[tilespmem:s13+$0x0] =	vst.add.f32.msk $0xffff, v1;
	s14 =	spop (v2sf)  }
0x32c: {  	[tilespmem:s14+$0x0] =	vst.add.f32.msk $0xffff, v1  }
0x32d: {  	v2 =	vld [tilespmem:s4+$0x19430];
	_ =	sdelay $0x4  }
0x32e: {  	v2 =	vshll.u32 v2, $0x9  }
0x32f: {  	v2 =	vshra.s32 v2, $0x2  }
0x330: {  	v2 =	vadd.s32 $0x19B20, v2  }
0x331: {  	(v2sf) =	vpush v2, $0x0  }
0x332: {  	(v2sf) =	vpush v2, $0x1  }
0x333: {  	(v2sf) =	vpush v2, $0x2  }
0x334: {  	(v2sf) =	vpush v2, $0x3  }
0x335: {  	(v2sf) =	vpush v2, $0x4  }
0x336: {  	(v2sf) =	vpush v2, $0x5  }
0x337: {  	(v2sf) =	vpush v2, $0x6  }
0x338: {  	(v2sf) =	vpush v2, $0x7  }
0x339: {  	(v2sf) =	vpush v2, $0x8  }
0x33a: {  	(v2sf) =	vpush v2, $0x9  }
0x33b: {  	(v2sf) =	vpush v2, $0xA  }
0x33c: {  	(v2sf) =	vpush v2, $0xB  }
0x33d: {  	(v2sf) =	vpush v2, $0xC  }
0x33e: {  	(v2sf) =	vpush v2, $0xD  }
0x33f: {  	(v2sf) =	vpush v2, $0xE  }
0x340: {  	s15 =	spop (v2sf);
	(v2sf) =	vpush v2, $0xF  }
0x341: {  	[tilespmem:s15+$0x0] =	vst.add.f32.msk $0xffff, v1;
	s13 =	spop (v2sf)  }
0x342: {  	[tilespmem:s13+$0x0] =	vst.add.f32.msk $0xffff, v1;
	s14 =	spop (v2sf)  }
0x343: {  	[tilespmem:s14+$0x0] =	vst.add.f32.msk $0xffff, v1;
	s15 =	spop (v2sf)  }
0x344: {  	[tilespmem:s15+$0x0] =	vst.add.f32.msk $0xffff, v1;
	s13 =	spop (v2sf)  }
0x345: {  	[tilespmem:s13+$0x0] =	vst.add.f32.msk $0xffff, v1;
	s14 =	spop (v2sf)  }
0x346: {  	[tilespmem:s14+$0x0] =	vst.add.f32.msk $0xffff, v1;
	s15 =	spop (v2sf)  }
0x347: {  	[tilespmem:s15+$0x0] =	vst.add.f32.msk $0xffff, v1;
	s13 =	spop (v2sf)  }
0x348: {  	[tilespmem:s13+$0x0] =	vst.add.f32.msk $0xffff, v1;
	s14 =	spop (v2sf)  }
0x349: {  	[tilespmem:s14+$0x0] =	vst.add.f32.msk $0xffff, v1;
	s15 =	spop (v2sf)  }
0x34a: {  	[tilespmem:s15+$0x0] =	vst.add.f32.msk $0xffff, v1;
	s13 =	spop (v2sf)  }
0x34b: {  	[tilespmem:s13+$0x0] =	vst.add.f32.msk $0xffff, v1;
	s14 =	spop (v2sf)  }
0x34c: {  	[tilespmem:s14+$0x0] =	vst.add.f32.msk $0xffff, v1;
	s15 =	spop (v2sf)  }
0x34d: {  	[tilespmem:s15+$0x0] =	vst.add.f32.msk $0xffff, v1;
	s13 =	spop (v2sf)  }
0x34e: {  	[tilespmem:s13+$0x0] =	vst.add.f32.msk $0xffff, v1;
	s14 =	spop (v2sf)  }
0x34f: {  	[tilespmem:s14+$0x0] =	vst.add.f32.msk $0xffff, v1;
	s15 =	spop (v2sf)  }
0x350: {  	[tilespmem:s15+$0x0] =	vst.add.f32.msk $0xffff, v1  }
0x351: {  	v2 =	vld [tilespmem:s4+$0x19440];
	_ =	sdelay $0x4  }
0x352: {  	v2 =	vshll.u32 v2, $0x9  }
0x353: {  	v2 =	vshra.s32 v2, $0x2  }
0x354: {  	v2 =	vadd.s32 $0x19B20, v2  }
0x355: {  	(v2sf) =	vpush v2, $0x0  }
0x356: {  	(v2sf) =	vpush v2, $0x1  }
0x357: {  	(v2sf) =	vpush v2, $0x2  }
0x358: {  	(v2sf) =	vpush v2, $0x3  }
0x359: {  	(v2sf) =	vpush v2, $0x4  }
0x35a: {  	(v2sf) =	vpush v2, $0x5  }
0x35b: {  	(v2sf) =	vpush v2, $0x6  }
0x35c: {  	(v2sf) =	vpush v2, $0x7  }
0x35d: {  	(v2sf) =	vpush v2, $0x8  }
0x35e: {  	(v2sf) =	vpush v2, $0x9  }
0x35f: {  	(v2sf) =	vpush v2, $0xA  }
0x360: {  	(v2sf) =	vpush v2, $0xB  }
0x361: {  	(v2sf) =	vpush v2, $0xC  }
0x362: {  	(v2sf) =	vpush v2, $0xD  }
0x363: {  	(v2sf) =	vpush v2, $0xE  }
0x364: {  	s13 =	spop (v2sf);
	(v2sf) =	vpush v2, $0xF  }
0x365: {  	[tilespmem:s13+$0x0] =	vst.add.f32.msk $0xffff, v1;
	s14 =	spop (v2sf)  }
0x366: {  	[tilespmem:s14+$0x0] =	vst.add.f32.msk $0xffff, v1;
	s15 =	spop (v2sf)  }
0x367: {  	[tilespmem:s15+$0x0] =	vst.add.f32.msk $0xffff, v1;
	s10 =	spop (v2sf)  }
0x368: {  	[tilespmem:s10+$0x0] =	vst.add.f32.msk $0xffff, v1;
	s13 =	spop (v2sf)  }
0x369: {  	[tilespmem:s13+$0x0] =	vst.add.f32.msk $0xffff, v1;
	s14 =	spop (v2sf)  }
0x36a: {  	[tilespmem:s14+$0x0] =	vst.add.f32.msk $0xffff, v1;
	s15 =	spop (v2sf)  }
0x36b: {  	[tilespmem:s15+$0x0] =	vst.add.f32.msk $0xffff, v1;
	s10 =	spop (v2sf)  }
0x36c: {  	[tilespmem:s10+$0x0] =	vst.add.f32.msk $0xffff, v1;
	s13 =	spop (v2sf)  }
0x36d: {  	[tilespmem:s13+$0x0] =	vst.add.f32.msk $0xffff, v1;
	s14 =	spop (v2sf)  }
0x36e: {  	[tilespmem:s14+$0x0] =	vst.add.f32.msk $0xffff, v1;
	s15 =	spop (v2sf)  }
0x36f: {  	[tilespmem:s15+$0x0] =	vst.add.f32.msk $0xffff, v1;
	s10 =	spop (v2sf)  }
0x370: {  	[tilespmem:s10+$0x0] =	vst.add.f32.msk $0xffff, v1;
	s13 =	spop (v2sf)  }
0x371: {  	[tilespmem:s13+$0x0] =	vst.add.f32.msk $0xffff, v1;
	s14 =	spop (v2sf)  }
0x372: {  	[tilespmem:s14+$0x0] =	vst.add.f32.msk $0xffff, v1;
	s15 =	spop (v2sf)  }
0x373: {  	s4 =	simm.s32 $0x200;
	s10 =	simm.s32 $0x400;
	[tilespmem:s15+$0x0] =	vst.add.f32.msk $0xffff, v1;
	s14 =	spop (v2sf)  }
.LBB2_11:
0x374: {  	p1 =	sne.s32 s10, $0x800  }
0x375: {  	s13 =	sshra.s32 s4, $0x2;
	[tilespmem:s14+$0x0] =	vst.add.f32.msk $0xffff, v1;
	s4 =	smov.u32 s10;
	s10 =	sadd.s32 $0x200, s10  }
0x376: {  	v2 =	vld [tilespmem:s13+$0x19400];
	_ =	sdelay $0x4  }
0x377: {  	v2 =	vshll.u32 v2, $0x9  }
0x378: {  	v2 =	vshra.s32 v2, $0x2  }
0x379: {  	v2 =	vadd.s32 $0x19B20, v2  }
0x37a: {  	(v2sf) =	vpush v2, $0x0  }
0x37b: {  	(v2sf) =	vpush v2, $0x1  }
0x37c: {  	(v2sf) =	vpush v2, $0x2  }
0x37d: {  	(v2sf) =	vpush v2, $0x3  }
0x37e: {  	(v2sf) =	vpush v2, $0x4  }
0x37f: {  	(v2sf) =	vpush v2, $0x5  }
0x380: {  	(v2sf) =	vpush v2, $0x6  }
0x381: {  	(v2sf) =	vpush v2, $0x7  }
0x382: {  	(v2sf) =	vpush v2, $0x8  }
0x383: {  	(v2sf) =	vpush v2, $0x9  }
0x384: {  	(v2sf) =	vpush v2, $0xA  }
0x385: {  	(v2sf) =	vpush v2, $0xB  }
0x386: {  	(v2sf) =	vpush v2, $0xC  }
0x387: {  	(v2sf) =	vpush v2, $0xD  }
0x388: {  	(v2sf) =	vpush v2, $0xE  }
0x389: {  	s14 =	spop (v2sf);
	(v2sf) =	vpush v2, $0xF  }
0x38a: {  	[tilespmem:s14+$0x0] =	vst.add.f32.msk $0xffff, v1;
	s14 =	spop (v2sf)  }
0x38b: {  	[tilespmem:s14+$0x0] =	vst.add.f32.msk $0xffff, v1;
	s14 =	spop (v2sf)  }
0x38c: {  	[tilespmem:s14+$0x0] =	vst.add.f32.msk $0xffff, v1;
	s14 =	spop (v2sf)  }
0x38d: {  	[tilespmem:s14+$0x0] =	vst.add.f32.msk $0xffff, v1;
	s14 =	spop (v2sf)  }
0x38e: {  	[tilespmem:s14+$0x0] =	vst.add.f32.msk $0xffff, v1;
	s14 =	spop (v2sf)  }
0x38f: {  	[tilespmem:s14+$0x0] =	vst.add.f32.msk $0xffff, v1;
	s14 =	spop (v2sf)  }
0x390: {  	[tilespmem:s14+$0x0] =	vst.add.f32.msk $0xffff, v1;
	s14 =	spop (v2sf)  }
0x391: {  	[tilespmem:s14+$0x0] =	vst.add.f32.msk $0xffff, v1;
	s14 =	spop (v2sf)  }
0x392: {  	[tilespmem:s14+$0x0] =	vst.add.f32.msk $0xffff, v1;
	s14 =	spop (v2sf)  }
0x393: {  	[tilespmem:s14+$0x0] =	vst.add.f32.msk $0xffff, v1;
	s14 =	spop (v2sf)  }
0x394: {  	[tilespmem:s14+$0x0] =	vst.add.f32.msk $0xffff, v1;
	s14 =	spop (v2sf)  }
0x395: {  	[tilespmem:s14+$0x0] =	vst.add.f32.msk $0xffff, v1;
	s14 =	spop (v2sf)  }
0x396: {  	[tilespmem:s14+$0x0] =	vst.add.f32.msk $0xffff, v1;
	s14 =	spop (v2sf)  }
0x397: {  	[tilespmem:s14+$0x0] =	vst.add.f32.msk $0xffff, v1;
	s14 =	spop (v2sf)  }
0x398: {  	[tilespmem:s14+$0x0] =	vst.add.f32.msk $0xffff, v1;
	s14 =	spop (v2sf)  }
0x399: {  	[tilespmem:s14+$0x0] =	vst.add.f32.msk $0xffff, v1  }
0x39a: {  	v2 =	vld [tilespmem:s13+$0x19410];
	_ =	sdelay $0x4  }
0x39b: {  	v2 =	vshll.u32 v2, $0x9  }
0x39c: {  	v2 =	vshra.s32 v2, $0x2  }
0x39d: {  	v2 =	vadd.s32 $0x19B20, v2  }
0x39e: {  	(v2sf) =	vpush v2, $0x0  }
0x39f: {  	(v2sf) =	vpush v2, $0x1  }
0x3a0: {  	(v2sf) =	vpush v2, $0x2  }
0x3a1: {  	(v2sf) =	vpush v2, $0x3  }
0x3a2: {  	(v2sf) =	vpush v2, $0x4  }
0x3a3: {  	(v2sf) =	vpush v2, $0x5  }
0x3a4: {  	(v2sf) =	vpush v2, $0x6  }
0x3a5: {  	(v2sf) =	vpush v2, $0x7  }
0x3a6: {  	(v2sf) =	vpush v2, $0x8  }
0x3a7: {  	(v2sf) =	vpush v2, $0x9  }
0x3a8: {  	(v2sf) =	vpush v2, $0xA  }
0x3a9: {  	(v2sf) =	vpush v2, $0xB  }
0x3aa: {  	(v2sf) =	vpush v2, $0xC  }
0x3ab: {  	(v2sf) =	vpush v2, $0xD  }
0x3ac: {  	(v2sf) =	vpush v2, $0xE  }
0x3ad: {  	s14 =	spop (v2sf);
	(v2sf) =	vpush v2, $0xF  }
0x3ae: {  	[tilespmem:s14+$0x0] =	vst.add.f32.msk $0xffff, v1;
	s14 =	spop (v2sf)  }
0x3af: {  	[tilespmem:s14+$0x0] =	vst.add.f32.msk $0xffff, v1;
	s14 =	spop (v2sf)  }
0x3b0: {  	[tilespmem:s14+$0x0] =	vst.add.f32.msk $0xffff, v1;
	s14 =	spop (v2sf)  }
0x3b1: {  	[tilespmem:s14+$0x0] =	vst.add.f32.msk $0xffff, v1;
	s14 =	spop (v2sf)  }
0x3b2: {  	[tilespmem:s14+$0x0] =	vst.add.f32.msk $0xffff, v1;
	s14 =	spop (v2sf)  }
0x3b3: {  	[tilespmem:s14+$0x0] =	vst.add.f32.msk $0xffff, v1;
	s14 =	spop (v2sf)  }
0x3b4: {  	[tilespmem:s14+$0x0] =	vst.add.f32.msk $0xffff, v1;
	s14 =	spop (v2sf)  }
0x3b5: {  	[tilespmem:s14+$0x0] =	vst.add.f32.msk $0xffff, v1;
	s14 =	spop (v2sf)  }
0x3b6: {  	[tilespmem:s14+$0x0] =	vst.add.f32.msk $0xffff, v1;
	s14 =	spop (v2sf)  }
0x3b7: {  	[tilespmem:s14+$0x0] =	vst.add.f32.msk $0xffff, v1;
	s14 =	spop (v2sf)  }
0x3b8: {  	[tilespmem:s14+$0x0] =	vst.add.f32.msk $0xffff, v1;
	s14 =	spop (v2sf)  }
0x3b9: {  	[tilespmem:s14+$0x0] =	vst.add.f32.msk $0xffff, v1;
	s14 =	spop (v2sf)  }
0x3ba: {  	[tilespmem:s14+$0x0] =	vst.add.f32.msk $0xffff, v1;
	s14 =	spop (v2sf)  }
0x3bb: {  	[tilespmem:s14+$0x0] =	vst.add.f32.msk $0xffff, v1;
	s14 =	spop (v2sf)  }
0x3bc: {  	[tilespmem:s14+$0x0] =	vst.add.f32.msk $0xffff, v1;
	s14 =	spop (v2sf)  }
0x3bd: {  	[tilespmem:s14+$0x0] =	vst.add.f32.msk $0xffff, v1  }
0x3be: {  	v2 =	vld [tilespmem:s13+$0x19420];
	_ =	sdelay $0x4  }
0x3bf: {  	v2 =	vshll.u32 v2, $0x9  }
0x3c0: {  	v2 =	vshra.s32 v2, $0x2  }
0x3c1: {  	v2 =	vadd.s32 $0x19B20, v2  }
0x3c2: {  	(v2sf) =	vpush v2, $0x0  }
0x3c3: {  	(v2sf) =	vpush v2, $0x1  }
0x3c4: {  	(v2sf) =	vpush v2, $0x2  }
0x3c5: {  	(v2sf) =	vpush v2, $0x3  }
0x3c6: {  	(v2sf) =	vpush v2, $0x4  }
0x3c7: {  	(v2sf) =	vpush v2, $0x5  }
0x3c8: {  	(v2sf) =	vpush v2, $0x6  }
0x3c9: {  	(v2sf) =	vpush v2, $0x7  }
0x3ca: {  	(v2sf) =	vpush v2, $0x8  }
0x3cb: {  	(v2sf) =	vpush v2, $0x9  }
0x3cc: {  	(v2sf) =	vpush v2, $0xA  }
0x3cd: {  	(v2sf) =	vpush v2, $0xB  }
0x3ce: {  	(v2sf) =	vpush v2, $0xC  }
0x3cf: {  	(v2sf) =	vpush v2, $0xD  }
0x3d0: {  	(v2sf) =	vpush v2, $0xE  }
0x3d1: {  	s14 =	spop (v2sf);
	(v2sf) =	vpush v2, $0xF  }
0x3d2: {  	[tilespmem:s14+$0x0] =	vst.add.f32.msk $0xffff, v1;
	s14 =	spop (v2sf)  }
0x3d3: {  	[tilespmem:s14+$0x0] =	vst.add.f32.msk $0xffff, v1;
	s14 =	spop (v2sf)  }
0x3d4: {  	[tilespmem:s14+$0x0] =	vst.add.f32.msk $0xffff, v1;
	s14 =	spop (v2sf)  }
0x3d5: {  	[tilespmem:s14+$0x0] =	vst.add.f32.msk $0xffff, v1;
	s14 =	spop (v2sf)  }
0x3d6: {  	[tilespmem:s14+$0x0] =	vst.add.f32.msk $0xffff, v1;
	s14 =	spop (v2sf)  }
0x3d7: {  	[tilespmem:s14+$0x0] =	vst.add.f32.msk $0xffff, v1;
	s14 =	spop (v2sf)  }
0x3d8: {  	[tilespmem:s14+$0x0] =	vst.add.f32.msk $0xffff, v1;
	s14 =	spop (v2sf)  }
0x3d9: {  	[tilespmem:s14+$0x0] =	vst.add.f32.msk $0xffff, v1;
	s14 =	spop (v2sf)  }
0x3da: {  	[tilespmem:s14+$0x0] =	vst.add.f32.msk $0xffff, v1;
	s14 =	spop (v2sf)  }
0x3db: {  	[tilespmem:s14+$0x0] =	vst.add.f32.msk $0xffff, v1;
	s14 =	spop (v2sf)  }
0x3dc: {  	[tilespmem:s14+$0x0] =	vst.add.f32.msk $0xffff, v1;
	s14 =	spop (v2sf)  }
0x3dd: {  	[tilespmem:s14+$0x0] =	vst.add.f32.msk $0xffff, v1;
	s14 =	spop (v2sf)  }
0x3de: {  	[tilespmem:s14+$0x0] =	vst.add.f32.msk $0xffff, v1;
	s14 =	spop (v2sf)  }
0x3df: {  	[tilespmem:s14+$0x0] =	vst.add.f32.msk $0xffff, v1;
	s14 =	spop (v2sf)  }
0x3e0: {  	[tilespmem:s14+$0x0] =	vst.add.f32.msk $0xffff, v1;
	s14 =	spop (v2sf)  }
0x3e1: {  	[tilespmem:s14+$0x0] =	vst.add.f32.msk $0xffff, v1  }
0x3e2: {  	v2 =	vld [tilespmem:s13+$0x19430];
	_ =	sdelay $0x4  }
0x3e3: {  	v2 =	vshll.u32 v2, $0x9  }
0x3e4: {  	v2 =	vshra.s32 v2, $0x2  }
0x3e5: {  	v2 =	vadd.s32 $0x19B20, v2  }
0x3e6: {  	(v2sf) =	vpush v2, $0x0  }
0x3e7: {  	(v2sf) =	vpush v2, $0x1  }
0x3e8: {  	(v2sf) =	vpush v2, $0x2  }
0x3e9: {  	(v2sf) =	vpush v2, $0x3  }
0x3ea: {  	(v2sf) =	vpush v2, $0x4  }
0x3eb: {  	(v2sf) =	vpush v2, $0x5  }
0x3ec: {  	(v2sf) =	vpush v2, $0x6  }
0x3ed: {  	(v2sf) =	vpush v2, $0x7  }
0x3ee: {  	(v2sf) =	vpush v2, $0x8  }
0x3ef: {  	(v2sf) =	vpush v2, $0x9  }
0x3f0: {  	(v2sf) =	vpush v2, $0xA  }
0x3f1: {  	(v2sf) =	vpush v2, $0xB  }
0x3f2: {  	(v2sf) =	vpush v2, $0xC  }
0x3f3: {  	(v2sf) =	vpush v2, $0xD  }
0x3f4: {  	(v2sf) =	vpush v2, $0xE  }
0x3f5: {  	s14 =	spop (v2sf);
	(v2sf) =	vpush v2, $0xF  }
0x3f6: {  	[tilespmem:s14+$0x0] =	vst.add.f32.msk $0xffff, v1;
	s14 =	spop (v2sf)  }
0x3f7: {  	[tilespmem:s14+$0x0] =	vst.add.f32.msk $0xffff, v1;
	s14 =	spop (v2sf)  }
0x3f8: {  	[tilespmem:s14+$0x0] =	vst.add.f32.msk $0xffff, v1;
	s14 =	spop (v2sf)  }
0x3f9: {  	[tilespmem:s14+$0x0] =	vst.add.f32.msk $0xffff, v1;
	s14 =	spop (v2sf)  }
0x3fa: {  	[tilespmem:s14+$0x0] =	vst.add.f32.msk $0xffff, v1;
	s14 =	spop (v2sf)  }
0x3fb: {  	[tilespmem:s14+$0x0] =	vst.add.f32.msk $0xffff, v1;
	s14 =	spop (v2sf)  }
0x3fc: {  	[tilespmem:s14+$0x0] =	vst.add.f32.msk $0xffff, v1;
	s14 =	spop (v2sf)  }
0x3fd: {  	[tilespmem:s14+$0x0] =	vst.add.f32.msk $0xffff, v1;
	s14 =	spop (v2sf)  }
0x3fe: {  	[tilespmem:s14+$0x0] =	vst.add.f32.msk $0xffff, v1;
	s14 =	spop (v2sf)  }
0x3ff: {  	[tilespmem:s14+$0x0] =	vst.add.f32.msk $0xffff, v1;
	s14 =	spop (v2sf)  }
0x400: {  	[tilespmem:s14+$0x0] =	vst.add.f32.msk $0xffff, v1;
	s14 =	spop (v2sf)  }
0x401: {  	[tilespmem:s14+$0x0] =	vst.add.f32.msk $0xffff, v1;
	s14 =	spop (v2sf)  }
0x402: {  	[tilespmem:s14+$0x0] =	vst.add.f32.msk $0xffff, v1;
	s14 =	spop (v2sf)  }
0x403: {  	[tilespmem:s14+$0x0] =	vst.add.f32.msk $0xffff, v1;
	s14 =	spop (v2sf)  }
0x404: {  	[tilespmem:s14+$0x0] =	vst.add.f32.msk $0xffff, v1;
	s14 =	spop (v2sf)  }
0x405: {  	[tilespmem:s14+$0x0] =	vst.add.f32.msk $0xffff, v1  }
0x406: {  	v2 =	vld [tilespmem:s13+$0x19440];
	_ =	sdelay $0x4  }
0x407: {  	v2 =	vshll.u32 v2, $0x9  }
0x408: {  	v2 =	vshra.s32 v2, $0x2  }
0x409: {  	v2 =	vadd.s32 $0x19B20, v2  }
0x40a: {  	(v2sf) =	vpush v2, $0x0  }
0x40b: {  	(v2sf) =	vpush v2, $0x1  }
0x40c: {  	(v2sf) =	vpush v2, $0x2  }
0x40d: {  	(v2sf) =	vpush v2, $0x3  }
0x40e: {  	(v2sf) =	vpush v2, $0x4  }
0x40f: {  	(v2sf) =	vpush v2, $0x5  }
0x410: {  	(v2sf) =	vpush v2, $0x6  }
0x411: {  	(v2sf) =	vpush v2, $0x7  }
0x412: {  	(v2sf) =	vpush v2, $0x8  }
0x413: {  	(v2sf) =	vpush v2, $0x9  }
0x414: {  	(v2sf) =	vpush v2, $0xA  }
0x415: {  	(v2sf) =	vpush v2, $0xB  }
0x416: {  	(v2sf) =	vpush v2, $0xC  }
0x417: {  	(v2sf) =	vpush v2, $0xD  }
0x418: {  	(v2sf) =	vpush v2, $0xE  }
0x419: {  	s13 =	spop (v2sf);
	(v2sf) =	vpush v2, $0xF  }
0x41a: {  	[tilespmem:s13+$0x0] =	vst.add.f32.msk $0xffff, v1;
	s13 =	spop (v2sf)  }
0x41b: {  	[tilespmem:s13+$0x0] =	vst.add.f32.msk $0xffff, v1;
	s13 =	spop (v2sf)  }
0x41c: {  	[tilespmem:s13+$0x0] =	vst.add.f32.msk $0xffff, v1;
	s13 =	spop (v2sf)  }
0x41d: {  	[tilespmem:s13+$0x0] =	vst.add.f32.msk $0xffff, v1;
	s13 =	spop (v2sf)  }
0x41e: {  	[tilespmem:s13+$0x0] =	vst.add.f32.msk $0xffff, v1;
	s13 =	spop (v2sf)  }
0x41f: {  	[tilespmem:s13+$0x0] =	vst.add.f32.msk $0xffff, v1;
	s13 =	spop (v2sf)  }
0x420: {  	[tilespmem:s13+$0x0] =	vst.add.f32.msk $0xffff, v1;
	s13 =	spop (v2sf)  }
0x421: {  	[tilespmem:s13+$0x0] =	vst.add.f32.msk $0xffff, v1;
	s13 =	spop (v2sf)  }
0x422: {  	[tilespmem:s13+$0x0] =	vst.add.f32.msk $0xffff, v1;
	s13 =	spop (v2sf)  }
0x423: {  	[tilespmem:s13+$0x0] =	vst.add.f32.msk $0xffff, v1;
	s13 =	spop (v2sf)  }
.Ltmp4:
0x424: {  	[tilespmem:s13+$0x0] =	vst.add.f32.msk $0xffff, v1;
	s13 =	spop (v2sf);
	(pc) =	sbr.rel @p1 .LBB2_11-.Ltmp4, $4  }
0x425: {  	[tilespmem:s13+$0x0] =	vst.add.f32.msk $0xffff, v1;
	s13 =	spop (v2sf)  }
0x426: {  	[tilespmem:s13+$0x0] =	vst.add.f32.msk $0xffff, v1;
	s13 =	spop (v2sf)  }
0x427: {  	[tilespmem:s13+$0x0] =	vst.add.f32.msk $0xffff, v1;
	s13 =	spop (v2sf)  }
0x428: {  	[tilespmem:s13+$0x0] =	vst.add.f32.msk $0xffff, v1;
	s14 =	spop (v2sf)  }
0x429: {  	s4 =	sshra.s32 s4, $0x2;
	[tilespmem:s14+$0x0] =	vst.add.f32.msk $0xffff, v1  }
0x42a: {  	v2 =	vld [tilespmem:s4+$0x19400];
	_ =	sdelay $0x4  }
0x42b: {  	v2 =	vshll.u32 v2, $0x9  }
0x42c: {  	v2 =	vshra.s32 v2, $0x2  }
0x42d: {  	v2 =	vadd.s32 $0x19B20, v2  }
0x42e: {  	(v2sf) =	vpush v2, $0x0  }
0x42f: {  	(v2sf) =	vpush v2, $0x1  }
0x430: {  	(v2sf) =	vpush v2, $0x2  }
0x431: {  	(v2sf) =	vpush v2, $0x3  }
0x432: {  	(v2sf) =	vpush v2, $0x4  }
0x433: {  	(v2sf) =	vpush v2, $0x5  }
0x434: {  	(v2sf) =	vpush v2, $0x6  }
0x435: {  	(v2sf) =	vpush v2, $0x7  }
0x436: {  	(v2sf) =	vpush v2, $0x8  }
0x437: {  	(v2sf) =	vpush v2, $0x9  }
0x438: {  	(v2sf) =	vpush v2, $0xA  }
0x439: {  	(v2sf) =	vpush v2, $0xB  }
0x43a: {  	(v2sf) =	vpush v2, $0xC  }
0x43b: {  	(v2sf) =	vpush v2, $0xD  }
0x43c: {  	(v2sf) =	vpush v2, $0xE  }
0x43d: {  	s10 =	spop (v2sf);
	(v2sf) =	vpush v2, $0xF  }
0x43e: {  	[tilespmem:s10+$0x0] =	vst.add.f32.msk $0xffff, v1;
	s13 =	spop (v2sf)  }
0x43f: {  	[tilespmem:s13+$0x0] =	vst.add.f32.msk $0xffff, v1;
	s14 =	spop (v2sf)  }
0x440: {  	[tilespmem:s14+$0x0] =	vst.add.f32.msk $0xffff, v1;
	s15 =	spop (v2sf)  }
0x441: {  	[tilespmem:s15+$0x0] =	vst.add.f32.msk $0xffff, v1;
	s13 =	spop (v2sf)  }
0x442: {  	[tilespmem:s13+$0x0] =	vst.add.f32.msk $0xffff, v1;
	s14 =	spop (v2sf)  }
0x443: {  	[tilespmem:s14+$0x0] =	vst.add.f32.msk $0xffff, v1;
	s15 =	spop (v2sf)  }
0x444: {  	[tilespmem:s15+$0x0] =	vst.add.f32.msk $0xffff, v1;
	s13 =	spop (v2sf)  }
0x445: {  	[tilespmem:s13+$0x0] =	vst.add.f32.msk $0xffff, v1;
	s14 =	spop (v2sf)  }
0x446: {  	[tilespmem:s14+$0x0] =	vst.add.f32.msk $0xffff, v1;
	s15 =	spop (v2sf)  }
0x447: {  	[tilespmem:s15+$0x0] =	vst.add.f32.msk $0xffff, v1;
	s13 =	spop (v2sf)  }
0x448: {  	[tilespmem:s13+$0x0] =	vst.add.f32.msk $0xffff, v1;
	s14 =	spop (v2sf)  }
0x449: {  	[tilespmem:s14+$0x0] =	vst.add.f32.msk $0xffff, v1;
	s15 =	spop (v2sf)  }
0x44a: {  	[tilespmem:s15+$0x0] =	vst.add.f32.msk $0xffff, v1;
	s13 =	spop (v2sf)  }
0x44b: {  	[tilespmem:s13+$0x0] =	vst.add.f32.msk $0xffff, v1;
	s14 =	spop (v2sf)  }
0x44c: {  	[tilespmem:s14+$0x0] =	vst.add.f32.msk $0xffff, v1;
	s15 =	spop (v2sf)  }
0x44d: {  	[tilespmem:s15+$0x0] =	vst.add.f32.msk $0xffff, v1  }
0x44e: {  	v2 =	vld [tilespmem:s4+$0x19410];
	_ =	sdelay $0x4  }
0x44f: {  	v2 =	vshll.u32 v2, $0x9  }
0x450: {  	v2 =	vshra.s32 v2, $0x2  }
0x451: {  	v2 =	vadd.s32 $0x19B20, v2  }
0x452: {  	(v2sf) =	vpush v2, $0x0  }
0x453: {  	(v2sf) =	vpush v2, $0x1  }
0x454: {  	(v2sf) =	vpush v2, $0x2  }
0x455: {  	(v2sf) =	vpush v2, $0x3  }
0x456: {  	(v2sf) =	vpush v2, $0x4  }
0x457: {  	(v2sf) =	vpush v2, $0x5  }
0x458: {  	(v2sf) =	vpush v2, $0x6  }
0x459: {  	(v2sf) =	vpush v2, $0x7  }
0x45a: {  	(v2sf) =	vpush v2, $0x8  }
0x45b: {  	(v2sf) =	vpush v2, $0x9  }
0x45c: {  	(v2sf) =	vpush v2, $0xA  }
0x45d: {  	(v2sf) =	vpush v2, $0xB  }
0x45e: {  	(v2sf) =	vpush v2, $0xC  }
0x45f: {  	(v2sf) =	vpush v2, $0xD  }
0x460: {  	(v2sf) =	vpush v2, $0xE  }
0x461: {  	s13 =	spop (v2sf);
	(v2sf) =	vpush v2, $0xF  }
0x462: {  	[tilespmem:s13+$0x0] =	vst.add.f32.msk $0xffff, v1;
	s14 =	spop (v2sf)  }
0x463: {  	[tilespmem:s14+$0x0] =	vst.add.f32.msk $0xffff, v1;
	s15 =	spop (v2sf)  }
0x464: {  	[tilespmem:s15+$0x0] =	vst.add.f32.msk $0xffff, v1;
	s13 =	spop (v2sf)  }
0x465: {  	[tilespmem:s13+$0x0] =	vst.add.f32.msk $0xffff, v1;
	s14 =	spop (v2sf)  }
0x466: {  	[tilespmem:s14+$0x0] =	vst.add.f32.msk $0xffff, v1;
	s15 =	spop (v2sf)  }
0x467: {  	[tilespmem:s15+$0x0] =	vst.add.f32.msk $0xffff, v1;
	s13 =	spop (v2sf)  }
0x468: {  	[tilespmem:s13+$0x0] =	vst.add.f32.msk $0xffff, v1;
	s14 =	spop (v2sf)  }
0x469: {  	[tilespmem:s14+$0x0] =	vst.add.f32.msk $0xffff, v1;
	s15 =	spop (v2sf)  }
0x46a: {  	[tilespmem:s15+$0x0] =	vst.add.f32.msk $0xffff, v1;
	s13 =	spop (v2sf)  }
0x46b: {  	[tilespmem:s13+$0x0] =	vst.add.f32.msk $0xffff, v1;
	s14 =	spop (v2sf)  }
0x46c: {  	[tilespmem:s14+$0x0] =	vst.add.f32.msk $0xffff, v1;
	s15 =	spop (v2sf)  }
0x46d: {  	[tilespmem:s15+$0x0] =	vst.add.f32.msk $0xffff, v1;
	s13 =	spop (v2sf)  }
0x46e: {  	[tilespmem:s13+$0x0] =	vst.add.f32.msk $0xffff, v1;
	s14 =	spop (v2sf)  }
0x46f: {  	[tilespmem:s14+$0x0] =	vst.add.f32.msk $0xffff, v1;
	s15 =	spop (v2sf)  }
0x470: {  	[tilespmem:s15+$0x0] =	vst.add.f32.msk $0xffff, v1;
	s13 =	spop (v2sf)  }
0x471: {  	[tilespmem:s13+$0x0] =	vst.add.f32.msk $0xffff, v1  }
0x472: {  	v2 =	vld [tilespmem:s4+$0x19420];
	_ =	sdelay $0x4  }
0x473: {  	v2 =	vshll.u32 v2, $0x9  }
0x474: {  	v2 =	vshra.s32 v2, $0x2  }
0x475: {  	v2 =	vadd.s32 $0x19B20, v2  }
0x476: {  	(v2sf) =	vpush v2, $0x0  }
0x477: {  	(v2sf) =	vpush v2, $0x1  }
0x478: {  	(v2sf) =	vpush v2, $0x2  }
0x479: {  	(v2sf) =	vpush v2, $0x3  }
0x47a: {  	(v2sf) =	vpush v2, $0x4  }
0x47b: {  	(v2sf) =	vpush v2, $0x5  }
0x47c: {  	(v2sf) =	vpush v2, $0x6  }
0x47d: {  	(v2sf) =	vpush v2, $0x7  }
0x47e: {  	(v2sf) =	vpush v2, $0x8  }
0x47f: {  	(v2sf) =	vpush v2, $0x9  }
0x480: {  	(v2sf) =	vpush v2, $0xA  }
0x481: {  	(v2sf) =	vpush v2, $0xB  }
0x482: {  	(v2sf) =	vpush v2, $0xC  }
0x483: {  	(v2sf) =	vpush v2, $0xD  }
0x484: {  	(v2sf) =	vpush v2, $0xE  }
0x485: {  	s14 =	spop (v2sf);
	(v2sf) =	vpush v2, $0xF  }
0x486: {  	[tilespmem:s14+$0x0] =	vst.add.f32.msk $0xffff, v1;
	s15 =	spop (v2sf)  }
0x487: {  	[tilespmem:s15+$0x0] =	vst.add.f32.msk $0xffff, v1;
	s13 =	spop (v2sf)  }
0x488: {  	[tilespmem:s13+$0x0] =	vst.add.f32.msk $0xffff, v1;
	s14 =	spop (v2sf)  }
0x489: {  	[tilespmem:s14+$0x0] =	vst.add.f32.msk $0xffff, v1;
	s15 =	spop (v2sf)  }
0x48a: {  	[tilespmem:s15+$0x0] =	vst.add.f32.msk $0xffff, v1;
	s13 =	spop (v2sf)  }
0x48b: {  	[tilespmem:s13+$0x0] =	vst.add.f32.msk $0xffff, v1;
	s14 =	spop (v2sf)  }
0x48c: {  	[tilespmem:s14+$0x0] =	vst.add.f32.msk $0xffff, v1;
	s15 =	spop (v2sf)  }
0x48d: {  	[tilespmem:s15+$0x0] =	vst.add.f32.msk $0xffff, v1;
	s13 =	spop (v2sf)  }
0x48e: {  	[tilespmem:s13+$0x0] =	vst.add.f32.msk $0xffff, v1;
	s14 =	spop (v2sf)  }
0x48f: {  	[tilespmem:s14+$0x0] =	vst.add.f32.msk $0xffff, v1;
	s15 =	spop (v2sf)  }
0x490: {  	[tilespmem:s15+$0x0] =	vst.add.f32.msk $0xffff, v1;
	s13 =	spop (v2sf)  }
0x491: {  	[tilespmem:s13+$0x0] =	vst.add.f32.msk $0xffff, v1;
	s14 =	spop (v2sf)  }
0x492: {  	[tilespmem:s14+$0x0] =	vst.add.f32.msk $0xffff, v1;
	s15 =	spop (v2sf)  }
0x493: {  	[tilespmem:s15+$0x0] =	vst.add.f32.msk $0xffff, v1;
	s13 =	spop (v2sf)  }
0x494: {  	[tilespmem:s13+$0x0] =	vst.add.f32.msk $0xffff, v1;
	s14 =	spop (v2sf)  }
0x495: {  	[tilespmem:s14+$0x0] =	vst.add.f32.msk $0xffff, v1  }
0x496: {  	v2 =	vld [tilespmem:s4+$0x19430];
	_ =	sdelay $0x4  }
0x497: {  	v2 =	vshll.u32 v2, $0x9  }
0x498: {  	v2 =	vshra.s32 v2, $0x2  }
0x499: {  	v2 =	vadd.s32 $0x19B20, v2  }
0x49a: {  	(v2sf) =	vpush v2, $0x0  }
0x49b: {  	(v2sf) =	vpush v2, $0x1  }
0x49c: {  	(v2sf) =	vpush v2, $0x2  }
0x49d: {  	(v2sf) =	vpush v2, $0x3  }
0x49e: {  	(v2sf) =	vpush v2, $0x4  }
0x49f: {  	(v2sf) =	vpush v2, $0x5  }
0x4a0: {  	(v2sf) =	vpush v2, $0x6  }
0x4a1: {  	(v2sf) =	vpush v2, $0x7  }
0x4a2: {  	(v2sf) =	vpush v2, $0x8  }
0x4a3: {  	(v2sf) =	vpush v2, $0x9  }
0x4a4: {  	(v2sf) =	vpush v2, $0xA  }
0x4a5: {  	(v2sf) =	vpush v2, $0xB  }
0x4a6: {  	(v2sf) =	vpush v2, $0xC  }
0x4a7: {  	(v2sf) =	vpush v2, $0xD  }
0x4a8: {  	(v2sf) =	vpush v2, $0xE  }
0x4a9: {  	s15 =	spop (v2sf);
	(v2sf) =	vpush v2, $0xF  }
0x4aa: {  	[tilespmem:s15+$0x0] =	vst.add.f32.msk $0xffff, v1;
	s13 =	spop (v2sf)  }
0x4ab: {  	[tilespmem:s13+$0x0] =	vst.add.f32.msk $0xffff, v1;
	s14 =	spop (v2sf)  }
0x4ac: {  	[tilespmem:s14+$0x0] =	vst.add.f32.msk $0xffff, v1;
	s15 =	spop (v2sf)  }
0x4ad: {  	[tilespmem:s15+$0x0] =	vst.add.f32.msk $0xffff, v1;
	s13 =	spop (v2sf)  }
0x4ae: {  	[tilespmem:s13+$0x0] =	vst.add.f32.msk $0xffff, v1;
	s14 =	spop (v2sf)  }
0x4af: {  	[tilespmem:s14+$0x0] =	vst.add.f32.msk $0xffff, v1;
	s15 =	spop (v2sf)  }
0x4b0: {  	[tilespmem:s15+$0x0] =	vst.add.f32.msk $0xffff, v1;
	s13 =	spop (v2sf)  }
0x4b1: {  	[tilespmem:s13+$0x0] =	vst.add.f32.msk $0xffff, v1;
	s14 =	spop (v2sf)  }
0x4b2: {  	[tilespmem:s14+$0x0] =	vst.add.f32.msk $0xffff, v1;
	s15 =	spop (v2sf)  }
0x4b3: {  	[tilespmem:s15+$0x0] =	vst.add.f32.msk $0xffff, v1;
	s13 =	spop (v2sf)  }
0x4b4: {  	[tilespmem:s13+$0x0] =	vst.add.f32.msk $0xffff, v1;
	s14 =	spop (v2sf)  }
0x4b5: {  	[tilespmem:s14+$0x0] =	vst.add.f32.msk $0xffff, v1;
	s15 =	spop (v2sf)  }
0x4b6: {  	[tilespmem:s15+$0x0] =	vst.add.f32.msk $0xffff, v1;
	s13 =	spop (v2sf)  }
0x4b7: {  	[tilespmem:s13+$0x0] =	vst.add.f32.msk $0xffff, v1;
	s14 =	spop (v2sf)  }
0x4b8: {  	[tilespmem:s14+$0x0] =	vst.add.f32.msk $0xffff, v1;
	s15 =	spop (v2sf)  }
0x4b9: {  	[tilespmem:s15+$0x0] =	vst.add.f32.msk $0xffff, v1  }
0x4ba: {  	v2 =	vld [tilespmem:s4+$0x19440];
	_ =	sdelay $0x4  }
0x4bb: {  	v2 =	vshll.u32 v2, $0x9  }
0x4bc: {  	v2 =	vshra.s32 v2, $0x2  }
0x4bd: {  	v2 =	vadd.s32 $0x19B20, v2  }
0x4be: {  	(v2sf) =	vpush v2, $0x0  }
0x4bf: {  	(v2sf) =	vpush v2, $0x1  }
0x4c0: {  	(v2sf) =	vpush v2, $0x2  }
0x4c1: {  	(v2sf) =	vpush v2, $0x3  }
0x4c2: {  	(v2sf) =	vpush v2, $0x4  }
0x4c3: {  	(v2sf) =	vpush v2, $0x5  }
0x4c4: {  	(v2sf) =	vpush v2, $0x6  }
0x4c5: {  	(v2sf) =	vpush v2, $0x7  }
0x4c6: {  	(v2sf) =	vpush v2, $0x8  }
0x4c7: {  	(v2sf) =	vpush v2, $0x9  }
0x4c8: {  	(v2sf) =	vpush v2, $0xA  }
0x4c9: {  	(v2sf) =	vpush v2, $0xB  }
0x4ca: {  	(v2sf) =	vpush v2, $0xC  }
0x4cb: {  	(v2sf) =	vpush v2, $0xD  }
0x4cc: {  	(v2sf) =	vpush v2, $0xE  }
0x4cd: {  	s10 =	spop (v2sf);
	(v2sf) =	vpush v2, $0xF  }
0x4ce: {  	[tilespmem:s10+$0x0] =	vst.add.f32.msk $0xffff, v1;
	s13 =	spop (v2sf)  }
0x4cf: {  	[tilespmem:s13+$0x0] =	vst.add.f32.msk $0xffff, v1;
	s14 =	spop (v2sf)  }
0x4d0: {  	[tilespmem:s14+$0x0] =	vst.add.f32.msk $0xffff, v1;
	s15 =	spop (v2sf)  }
0x4d1: {  	[tilespmem:s15+$0x0] =	vst.add.f32.msk $0xffff, v1;
	s10 =	spop (v2sf)  }
0x4d2: {  	[tilespmem:s10+$0x0] =	vst.add.f32.msk $0xffff, v1;
	s13 =	spop (v2sf)  }
0x4d3: {  	[tilespmem:s13+$0x0] =	vst.add.f32.msk $0xffff, v1;
	s14 =	spop (v2sf)  }
0x4d4: {  	[tilespmem:s14+$0x0] =	vst.add.f32.msk $0xffff, v1;
	s15 =	spop (v2sf)  }
0x4d5: {  	[tilespmem:s15+$0x0] =	vst.add.f32.msk $0xffff, v1;
	s10 =	spop (v2sf)  }
0x4d6: {  	[tilespmem:s10+$0x0] =	vst.add.f32.msk $0xffff, v1;
	s13 =	spop (v2sf)  }
0x4d7: {  	[tilespmem:s13+$0x0] =	vst.add.f32.msk $0xffff, v1;
	s14 =	spop (v2sf)  }
0x4d8: {  	[tilespmem:s14+$0x0] =	vst.add.f32.msk $0xffff, v1;
	s15 =	spop (v2sf)  }
0x4d9: {  	[tilespmem:s15+$0x0] =	vst.add.f32.msk $0xffff, v1;
	s10 =	spop (v2sf)  }
0x4da: {  	[tilespmem:s10+$0x0] =	vst.add.f32.msk $0xffff, v1;
	s13 =	spop (v2sf)  }
0x4db: {  	[tilespmem:s13+$0x0] =	vst.add.f32.msk $0xffff, v1;
	s14 =	spop (v2sf)  }
0x4dc: {  	[tilespmem:s14+$0x0] =	vst.add.f32.msk $0xffff, v1;
	s15 =	spop (v2sf)  }
0x4dd: {  	[tilespmem:s15+$0x0] =	vst.add.f32.msk $0xffff, v1  }
0x4de: {  	_ =	swait.ge [sflag:s8], $0x2800  }
0x4df: {  	[sflag:s8] =	ssyncset.done $0x0  }
0x4e0: {  	[sflag:s8] =	ssyncadd.s32 $0xFFFFD800  }
0x4e1: {  	_ =	swait.ge [sflag:s8], $0x2800  }
0x4e2: {  	[sflag:s8] =	ssyncset.done $0x0  }
0x4e3: {  	[sflag:s8] =	ssyncadd.s32 $0xFFFFD800  }
0x4e4: {  	_ =	swait.ge [sflag:s8], $0x2800  }
0x4e5: {  	[sflag:s8] =	ssyncset.done $0x0  }
0x4e6: {  	s16 =	sadd.s32 $0x1, s16;
	[sflag:s8] =	ssyncadd.s32 $0xFFFFD800  }
0x4e7: {  	p1 =	sne.s32 s16, $0x8;
	_ =	swait.ge [sflag:s8], $0x2800  }
.Ltmp5:
0x4e8: {  	[sflag:s8] =	ssyncset.done $0x0;
	(pc) =	sbr.rel @p1 .LBB2_8-.Ltmp5, $4  }
0x4e9: {  	[sflag:s8] =	ssyncadd.s32 $0xFFFFD800  }
0x4ea: {  	_ =	swait.ge [sflag:s8], $0x2800  }
0x4eb: {  	[sflag:s8] =	ssyncset.done $0x0  }
0x4ec: {  	[sflag:s8] =	ssyncadd.s32 $0xFFFFD800  }
0x4ed: {  	_ =	swait.ge [sflag:s29], $0xC800  }
0x4ee: {  	[sflag:s29] =	ssyncset.done $0x0  }
0x4ef: {  	[sflag:s29] =	ssyncadd.s32 $0xFFFF3800  }
0x4f0: {  	_ =	swait.ge [sflag:s29], $0x50  }
0x4f1: {  	[sflag:s29] =	ssyncset.done $0x0  }
0x4f2: {  	[sflag:s29] =	ssyncadd.s32 $0xFFFFFFB0  }
0x4f3: {  	_ =	swait.ge [sflag:s29], $0x50  }
0x4f4: {  	[sflag:s29] =	ssyncset.done $0x0  }
0x4f5: {  	[sflag:s29] =	ssyncadd.s32 $0xFFFFFFB0  }
0x4f6: {  	_ =	swait.ge [sflag:s29], $0x50  }
0x4f7: {  	[sflag:s29] =	ssyncset.done $0x0  }
0x4f8: {  	[sflag:s29] =	ssyncadd.s32 $0xFFFFFFB0  }
0x4f9: {  	_ =	swait.ge [sflag:s29], $0x50  }
0x4fa: {  	[sflag:s29] =	ssyncset.done $0x0  }
0x4fb: {  	[sflag:s29] =	ssyncadd.s32 $0xFFFFFFB0  }
0x4fc: {  	_ =	swait.ge [sflag:s29], $0x50  }
0x4fd: {  	[sflag:s29] =	ssyncset.done $0x0  }
0x4fe: {  	s4 =	simm.s32 $0x0;
	[sflag:s29] =	ssyncadd.s32 $0xFFFFFFB0  }
0x4ff: {  	[spmem:s3] =	stream.indirect.scatter.add.f32 [tilespmem:s4], [sflag:$0x3], $0x80, s17, s30, $0xb8;
	[tilespmem:$0x1CF20] =	vst v63  }
0x500: {  	_ = 	snop  }
0x501: {  	[spmem:s3] =	stream.indirect.scatter.add.f32 [tilespmem:s31], [sflag:$0x3], $0x80, s18, s30, $0xb8;
	[tilespmem:$0x1CF20] =	vst v63  }
0x502: {  	_ = 	snop  }
0x503: {  	[spmem:s3] =	stream.indirect.scatter.add.f32 [tilespmem:s1], [sflag:$0x3], $0x80, s19, s30, $0xb8;
	[tilespmem:$0x1CF20] =	vst v63  }
0x504: {  	_ = 	snop  }
0x505: {  	[spmem:s3] =	stream.indirect.scatter.add.f32 [tilespmem:s5], [sflag:$0x3], $0x80, s20, s30, $0xb8;
	[tilespmem:$0x1CF20] =	vst v63  }
0x506: {  	s4 =	simm.s32 $0x0  }
0x507: {  	[spmem:s3] =	stream.indirect.scatter.add.f32 [tilespmem:s7], [sflag:$0x3], $0x80, s21, s30, $0xb8;
	[tilespmem:$0x1CF20] =	vst v63  }
0x508: {  	v2 =	vld [tilespmem:s4+$0x19000];
	_ =	sdelay $0x4  }
0x509: {  	v2 =	vshll.u32 v2, $0x9  }
0x50a: {  	v2 =	vshra.s32 v2, $0x2  }
0x50b: {  	v2 =	vadd.s32 $0x19B20, v2  }
0x50c: {  	(v2sf) =	vpush v2, $0x0  }
0x50d: {  	(v2sf) =	vpush v2, $0x1  }
0x50e: {  	(v2sf) =	vpush v2, $0x2  }
0x50f: {  	(v2sf) =	vpush v2, $0x3  }
0x510: {  	(v2sf) =	vpush v2, $0x4  }
0x511: {  	(v2sf) =	vpush v2, $0x5  }
0x512: {  	(v2sf) =	vpush v2, $0x6  }
0x513: {  	(v2sf) =	vpush v2, $0x7  }
0x514: {  	(v2sf) =	vpush v2, $0x8  }
0x515: {  	(v2sf) =	vpush v2, $0x9  }
0x516: {  	(v2sf) =	vpush v2, $0xA  }
0x517: {  	(v2sf) =	vpush v2, $0xB  }
0x518: {  	(v2sf) =	vpush v2, $0xC  }
0x519: {  	(v2sf) =	vpush v2, $0xD  }
0x51a: {  	(v2sf) =	vpush v2, $0xE  }
0x51b: {  	s6 =	spop (v2sf);
	(v2sf) =	vpush v2, $0xF  }
0x51c: {  	[tilespmem:s6+$0x0] =	vst.add.f32.msk $0xffff, v1;
	s10 =	spop (v2sf)  }
0x51d: {  	[tilespmem:s10+$0x0] =	vst.add.f32.msk $0xffff, v1;
	s13 =	spop (v2sf)  }
0x51e: {  	[tilespmem:s13+$0x0] =	vst.add.f32.msk $0xffff, v1;
	s14 =	spop (v2sf)  }
0x51f: {  	[tilespmem:s14+$0x0] =	vst.add.f32.msk $0xffff, v1;
	s15 =	spop (v2sf)  }
0x520: {  	[tilespmem:s15+$0x0] =	vst.add.f32.msk $0xffff, v1;
	s16 =	spop (v2sf)  }
0x521: {  	[tilespmem:s16+$0x0] =	vst.add.f32.msk $0xffff, v1;
	s10 =	spop (v2sf)  }
0x522: {  	[tilespmem:s10+$0x0] =	vst.add.f32.msk $0xffff, v1;
	s13 =	spop (v2sf)  }
0x523: {  	[tilespmem:s13+$0x0] =	vst.add.f32.msk $0xffff, v1;
	s14 =	spop (v2sf)  }
0x524: {  	[tilespmem:s14+$0x0] =	vst.add.f32.msk $0xffff, v1;
	s15 =	spop (v2sf)  }
0x525: {  	[tilespmem:s15+$0x0] =	vst.add.f32.msk $0xffff, v1;
	s16 =	spop (v2sf)  }
0x526: {  	[tilespmem:s16+$0x0] =	vst.add.f32.msk $0xffff, v1;
	s10 =	spop (v2sf)  }
0x527: {  	[tilespmem:s10+$0x0] =	vst.add.f32.msk $0xffff, v1;
	s13 =	spop (v2sf)  }
0x528: {  	[tilespmem:s13+$0x0] =	vst.add.f32.msk $0xffff, v1;
	s14 =	spop (v2sf)  }
0x529: {  	[tilespmem:s14+$0x0] =	vst.add.f32.msk $0xffff, v1;
	s15 =	spop (v2sf)  }
0x52a: {  	[tilespmem:s15+$0x0] =	vst.add.f32.msk $0xffff, v1;
	s16 =	spop (v2sf)  }
0x52b: {  	[tilespmem:s16+$0x0] =	vst.add.f32.msk $0xffff, v1  }
0x52c: {  	v2 =	vld [tilespmem:s4+$0x19010];
	_ =	sdelay $0x4  }
0x52d: {  	v2 =	vshll.u32 v2, $0x9  }
0x52e: {  	v2 =	vshra.s32 v2, $0x2  }
0x52f: {  	v2 =	vadd.s32 $0x19B20, v2  }
0x530: {  	(v2sf) =	vpush v2, $0x0  }
0x531: {  	(v2sf) =	vpush v2, $0x1  }
0x532: {  	(v2sf) =	vpush v2, $0x2  }
0x533: {  	(v2sf) =	vpush v2, $0x3  }
0x534: {  	(v2sf) =	vpush v2, $0x4  }
0x535: {  	(v2sf) =	vpush v2, $0x5  }
0x536: {  	(v2sf) =	vpush v2, $0x6  }
0x537: {  	(v2sf) =	vpush v2, $0x7  }
0x538: {  	(v2sf) =	vpush v2, $0x8  }
0x539: {  	(v2sf) =	vpush v2, $0x9  }
0x53a: {  	(v2sf) =	vpush v2, $0xA  }
0x53b: {  	(v2sf) =	vpush v2, $0xB  }
0x53c: {  	(v2sf) =	vpush v2, $0xC  }
0x53d: {  	(v2sf) =	vpush v2, $0xD  }
0x53e: {  	(v2sf) =	vpush v2, $0xE  }
0x53f: {  	s10 =	spop (v2sf);
	(v2sf) =	vpush v2, $0xF  }
0x540: {  	[tilespmem:s10+$0x0] =	vst.add.f32.msk $0xffff, v1;
	s13 =	spop (v2sf)  }
0x541: {  	[tilespmem:s13+$0x0] =	vst.add.f32.msk $0xffff, v1;
	s14 =	spop (v2sf)  }
0x542: {  	[tilespmem:s14+$0x0] =	vst.add.f32.msk $0xffff, v1;
	s15 =	spop (v2sf)  }
0x543: {  	[tilespmem:s15+$0x0] =	vst.add.f32.msk $0xffff, v1;
	s16 =	spop (v2sf)  }
0x544: {  	[tilespmem:s16+$0x0] =	vst.add.f32.msk $0xffff, v1;
	s10 =	spop (v2sf)  }
0x545: {  	[tilespmem:s10+$0x0] =	vst.add.f32.msk $0xffff, v1;
	s13 =	spop (v2sf)  }
0x546: {  	[tilespmem:s13+$0x0] =	vst.add.f32.msk $0xffff, v1;
	s14 =	spop (v2sf)  }
0x547: {  	[tilespmem:s14+$0x0] =	vst.add.f32.msk $0xffff, v1;
	s15 =	spop (v2sf)  }
0x548: {  	[tilespmem:s15+$0x0] =	vst.add.f32.msk $0xffff, v1;
	s16 =	spop (v2sf)  }
0x549: {  	[tilespmem:s16+$0x0] =	vst.add.f32.msk $0xffff, v1;
	s10 =	spop (v2sf)  }
0x54a: {  	[tilespmem:s10+$0x0] =	vst.add.f32.msk $0xffff, v1;
	s13 =	spop (v2sf)  }
0x54b: {  	[tilespmem:s13+$0x0] =	vst.add.f32.msk $0xffff, v1;
	s14 =	spop (v2sf)  }
0x54c: {  	[tilespmem:s14+$0x0] =	vst.add.f32.msk $0xffff, v1;
	s15 =	spop (v2sf)  }
0x54d: {  	[tilespmem:s15+$0x0] =	vst.add.f32.msk $0xffff, v1;
	s16 =	spop (v2sf)  }
0x54e: {  	[tilespmem:s16+$0x0] =	vst.add.f32.msk $0xffff, v1;
	s10 =	spop (v2sf)  }
0x54f: {  	[tilespmem:s10+$0x0] =	vst.add.f32.msk $0xffff, v1  }
0x550: {  	v2 =	vld [tilespmem:s4+$0x19020];
	_ =	sdelay $0x4  }
0x551: {  	v2 =	vshll.u32 v2, $0x9  }
0x552: {  	v2 =	vshra.s32 v2, $0x2  }
0x553: {  	v2 =	vadd.s32 $0x19B20, v2  }
0x554: {  	(v2sf) =	vpush v2, $0x0  }
0x555: {  	(v2sf) =	vpush v2, $0x1  }
0x556: {  	(v2sf) =	vpush v2, $0x2  }
0x557: {  	(v2sf) =	vpush v2, $0x3  }
0x558: {  	(v2sf) =	vpush v2, $0x4  }
0x559: {  	(v2sf) =	vpush v2, $0x5  }
0x55a: {  	(v2sf) =	vpush v2, $0x6  }
0x55b: {  	(v2sf) =	vpush v2, $0x7  }
0x55c: {  	(v2sf) =	vpush v2, $0x8  }
0x55d: {  	(v2sf) =	vpush v2, $0x9  }
0x55e: {  	(v2sf) =	vpush v2, $0xA  }
0x55f: {  	(v2sf) =	vpush v2, $0xB  }
0x560: {  	(v2sf) =	vpush v2, $0xC  }
0x561: {  	(v2sf) =	vpush v2, $0xD  }
0x562: {  	(v2sf) =	vpush v2, $0xE  }
0x563: {  	s13 =	spop (v2sf);
	(v2sf) =	vpush v2, $0xF  }
0x564: {  	[tilespmem:s13+$0x0] =	vst.add.f32.msk $0xffff, v1;
	s14 =	spop (v2sf)  }
0x565: {  	[tilespmem:s14+$0x0] =	vst.add.f32.msk $0xffff, v1;
	s15 =	spop (v2sf)  }
0x566: {  	[tilespmem:s15+$0x0] =	vst.add.f32.msk $0xffff, v1;
	s16 =	spop (v2sf)  }
0x567: {  	[tilespmem:s16+$0x0] =	vst.add.f32.msk $0xffff, v1;
	s10 =	spop (v2sf)  }
0x568: {  	[tilespmem:s10+$0x0] =	vst.add.f32.msk $0xffff, v1;
	s13 =	spop (v2sf)  }
0x569: {  	[tilespmem:s13+$0x0] =	vst.add.f32.msk $0xffff, v1;
	s14 =	spop (v2sf)  }
0x56a: {  	[tilespmem:s14+$0x0] =	vst.add.f32.msk $0xffff, v1;
	s15 =	spop (v2sf)  }
0x56b: {  	[tilespmem:s15+$0x0] =	vst.add.f32.msk $0xffff, v1;
	s16 =	spop (v2sf)  }
0x56c: {  	[tilespmem:s16+$0x0] =	vst.add.f32.msk $0xffff, v1;
	s10 =	spop (v2sf)  }
0x56d: {  	[tilespmem:s10+$0x0] =	vst.add.f32.msk $0xffff, v1;
	s13 =	spop (v2sf)  }
0x56e: {  	[tilespmem:s13+$0x0] =	vst.add.f32.msk $0xffff, v1;
	s14 =	spop (v2sf)  }
0x56f: {  	[tilespmem:s14+$0x0] =	vst.add.f32.msk $0xffff, v1;
	s15 =	spop (v2sf)  }
0x570: {  	[tilespmem:s15+$0x0] =	vst.add.f32.msk $0xffff, v1;
	s16 =	spop (v2sf)  }
0x571: {  	[tilespmem:s16+$0x0] =	vst.add.f32.msk $0xffff, v1;
	s10 =	spop (v2sf)  }
0x572: {  	[tilespmem:s10+$0x0] =	vst.add.f32.msk $0xffff, v1;
	s13 =	spop (v2sf)  }
0x573: {  	[tilespmem:s13+$0x0] =	vst.add.f32.msk $0xffff, v1  }
0x574: {  	v2 =	vld [tilespmem:s4+$0x19030];
	_ =	sdelay $0x4  }
0x575: {  	v2 =	vshll.u32 v2, $0x9  }
0x576: {  	v2 =	vshra.s32 v2, $0x2  }
0x577: {  	v2 =	vadd.s32 $0x19B20, v2  }
0x578: {  	(v2sf) =	vpush v2, $0x0  }
0x579: {  	(v2sf) =	vpush v2, $0x1  }
0x57a: {  	(v2sf) =	vpush v2, $0x2  }
0x57b: {  	(v2sf) =	vpush v2, $0x3  }
0x57c: {  	(v2sf) =	vpush v2, $0x4  }
0x57d: {  	(v2sf) =	vpush v2, $0x5  }
0x57e: {  	(v2sf) =	vpush v2, $0x6  }
0x57f: {  	(v2sf) =	vpush v2, $0x7  }
0x580: {  	(v2sf) =	vpush v2, $0x8  }
0x581: {  	(v2sf) =	vpush v2, $0x9  }
0x582: {  	(v2sf) =	vpush v2, $0xA  }
0x583: {  	(v2sf) =	vpush v2, $0xB  }
0x584: {  	(v2sf) =	vpush v2, $0xC  }
0x585: {  	(v2sf) =	vpush v2, $0xD  }
0x586: {  	(v2sf) =	vpush v2, $0xE  }
0x587: {  	s14 =	spop (v2sf);
	(v2sf) =	vpush v2, $0xF  }
0x588: {  	[tilespmem:s14+$0x0] =	vst.add.f32.msk $0xffff, v1;
	s15 =	spop (v2sf)  }
0x589: {  	[tilespmem:s15+$0x0] =	vst.add.f32.msk $0xffff, v1;
	s16 =	spop (v2sf)  }
0x58a: {  	[tilespmem:s16+$0x0] =	vst.add.f32.msk $0xffff, v1;
	s10 =	spop (v2sf)  }
0x58b: {  	[tilespmem:s10+$0x0] =	vst.add.f32.msk $0xffff, v1;
	s13 =	spop (v2sf)  }
0x58c: {  	[tilespmem:s13+$0x0] =	vst.add.f32.msk $0xffff, v1;
	s14 =	spop (v2sf)  }
0x58d: {  	[tilespmem:s14+$0x0] =	vst.add.f32.msk $0xffff, v1;
	s15 =	spop (v2sf)  }
0x58e: {  	[tilespmem:s15+$0x0] =	vst.add.f32.msk $0xffff, v1;
	s16 =	spop (v2sf)  }
0x58f: {  	[tilespmem:s16+$0x0] =	vst.add.f32.msk $0xffff, v1;
	s10 =	spop (v2sf)  }
0x590: {  	[tilespmem:s10+$0x0] =	vst.add.f32.msk $0xffff, v1;
	s13 =	spop (v2sf)  }
0x591: {  	[tilespmem:s13+$0x0] =	vst.add.f32.msk $0xffff, v1;
	s14 =	spop (v2sf)  }
0x592: {  	[tilespmem:s14+$0x0] =	vst.add.f32.msk $0xffff, v1;
	s15 =	spop (v2sf)  }
0x593: {  	[tilespmem:s15+$0x0] =	vst.add.f32.msk $0xffff, v1;
	s16 =	spop (v2sf)  }
0x594: {  	[tilespmem:s16+$0x0] =	vst.add.f32.msk $0xffff, v1;
	s10 =	spop (v2sf)  }
0x595: {  	[tilespmem:s10+$0x0] =	vst.add.f32.msk $0xffff, v1;
	s13 =	spop (v2sf)  }
0x596: {  	[tilespmem:s13+$0x0] =	vst.add.f32.msk $0xffff, v1;
	s14 =	spop (v2sf)  }
0x597: {  	[tilespmem:s14+$0x0] =	vst.add.f32.msk $0xffff, v1  }
0x598: {  	v2 =	vld [tilespmem:s4+$0x19040];
	_ =	sdelay $0x4  }
0x599: {  	v2 =	vshll.u32 v2, $0x9  }
0x59a: {  	v2 =	vshra.s32 v2, $0x2  }
0x59b: {  	v2 =	vadd.s32 $0x19B20, v2  }
0x59c: {  	(v2sf) =	vpush v2, $0x0  }
0x59d: {  	(v2sf) =	vpush v2, $0x1  }
0x59e: {  	(v2sf) =	vpush v2, $0x2  }
0x59f: {  	(v2sf) =	vpush v2, $0x3  }
0x5a0: {  	(v2sf) =	vpush v2, $0x4  }
0x5a1: {  	(v2sf) =	vpush v2, $0x5  }
0x5a2: {  	(v2sf) =	vpush v2, $0x6  }
0x5a3: {  	(v2sf) =	vpush v2, $0x7  }
0x5a4: {  	(v2sf) =	vpush v2, $0x8  }
0x5a5: {  	(v2sf) =	vpush v2, $0x9  }
0x5a6: {  	(v2sf) =	vpush v2, $0xA  }
0x5a7: {  	(v2sf) =	vpush v2, $0xB  }
0x5a8: {  	(v2sf) =	vpush v2, $0xC  }
0x5a9: {  	(v2sf) =	vpush v2, $0xD  }
0x5aa: {  	(v2sf) =	vpush v2, $0xE  }
0x5ab: {  	s15 =	spop (v2sf);
	(v2sf) =	vpush v2, $0xF  }
0x5ac: {  	[tilespmem:s15+$0x0] =	vst.add.f32.msk $0xffff, v1;
	s16 =	spop (v2sf)  }
0x5ad: {  	[tilespmem:s16+$0x0] =	vst.add.f32.msk $0xffff, v1;
	s6 =	spop (v2sf)  }
0x5ae: {  	[tilespmem:s6+$0x0] =	vst.add.f32.msk $0xffff, v1;
	s10 =	spop (v2sf)  }
0x5af: {  	[tilespmem:s10+$0x0] =	vst.add.f32.msk $0xffff, v1;
	s13 =	spop (v2sf)  }
0x5b0: {  	[tilespmem:s13+$0x0] =	vst.add.f32.msk $0xffff, v1;
	s14 =	spop (v2sf)  }
0x5b1: {  	[tilespmem:s14+$0x0] =	vst.add.f32.msk $0xffff, v1;
	s15 =	spop (v2sf)  }
0x5b2: {  	[tilespmem:s15+$0x0] =	vst.add.f32.msk $0xffff, v1;
	s16 =	spop (v2sf)  }
0x5b3: {  	[tilespmem:s16+$0x0] =	vst.add.f32.msk $0xffff, v1;
	s6 =	spop (v2sf)  }
0x5b4: {  	[tilespmem:s6+$0x0] =	vst.add.f32.msk $0xffff, v1;
	s10 =	spop (v2sf)  }
0x5b5: {  	[tilespmem:s10+$0x0] =	vst.add.f32.msk $0xffff, v1;
	s13 =	spop (v2sf)  }
0x5b6: {  	[tilespmem:s13+$0x0] =	vst.add.f32.msk $0xffff, v1;
	s14 =	spop (v2sf)  }
0x5b7: {  	[tilespmem:s14+$0x0] =	vst.add.f32.msk $0xffff, v1;
	s15 =	spop (v2sf)  }
0x5b8: {  	[tilespmem:s15+$0x0] =	vst.add.f32.msk $0xffff, v1;
	s16 =	spop (v2sf)  }
0x5b9: {  	[tilespmem:s16+$0x0] =	vst.add.f32.msk $0xffff, v1;
	s10 =	spop (v2sf)  }
0x5ba: {  	s4 =	simm.s32 $0x200;
	s6 =	simm.s32 $0x400;
	[tilespmem:s10+$0x0] =	vst.add.f32.msk $0xffff, v1;
	s13 =	spop (v2sf)  }
.LBB2_14:
0x5bb: {  	p1 =	sne.s32 s6, $0x800  }
0x5bc: {  	s10 =	sshra.s32 s4, $0x2;
	[tilespmem:s13+$0x0] =	vst.add.f32.msk $0xffff, v1;
	s4 =	smov.u32 s6;
	s6 =	sadd.s32 $0x200, s6  }
0x5bd: {  	v2 =	vld [tilespmem:s10+$0x19000];
	_ =	sdelay $0x4  }
0x5be: {  	v2 =	vshll.u32 v2, $0x9  }
0x5bf: {  	v2 =	vshra.s32 v2, $0x2  }
0x5c0: {  	v2 =	vadd.s32 $0x19B20, v2  }
0x5c1: {  	(v2sf) =	vpush v2, $0x0  }
0x5c2: {  	(v2sf) =	vpush v2, $0x1  }
0x5c3: {  	(v2sf) =	vpush v2, $0x2  }
0x5c4: {  	(v2sf) =	vpush v2, $0x3  }
0x5c5: {  	(v2sf) =	vpush v2, $0x4  }
0x5c6: {  	(v2sf) =	vpush v2, $0x5  }
0x5c7: {  	(v2sf) =	vpush v2, $0x6  }
0x5c8: {  	(v2sf) =	vpush v2, $0x7  }
0x5c9: {  	(v2sf) =	vpush v2, $0x8  }
0x5ca: {  	(v2sf) =	vpush v2, $0x9  }
0x5cb: {  	(v2sf) =	vpush v2, $0xA  }
0x5cc: {  	(v2sf) =	vpush v2, $0xB  }
0x5cd: {  	(v2sf) =	vpush v2, $0xC  }
0x5ce: {  	(v2sf) =	vpush v2, $0xD  }
0x5cf: {  	(v2sf) =	vpush v2, $0xE  }
0x5d0: {  	s13 =	spop (v2sf);
	(v2sf) =	vpush v2, $0xF  }
0x5d1: {  	[tilespmem:s13+$0x0] =	vst.add.f32.msk $0xffff, v1;
	s13 =	spop (v2sf)  }
0x5d2: {  	[tilespmem:s13+$0x0] =	vst.add.f32.msk $0xffff, v1;
	s13 =	spop (v2sf)  }
0x5d3: {  	[tilespmem:s13+$0x0] =	vst.add.f32.msk $0xffff, v1;
	s13 =	spop (v2sf)  }
0x5d4: {  	[tilespmem:s13+$0x0] =	vst.add.f32.msk $0xffff, v1;
	s13 =	spop (v2sf)  }
0x5d5: {  	[tilespmem:s13+$0x0] =	vst.add.f32.msk $0xffff, v1;
	s13 =	spop (v2sf)  }
0x5d6: {  	[tilespmem:s13+$0x0] =	vst.add.f32.msk $0xffff, v1;
	s13 =	spop (v2sf)  }
0x5d7: {  	[tilespmem:s13+$0x0] =	vst.add.f32.msk $0xffff, v1;
	s13 =	spop (v2sf)  }
0x5d8: {  	[tilespmem:s13+$0x0] =	vst.add.f32.msk $0xffff, v1;
	s13 =	spop (v2sf)  }
0x5d9: {  	[tilespmem:s13+$0x0] =	vst.add.f32.msk $0xffff, v1;
	s13 =	spop (v2sf)  }
0x5da: {  	[tilespmem:s13+$0x0] =	vst.add.f32.msk $0xffff, v1;
	s13 =	spop (v2sf)  }
0x5db: {  	[tilespmem:s13+$0x0] =	vst.add.f32.msk $0xffff, v1;
	s13 =	spop (v2sf)  }
0x5dc: {  	[tilespmem:s13+$0x0] =	vst.add.f32.msk $0xffff, v1;
	s13 =	spop (v2sf)  }
0x5dd: {  	[tilespmem:s13+$0x0] =	vst.add.f32.msk $0xffff, v1;
	s13 =	spop (v2sf)  }
0x5de: {  	[tilespmem:s13+$0x0] =	vst.add.f32.msk $0xffff, v1;
	s13 =	spop (v2sf)  }
0x5df: {  	[tilespmem:s13+$0x0] =	vst.add.f32.msk $0xffff, v1;
	s13 =	spop (v2sf)  }
0x5e0: {  	[tilespmem:s13+$0x0] =	vst.add.f32.msk $0xffff, v1  }
0x5e1: {  	v2 =	vld [tilespmem:s10+$0x19010];
	_ =	sdelay $0x4  }
0x5e2: {  	v2 =	vshll.u32 v2, $0x9  }
0x5e3: {  	v2 =	vshra.s32 v2, $0x2  }
0x5e4: {  	v2 =	vadd.s32 $0x19B20, v2  }
0x5e5: {  	(v2sf) =	vpush v2, $0x0  }
0x5e6: {  	(v2sf) =	vpush v2, $0x1  }
0x5e7: {  	(v2sf) =	vpush v2, $0x2  }
0x5e8: {  	(v2sf) =	vpush v2, $0x3  }
0x5e9: {  	(v2sf) =	vpush v2, $0x4  }
0x5ea: {  	(v2sf) =	vpush v2, $0x5  }
0x5eb: {  	(v2sf) =	vpush v2, $0x6  }
0x5ec: {  	(v2sf) =	vpush v2, $0x7  }
0x5ed: {  	(v2sf) =	vpush v2, $0x8  }
0x5ee: {  	(v2sf) =	vpush v2, $0x9  }
0x5ef: {  	(v2sf) =	vpush v2, $0xA  }
0x5f0: {  	(v2sf) =	vpush v2, $0xB  }
0x5f1: {  	(v2sf) =	vpush v2, $0xC  }
0x5f2: {  	(v2sf) =	vpush v2, $0xD  }
0x5f3: {  	(v2sf) =	vpush v2, $0xE  }
0x5f4: {  	s13 =	spop (v2sf);
	(v2sf) =	vpush v2, $0xF  }
0x5f5: {  	[tilespmem:s13+$0x0] =	vst.add.f32.msk $0xffff, v1;
	s13 =	spop (v2sf)  }
0x5f6: {  	[tilespmem:s13+$0x0] =	vst.add.f32.msk $0xffff, v1;
	s13 =	spop (v2sf)  }
0x5f7: {  	[tilespmem:s13+$0x0] =	vst.add.f32.msk $0xffff, v1;
	s13 =	spop (v2sf)  }
0x5f8: {  	[tilespmem:s13+$0x0] =	vst.add.f32.msk $0xffff, v1;
	s13 =	spop (v2sf)  }
0x5f9: {  	[tilespmem:s13+$0x0] =	vst.add.f32.msk $0xffff, v1;
	s13 =	spop (v2sf)  }
0x5fa: {  	[tilespmem:s13+$0x0] =	vst.add.f32.msk $0xffff, v1;
	s13 =	spop (v2sf)  }
0x5fb: {  	[tilespmem:s13+$0x0] =	vst.add.f32.msk $0xffff, v1;
	s13 =	spop (v2sf)  }
0x5fc: {  	[tilespmem:s13+$0x0] =	vst.add.f32.msk $0xffff, v1;
	s13 =	spop (v2sf)  }
0x5fd: {  	[tilespmem:s13+$0x0] =	vst.add.f32.msk $0xffff, v1;
	s13 =	spop (v2sf)  }
0x5fe: {  	[tilespmem:s13+$0x0] =	vst.add.f32.msk $0xffff, v1;
	s13 =	spop (v2sf)  }
0x5ff: {  	[tilespmem:s13+$0x0] =	vst.add.f32.msk $0xffff, v1;
	s13 =	spop (v2sf)  }
0x600: {  	[tilespmem:s13+$0x0] =	vst.add.f32.msk $0xffff, v1;
	s13 =	spop (v2sf)  }
0x601: {  	[tilespmem:s13+$0x0] =	vst.add.f32.msk $0xffff, v1;
	s13 =	spop (v2sf)  }
0x602: {  	[tilespmem:s13+$0x0] =	vst.add.f32.msk $0xffff, v1;
	s13 =	spop (v2sf)  }
0x603: {  	[tilespmem:s13+$0x0] =	vst.add.f32.msk $0xffff, v1;
	s13 =	spop (v2sf)  }
0x604: {  	[tilespmem:s13+$0x0] =	vst.add.f32.msk $0xffff, v1  }
0x605: {  	v2 =	vld [tilespmem:s10+$0x19020];
	_ =	sdelay $0x4  }
0x606: {  	v2 =	vshll.u32 v2, $0x9  }
0x607: {  	v2 =	vshra.s32 v2, $0x2  }
0x608: {  	v2 =	vadd.s32 $0x19B20, v2  }
0x609: {  	(v2sf) =	vpush v2, $0x0  }
0x60a: {  	(v2sf) =	vpush v2, $0x1  }
0x60b: {  	(v2sf) =	vpush v2, $0x2  }
0x60c: {  	(v2sf) =	vpush v2, $0x3  }
0x60d: {  	(v2sf) =	vpush v2, $0x4  }
0x60e: {  	(v2sf) =	vpush v2, $0x5  }
0x60f: {  	(v2sf) =	vpush v2, $0x6  }
0x610: {  	(v2sf) =	vpush v2, $0x7  }
0x611: {  	(v2sf) =	vpush v2, $0x8  }
0x612: {  	(v2sf) =	vpush v2, $0x9  }
0x613: {  	(v2sf) =	vpush v2, $0xA  }
0x614: {  	(v2sf) =	vpush v2, $0xB  }
0x615: {  	(v2sf) =	vpush v2, $0xC  }
0x616: {  	(v2sf) =	vpush v2, $0xD  }
0x617: {  	(v2sf) =	vpush v2, $0xE  }
0x618: {  	s13 =	spop (v2sf);
	(v2sf) =	vpush v2, $0xF  }
0x619: {  	[tilespmem:s13+$0x0] =	vst.add.f32.msk $0xffff, v1;
	s13 =	spop (v2sf)  }
0x61a: {  	[tilespmem:s13+$0x0] =	vst.add.f32.msk $0xffff, v1;
	s13 =	spop (v2sf)  }
0x61b: {  	[tilespmem:s13+$0x0] =	vst.add.f32.msk $0xffff, v1;
	s13 =	spop (v2sf)  }
0x61c: {  	[tilespmem:s13+$0x0] =	vst.add.f32.msk $0xffff, v1;
	s13 =	spop (v2sf)  }
0x61d: {  	[tilespmem:s13+$0x0] =	vst.add.f32.msk $0xffff, v1;
	s13 =	spop (v2sf)  }
0x61e: {  	[tilespmem:s13+$0x0] =	vst.add.f32.msk $0xffff, v1;
	s13 =	spop (v2sf)  }
0x61f: {  	[tilespmem:s13+$0x0] =	vst.add.f32.msk $0xffff, v1;
	s13 =	spop (v2sf)  }
0x620: {  	[tilespmem:s13+$0x0] =	vst.add.f32.msk $0xffff, v1;
	s13 =	spop (v2sf)  }
0x621: {  	[tilespmem:s13+$0x0] =	vst.add.f32.msk $0xffff, v1;
	s13 =	spop (v2sf)  }
0x622: {  	[tilespmem:s13+$0x0] =	vst.add.f32.msk $0xffff, v1;
	s13 =	spop (v2sf)  }
0x623: {  	[tilespmem:s13+$0x0] =	vst.add.f32.msk $0xffff, v1;
	s13 =	spop (v2sf)  }
0x624: {  	[tilespmem:s13+$0x0] =	vst.add.f32.msk $0xffff, v1;
	s13 =	spop (v2sf)  }
0x625: {  	[tilespmem:s13+$0x0] =	vst.add.f32.msk $0xffff, v1;
	s13 =	spop (v2sf)  }
0x626: {  	[tilespmem:s13+$0x0] =	vst.add.f32.msk $0xffff, v1;
	s13 =	spop (v2sf)  }
0x627: {  	[tilespmem:s13+$0x0] =	vst.add.f32.msk $0xffff, v1;
	s13 =	spop (v2sf)  }
0x628: {  	[tilespmem:s13+$0x0] =	vst.add.f32.msk $0xffff, v1  }
0x629: {  	v2 =	vld [tilespmem:s10+$0x19030];
	_ =	sdelay $0x4  }
0x62a: {  	v2 =	vshll.u32 v2, $0x9  }
0x62b: {  	v2 =	vshra.s32 v2, $0x2  }
0x62c: {  	v2 =	vadd.s32 $0x19B20, v2  }
0x62d: {  	(v2sf) =	vpush v2, $0x0  }
0x62e: {  	(v2sf) =	vpush v2, $0x1  }
0x62f: {  	(v2sf) =	vpush v2, $0x2  }
0x630: {  	(v2sf) =	vpush v2, $0x3  }
0x631: {  	(v2sf) =	vpush v2, $0x4  }
0x632: {  	(v2sf) =	vpush v2, $0x5  }
0x633: {  	(v2sf) =	vpush v2, $0x6  }
0x634: {  	(v2sf) =	vpush v2, $0x7  }
0x635: {  	(v2sf) =	vpush v2, $0x8  }
0x636: {  	(v2sf) =	vpush v2, $0x9  }
0x637: {  	(v2sf) =	vpush v2, $0xA  }
0x638: {  	(v2sf) =	vpush v2, $0xB  }
0x639: {  	(v2sf) =	vpush v2, $0xC  }
0x63a: {  	(v2sf) =	vpush v2, $0xD  }
0x63b: {  	(v2sf) =	vpush v2, $0xE  }
0x63c: {  	s13 =	spop (v2sf);
	(v2sf) =	vpush v2, $0xF  }
0x63d: {  	[tilespmem:s13+$0x0] =	vst.add.f32.msk $0xffff, v1;
	s13 =	spop (v2sf)  }
0x63e: {  	[tilespmem:s13+$0x0] =	vst.add.f32.msk $0xffff, v1;
	s13 =	spop (v2sf)  }
0x63f: {  	[tilespmem:s13+$0x0] =	vst.add.f32.msk $0xffff, v1;
	s13 =	spop (v2sf)  }
0x640: {  	[tilespmem:s13+$0x0] =	vst.add.f32.msk $0xffff, v1;
	s13 =	spop (v2sf)  }
0x641: {  	[tilespmem:s13+$0x0] =	vst.add.f32.msk $0xffff, v1;
	s13 =	spop (v2sf)  }
0x642: {  	[tilespmem:s13+$0x0] =	vst.add.f32.msk $0xffff, v1;
	s13 =	spop (v2sf)  }
0x643: {  	[tilespmem:s13+$0x0] =	vst.add.f32.msk $0xffff, v1;
	s13 =	spop (v2sf)  }
0x644: {  	[tilespmem:s13+$0x0] =	vst.add.f32.msk $0xffff, v1;
	s13 =	spop (v2sf)  }
0x645: {  	[tilespmem:s13+$0x0] =	vst.add.f32.msk $0xffff, v1;
	s13 =	spop (v2sf)  }
0x646: {  	[tilespmem:s13+$0x0] =	vst.add.f32.msk $0xffff, v1;
	s13 =	spop (v2sf)  }
0x647: {  	[tilespmem:s13+$0x0] =	vst.add.f32.msk $0xffff, v1;
	s13 =	spop (v2sf)  }
0x648: {  	[tilespmem:s13+$0x0] =	vst.add.f32.msk $0xffff, v1;
	s13 =	spop (v2sf)  }
0x649: {  	[tilespmem:s13+$0x0] =	vst.add.f32.msk $0xffff, v1;
	s13 =	spop (v2sf)  }
0x64a: {  	[tilespmem:s13+$0x0] =	vst.add.f32.msk $0xffff, v1;
	s13 =	spop (v2sf)  }
0x64b: {  	[tilespmem:s13+$0x0] =	vst.add.f32.msk $0xffff, v1;
	s13 =	spop (v2sf)  }
0x64c: {  	[tilespmem:s13+$0x0] =	vst.add.f32.msk $0xffff, v1  }
0x64d: {  	v2 =	vld [tilespmem:s10+$0x19040];
	_ =	sdelay $0x4  }
0x64e: {  	v2 =	vshll.u32 v2, $0x9  }
0x64f: {  	v2 =	vshra.s32 v2, $0x2  }
0x650: {  	v2 =	vadd.s32 $0x19B20, v2  }
0x651: {  	(v2sf) =	vpush v2, $0x0  }
0x652: {  	(v2sf) =	vpush v2, $0x1  }
0x653: {  	(v2sf) =	vpush v2, $0x2  }
0x654: {  	(v2sf) =	vpush v2, $0x3  }
0x655: {  	(v2sf) =	vpush v2, $0x4  }
0x656: {  	(v2sf) =	vpush v2, $0x5  }
0x657: {  	(v2sf) =	vpush v2, $0x6  }
0x658: {  	(v2sf) =	vpush v2, $0x7  }
0x659: {  	(v2sf) =	vpush v2, $0x8  }
0x65a: {  	(v2sf) =	vpush v2, $0x9  }
0x65b: {  	(v2sf) =	vpush v2, $0xA  }
0x65c: {  	(v2sf) =	vpush v2, $0xB  }
0x65d: {  	(v2sf) =	vpush v2, $0xC  }
0x65e: {  	(v2sf) =	vpush v2, $0xD  }
0x65f: {  	(v2sf) =	vpush v2, $0xE  }
0x660: {  	s10 =	spop (v2sf);
	(v2sf) =	vpush v2, $0xF  }
0x661: {  	[tilespmem:s10+$0x0] =	vst.add.f32.msk $0xffff, v1;
	s10 =	spop (v2sf)  }
0x662: {  	[tilespmem:s10+$0x0] =	vst.add.f32.msk $0xffff, v1;
	s10 =	spop (v2sf)  }
0x663: {  	[tilespmem:s10+$0x0] =	vst.add.f32.msk $0xffff, v1;
	s10 =	spop (v2sf)  }
0x664: {  	[tilespmem:s10+$0x0] =	vst.add.f32.msk $0xffff, v1;
	s10 =	spop (v2sf)  }
0x665: {  	[tilespmem:s10+$0x0] =	vst.add.f32.msk $0xffff, v1;
	s10 =	spop (v2sf)  }
0x666: {  	[tilespmem:s10+$0x0] =	vst.add.f32.msk $0xffff, v1;
	s10 =	spop (v2sf)  }
0x667: {  	[tilespmem:s10+$0x0] =	vst.add.f32.msk $0xffff, v1;
	s10 =	spop (v2sf)  }
0x668: {  	[tilespmem:s10+$0x0] =	vst.add.f32.msk $0xffff, v1;
	s10 =	spop (v2sf)  }
0x669: {  	[tilespmem:s10+$0x0] =	vst.add.f32.msk $0xffff, v1;
	s10 =	spop (v2sf)  }
0x66a: {  	[tilespmem:s10+$0x0] =	vst.add.f32.msk $0xffff, v1;
	s10 =	spop (v2sf)  }
.Ltmp6:
0x66b: {  	[tilespmem:s10+$0x0] =	vst.add.f32.msk $0xffff, v1;
	s10 =	spop (v2sf);
	(pc) =	sbr.rel @p1 .LBB2_14-.Ltmp6, $4  }
0x66c: {  	[tilespmem:s10+$0x0] =	vst.add.f32.msk $0xffff, v1;
	s10 =	spop (v2sf)  }
0x66d: {  	[tilespmem:s10+$0x0] =	vst.add.f32.msk $0xffff, v1;
	s10 =	spop (v2sf)  }
0x66e: {  	[tilespmem:s10+$0x0] =	vst.add.f32.msk $0xffff, v1;
	s10 =	spop (v2sf)  }
0x66f: {  	[tilespmem:s10+$0x0] =	vst.add.f32.msk $0xffff, v1;
	s13 =	spop (v2sf)  }
0x670: {  	s4 =	sshra.s32 s4, $0x2;
	[tilespmem:s13+$0x0] =	vst.add.f32.msk $0xffff, v1  }
0x671: {  	v2 =	vld [tilespmem:s4+$0x19000];
	_ =	sdelay $0x4  }
0x672: {  	v2 =	vshll.u32 v2, $0x9  }
0x673: {  	v2 =	vshra.s32 v2, $0x2  }
0x674: {  	v2 =	vadd.s32 $0x19B20, v2  }
0x675: {  	(v2sf) =	vpush v2, $0x0  }
0x676: {  	(v2sf) =	vpush v2, $0x1  }
0x677: {  	(v2sf) =	vpush v2, $0x2  }
0x678: {  	(v2sf) =	vpush v2, $0x3  }
0x679: {  	(v2sf) =	vpush v2, $0x4  }
0x67a: {  	(v2sf) =	vpush v2, $0x5  }
0x67b: {  	(v2sf) =	vpush v2, $0x6  }
0x67c: {  	(v2sf) =	vpush v2, $0x7  }
0x67d: {  	(v2sf) =	vpush v2, $0x8  }
0x67e: {  	(v2sf) =	vpush v2, $0x9  }
0x67f: {  	(v2sf) =	vpush v2, $0xA  }
0x680: {  	(v2sf) =	vpush v2, $0xB  }
0x681: {  	(v2sf) =	vpush v2, $0xC  }
0x682: {  	(v2sf) =	vpush v2, $0xD  }
0x683: {  	(v2sf) =	vpush v2, $0xE  }
0x684: {  	s6 =	spop (v2sf);
	(v2sf) =	vpush v2, $0xF  }
0x685: {  	[tilespmem:s6+$0x0] =	vst.add.f32.msk $0xffff, v1;
	s15 =	spop (v2sf)  }
0x686: {  	[tilespmem:s15+$0x0] =	vst.add.f32.msk $0xffff, v1;
	s16 =	spop (v2sf)  }
0x687: {  	[tilespmem:s16+$0x0] =	vst.add.f32.msk $0xffff, v1;
	s10 =	spop (v2sf)  }
0x688: {  	[tilespmem:s10+$0x0] =	vst.add.f32.msk $0xffff, v1;
	s13 =	spop (v2sf)  }
0x689: {  	[tilespmem:s13+$0x0] =	vst.add.f32.msk $0xffff, v1;
	s14 =	spop (v2sf)  }
0x68a: {  	[tilespmem:s14+$0x0] =	vst.add.f32.msk $0xffff, v1;
	s15 =	spop (v2sf)  }
0x68b: {  	[tilespmem:s15+$0x0] =	vst.add.f32.msk $0xffff, v1;
	s16 =	spop (v2sf)  }
0x68c: {  	[tilespmem:s16+$0x0] =	vst.add.f32.msk $0xffff, v1;
	s10 =	spop (v2sf)  }
0x68d: {  	[tilespmem:s10+$0x0] =	vst.add.f32.msk $0xffff, v1;
	s13 =	spop (v2sf)  }
0x68e: {  	[tilespmem:s13+$0x0] =	vst.add.f32.msk $0xffff, v1;
	s14 =	spop (v2sf)  }
0x68f: {  	[tilespmem:s14+$0x0] =	vst.add.f32.msk $0xffff, v1;
	s15 =	spop (v2sf)  }
0x690: {  	[tilespmem:s15+$0x0] =	vst.add.f32.msk $0xffff, v1;
	s16 =	spop (v2sf)  }
0x691: {  	[tilespmem:s16+$0x0] =	vst.add.f32.msk $0xffff, v1;
	s10 =	spop (v2sf)  }
0x692: {  	[tilespmem:s10+$0x0] =	vst.add.f32.msk $0xffff, v1;
	s13 =	spop (v2sf)  }
0x693: {  	[tilespmem:s13+$0x0] =	vst.add.f32.msk $0xffff, v1;
	s14 =	spop (v2sf)  }
0x694: {  	[tilespmem:s14+$0x0] =	vst.add.f32.msk $0xffff, v1  }
0x695: {  	v2 =	vld [tilespmem:s4+$0x19010];
	_ =	sdelay $0x4  }
0x696: {  	v2 =	vshll.u32 v2, $0x9  }
0x697: {  	v2 =	vshra.s32 v2, $0x2  }
0x698: {  	v2 =	vadd.s32 $0x19B20, v2  }
0x699: {  	(v2sf) =	vpush v2, $0x0  }
0x69a: {  	(v2sf) =	vpush v2, $0x1  }
0x69b: {  	(v2sf) =	vpush v2, $0x2  }
0x69c: {  	(v2sf) =	vpush v2, $0x3  }
0x69d: {  	(v2sf) =	vpush v2, $0x4  }
0x69e: {  	(v2sf) =	vpush v2, $0x5  }
0x69f: {  	(v2sf) =	vpush v2, $0x6  }
0x6a0: {  	(v2sf) =	vpush v2, $0x7  }
0x6a1: {  	(v2sf) =	vpush v2, $0x8  }
0x6a2: {  	(v2sf) =	vpush v2, $0x9  }
0x6a3: {  	(v2sf) =	vpush v2, $0xA  }
0x6a4: {  	(v2sf) =	vpush v2, $0xB  }
0x6a5: {  	(v2sf) =	vpush v2, $0xC  }
0x6a6: {  	(v2sf) =	vpush v2, $0xD  }
0x6a7: {  	(v2sf) =	vpush v2, $0xE  }
0x6a8: {  	s15 =	spop (v2sf);
	(v2sf) =	vpush v2, $0xF  }
0x6a9: {  	[tilespmem:s15+$0x0] =	vst.add.f32.msk $0xffff, v1;
	s16 =	spop (v2sf)  }
0x6aa: {  	[tilespmem:s16+$0x0] =	vst.add.f32.msk $0xffff, v1;
	s10 =	spop (v2sf)  }
0x6ab: {  	[tilespmem:s10+$0x0] =	vst.add.f32.msk $0xffff, v1;
	s13 =	spop (v2sf)  }
0x6ac: {  	[tilespmem:s13+$0x0] =	vst.add.f32.msk $0xffff, v1;
	s14 =	spop (v2sf)  }
0x6ad: {  	[tilespmem:s14+$0x0] =	vst.add.f32.msk $0xffff, v1;
	s15 =	spop (v2sf)  }
0x6ae: {  	[tilespmem:s15+$0x0] =	vst.add.f32.msk $0xffff, v1;
	s16 =	spop (v2sf)  }
0x6af: {  	[tilespmem:s16+$0x0] =	vst.add.f32.msk $0xffff, v1;
	s10 =	spop (v2sf)  }
0x6b0: {  	[tilespmem:s10+$0x0] =	vst.add.f32.msk $0xffff, v1;
	s13 =	spop (v2sf)  }
0x6b1: {  	[tilespmem:s13+$0x0] =	vst.add.f32.msk $0xffff, v1;
	s14 =	spop (v2sf)  }
0x6b2: {  	[tilespmem:s14+$0x0] =	vst.add.f32.msk $0xffff, v1;
	s15 =	spop (v2sf)  }
0x6b3: {  	[tilespmem:s15+$0x0] =	vst.add.f32.msk $0xffff, v1;
	s16 =	spop (v2sf)  }
0x6b4: {  	[tilespmem:s16+$0x0] =	vst.add.f32.msk $0xffff, v1;
	s10 =	spop (v2sf)  }
0x6b5: {  	[tilespmem:s10+$0x0] =	vst.add.f32.msk $0xffff, v1;
	s13 =	spop (v2sf)  }
0x6b6: {  	[tilespmem:s13+$0x0] =	vst.add.f32.msk $0xffff, v1;
	s14 =	spop (v2sf)  }
0x6b7: {  	[tilespmem:s14+$0x0] =	vst.add.f32.msk $0xffff, v1;
	s15 =	spop (v2sf)  }
0x6b8: {  	[tilespmem:s15+$0x0] =	vst.add.f32.msk $0xffff, v1  }
0x6b9: {  	v2 =	vld [tilespmem:s4+$0x19020];
	_ =	sdelay $0x4  }
0x6ba: {  	v2 =	vshll.u32 v2, $0x9  }
0x6bb: {  	v2 =	vshra.s32 v2, $0x2  }
0x6bc: {  	v2 =	vadd.s32 $0x19B20, v2  }
0x6bd: {  	(v2sf) =	vpush v2, $0x0  }
0x6be: {  	(v2sf) =	vpush v2, $0x1  }
0x6bf: {  	(v2sf) =	vpush v2, $0x2  }
0x6c0: {  	(v2sf) =	vpush v2, $0x3  }
0x6c1: {  	(v2sf) =	vpush v2, $0x4  }
0x6c2: {  	(v2sf) =	vpush v2, $0x5  }
0x6c3: {  	(v2sf) =	vpush v2, $0x6  }
0x6c4: {  	(v2sf) =	vpush v2, $0x7  }
0x6c5: {  	(v2sf) =	vpush v2, $0x8  }
0x6c6: {  	(v2sf) =	vpush v2, $0x9  }
0x6c7: {  	(v2sf) =	vpush v2, $0xA  }
0x6c8: {  	(v2sf) =	vpush v2, $0xB  }
0x6c9: {  	(v2sf) =	vpush v2, $0xC  }
0x6ca: {  	(v2sf) =	vpush v2, $0xD  }
0x6cb: {  	(v2sf) =	vpush v2, $0xE  }
0x6cc: {  	s16 =	spop (v2sf);
	(v2sf) =	vpush v2, $0xF  }
0x6cd: {  	[tilespmem:s16+$0x0] =	vst.add.f32.msk $0xffff, v1;
	s10 =	spop (v2sf)  }
0x6ce: {  	[tilespmem:s10+$0x0] =	vst.add.f32.msk $0xffff, v1;
	s13 =	spop (v2sf)  }
0x6cf: {  	[tilespmem:s13+$0x0] =	vst.add.f32.msk $0xffff, v1;
	s14 =	spop (v2sf)  }
0x6d0: {  	[tilespmem:s14+$0x0] =	vst.add.f32.msk $0xffff, v1;
	s15 =	spop (v2sf)  }
0x6d1: {  	[tilespmem:s15+$0x0] =	vst.add.f32.msk $0xffff, v1;
	s16 =	spop (v2sf)  }
0x6d2: {  	[tilespmem:s16+$0x0] =	vst.add.f32.msk $0xffff, v1;
	s10 =	spop (v2sf)  }
0x6d3: {  	[tilespmem:s10+$0x0] =	vst.add.f32.msk $0xffff, v1;
	s13 =	spop (v2sf)  }
0x6d4: {  	[tilespmem:s13+$0x0] =	vst.add.f32.msk $0xffff, v1;
	s14 =	spop (v2sf)  }
0x6d5: {  	[tilespmem:s14+$0x0] =	vst.add.f32.msk $0xffff, v1;
	s15 =	spop (v2sf)  }
0x6d6: {  	[tilespmem:s15+$0x0] =	vst.add.f32.msk $0xffff, v1;
	s16 =	spop (v2sf)  }
0x6d7: {  	[tilespmem:s16+$0x0] =	vst.add.f32.msk $0xffff, v1;
	s10 =	spop (v2sf)  }
0x6d8: {  	[tilespmem:s10+$0x0] =	vst.add.f32.msk $0xffff, v1;
	s13 =	spop (v2sf)  }
0x6d9: {  	[tilespmem:s13+$0x0] =	vst.add.f32.msk $0xffff, v1;
	s14 =	spop (v2sf)  }
0x6da: {  	[tilespmem:s14+$0x0] =	vst.add.f32.msk $0xffff, v1;
	s15 =	spop (v2sf)  }
0x6db: {  	[tilespmem:s15+$0x0] =	vst.add.f32.msk $0xffff, v1;
	s16 =	spop (v2sf)  }
0x6dc: {  	[tilespmem:s16+$0x0] =	vst.add.f32.msk $0xffff, v1  }
0x6dd: {  	v2 =	vld [tilespmem:s4+$0x19030];
	_ =	sdelay $0x4  }
0x6de: {  	v2 =	vshll.u32 v2, $0x9  }
0x6df: {  	v2 =	vshra.s32 v2, $0x2  }
0x6e0: {  	v2 =	vadd.s32 $0x19B20, v2  }
0x6e1: {  	(v2sf) =	vpush v2, $0x0  }
0x6e2: {  	(v2sf) =	vpush v2, $0x1  }
0x6e3: {  	(v2sf) =	vpush v2, $0x2  }
0x6e4: {  	(v2sf) =	vpush v2, $0x3  }
0x6e5: {  	(v2sf) =	vpush v2, $0x4  }
0x6e6: {  	(v2sf) =	vpush v2, $0x5  }
0x6e7: {  	(v2sf) =	vpush v2, $0x6  }
0x6e8: {  	(v2sf) =	vpush v2, $0x7  }
0x6e9: {  	(v2sf) =	vpush v2, $0x8  }
0x6ea: {  	(v2sf) =	vpush v2, $0x9  }
0x6eb: {  	(v2sf) =	vpush v2, $0xA  }
0x6ec: {  	(v2sf) =	vpush v2, $0xB  }
0x6ed: {  	(v2sf) =	vpush v2, $0xC  }
0x6ee: {  	(v2sf) =	vpush v2, $0xD  }
0x6ef: {  	(v2sf) =	vpush v2, $0xE  }
0x6f0: {  	s10 =	spop (v2sf);
	(v2sf) =	vpush v2, $0xF  }
0x6f1: {  	[tilespmem:s10+$0x0] =	vst.add.f32.msk $0xffff, v1;
	s13 =	spop (v2sf)  }
0x6f2: {  	[tilespmem:s13+$0x0] =	vst.add.f32.msk $0xffff, v1;
	s14 =	spop (v2sf)  }
0x6f3: {  	[tilespmem:s14+$0x0] =	vst.add.f32.msk $0xffff, v1;
	s15 =	spop (v2sf)  }
0x6f4: {  	[tilespmem:s15+$0x0] =	vst.add.f32.msk $0xffff, v1;
	s16 =	spop (v2sf)  }
0x6f5: {  	[tilespmem:s16+$0x0] =	vst.add.f32.msk $0xffff, v1;
	s10 =	spop (v2sf)  }
0x6f6: {  	[tilespmem:s10+$0x0] =	vst.add.f32.msk $0xffff, v1;
	s13 =	spop (v2sf)  }
0x6f7: {  	[tilespmem:s13+$0x0] =	vst.add.f32.msk $0xffff, v1;
	s14 =	spop (v2sf)  }
0x6f8: {  	[tilespmem:s14+$0x0] =	vst.add.f32.msk $0xffff, v1;
	s15 =	spop (v2sf)  }
0x6f9: {  	[tilespmem:s15+$0x0] =	vst.add.f32.msk $0xffff, v1;
	s16 =	spop (v2sf)  }
0x6fa: {  	[tilespmem:s16+$0x0] =	vst.add.f32.msk $0xffff, v1;
	s10 =	spop (v2sf)  }
0x6fb: {  	[tilespmem:s10+$0x0] =	vst.add.f32.msk $0xffff, v1;
	s13 =	spop (v2sf)  }
0x6fc: {  	[tilespmem:s13+$0x0] =	vst.add.f32.msk $0xffff, v1;
	s14 =	spop (v2sf)  }
0x6fd: {  	[tilespmem:s14+$0x0] =	vst.add.f32.msk $0xffff, v1;
	s15 =	spop (v2sf)  }
0x6fe: {  	[tilespmem:s15+$0x0] =	vst.add.f32.msk $0xffff, v1;
	s16 =	spop (v2sf)  }
0x6ff: {  	[tilespmem:s16+$0x0] =	vst.add.f32.msk $0xffff, v1;
	s10 =	spop (v2sf)  }
0x700: {  	[tilespmem:s10+$0x0] =	vst.add.f32.msk $0xffff, v1  }
0x701: {  	v2 =	vld [tilespmem:s4+$0x19040];
	_ =	sdelay $0x4  }
0x702: {  	v2 =	vshll.u32 v2, $0x9  }
0x703: {  	v2 =	vshra.s32 v2, $0x2  }
0x704: {  	v2 =	vadd.s32 $0x19B20, v2  }
0x705: {  	(v2sf) =	vpush v2, $0x0  }
0x706: {  	(v2sf) =	vpush v2, $0x1  }
0x707: {  	(v2sf) =	vpush v2, $0x2  }
0x708: {  	(v2sf) =	vpush v2, $0x3  }
0x709: {  	(v2sf) =	vpush v2, $0x4  }
0x70a: {  	(v2sf) =	vpush v2, $0x5  }
0x70b: {  	(v2sf) =	vpush v2, $0x6  }
0x70c: {  	(v2sf) =	vpush v2, $0x7  }
0x70d: {  	(v2sf) =	vpush v2, $0x8  }
0x70e: {  	(v2sf) =	vpush v2, $0x9  }
0x70f: {  	(v2sf) =	vpush v2, $0xA  }
0x710: {  	(v2sf) =	vpush v2, $0xB  }
0x711: {  	(v2sf) =	vpush v2, $0xC  }
0x712: {  	(v2sf) =	vpush v2, $0xD  }
0x713: {  	(v2sf) =	vpush v2, $0xE  }
0x714: {  	s13 =	spop (v2sf);
	(v2sf) =	vpush v2, $0xF  }
0x715: {  	[tilespmem:s13+$0x0] =	vst.add.f32.msk $0xffff, v1;
	s14 =	spop (v2sf)  }
0x716: {  	[tilespmem:s14+$0x0] =	vst.add.f32.msk $0xffff, v1;
	s15 =	spop (v2sf)  }
0x717: {  	[tilespmem:s15+$0x0] =	vst.add.f32.msk $0xffff, v1;
	s16 =	spop (v2sf)  }
0x718: {  	[tilespmem:s16+$0x0] =	vst.add.f32.msk $0xffff, v1;
	s6 =	spop (v2sf)  }
0x719: {  	[tilespmem:s6+$0x0] =	vst.add.f32.msk $0xffff, v1;
	s10 =	spop (v2sf)  }
0x71a: {  	[tilespmem:s10+$0x0] =	vst.add.f32.msk $0xffff, v1;
	s13 =	spop (v2sf)  }
0x71b: {  	[tilespmem:s13+$0x0] =	vst.add.f32.msk $0xffff, v1;
	s14 =	spop (v2sf)  }
0x71c: {  	[tilespmem:s14+$0x0] =	vst.add.f32.msk $0xffff, v1;
	s15 =	spop (v2sf)  }
0x71d: {  	[tilespmem:s15+$0x0] =	vst.add.f32.msk $0xffff, v1;
	s16 =	spop (v2sf)  }
0x71e: {  	[tilespmem:s16+$0x0] =	vst.add.f32.msk $0xffff, v1;
	s6 =	spop (v2sf)  }
0x71f: {  	[tilespmem:s6+$0x0] =	vst.add.f32.msk $0xffff, v1;
	s10 =	spop (v2sf)  }
0x720: {  	[tilespmem:s10+$0x0] =	vst.add.f32.msk $0xffff, v1;
	s13 =	spop (v2sf)  }
0x721: {  	[tilespmem:s13+$0x0] =	vst.add.f32.msk $0xffff, v1;
	s14 =	spop (v2sf)  }
0x722: {  	[tilespmem:s14+$0x0] =	vst.add.f32.msk $0xffff, v1;
	s15 =	spop (v2sf)  }
0x723: {  	[tilespmem:s15+$0x0] =	vst.add.f32.msk $0xffff, v1;
	s16 =	spop (v2sf)  }
0x724: {  	[tilespmem:s16+$0x0] =	vst.add.f32.msk $0xffff, v1  }
0x725: {  	_ =	swait.ge [sflag:s8], $0x2800  }
0x726: {  	[sflag:s8] =	ssyncset.done $0x0  }
0x727: {  	[sflag:s8] =	ssyncadd.s32 $0xFFFFD800  }
0x728: {  	_ =	swait.ge [sflag:s8], $0x2800  }
0x729: {  	[sflag:s8] =	ssyncset.done $0x0  }
0x72a: {  	[sflag:s8] =	ssyncadd.s32 $0xFFFFD800  }
0x72b: {  	_ =	swait.ge [sflag:s8], $0x2800  }
0x72c: {  	[sflag:s8] =	ssyncset.done $0x0  }
0x72d: {  	[sflag:s8] =	ssyncadd.s32 $0xFFFFD800  }
0x72e: {  	_ =	swait.ge [sflag:s8], $0x2800  }
0x72f: {  	[sflag:s8] =	ssyncset.done $0x0  }
0x730: {  	[sflag:s8] =	ssyncadd.s32 $0xFFFFD800  }
0x731: {  	_ =	swait.ge [sflag:s8], $0x2800  }
0x732: {  	s6 =	simm.s32 $0x0;
	s10 =	simm.s32 $0x19B20;
	[sflag:s8] =	ssyncset.done $0x0  }
0x733: {  	s14 =	simm.s32 $0x4;
	s13 =	rddreg [dreg:$0xb];
	[sflag:s8] =	ssyncadd.s32 $0xFFFFD800  }
0x734: {  	[hbm4b:s13+s6] =	stream.linear.scatter [tilespmem:s10], [sflag:$0x4], $0x3200, $0x38;
	[tilespmem:$0x1CF20] =	vst v63  }
0x735: {  	_ =	swait.ge [sflag:s14], $0x3200  }
0x736: {  	[sflag:s14] =	ssyncset.done $0x0  }
0x737: {  	[sflag:s14] =	ssyncadd.s32 $0xFFFFCE00  }
0x738: {  	[bflag:$0x0] =	sbarrier.arrive $0xFFFF  }
0x739: {  	s4 =	sshrl.u32 @!p0 s3, $0x3;
	s6 =	simm.s32 @!p0 $0x1C04;
	s10 =	rddreg [dreg:$0xc]  }
0x73a: {  	[hbm:s10], [sflag:s6] =	dma.local @!p0 [spmem:s4], $0x640  }
0x73b: {  	s4 =	simm.s32 @!p0 $0x4  }
0x73c: {  	_ =	swait.ge @!p0 [sflag:s4], $0x640  }
0x73d: {  	s15 =	rddreg [dreg:$0xe]  }
0x73e: {  	s16 =	rddreg [dreg:$0xd];
	s10 =	sadd.s32 $0x1, s15  }
0x73f: {  	p1 =	sne.s32 s10, s16  }
.Ltmp7:
0x740: {  	_ = 	snop;
	(pc) =	sbr.rel @p1 .LBB2_1-.Ltmp7, $3  }
0x741: {  	_ =	sdelay $0x1  }
0x742: {  	[sflag:s4] =	ssyncset.done @!p0 $0x0  }
0x743: {  	[sflag:s4] =	ssyncadd.s32 @!p0 $0xFFFFF9C0  }
0x744: {  	_ =	sfence.sel $0x180000  }
0x745: {  	[bflag:$0x0] =	sbarrier.arrive $0xFFFF  }
0x746: {  	_ =	strace $0x90000047  }
0x747: {  	[bflag:$0x2] =	sbarrier.arrive $0xFFFF  }
0x748: {  	s0 =	rddreg [dreg:$0x4]  }
0x749: {  	s0 =	sadd.s32 @!p0 $0x100000, s0  }
0x74a: {  	[sflag:s0] =	ssyncadd.tile.s32 @!p0 $0x1;
	_ =	shalt  }
.Lfunc_end2:
_tile_overlayer_lowered:
.L_overlay_start_2:
0x74b: {  	(tag) =	ssettag $0x2  }
0x74c: {  	s0 =	rddreg [dreg:$0x0];
	s2 =	stileid.u32  }
0x74d: {  	s1 =	rddreg [dreg:$0x1];
	p0 =	sne.s32 s2, $0x0  }
0x74e: {  	s3 =	rddreg [dreg:$0x2];
	[bflag:$0x3] =	sbarrier.arrive $0xFFFF;
	s2 =	simm.s32 @!p0 $0x1C04  }
0x74f: {  	[timem:s3], [sflag:s2] =	dma.local @!p0 [hbm:s0], s1  }
0x750: {  	s0 =	simm.s32 @!p0 $0x4  }
0x751: {  	_ =	swait.ge @!p0 [sflag:s0], s1  }
0x752: {  	s1 =	ssub.s32 @!p0 $0x0, s1;
	[sflag:s0] =	ssyncset.done @!p0 $0x0  }
0x753: {  	[sflag:s0] =	ssyncadd.s32 @!p0 s1  }
0x754: {  	[bflag:$0x3] =	sbarrier.arrive $0xFFFF  }
0x755: {  	_ =	shalt  }

</sc_bundles>
